<compile_context>
chip_gen: v7x
topology: tpu7x:2x2x1
jax: 0.10.2.dev20260603
libtpu: 0.0.44.dev20260713+nightly
codegen_flags: <defaults>
</compile_context>

<pallas_src>
import jax
import jax.numpy as jnp
from jax import lax
from jax.experimental import pallas as pl
from jax.experimental.pallas import tpu as pltpu
from jax.experimental.pallas import tpu_sc as plsc

N = 65536
S = 128
NF = 64
NW = 32
RAYS_PER_W = N // NW
GROUPS = RAYS_PER_W // 16


def _sc_body(wt_hbm, t_hbm, o_hbm, d_hbm, pts_hbm, ft_hbm,
             wtv2, tv2, ov2, dv2, sraw, kmap, ptsv, ftv, sem2):
    c = lax.axis_index("c")
    sax = lax.axis_index("s")
    wid = sax * 2 + c
    iota = lax.iota(jnp.int32, 16)
    zeros_i = jnp.zeros((16,), jnp.int32)
    zeros_f = jnp.zeros((16,), jnp.float32)
    one16 = jnp.full((16,), 1, jnp.int32)
    two16 = jnp.full((16,), 2, jnp.int32)

    def issue(g, b):
        base = (wid * GROUPS + g) * 16
        pltpu.async_copy(wt_hbm.at[pl.ds(0, S), pl.ds(base, 16)],
                         wtv2.at[b], sem2.at[b])
        pltpu.async_copy(t_hbm.at[pl.ds(base, 16)], tv2.at[b], sem2.at[b])
        pltpu.async_copy(o_hbm.at[pl.ds(base, 16)], ov2.at[b], sem2.at[b])
        pltpu.async_copy(d_hbm.at[pl.ds(base, 16)], dv2.at[b], sem2.at[b])

    def drain(g, b):
        base = (wid * GROUPS + g) * 16
        pltpu.make_async_copy(wt_hbm.at[pl.ds(0, S), pl.ds(base, 16)],
                              wtv2.at[b], sem2.at[b]).wait()
        pltpu.make_async_copy(t_hbm.at[pl.ds(base, 16)], tv2.at[b],
                              sem2.at[b]).wait()
        pltpu.make_async_copy(o_hbm.at[pl.ds(base, 16)], ov2.at[b],
                              sem2.at[b]).wait()
        pltpu.make_async_copy(d_hbm.at[pl.ds(base, 16)], dv2.at[b],
                              sem2.at[b]).wait()

    def compute(g, b):
        base = (wid * GROUPS + g) * 16
        wtv, tv, ov, dv = wtv2.at[b], tv2.at[b], ov2.at[b], dv2.at[b]

        for j in range(NF):
            kmap[j] = zeros_i

        def p1(s, run):
            run = run + wtv[s] + jnp.float32(1e-5)
            sraw[s] = run
            return run
        tot = lax.fori_loop(0, S, p1, zeros_f, unroll=8)
        inv_t = jnp.float32(1.0) / tot
        scale = inv_t * jnp.float32(NF - 1)

        def p2(s, jfm1):
            x = sraw[s] * scale
            ti = x.astype(jnp.int32)
            jf = jnp.where(x > ti.astype(jnp.float32), ti + 1, ti)
            jf = jnp.minimum(jf, jnp.int32(NF))
            mask = jf > jfm1
            plsc.store_scatter(kmap,
                               [jnp.minimum(jfm1, jnp.int32(NF - 1)), iota],
                               jnp.full((16,), s, jnp.int32), mask=mask)
            return jf
        jlast = lax.fori_loop(0, S, p2, zeros_i, unroll=8)
        tmask = jlast <= jnp.int32(NF - 1)
        plsc.store_scatter(kmap,
                           [jnp.minimum(jlast, jnp.int32(NF - 1)), iota],
                           jnp.full((16,), S, jnp.int32), mask=tmask)

        def pf(j, runk):
            runk = jnp.maximum(runk, kmap[j])
            kmap[j] = runk
            return runk
        lax.fori_loop(0, NF, pf, zeros_i, unroll=8)

        ox = plsc.load_gather(ov, [iota, zeros_i])
        oy = plsc.load_gather(ov, [iota, one16])
        oz = plsc.load_gather(ov, [iota, two16])
        dx = plsc.load_gather(dv, [iota, zeros_i])
        dy = plsc.load_gather(dv, [iota, one16])
        dz = plsc.load_gather(dv, [iota, two16])

        def pj(j, _):
            jvec = jnp.full((16,), j, jnp.int32)
            k = kmap[j]
            km1 = jnp.maximum(k - 1, 0)
            srm1 = plsc.load_gather(sraw, [km1, iota])
            cdf_b = jnp.where(k == 0, jnp.float32(0.0), srm1 * inv_t)
            k2 = jnp.minimum(k, jnp.int32(S - 1))
            cdf_a = plsc.load_gather(sraw, [k2, iota]) * inv_t
            t_b = plsc.load_gather(tv, [iota, k2])
            k3 = jnp.minimum(k + 1, jnp.int32(S - 1))
            t_a = plsc.load_gather(tv, [iota, k3])
            denom = cdf_a - cdf_b
            denom = jnp.where(denom < jnp.float32(1e-5), jnp.float32(1.0),
                              denom)
            uv = jnp.where(jvec == jnp.int32(NF - 1), jnp.float32(1.0),
                           jvec.astype(jnp.float32)
                           * jnp.float32(1.0 / (NF - 1)))
            ftj = t_b + (uv - cdf_b) / denom * (t_a - t_b)
            plsc.store_scatter(ftv, [iota, jvec], ftj)
            plsc.store_scatter(ptsv, [zeros_i, iota, jvec], ox + dx * ftj)
            plsc.store_scatter(ptsv, [one16, iota, jvec], oy + dy * ftj)
            plsc.store_scatter(ptsv, [two16, iota, jvec], oz + dz * ftj)
            return 0
        lax.fori_loop(0, NF, pj, 0, unroll=4)

        pltpu.sync_copy(ftv, ft_hbm.at[pl.ds(base, 16)])
        pltpu.sync_copy(ptsv, pts_hbm.at[pl.ds(0, 3), pl.ds(base, 16)])

    issue(0, 0)
    issue(1, 1)

    def body2(h, carry):
        g0 = 2 * h
        g1 = 2 * h + 1
        drain(g0, 0)
        compute(g0, 0)
        issue(lax.rem(g0 + 2, GROUPS), 0)
        drain(g1, 1)
        compute(g1, 1)
        issue(lax.rem(g1 + 2, GROUPS), 1)
        return carry

    lax.fori_loop(0, GROUPS // 2, body2, 0)
    drain(0, 0)
    drain(1, 1)


def kernel(ray_origins, ray_directions, coarse_weights, coarse_t_vals,
           num_fine_samples):
    del num_fine_samples
    sc_call = pl.kernel(
        _sc_body,
        out_type=[
            jax.ShapeDtypeStruct((3, N, NF), jnp.float32),
            jax.ShapeDtypeStruct((N, NF), jnp.float32),
        ],
        mesh=plsc.VectorSubcoreMesh(core_axis_name="c", subcore_axis_name="s"),
        compiler_params=pltpu.CompilerParams(needs_layout_passes=False,
                                             use_tc_tiling_on_sc=False),
        scratch_types=[
            pltpu.VMEM((2, S, 16), jnp.float32),
            pltpu.VMEM((2, 16, S), jnp.float32),
            pltpu.VMEM((2, 16, 3), jnp.float32),
            pltpu.VMEM((2, 16, 3), jnp.float32),
            pltpu.VMEM((S, 16), jnp.float32),
            pltpu.VMEM((NF, 16), jnp.int32),
            pltpu.VMEM((3, 16, NF), jnp.float32),
            pltpu.VMEM((16, NF), jnp.float32),
            pltpu.SemaphoreType.DMA((2,)),
        ],
    )
    w_t = coarse_weights.T
    pts, ft = sc_call(w_t, coarse_t_vals, ray_origins, ray_directions)
    fine_points = jnp.transpose(pts, (1, 2, 0))
    return (fine_points, ft)

# --- scband reference (transcript-rebuilt; emitter-appended) ---
"""Pipeline reference for scband-grid-ne-rfrenderer-17514876634250 (READ-ONLY COPY).

The authoritative reference and input builder live on the scoring server;
editing this copy changes nothing except your own understanding.
"""

import jax, jax.numpy as jnp
import numpy as np

N = 65536
S = 128
NF = 64
NEAR = 0.1
FAR = 100.0


def setup_inputs(seed: int = 0) -> dict:
    key = jax.random.key(seed)
    k1, k2, k3, k4 = jax.random.split(key, 4)
    ray_origins = jax.random.normal(k1, (N, 3), dtype=jnp.float32)
    ray_directions = jax.random.normal(k2, (N, 3), dtype=jnp.float32)
    coarse_weights = jax.random.uniform(k3, (N, S), dtype=jnp.float32)
    # t_vals along each ray must be monotonically increasing (sorted) in [near, far]
    t = jnp.sort(jax.random.uniform(k4, (N, S), dtype=jnp.float32), axis=-1)
    coarse_t_vals = NEAR + t * (FAR - NEAR)
    return {
        "ray_origins": ray_origins,
        "ray_directions": ray_directions,
        "coarse_weights": coarse_weights,
        "coarse_t_vals": coarse_t_vals,
        "num_fine_samples": NF,
    }


def reference(ray_origins, ray_directions, coarse_weights, coarse_t_vals, num_fine_samples):
    # Faithful port of GridNeRFRenderer.hierarchical_sampling (eval mode:
    # deterministic linspace u instead of uniform random).
    weights = coarse_weights + 1e-05
    pdf = weights / jnp.sum(weights, axis=-1, keepdims=True)
    cdf = jnp.cumsum(pdf, axis=-1)
    cdf = jnp.concatenate([jnp.zeros_like(cdf[..., :1]), cdf], axis=-1)  # [N, S+1]

    u = jnp.linspace(0.0, 1.0, NF, dtype=jnp.float32)
    u = u + jnp.float32(0.0) * jnp.asarray(num_fine_samples, dtype=jnp.float32)
    u = jnp.broadcast_to(u, (ray_origins.shape[0], NF))

    # batched searchsorted (right) per ray -> SparseCore-style sorted lookup
    inds = jax.vmap(lambda c, uu: jnp.searchsorted(c, uu, side='right'))(cdf, u)

    below = jnp.clip(inds - 1, 0, cdf.shape[-1] - 1)
    above = jnp.clip(inds, 0, cdf.shape[-1] - 1)

    cdf_below = jnp.take_along_axis(cdf, below, axis=-1)
    cdf_above = jnp.take_along_axis(cdf, above, axis=-1)

    tmax = coarse_t_vals.shape[-1] - 1
    t_below = jnp.take_along_axis(coarse_t_vals, jnp.clip(below, 0, tmax), axis=-1)
    t_above = jnp.take_along_axis(coarse_t_vals, jnp.clip(above, 0, tmax), axis=-1)

    denom = cdf_above - cdf_below
    denom = jnp.where(denom < 1e-05, jnp.ones_like(denom), denom)
    t = (u - cdf_below) / denom
    fine_t_vals = t_below + t * (t_above - t_below)

    fine_points = ray_origins[:, None, :] + ray_directions[:, None, :] * fine_t_vals[..., None]
    return (fine_points, fine_t_vals)

if __name__ == "__main__":
    import jax
    _d = setup_inputs()
    print(jax.jit(kernel)(*tuple(_d.values())))

</pallas_src>

<mosaic_0001>
#map = affine_map<(d0, d1) -> (0, 0)>
#map1 = affine_map<(d0, d1) -> (0, 0, 0)>
module attributes {stable_mosaic.version = 14 : i64} {
  func.func @_sc_body(%arg0: i32, %arg1: i32, %arg2: memref<128x65536xf32, #tpu.memory_space<hbm>>, %arg3: memref<65536x128xf32, #tpu.memory_space<hbm>>, %arg4: memref<65536x3xf32, #tpu.memory_space<hbm>>, %arg5: memref<65536x3xf32, #tpu.memory_space<hbm>>, %arg6: memref<3x65536x64xf32, #tpu.memory_space<hbm>>, %arg7: memref<65536x64xf32, #tpu.memory_space<hbm>>, %arg8: memref<2x128x16xf32, #tpu.memory_space<vmem>>, %arg9: memref<2x16x128xf32, #tpu.memory_space<vmem>>, %arg10: memref<2x16x3xf32, #tpu.memory_space<vmem>>, %arg11: memref<2x16x3xf32, #tpu.memory_space<vmem>>, %arg12: memref<128x16xf32, #tpu.memory_space<vmem>>, %arg13: memref<64x16xi32, #tpu.memory_space<vmem>>, %arg14: memref<3x16x64xf32, #tpu.memory_space<vmem>>, %arg15: memref<16x64xf32, #tpu.memory_space<vmem>>, %arg16: memref<2x!tpu.dma_semaphore, #tpu.memory_space<semaphore_mem>>) attributes {dimension_semantics = [#tpu.dimension_semantics<core_parallel>, #tpu.dimension_semantics<subcore_parallel>], iteration_bounds = array<i64: 2, 16>, scalar_prefetch = 0 : i64, scratch_operands = 9 : i64, tpu.core_type = #tpu.core_type<sc_vector_subcore>, window_params = [{transform_indices = #map}, {transform_indices = #map}, {transform_indices = #map}, {transform_indices = #map}, {transform_indices = #map1}, {transform_indices = #map}]} {
    %mul3A = arith.constant 2 : i32
    %mul3A_0 = arith.muli %arg1, %mul3A : i32
    %add3A = arith.addi %mul3A_0, %arg0 : i32
    %iota3A = tpu.iota {dimensions = array<i32: 0>} : vector<16xi32>
    %broadcast_in_dim3A = arith.constant 0 : i32
    %broadcast_in_dim3A_1 = vector.broadcast %broadcast_in_dim3A : i32 to vector<16xi32>
    %broadcast_in_dim3A_2 = arith.constant 0.000000e+00 : f32
    %broadcast_in_dim3A_3 = vector.broadcast %broadcast_in_dim3A_2 : f32 to vector<16xf32>
    %broadcast_in_dim3A_4 = arith.constant 1 : i32
    %broadcast_in_dim3A_5 = vector.broadcast %broadcast_in_dim3A_4 : i32 to vector<16xi32>
    %broadcast_in_dim3A_6 = arith.constant 2 : i32
    %broadcast_in_dim3A_7 = vector.broadcast %broadcast_in_dim3A_6 : i32 to vector<16xi32>
    %mul3A_8 = arith.constant 128 : i32
    %mul3A_9 = arith.muli %add3A, %mul3A_8 : i32
    %add3A_10 = arith.constant 0 : i32
    %add3A_11 = arith.addi %mul3A_9, %add3A_10 : i32
    %mul3A_12 = arith.constant 16 : i32
    %mul3A_13 = arith.muli %add3A_11, %mul3A_12 : i32
    %dma_start3A = arith.constant 0 : i32
    %dma_start3A_14 = arith.constant 0 : i32
    %dma_start3A_15 = arith.constant 0 : i32
    %dma_start3A_16 = arith.constant 0 : i32
    %dma_start3A_17 = tpu.memref_slice %arg8[%dma_start3A, %dma_start3A_15, %dma_start3A_16] : memref<2x128x16xf32, #tpu.memory_space<vmem>> -> memref<1x128x16xf32, #tpu.memory_space<vmem>>
    %dma_start3A_18 = tpu.memref_squeeze %dma_start3A_17 : memref<1x128x16xf32, #tpu.memory_space<vmem>> -> memref<128x16xf32, #tpu.memory_space<vmem>>
    %dma_start3A_19 = arith.constant 0 : i32
    %dma_start3A_20 = tpu.memref_slice %arg2[%dma_start3A_19, %mul3A_13] : memref<128x65536xf32, #tpu.memory_space<hbm>> -> memref<128x16xf32, #tpu.memory_space<hbm>>
    %dma_start3A_21 = tpu.memref_slice %arg16[%dma_start3A_14] : memref<2x!tpu.dma_semaphore, #tpu.memory_space<semaphore_mem>> -> memref<1x!tpu.dma_semaphore, #tpu.memory_space<semaphore_mem>>
    %dma_start3A_22 = tpu.memref_squeeze %dma_start3A_21 : memref<1x!tpu.dma_semaphore, #tpu.memory_space<semaphore_mem>> -> memref<!tpu.dma_semaphore, #tpu.memory_space<semaphore_mem>>
    %dma_start3A_23 = arith.constant 0 : i32
    %dma_start3A_24 = arith.constant 0 : i32
    %dma_start3A_25 = tpu.memref_slice %arg8[%dma_start3A, %dma_start3A_23, %dma_start3A_24] : memref<2x128x16xf32, #tpu.memory_space<vmem>> -> memref<1x128x16xf32, #tpu.memory_space<vmem>>
    %dma_start3A_26 = tpu.memref_squeeze %dma_start3A_25 : memref<1x128x16xf32, #tpu.memory_space<vmem>> -> memref<128x16xf32, #tpu.memory_space<vmem>>
    %dma_start3A_27 = arith.constant 0 : i32
    %dma_start3A_28 = tpu.memref_slice %arg2[%dma_start3A_27, %mul3A_13] : memref<128x65536xf32, #tpu.memory_space<hbm>> -> memref<128x16xf32, #tpu.memory_space<hbm>>
    tpu.enqueue_dma source(%dma_start3A_28 : memref<128x16xf32, #tpu.memory_space<hbm>>) target(%dma_start3A_26 : memref<128x16xf32, #tpu.memory_space<vmem>>) target_semaphore(%dma_start3A_22 : memref<!tpu.dma_semaphore, #tpu.memory_space<semaphore_mem>>)
    %dma_start3A_29 = arith.constant 0 : i32
    %dma_start3A_30 = arith.constant 0 : i32
    %dma_start3A_31 = arith.constant 0 : i32
    %dma_start3A_32 = arith.constant 0 : i32
    %dma_start3A_33 = tpu.memref_slice %arg9[%dma_start3A_29, %dma_start3A_31, %dma_start3A_32] : memref<2x16x128xf32, #tpu.memory_space<vmem>> -> memref<1x16x128xf32, #tpu.memory_space<vmem>>
    %dma_start3A_34 = tpu.memref_squeeze %dma_start3A_33 : memref<1x16x128xf32, #tpu.memory_space<vmem>> -> memref<16x128xf32, #tpu.memory_space<vmem>>
    %dma_start3A_35 = arith.constant 0 : i32
    %dma_start3A_36 = tpu.memref_slice %arg3[%mul3A_13, %dma_start3A_35] : memref<65536x128xf32, #tpu.memory_space<hbm>> -> memref<16x128xf32, #tpu.memory_space<hbm>>
    %dma_start3A_37 = tpu.memref_slice %arg16[%dma_start3A_30] : memref<2x!tpu.dma_semaphore, #tpu.memory_space<semaphore_mem>> -> memref<1x!tpu.dma_semaphore, #tpu.memory_space<semaphore_mem>>
    %dma_start3A_38 = tpu.memref_squeeze %dma_start3A_37 : memref<1x!tpu.dma_semaphore, #tpu.memory_space<semaphore_mem>> -> memref<!tpu.dma_semaphore, #tpu.memory_space<semaphore_mem>>
    %dma_start3A_39 = arith.constant 0 : i32
    %dma_start3A_40 = arith.constant 0 : i32
    %dma_start3A_41 = tpu.memref_slice %arg9[%dma_start3A_29, %dma_start3A_39, %dma_start3A_40] : memref<2x16x128xf32, #tpu.memory_space<vmem>> -> memref<1x16x128xf32, #tpu.memory_space<vmem>>
    %dma_start3A_42 = tpu.memref_squeeze %dma_start3A_41 : memref<1x16x128xf32, #tpu.memory_space<vmem>> -> memref<16x128xf32, #tpu.memory_space<vmem>>
    %dma_start3A_43 = arith.constant 0 : i32
    %dma_start3A_44 = tpu.memref_slice %arg3[%mul3A_13, %dma_start3A_43] : memref<65536x128xf32, #tpu.memory_space<hbm>> -> memref<16x128xf32, #tpu.memory_space<hbm>>
    tpu.enqueue_dma source(%dma_start3A_44 : memref<16x128xf32, #tpu.memory_space<hbm>>) target(%dma_start3A_42 : memref<16x128xf32, #tpu.memory_space<vmem>>) target_semaphore(%dma_start3A_38 : memref<!tpu.dma_semaphore, #tpu.memory_space<semaphore_mem>>)
    %dma_start3A_45 = arith.constant 0 : i32
    %dma_start3A_46 = arith.constant 0 : i32
    %dma_start3A_47 = arith.constant 0 : i32
    %dma_start3A_48 = arith.constant 0 : i32
    %dma_start3A_49 = tpu.memref_slice %arg10[%dma_start3A_45, %dma_start3A_47, %dma_start3A_48] : memref<2x16x3xf32, #tpu.memory_space<vmem>> -> memref<1x16x3xf32, #tpu.memory_space<vmem>>
    %dma_start3A_50 = tpu.memref_squeeze %dma_start3A_49 : memref<1x16x3xf32, #tpu.memory_space<vmem>> -> memref<16x3xf32, #tpu.memory_space<vmem>>
    %dma_start3A_51 = arith.constant 0 : i32
    %dma_start3A_52 = tpu.memref_slice %arg4[%mul3A_13, %dma_start3A_51] : memref<65536x3xf32, #tpu.memory_space<hbm>> -> memref<16x3xf32, #tpu.memory_space<hbm>>
    %dma_start3A_53 = tpu.memref_slice %arg16[%dma_start3A_46] : memref<2x!tpu.dma_semaphore, #tpu.memory_space<semaphore_mem>> -> memref<1x!tpu.dma_semaphore, #tpu.memory_space<semaphore_mem>>
    %dma_start3A_54 = tpu.memref_squeeze %dma_start3A_53 : memref<1x!tpu.dma_semaphore, #tpu.memory_space<semaphore_mem>> -> memref<!tpu.dma_semaphore, #tpu.memory_space<semaphore_mem>>
    %dma_start3A_55 = arith.constant 0 : i32
    %dma_start3A_56 = arith.constant 0 : i32
    %dma_start3A_57 = tpu.memref_slice %arg10[%dma_start3A_45, %dma_start3A_55, %dma_start3A_56] : memref<2x16x3xf32, #tpu.memory_space<vmem>> -> memref<1x16x3xf32, #tpu.memory_space<vmem>>
    %dma_start3A_58 = tpu.memref_squeeze %dma_start3A_57 : memref<1x16x3xf32, #tpu.memory_space<vmem>> -> memref<16x3xf32, #tpu.memory_space<vmem>>
    %dma_start3A_59 = arith.constant 0 : i32
    %dma_start3A_60 = tpu.memref_slice %arg4[%mul3A_13, %dma_start3A_59] : memref<65536x3xf32, #tpu.memory_space<hbm>> -> memref<16x3xf32, #tpu.memory_space<hbm>>
    tpu.enqueue_dma source(%dma_start3A_60 : memref<16x3xf32, #tpu.memory_space<hbm>>) target(%dma_start3A_58 : memref<16x3xf32, #tpu.memory_space<vmem>>) target_semaphore(%dma_start3A_54 : memref<!tpu.dma_semaphore, #tpu.memory_space<semaphore_mem>>)
    %dma_start3A_61 = arith.constant 0 : i32
    %dma_start3A_62 = arith.constant 0 : i32
    %dma_start3A_63 = arith.constant 0 : i32
    %dma_start3A_64 = arith.constant 0 : i32
    %dma_start3A_65 = tpu.memref_slice %arg11[%dma_start3A_61, %dma_start3A_63, %dma_start3A_64] : memref<2x16x3xf32, #tpu.memory_space<vmem>> -> memref<1x16x3xf32, #tpu.memory_space<vmem>>
    %dma_start3A_66 = tpu.memref_squeeze %dma_start3A_65 : memref<1x16x3xf32, #tpu.memory_space<vmem>> -> memref<16x3xf32, #tpu.memory_space<vmem>>
    %dma_start3A_67 = arith.constant 0 : i32
    %dma_start3A_68 = tpu.memref_slice %arg5[%mul3A_13, %dma_start3A_67] : memref<65536x3xf32, #tpu.memory_space<hbm>> -> memref<16x3xf32, #tpu.memory_space<hbm>>
    %dma_start3A_69 = tpu.memref_slice %arg16[%dma_start3A_62] : memref<2x!tpu.dma_semaphore, #tpu.memory_space<semaphore_mem>> -> memref<1x!tpu.dma_semaphore, #tpu.memory_space<semaphore_mem>>
    %dma_start3A_70 = tpu.memref_squeeze %dma_start3A_69 : memref<1x!tpu.dma_semaphore, #tpu.memory_space<semaphore_mem>> -> memref<!tpu.dma_semaphore, #tpu.memory_space<semaphore_mem>>
    %dma_start3A_71 = arith.constant 0 : i32
    %dma_start3A_72 = arith.constant 0 : i32
    %dma_start3A_73 = tpu.memref_slice %arg11[%dma_start3A_61, %dma_start3A_71, %dma_start3A_72] : memref<2x16x3xf32, #tpu.memory_space<vmem>> -> memref<1x16x3xf32, #tpu.memory_space<vmem>>
    %dma_start3A_74 = tpu.memref_squeeze %dma_start3A_73 : memref<1x16x3xf32, #tpu.memory_space<vmem>> -> memref<16x3xf32, #tpu.memory_space<vmem>>
    %dma_start3A_75 = arith.constant 0 : i32
    %dma_start3A_76 = tpu.memref_slice %arg5[%mul3A_13, %dma_start3A_75] : memref<65536x3xf32, #tpu.memory_space<hbm>> -> memref<16x3xf32, #tpu.memory_space<hbm>>
    tpu.enqueue_dma source(%dma_start3A_76 : memref<16x3xf32, #tpu.memory_space<hbm>>) target(%dma_start3A_74 : memref<16x3xf32, #tpu.memory_space<vmem>>) target_semaphore(%dma_start3A_70 : memref<!tpu.dma_semaphore, #tpu.memory_space<semaphore_mem>>)
    %mul3A_77 = arith.constant 128 : i32
    %mul3A_78 = arith.muli %add3A, %mul3A_77 : i32
    %add3A_79 = arith.constant 1 : i32
    %add3A_80 = arith.addi %mul3A_78, %add3A_79 : i32
    %mul3A_81 = arith.constant 16 : i32
    %mul3A_82 = arith.muli %add3A_80, %mul3A_81 : i32
    %dma_start3A_83 = arith.constant 1 : i32
    %dma_start3A_84 = arith.constant 1 : i32
    %dma_start3A_85 = arith.constant 0 : i32
    %dma_start3A_86 = arith.constant 0 : i32
    %dma_start3A_87 = tpu.memref_slice %arg8[%dma_start3A_83, %dma_start3A_85, %dma_start3A_86] : memref<2x128x16xf32, #tpu.memory_space<vmem>> -> memref<1x128x16xf32, #tpu.memory_space<vmem>>
    %dma_start3A_88 = tpu.memref_squeeze %dma_start3A_87 : memref<1x128x16xf32, #tpu.memory_space<vmem>> -> memref<128x16xf32, #tpu.memory_space<vmem>>
    %dma_start3A_89 = arith.constant 0 : i32
    %dma_start3A_90 = tpu.memref_slice %arg2[%dma_start3A_89, %mul3A_82] : memref<128x65536xf32, #tpu.memory_space<hbm>> -> memref<128x16xf32, #tpu.memory_space<hbm>>
    %dma_start3A_91 = tpu.memref_slice %arg16[%dma_start3A_84] : memref<2x!tpu.dma_semaphore, #tpu.memory_space<semaphore_mem>> -> memref<1x!tpu.dma_semaphore, #tpu.memory_space<semaphore_mem>>
    %dma_start3A_92 = tpu.memref_squeeze %dma_start3A_91 : memref<1x!tpu.dma_semaphore, #tpu.memory_space<semaphore_mem>> -> memref<!tpu.dma_semaphore, #tpu.memory_space<semaphore_mem>>
    %dma_start3A_93 = arith.constant 0 : i32
    %dma_start3A_94 = arith.constant 0 : i32
    %dma_start3A_95 = tpu.memref_slice %arg8[%dma_start3A_83, %dma_start3A_93, %dma_start3A_94] : memref<2x128x16xf32, #tpu.memory_space<vmem>> -> memref<1x128x16xf32, #tpu.memory_space<vmem>>
    %dma_start3A_96 = tpu.memref_squeeze %dma_start3A_95 : memref<1x128x16xf32, #tpu.memory_space<vmem>> -> memref<128x16xf32, #tpu.memory_space<vmem>>
    %dma_start3A_97 = arith.constant 0 : i32
    %dma_start3A_98 = tpu.memref_slice %arg2[%dma_start3A_97, %mul3A_82] : memref<128x65536xf32, #tpu.memory_space<hbm>> -> memref<128x16xf32, #tpu.memory_space<hbm>>
    tpu.enqueue_dma source(%dma_start3A_98 : memref<128x16xf32, #tpu.memory_space<hbm>>) target(%dma_start3A_96 : memref<128x16xf32, #tpu.memory_space<vmem>>) target_semaphore(%dma_start3A_92 : memref<!tpu.dma_semaphore, #tpu.memory_space<semaphore_mem>>)
    %dma_start3A_99 = arith.constant 1 : i32
    %dma_start3A_100 = arith.constant 1 : i32
    %dma_start3A_101 = arith.constant 0 : i32
    %dma_start3A_102 = arith.constant 0 : i32
    %dma_start3A_103 = tpu.memref_slice %arg9[%dma_start3A_99, %dma_start3A_101, %dma_start3A_102] : memref<2x16x128xf32, #tpu.memory_space<vmem>> -> memref<1x16x128xf32, #tpu.memory_space<vmem>>
    %dma_start3A_104 = tpu.memref_squeeze %dma_start3A_103 : memref<1x16x128xf32, #tpu.memory_space<vmem>> -> memref<16x128xf32, #tpu.memory_space<vmem>>
    %dma_start3A_105 = arith.constant 0 : i32
    %dma_start3A_106 = tpu.memref_slice %arg3[%mul3A_82, %dma_start3A_105] : memref<65536x128xf32, #tpu.memory_space<hbm>> -> memref<16x128xf32, #tpu.memory_space<hbm>>
    %dma_start3A_107 = tpu.memref_slice %arg16[%dma_start3A_100] : memref<2x!tpu.dma_semaphore, #tpu.memory_space<semaphore_mem>> -> memref<1x!tpu.dma_semaphore, #tpu.memory_space<semaphore_mem>>
    %dma_start3A_108 = tpu.memref_squeeze %dma_start3A_107 : memref<1x!tpu.dma_semaphore, #tpu.memory_space<semaphore_mem>> -> memref<!tpu.dma_semaphore, #tpu.memory_space<semaphore_mem>>
    %dma_start3A_109 = arith.constant 0 : i32
    %dma_start3A_110 = arith.constant 0 : i32
    %dma_start3A_111 = tpu.memref_slice %arg9[%dma_start3A_99, %dma_start3A_109, %dma_start3A_110] : memref<2x16x128xf32, #tpu.memory_space<vmem>> -> memref<1x16x128xf32, #tpu.memory_space<vmem>>
    %dma_start3A_112 = tpu.memref_squeeze %dma_start3A_111 : memref<1x16x128xf32, #tpu.memory_space<vmem>> -> memref<16x128xf32, #tpu.memory_space<vmem>>
    %dma_start3A_113 = arith.constant 0 : i32
    %dma_start3A_114 = tpu.memref_slice %arg3[%mul3A_82, %dma_start3A_113] : memref<65536x128xf32, #tpu.memory_space<hbm>> -> memref<16x128xf32, #tpu.memory_space<hbm>>
    tpu.enqueue_dma source(%dma_start3A_114 : memref<16x128xf32, #tpu.memory_space<hbm>>) target(%dma_start3A_112 : memref<16x128xf32, #tpu.memory_space<vmem>>) target_semaphore(%dma_start3A_108 : memref<!tpu.dma_semaphore, #tpu.memory_space<semaphore_mem>>)
    %dma_start3A_115 = arith.constant 1 : i32
    %dma_start3A_116 = arith.constant 1 : i32
    %dma_start3A_117 = arith.constant 0 : i32
    %dma_start3A_118 = arith.constant 0 : i32
    %dma_start3A_119 = tpu.memref_slice %arg10[%dma_start3A_115, %dma_start3A_117, %dma_start3A_118] : memref<2x16x3xf32, #tpu.memory_space<vmem>> -> memref<1x16x3xf32, #tpu.memory_space<vmem>>
    %dma_start3A_120 = tpu.memref_squeeze %dma_start3A_119 : memref<1x16x3xf32, #tpu.memory_space<vmem>> -> memref<16x3xf32, #tpu.memory_space<vmem>>
    %dma_start3A_121 = arith.constant 0 : i32
    %dma_start3A_122 = tpu.memref_slice %arg4[%mul3A_82, %dma_start3A_121] : memref<65536x3xf32, #tpu.memory_space<hbm>> -> memref<16x3xf32, #tpu.memory_space<hbm>>
    %dma_start3A_123 = tpu.memref_slice %arg16[%dma_start3A_116] : memref<2x!tpu.dma_semaphore, #tpu.memory_space<semaphore_mem>> -> memref<1x!tpu.dma_semaphore, #tpu.memory_space<semaphore_mem>>
    %dma_start3A_124 = tpu.memref_squeeze %dma_start3A_123 : memref<1x!tpu.dma_semaphore, #tpu.memory_space<semaphore_mem>> -> memref<!tpu.dma_semaphore, #tpu.memory_space<semaphore_mem>>
    %dma_start3A_125 = arith.constant 0 : i32
    %dma_start3A_126 = arith.constant 0 : i32
    %dma_start3A_127 = tpu.memref_slice %arg10[%dma_start3A_115, %dma_start3A_125, %dma_start3A_126] : memref<2x16x3xf32, #tpu.memory_space<vmem>> -> memref<1x16x3xf32, #tpu.memory_space<vmem>>
    %dma_start3A_128 = tpu.memref_squeeze %dma_start3A_127 : memref<1x16x3xf32, #tpu.memory_space<vmem>> -> memref<16x3xf32, #tpu.memory_space<vmem>>
    %dma_start3A_129 = arith.constant 0 : i32
    %dma_start3A_130 = tpu.memref_slice %arg4[%mul3A_82, %dma_start3A_129] : memref<65536x3xf32, #tpu.memory_space<hbm>> -> memref<16x3xf32, #tpu.memory_space<hbm>>
    tpu.enqueue_dma source(%dma_start3A_130 : memref<16x3xf32, #tpu.memory_space<hbm>>) target(%dma_start3A_128 : memref<16x3xf32, #tpu.memory_space<vmem>>) target_semaphore(%dma_start3A_124 : memref<!tpu.dma_semaphore, #tpu.memory_space<semaphore_mem>>)
    %dma_start3A_131 = arith.constant 1 : i32
    %dma_start3A_132 = arith.constant 1 : i32
    %dma_start3A_133 = arith.constant 0 : i32
    %dma_start3A_134 = arith.constant 0 : i32
    %dma_start3A_135 = tpu.memref_slice %arg11[%dma_start3A_131, %dma_start3A_133, %dma_start3A_134] : memref<2x16x3xf32, #tpu.memory_space<vmem>> -> memref<1x16x3xf32, #tpu.memory_space<vmem>>
    %dma_start3A_136 = tpu.memref_squeeze %dma_start3A_135 : memref<1x16x3xf32, #tpu.memory_space<vmem>> -> memref<16x3xf32, #tpu.memory_space<vmem>>
    %dma_start3A_137 = arith.constant 0 : i32
    %dma_start3A_138 = tpu.memref_slice %arg5[%mul3A_82, %dma_start3A_137] : memref<65536x3xf32, #tpu.memory_space<hbm>> -> memref<16x3xf32, #tpu.memory_space<hbm>>
    %dma_start3A_139 = tpu.memref_slice %arg16[%dma_start3A_132] : memref<2x!tpu.dma_semaphore, #tpu.memory_space<semaphore_mem>> -> memref<1x!tpu.dma_semaphore, #tpu.memory_space<semaphore_mem>>
    %dma_start3A_140 = tpu.memref_squeeze %dma_start3A_139 : memref<1x!tpu.dma_semaphore, #tpu.memory_space<semaphore_mem>> -> memref<!tpu.dma_semaphore, #tpu.memory_space<semaphore_mem>>
    %dma_start3A_141 = arith.constant 0 : i32
    %dma_start3A_142 = arith.constant 0 : i32
    %dma_start3A_143 = tpu.memref_slice %arg11[%dma_start3A_131, %dma_start3A_141, %dma_start3A_142] : memref<2x16x3xf32, #tpu.memory_space<vmem>> -> memref<1x16x3xf32, #tpu.memory_space<vmem>>
    %dma_start3A_144 = tpu.memref_squeeze %dma_start3A_143 : memref<1x16x3xf32, #tpu.memory_space<vmem>> -> memref<16x3xf32, #tpu.memory_space<vmem>>
    %dma_start3A_145 = arith.constant 0 : i32
    %dma_start3A_146 = tpu.memref_slice %arg5[%mul3A_82, %dma_start3A_145] : memref<65536x3xf32, #tpu.memory_space<hbm>> -> memref<16x3xf32, #tpu.memory_space<hbm>>
    tpu.enqueue_dma source(%dma_start3A_146 : memref<16x3xf32, #tpu.memory_space<hbm>>) target(%dma_start3A_144 : memref<16x3xf32, #tpu.memory_space<vmem>>) target_semaphore(%dma_start3A_140 : memref<!tpu.dma_semaphore, #tpu.memory_space<semaphore_mem>>)
    %scan3A = arith.constant 0 : i32
    %scan3A_147 = arith.constant 0 : i32
    %scan3A_148 = arith.constant 64 : i32
    %scan3A_149 = arith.addi %scan3A_147, %scan3A_148 : i32
    %scan3A_150 = arith.constant 1 : i32
    scf.for %scan3A_291 = %scan3A_147 to %scan3A_149 step %scan3A_150  : i32 {
      %mul3A_292 = arith.constant 2 : i32
      %mul3A_293 = arith.muli %mul3A_292, %scan3A_291 : i32
      %mul3A_294 = arith.constant 2 : i32
      %mul3A_295 = arith.muli %mul3A_294, %scan3A_291 : i32
      %add3A_296 = arith.constant 1 : i32
      %add3A_297 = arith.addi %mul3A_295, %add3A_296 : i32
      %mul3A_298 = arith.constant 128 : i32
      %mul3A_299 = arith.muli %add3A, %mul3A_298 : i32
      %add3A_300 = arith.addi %mul3A_299, %mul3A_293 : i32
      %mul3A_301 = arith.constant 16 : i32
      %mul3A_302 = arith.muli %add3A_300, %mul3A_301 : i32
      %dma_wait3A_303 = arith.constant 0 : i32
      %dma_wait3A_304 = arith.constant 0 : i32
      %dma_wait3A_305 = arith.constant 0 : i32
      %dma_wait3A_306 = arith.constant 0 : i32
      %dma_wait3A_307 = tpu.memref_slice %arg8[%dma_wait3A_303, %dma_wait3A_305, %dma_wait3A_306] : memref<2x128x16xf32, #tpu.memory_space<vmem>> -> memref<1x128x16xf32, #tpu.memory_space<vmem>>
      %dma_wait3A_308 = tpu.memref_squeeze %dma_wait3A_307 : memref<1x128x16xf32, #tpu.memory_space<vmem>> -> memref<128x16xf32, #tpu.memory_space<vmem>>
      %dma_wait3A_309 = arith.constant 0 : i32
      %dma_wait3A_310 = tpu.memref_slice %arg2[%dma_wait3A_309, %mul3A_302] : memref<128x65536xf32, #tpu.memory_space<hbm>> -> memref<128x16xf32, #tpu.memory_space<hbm>>
      %dma_wait3A_311 = tpu.memref_slice %arg16[%dma_wait3A_304] : memref<2x!tpu.dma_semaphore, #tpu.memory_space<semaphore_mem>> -> memref<1x!tpu.dma_semaphore, #tpu.memory_space<semaphore_mem>>
      %dma_wait3A_312 = tpu.memref_squeeze %dma_wait3A_311 : memref<1x!tpu.dma_semaphore, #tpu.memory_space<semaphore_mem>> -> memref<!tpu.dma_semaphore, #tpu.memory_space<semaphore_mem>>
      %dma_wait3A_313 = arith.constant 0 : i32
      %dma_wait3A_314 = arith.constant 0 : i32
      %dma_wait3A_315 = tpu.memref_slice %arg8[%dma_wait3A_303, %dma_wait3A_313, %dma_wait3A_314] : memref<2x128x16xf32, #tpu.memory_space<vmem>> -> memref<1x128x16xf32, #tpu.memory_space<vmem>>
      %dma_wait3A_316 = tpu.memref_squeeze %dma_wait3A_315 : memref<1x128x16xf32, #tpu.memory_space<vmem>> -> memref<128x16xf32, #tpu.memory_space<vmem>>
      %dma_wait3A_317 = arith.constant 0 : i32
      %dma_wait3A_318 = tpu.memref_slice %arg2[%dma_wait3A_317, %mul3A_302] : memref<128x65536xf32, #tpu.memory_space<hbm>> -> memref<128x16xf32, #tpu.memory_space<hbm>>
      tpu.wait_dma2 semaphore(%dma_wait3A_312 : memref<!tpu.dma_semaphore, #tpu.memory_space<semaphore_mem>>) src(%dma_wait3A_318 : memref<128x16xf32, #tpu.memory_space<hbm>>) dst(%dma_wait3A_316 : memref<128x16xf32, #tpu.memory_space<vmem>>)
      %dma_wait3A_319 = arith.constant 0 : i32
      %dma_wait3A_320 = arith.constant 0 : i32
      %dma_wait3A_321 = arith.constant 0 : i32
      %dma_wait3A_322 = arith.constant 0 : i32
      %dma_wait3A_323 = tpu.memref_slice %arg9[%dma_wait3A_319, %dma_wait3A_321, %dma_wait3A_322] : memref<2x16x128xf32, #tpu.memory_space<vmem>> -> memref<1x16x128xf32, #tpu.memory_space<vmem>>
      %dma_wait3A_324 = tpu.memref_squeeze %dma_wait3A_323 : memref<1x16x128xf32, #tpu.memory_space<vmem>> -> memref<16x128xf32, #tpu.memory_space<vmem>>
      %dma_wait3A_325 = arith.constant 0 : i32
      %dma_wait3A_326 = tpu.memref_slice %arg3[%mul3A_302, %dma_wait3A_325] : memref<65536x128xf32, #tpu.memory_space<hbm>> -> memref<16x128xf32, #tpu.memory_space<hbm>>
      %dma_wait3A_327 = tpu.memref_slice %arg16[%dma_wait3A_320] : memref<2x!tpu.dma_semaphore, #tpu.memory_space<semaphore_mem>> -> memref<1x!tpu.dma_semaphore, #tpu.memory_space<semaphore_mem>>
      %dma_wait3A_328 = tpu.memref_squeeze %dma_wait3A_327 : memref<1x!tpu.dma_semaphore, #tpu.memory_space<semaphore_mem>> -> memref<!tpu.dma_semaphore, #tpu.memory_space<semaphore_mem>>
      %dma_wait3A_329 = arith.constant 0 : i32
      %dma_wait3A_330 = arith.constant 0 : i32
      %dma_wait3A_331 = tpu.memref_slice %arg9[%dma_wait3A_319, %dma_wait3A_329, %dma_wait3A_330] : memref<2x16x128xf32, #tpu.memory_space<vmem>> -> memref<1x16x128xf32, #tpu.memory_space<vmem>>
      %dma_wait3A_332 = tpu.memref_squeeze %dma_wait3A_331 : memref<1x16x128xf32, #tpu.memory_space<vmem>> -> memref<16x128xf32, #tpu.memory_space<vmem>>
      %dma_wait3A_333 = arith.constant 0 : i32
      %dma_wait3A_334 = tpu.memref_slice %arg3[%mul3A_302, %dma_wait3A_333] : memref<65536x128xf32, #tpu.memory_space<hbm>> -> memref<16x128xf32, #tpu.memory_space<hbm>>
      tpu.wait_dma2 semaphore(%dma_wait3A_328 : memref<!tpu.dma_semaphore, #tpu.memory_space<semaphore_mem>>) src(%dma_wait3A_334 : memref<16x128xf32, #tpu.memory_space<hbm>>) dst(%dma_wait3A_332 : memref<16x128xf32, #tpu.memory_space<vmem>>)
      %dma_wait3A_335 = arith.constant 0 : i32
      %dma_wait3A_336 = arith.constant 0 : i32
      %dma_wait3A_337 = arith.constant 0 : i32
      %dma_wait3A_338 = arith.constant 0 : i32
      %dma_wait3A_339 = tpu.memref_slice %arg10[%dma_wait3A_335, %dma_wait3A_337, %dma_wait3A_338] : memref<2x16x3xf32, #tpu.memory_space<vmem>> -> memref<1x16x3xf32, #tpu.memory_space<vmem>>
      %dma_wait3A_340 = tpu.memref_squeeze %dma_wait3A_339 : memref<1x16x3xf32, #tpu.memory_space<vmem>> -> memref<16x3xf32, #tpu.memory_space<vmem>>
      %dma_wait3A_341 = arith.constant 0 : i32
      %dma_wait3A_342 = tpu.memref_slice %arg4[%mul3A_302, %dma_wait3A_341] : memref<65536x3xf32, #tpu.memory_space<hbm>> -> memref<16x3xf32, #tpu.memory_space<hbm>>
      %dma_wait3A_343 = tpu.memref_slice %arg16[%dma_wait3A_336] : memref<2x!tpu.dma_semaphore, #tpu.memory_space<semaphore_mem>> -> memref<1x!tpu.dma_semaphore, #tpu.memory_space<semaphore_mem>>
      %dma_wait3A_344 = tpu.memref_squeeze %dma_wait3A_343 : memref<1x!tpu.dma_semaphore, #tpu.memory_space<semaphore_mem>> -> memref<!tpu.dma_semaphore, #tpu.memory_space<semaphore_mem>>
      %dma_wait3A_345 = arith.constant 0 : i32
      %dma_wait3A_346 = arith.constant 0 : i32
      %dma_wait3A_347 = tpu.memref_slice %arg10[%dma_wait3A_335, %dma_wait3A_345, %dma_wait3A_346] : memref<2x16x3xf32, #tpu.memory_space<vmem>> -> memref<1x16x3xf32, #tpu.memory_space<vmem>>
      %dma_wait3A_348 = tpu.memref_squeeze %dma_wait3A_347 : memref<1x16x3xf32, #tpu.memory_space<vmem>> -> memref<16x3xf32, #tpu.memory_space<vmem>>
      %dma_wait3A_349 = arith.constant 0 : i32
      %dma_wait3A_350 = tpu.memref_slice %arg4[%mul3A_302, %dma_wait3A_349] : memref<65536x3xf32, #tpu.memory_space<hbm>> -> memref<16x3xf32, #tpu.memory_space<hbm>>
      tpu.wait_dma2 semaphore(%dma_wait3A_344 : memref<!tpu.dma_semaphore, #tpu.memory_space<semaphore_mem>>) src(%dma_wait3A_350 : memref<16x3xf32, #tpu.memory_space<hbm>>) dst(%dma_wait3A_348 : memref<16x3xf32, #tpu.memory_space<vmem>>)
      %dma_wait3A_351 = arith.constant 0 : i32
      %dma_wait3A_352 = arith.constant 0 : i32
      %dma_wait3A_353 = arith.constant 0 : i32
      %dma_wait3A_354 = arith.constant 0 : i32
      %dma_wait3A_355 = tpu.memref_slice %arg11[%dma_wait3A_351, %dma_wait3A_353, %dma_wait3A_354] : memref<2x16x3xf32, #tpu.memory_space<vmem>> -> memref<1x16x3xf32, #tpu.memory_space<vmem>>
      %dma_wait3A_356 = tpu.memref_squeeze %dma_wait3A_355 : memref<1x16x3xf32, #tpu.memory_space<vmem>> -> memref<16x3xf32, #tpu.memory_space<vmem>>
      %dma_wait3A_357 = arith.constant 0 : i32
      %dma_wait3A_358 = tpu.memref_slice %arg5[%mul3A_302, %dma_wait3A_357] : memref<65536x3xf32, #tpu.memory_space<hbm>> -> memref<16x3xf32, #tpu.memory_space<hbm>>
      %dma_wait3A_359 = tpu.memref_slice %arg16[%dma_wait3A_352] : memref<2x!tpu.dma_semaphore, #tpu.memory_space<semaphore_mem>> -> memref<1x!tpu.dma_semaphore, #tpu.memory_space<semaphore_mem>>
      %dma_wait3A_360 = tpu.memref_squeeze %dma_wait3A_359 : memref<1x!tpu.dma_semaphore, #tpu.memory_space<semaphore_mem>> -> memref<!tpu.dma_semaphore, #tpu.memory_space<semaphore_mem>>
      %dma_wait3A_361 = arith.constant 0 : i32
      %dma_wait3A_362 = arith.constant 0 : i32
      %dma_wait3A_363 = tpu.memref_slice %arg11[%dma_wait3A_351, %dma_wait3A_361, %dma_wait3A_362] : memref<2x16x3xf32, #tpu.memory_space<vmem>> -> memref<1x16x3xf32, #tpu.memory_space<vmem>>
      %dma_wait3A_364 = tpu.memref_squeeze %dma_wait3A_363 : memref<1x16x3xf32, #tpu.memory_space<vmem>> -> memref<16x3xf32, #tpu.memory_space<vmem>>
      %dma_wait3A_365 = arith.constant 0 : i32
      %dma_wait3A_366 = tpu.memref_slice %arg5[%mul3A_302, %dma_wait3A_365] : memref<65536x3xf32, #tpu.memory_space<hbm>> -> memref<16x3xf32, #tpu.memory_space<hbm>>
      tpu.wait_dma2 semaphore(%dma_wait3A_360 : memref<!tpu.dma_semaphore, #tpu.memory_space<semaphore_mem>>) src(%dma_wait3A_366 : memref<16x3xf32, #tpu.memory_space<hbm>>) dst(%dma_wait3A_364 : memref<16x3xf32, #tpu.memory_space<vmem>>)
      %mul3A_367 = arith.constant 128 : i32
      %mul3A_368 = arith.muli %add3A, %mul3A_367 : i32
      %add3A_369 = arith.addi %mul3A_368, %mul3A_293 : i32
      %mul3A_370 = arith.constant 16 : i32
      %mul3A_371 = arith.muli %add3A_369, %mul3A_370 : i32
      %swap3A = arith.constant 0 : i32
      %swap3A_372 = arith.index_cast %swap3A : i32 to index
      %swap3A_373 = arith.constant 0 : index
      %swap3A_374 = tpu.vector_load %arg13[%swap3A_372, %swap3A_373] {strides = array<i32>} : memref<64x16xi32, #tpu.memory_space<vmem>>, vector<16xi32>,
      tpu.vector_store %arg13[%swap3A_372, %swap3A_373], %broadcast_in_dim3A_1 {strides = array<i32>} : memref<64x16xi32, #tpu.memory_space<vmem>>, vector<16xi32>,
      %swap3A_375 = arith.constant 1 : i32
      %swap3A_376 = arith.index_cast %swap3A_375 : i32 to index
      %swap3A_377 = arith.constant 0 : index
      %swap3A_378 = tpu.vector_load %arg13[%swap3A_376, %swap3A_377] {strides = array<i32>} : memref<64x16xi32, #tpu.memory_space<vmem>>, vector<16xi32>,
      tpu.vector_store %arg13[%swap3A_376, %swap3A_377], %broadcast_in_dim3A_1 {strides = array<i32>} : memref<64x16xi32, #tpu.memory_space<vmem>>, vector<16xi32>,
      %swap3A_379 = arith.constant 2 : i32
      %swap3A_380 = arith.index_cast %swap3A_379 : i32 to index
      %swap3A_381 = arith.constant 0 : index
      %swap3A_382 = tpu.vector_load %arg13[%swap3A_380, %swap3A_381] {strides = array<i32>} : memref<64x16xi32, #tpu.memory_space<vmem>>, vector<16xi32>,
      tpu.vector_store %arg13[%swap3A_380, %swap3A_381], %broadcast_in_dim3A_1 {strides = array<i32>} : memref<64x16xi32, #tpu.memory_space<vmem>>, vector<16xi32>,
      %swap3A_383 = arith.constant 3 : i32
      %swap3A_384 = arith.index_cast %swap3A_383 : i32 to index
      %swap3A_385 = arith.constant 0 : index
      %swap3A_386 = tpu.vector_load %arg13[%swap3A_384, %swap3A_385] {strides = array<i32>} : memref<64x16xi32, #tpu.memory_space<vmem>>, vector<16xi32>,
      tpu.vector_store %arg13[%swap3A_384, %swap3A_385], %broadcast_in_dim3A_1 {strides = array<i32>} : memref<64x16xi32, #tpu.memory_space<vmem>>, vector<16xi32>,
      %swap3A_387 = arith.constant 4 : i32
      %swap3A_388 = arith.index_cast %swap3A_387 : i32 to index
      %swap3A_389 = arith.constant 0 : index
      %swap3A_390 = tpu.vector_load %arg13[%swap3A_388, %swap3A_389] {strides = array<i32>} : memref<64x16xi32, #tpu.memory_space<vmem>>, vector<16xi32>,
      tpu.vector_store %arg13[%swap3A_388, %swap3A_389], %broadcast_in_dim3A_1 {strides = array<i32>} : memref<64x16xi32, #tpu.memory_space<vmem>>, vector<16xi32>,
      %swap3A_391 = arith.constant 5 : i32
      %swap3A_392 = arith.index_cast %swap3A_391 : i32 to index
      %swap3A_393 = arith.constant 0 : index
      %swap3A_394 = tpu.vector_load %arg13[%swap3A_392, %swap3A_393] {strides = array<i32>} : memref<64x16xi32, #tpu.memory_space<vmem>>, vector<16xi32>,
      tpu.vector_store %arg13[%swap3A_392, %swap3A_393], %broadcast_in_dim3A_1 {strides = array<i32>} : memref<64x16xi32, #tpu.memory_space<vmem>>, vector<16xi32>,
      %swap3A_395 = arith.constant 6 : i32
      %swap3A_396 = arith.index_cast %swap3A_395 : i32 to index
      %swap3A_397 = arith.constant 0 : index
      %swap3A_398 = tpu.vector_load %arg13[%swap3A_396, %swap3A_397] {strides = array<i32>} : memref<64x16xi32, #tpu.memory_space<vmem>>, vector<16xi32>,
      tpu.vector_store %arg13[%swap3A_396, %swap3A_397], %broadcast_in_dim3A_1 {strides = array<i32>} : memref<64x16xi32, #tpu.memory_space<vmem>>, vector<16xi32>,
      %swap3A_399 = arith.constant 7 : i32
      %swap3A_400 = arith.index_cast %swap3A_399 : i32 to index
      %swap3A_401 = arith.constant 0 : index
      %swap3A_402 = tpu.vector_load %arg13[%swap3A_400, %swap3A_401] {strides = array<i32>} : memref<64x16xi32, #tpu.memory_space<vmem>>, vector<16xi32>,
      tpu.vector_store %arg13[%swap3A_400, %swap3A_401], %broadcast_in_dim3A_1 {strides = array<i32>} : memref<64x16xi32, #tpu.memory_space<vmem>>, vector<16xi32>,
      %swap3A_403 = arith.constant 8 : i32
      %swap3A_404 = arith.index_cast %swap3A_403 : i32 to index
      %swap3A_405 = arith.constant 0 : index
      %swap3A_406 = tpu.vector_load %arg13[%swap3A_404, %swap3A_405] {strides = array<i32>} : memref<64x16xi32, #tpu.memory_space<vmem>>, vector<16xi32>,
      tpu.vector_store %arg13[%swap3A_404, %swap3A_405], %broadcast_in_dim3A_1 {strides = array<i32>} : memref<64x16xi32, #tpu.memory_space<vmem>>, vector<16xi32>,
      %swap3A_407 = arith.constant 9 : i32
      %swap3A_408 = arith.index_cast %swap3A_407 : i32 to index
      %swap3A_409 = arith.constant 0 : index
      %swap3A_410 = tpu.vector_load %arg13[%swap3A_408, %swap3A_409] {strides = array<i32>} : memref<64x16xi32, #tpu.memory_space<vmem>>, vector<16xi32>,
      tpu.vector_store %arg13[%swap3A_408, %swap3A_409], %broadcast_in_dim3A_1 {strides = array<i32>} : memref<64x16xi32, #tpu.memory_space<vmem>>, vector<16xi32>,
      %swap3A_411 = arith.constant 10 : i32
      %swap3A_412 = arith.index_cast %swap3A_411 : i32 to index
      %swap3A_413 = arith.constant 0 : index
      %swap3A_414 = tpu.vector_load %arg13[%swap3A_412, %swap3A_413] {strides = array<i32>} : memref<64x16xi32, #tpu.memory_space<vmem>>, vector<16xi32>,
      tpu.vector_store %arg13[%swap3A_412, %swap3A_413], %broadcast_in_dim3A_1 {strides = array<i32>} : memref<64x16xi32, #tpu.memory_space<vmem>>, vector<16xi32>,
      %swap3A_415 = arith.constant 11 : i32
      %swap3A_416 = arith.index_cast %swap3A_415 : i32 to index
      %swap3A_417 = arith.constant 0 : index
      %swap3A_418 = tpu.vector_load %arg13[%swap3A_416, %swap3A_417] {strides = array<i32>} : memref<64x16xi32, #tpu.memory_space<vmem>>, vector<16xi32>,
      tpu.vector_store %arg13[%swap3A_416, %swap3A_417], %broadcast_in_dim3A_1 {strides = array<i32>} : memref<64x16xi32, #tpu.memory_space<vmem>>, vector<16xi32>,
      %swap3A_419 = arith.constant 12 : i32
      %swap3A_420 = arith.index_cast %swap3A_419 : i32 to index
      %swap3A_421 = arith.constant 0 : index
      %swap3A_422 = tpu.vector_load %arg13[%swap3A_420, %swap3A_421] {strides = array<i32>} : memref<64x16xi32, #tpu.memory_space<vmem>>, vector<16xi32>,
      tpu.vector_store %arg13[%swap3A_420, %swap3A_421], %broadcast_in_dim3A_1 {strides = array<i32>} : memref<64x16xi32, #tpu.memory_space<vmem>>, vector<16xi32>,
      %swap3A_423 = arith.constant 13 : i32
      %swap3A_424 = arith.index_cast %swap3A_423 : i32 to index
      %swap3A_425 = arith.constant 0 : index
      %swap3A_426 = tpu.vector_load %arg13[%swap3A_424, %swap3A_425] {strides = array<i32>} : memref<64x16xi32, #tpu.memory_space<vmem>>, vector<16xi32>,
      tpu.vector_store %arg13[%swap3A_424, %swap3A_425], %broadcast_in_dim3A_1 {strides = array<i32>} : memref<64x16xi32, #tpu.memory_space<vmem>>, vector<16xi32>,
      %swap3A_427 = arith.constant 14 : i32
      %swap3A_428 = arith.index_cast %swap3A_427 : i32 to index
      %swap3A_429 = arith.constant 0 : index
      %swap3A_430 = tpu.vector_load %arg13[%swap3A_428, %swap3A_429] {strides = array<i32>} : memref<64x16xi32, #tpu.memory_space<vmem>>, vector<16xi32>,
      tpu.vector_store %arg13[%swap3A_428, %swap3A_429], %broadcast_in_dim3A_1 {strides = array<i32>} : memref<64x16xi32, #tpu.memory_space<vmem>>, vector<16xi32>,
      %swap3A_431 = arith.constant 15 : i32
      %swap3A_432 = arith.index_cast %swap3A_431 : i32 to index
      %swap3A_433 = arith.constant 0 : index
      %swap3A_434 = tpu.vector_load %arg13[%swap3A_432, %swap3A_433] {strides = array<i32>} : memref<64x16xi32, #tpu.memory_space<vmem>>, vector<16xi32>,
      tpu.vector_store %arg13[%swap3A_432, %swap3A_433], %broadcast_in_dim3A_1 {strides = array<i32>} : memref<64x16xi32, #tpu.memory_space<vmem>>, vector<16xi32>,
      %swap3A_435 = arith.constant 16 : i32
      %swap3A_436 = arith.index_cast %swap3A_435 : i32 to index
      %swap3A_437 = arith.constant 0 : index
      %swap3A_438 = tpu.vector_load %arg13[%swap3A_436, %swap3A_437] {strides = array<i32>} : memref<64x16xi32, #tpu.memory_space<vmem>>, vector<16xi32>,
      tpu.vector_store %arg13[%swap3A_436, %swap3A_437], %broadcast_in_dim3A_1 {strides = array<i32>} : memref<64x16xi32, #tpu.memory_space<vmem>>, vector<16xi32>,
      %swap3A_439 = arith.constant 17 : i32
      %swap3A_440 = arith.index_cast %swap3A_439 : i32 to index
      %swap3A_441 = arith.constant 0 : index
      %swap3A_442 = tpu.vector_load %arg13[%swap3A_440, %swap3A_441] {strides = array<i32>} : memref<64x16xi32, #tpu.memory_space<vmem>>, vector<16xi32>,
      tpu.vector_store %arg13[%swap3A_440, %swap3A_441], %broadcast_in_dim3A_1 {strides = array<i32>} : memref<64x16xi32, #tpu.memory_space<vmem>>, vector<16xi32>,
      %swap3A_443 = arith.constant 18 : i32
      %swap3A_444 = arith.index_cast %swap3A_443 : i32 to index
      %swap3A_445 = arith.constant 0 : index
      %swap3A_446 = tpu.vector_load %arg13[%swap3A_444, %swap3A_445] {strides = array<i32>} : memref<64x16xi32, #tpu.memory_space<vmem>>, vector<16xi32>,
      tpu.vector_store %arg13[%swap3A_444, %swap3A_445], %broadcast_in_dim3A_1 {strides = array<i32>} : memref<64x16xi32, #tpu.memory_space<vmem>>, vector<16xi32>,
      %swap3A_447 = arith.constant 19 : i32
      %swap3A_448 = arith.index_cast %swap3A_447 : i32 to index
      %swap3A_449 = arith.constant 0 : index
      %swap3A_450 = tpu.vector_load %arg13[%swap3A_448, %swap3A_449] {strides = array<i32>} : memref<64x16xi32, #tpu.memory_space<vmem>>, vector<16xi32>,
      tpu.vector_store %arg13[%swap3A_448, %swap3A_449], %broadcast_in_dim3A_1 {strides = array<i32>} : memref<64x16xi32, #tpu.memory_space<vmem>>, vector<16xi32>,
      %swap3A_451 = arith.constant 20 : i32
      %swap3A_452 = arith.index_cast %swap3A_451 : i32 to index
      %swap3A_453 = arith.constant 0 : index
      %swap3A_454 = tpu.vector_load %arg13[%swap3A_452, %swap3A_453] {strides = array<i32>} : memref<64x16xi32, #tpu.memory_space<vmem>>, vector<16xi32>,
      tpu.vector_store %arg13[%swap3A_452, %swap3A_453], %broadcast_in_dim3A_1 {strides = array<i32>} : memref<64x16xi32, #tpu.memory_space<vmem>>, vector<16xi32>,
      %swap3A_455 = arith.constant 21 : i32
      %swap3A_456 = arith.index_cast %swap3A_455 : i32 to index
      %swap3A_457 = arith.constant 0 : index
      %swap3A_458 = tpu.vector_load %arg13[%swap3A_456, %swap3A_457] {strides = array<i32>} : memref<64x16xi32, #tpu.memory_space<vmem>>, vector<16xi32>,
      tpu.vector_store %arg13[%swap3A_456, %swap3A_457], %broadcast_in_dim3A_1 {strides = array<i32>} : memref<64x16xi32, #tpu.memory_space<vmem>>, vector<16xi32>,
      %swap3A_459 = arith.constant 22 : i32
      %swap3A_460 = arith.index_cast %swap3A_459 : i32 to index
      %swap3A_461 = arith.constant 0 : index
      %swap3A_462 = tpu.vector_load %arg13[%swap3A_460, %swap3A_461] {strides = array<i32>} : memref<64x16xi32, #tpu.memory_space<vmem>>, vector<16xi32>,
      tpu.vector_store %arg13[%swap3A_460, %swap3A_461], %broadcast_in_dim3A_1 {strides = array<i32>} : memref<64x16xi32, #tpu.memory_space<vmem>>, vector<16xi32>,
      %swap3A_463 = arith.constant 23 : i32
      %swap3A_464 = arith.index_cast %swap3A_463 : i32 to index
      %swap3A_465 = arith.constant 0 : index
      %swap3A_466 = tpu.vector_load %arg13[%swap3A_464, %swap3A_465] {strides = array<i32>} : memref<64x16xi32, #tpu.memory_space<vmem>>, vector<16xi32>,
      tpu.vector_store %arg13[%swap3A_464, %swap3A_465], %broadcast_in_dim3A_1 {strides = array<i32>} : memref<64x16xi32, #tpu.memory_space<vmem>>, vector<16xi32>,
      %swap3A_467 = arith.constant 24 : i32
      %swap3A_468 = arith.index_cast %swap3A_467 : i32 to index
      %swap3A_469 = arith.constant 0 : index
      %swap3A_470 = tpu.vector_load %arg13[%swap3A_468, %swap3A_469] {strides = array<i32>} : memref<64x16xi32, #tpu.memory_space<vmem>>, vector<16xi32>,
      tpu.vector_store %arg13[%swap3A_468, %swap3A_469], %broadcast_in_dim3A_1 {strides = array<i32>} : memref<64x16xi32, #tpu.memory_space<vmem>>, vector<16xi32>,
      %swap3A_471 = arith.constant 25 : i32
      %swap3A_472 = arith.index_cast %swap3A_471 : i32 to index
      %swap3A_473 = arith.constant 0 : index
      %swap3A_474 = tpu.vector_load %arg13[%swap3A_472, %swap3A_473] {strides = array<i32>} : memref<64x16xi32, #tpu.memory_space<vmem>>, vector<16xi32>,
      tpu.vector_store %arg13[%swap3A_472, %swap3A_473], %broadcast_in_dim3A_1 {strides = array<i32>} : memref<64x16xi32, #tpu.memory_space<vmem>>, vector<16xi32>,
      %swap3A_475 = arith.constant 26 : i32
      %swap3A_476 = arith.index_cast %swap3A_475 : i32 to index
      %swap3A_477 = arith.constant 0 : index
      %swap3A_478 = tpu.vector_load %arg13[%swap3A_476, %swap3A_477] {strides = array<i32>} : memref<64x16xi32, #tpu.memory_space<vmem>>, vector<16xi32>,
      tpu.vector_store %arg13[%swap3A_476, %swap3A_477], %broadcast_in_dim3A_1 {strides = array<i32>} : memref<64x16xi32, #tpu.memory_space<vmem>>, vector<16xi32>,
      %swap3A_479 = arith.constant 27 : i32
      %swap3A_480 = arith.index_cast %swap3A_479 : i32 to index
      %swap3A_481 = arith.constant 0 : index
      %swap3A_482 = tpu.vector_load %arg13[%swap3A_480, %swap3A_481] {strides = array<i32>} : memref<64x16xi32, #tpu.memory_space<vmem>>, vector<16xi32>,
      tpu.vector_store %arg13[%swap3A_480, %swap3A_481], %broadcast_in_dim3A_1 {strides = array<i32>} : memref<64x16xi32, #tpu.memory_space<vmem>>, vector<16xi32>,
      %swap3A_483 = arith.constant 28 : i32
      %swap3A_484 = arith.index_cast %swap3A_483 : i32 to index
      %swap3A_485 = arith.constant 0 : index
      %swap3A_486 = tpu.vector_load %arg13[%swap3A_484, %swap3A_485] {strides = array<i32>} : memref<64x16xi32, #tpu.memory_space<vmem>>, vector<16xi32>,
      tpu.vector_store %arg13[%swap3A_484, %swap3A_485], %broadcast_in_dim3A_1 {strides = array<i32>} : memref<64x16xi32, #tpu.memory_space<vmem>>, vector<16xi32>,
      %swap3A_487 = arith.constant 29 : i32
      %swap3A_488 = arith.index_cast %swap3A_487 : i32 to index
      %swap3A_489 = arith.constant 0 : index
      %swap3A_490 = tpu.vector_load %arg13[%swap3A_488, %swap3A_489] {strides = array<i32>} : memref<64x16xi32, #tpu.memory_space<vmem>>, vector<16xi32>,
      tpu.vector_store %arg13[%swap3A_488, %swap3A_489], %broadcast_in_dim3A_1 {strides = array<i32>} : memref<64x16xi32, #tpu.memory_space<vmem>>, vector<16xi32>,
      %swap3A_491 = arith.constant 30 : i32
      %swap3A_492 = arith.index_cast %swap3A_491 : i32 to index
      %swap3A_493 = arith.constant 0 : index
      %swap3A_494 = tpu.vector_load %arg13[%swap3A_492, %swap3A_493] {strides = array<i32>} : memref<64x16xi32, #tpu.memory_space<vmem>>, vector<16xi32>,
      tpu.vector_store %arg13[%swap3A_492, %swap3A_493], %broadcast_in_dim3A_1 {strides = array<i32>} : memref<64x16xi32, #tpu.memory_space<vmem>>, vector<16xi32>,
      %swap3A_495 = arith.constant 31 : i32
      %swap3A_496 = arith.index_cast %swap3A_495 : i32 to index
      %swap3A_497 = arith.constant 0 : index
      %swap3A_498 = tpu.vector_load %arg13[%swap3A_496, %swap3A_497] {strides = array<i32>} : memref<64x16xi32, #tpu.memory_space<vmem>>, vector<16xi32>,
      tpu.vector_store %arg13[%swap3A_496, %swap3A_497], %broadcast_in_dim3A_1 {strides = array<i32>} : memref<64x16xi32, #tpu.memory_space<vmem>>, vector<16xi32>,
      %swap3A_499 = arith.constant 32 : i32
      %swap3A_500 = arith.index_cast %swap3A_499 : i32 to index
      %swap3A_501 = arith.constant 0 : index
      %swap3A_502 = tpu.vector_load %arg13[%swap3A_500, %swap3A_501] {strides = array<i32>} : memref<64x16xi32, #tpu.memory_space<vmem>>, vector<16xi32>,
      tpu.vector_store %arg13[%swap3A_500, %swap3A_501], %broadcast_in_dim3A_1 {strides = array<i32>} : memref<64x16xi32, #tpu.memory_space<vmem>>, vector<16xi32>,
      %swap3A_503 = arith.constant 33 : i32
      %swap3A_504 = arith.index_cast %swap3A_503 : i32 to index
      %swap3A_505 = arith.constant 0 : index
      %swap3A_506 = tpu.vector_load %arg13[%swap3A_504, %swap3A_505] {strides = array<i32>} : memref<64x16xi32, #tpu.memory_space<vmem>>, vector<16xi32>,
      tpu.vector_store %arg13[%swap3A_504, %swap3A_505], %broadcast_in_dim3A_1 {strides = array<i32>} : memref<64x16xi32, #tpu.memory_space<vmem>>, vector<16xi32>,
      %swap3A_507 = arith.constant 34 : i32
      %swap3A_508 = arith.index_cast %swap3A_507 : i32 to index
      %swap3A_509 = arith.constant 0 : index
      %swap3A_510 = tpu.vector_load %arg13[%swap3A_508, %swap3A_509] {strides = array<i32>} : memref<64x16xi32, #tpu.memory_space<vmem>>, vector<16xi32>,
      tpu.vector_store %arg13[%swap3A_508, %swap3A_509], %broadcast_in_dim3A_1 {strides = array<i32>} : memref<64x16xi32, #tpu.memory_space<vmem>>, vector<16xi32>,
      %swap3A_511 = arith.constant 35 : i32
      %swap3A_512 = arith.index_cast %swap3A_511 : i32 to index
      %swap3A_513 = arith.constant 0 : index
      %swap3A_514 = tpu.vector_load %arg13[%swap3A_512, %swap3A_513] {strides = array<i32>} : memref<64x16xi32, #tpu.memory_space<vmem>>, vector<16xi32>,
      tpu.vector_store %arg13[%swap3A_512, %swap3A_513], %broadcast_in_dim3A_1 {strides = array<i32>} : memref<64x16xi32, #tpu.memory_space<vmem>>, vector<16xi32>,
      %swap3A_515 = arith.constant 36 : i32
      %swap3A_516 = arith.index_cast %swap3A_515 : i32 to index
      %swap3A_517 = arith.constant 0 : index
      %swap3A_518 = tpu.vector_load %arg13[%swap3A_516, %swap3A_517] {strides = array<i32>} : memref<64x16xi32, #tpu.memory_space<vmem>>, vector<16xi32>,
      tpu.vector_store %arg13[%swap3A_516, %swap3A_517], %broadcast_in_dim3A_1 {strides = array<i32>} : memref<64x16xi32, #tpu.memory_space<vmem>>, vector<16xi32>,
      %swap3A_519 = arith.constant 37 : i32
      %swap3A_520 = arith.index_cast %swap3A_519 : i32 to index
      %swap3A_521 = arith.constant 0 : index
      %swap3A_522 = tpu.vector_load %arg13[%swap3A_520, %swap3A_521] {strides = array<i32>} : memref<64x16xi32, #tpu.memory_space<vmem>>, vector<16xi32>,
      tpu.vector_store %arg13[%swap3A_520, %swap3A_521], %broadcast_in_dim3A_1 {strides = array<i32>} : memref<64x16xi32, #tpu.memory_space<vmem>>, vector<16xi32>,
      %swap3A_523 = arith.constant 38 : i32
      %swap3A_524 = arith.index_cast %swap3A_523 : i32 to index
      %swap3A_525 = arith.constant 0 : index
      %swap3A_526 = tpu.vector_load %arg13[%swap3A_524, %swap3A_525] {strides = array<i32>} : memref<64x16xi32, #tpu.memory_space<vmem>>, vector<16xi32>,
      tpu.vector_store %arg13[%swap3A_524, %swap3A_525], %broadcast_in_dim3A_1 {strides = array<i32>} : memref<64x16xi32, #tpu.memory_space<vmem>>, vector<16xi32>,
      %swap3A_527 = arith.constant 39 : i32
      %swap3A_528 = arith.index_cast %swap3A_527 : i32 to index
      %swap3A_529 = arith.constant 0 : index
      %swap3A_530 = tpu.vector_load %arg13[%swap3A_528, %swap3A_529] {strides = array<i32>} : memref<64x16xi32, #tpu.memory_space<vmem>>, vector<16xi32>,
      tpu.vector_store %arg13[%swap3A_528, %swap3A_529], %broadcast_in_dim3A_1 {strides = array<i32>} : memref<64x16xi32, #tpu.memory_space<vmem>>, vector<16xi32>,
      %swap3A_531 = arith.constant 40 : i32
      %swap3A_532 = arith.index_cast %swap3A_531 : i32 to index
      %swap3A_533 = arith.constant 0 : index
      %swap3A_534 = tpu.vector_load %arg13[%swap3A_532, %swap3A_533] {strides = array<i32>} : memref<64x16xi32, #tpu.memory_space<vmem>>, vector<16xi32>,
      tpu.vector_store %arg13[%swap3A_532, %swap3A_533], %broadcast_in_dim3A_1 {strides = array<i32>} : memref<64x16xi32, #tpu.memory_space<vmem>>, vector<16xi32>,
      %swap3A_535 = arith.constant 41 : i32
      %swap3A_536 = arith.index_cast %swap3A_535 : i32 to index
      %swap3A_537 = arith.constant 0 : index
      %swap3A_538 = tpu.vector_load %arg13[%swap3A_536, %swap3A_537] {strides = array<i32>} : memref<64x16xi32, #tpu.memory_space<vmem>>, vector<16xi32>,
      tpu.vector_store %arg13[%swap3A_536, %swap3A_537], %broadcast_in_dim3A_1 {strides = array<i32>} : memref<64x16xi32, #tpu.memory_space<vmem>>, vector<16xi32>,
      %swap3A_539 = arith.constant 42 : i32
      %swap3A_540 = arith.index_cast %swap3A_539 : i32 to index
      %swap3A_541 = arith.constant 0 : index
      %swap3A_542 = tpu.vector_load %arg13[%swap3A_540, %swap3A_541] {strides = array<i32>} : memref<64x16xi32, #tpu.memory_space<vmem>>, vector<16xi32>,
      tpu.vector_store %arg13[%swap3A_540, %swap3A_541], %broadcast_in_dim3A_1 {strides = array<i32>} : memref<64x16xi32, #tpu.memory_space<vmem>>, vector<16xi32>,
      %swap3A_543 = arith.constant 43 : i32
      %swap3A_544 = arith.index_cast %swap3A_543 : i32 to index
      %swap3A_545 = arith.constant 0 : index
      %swap3A_546 = tpu.vector_load %arg13[%swap3A_544, %swap3A_545] {strides = array<i32>} : memref<64x16xi32, #tpu.memory_space<vmem>>, vector<16xi32>,
      tpu.vector_store %arg13[%swap3A_544, %swap3A_545], %broadcast_in_dim3A_1 {strides = array<i32>} : memref<64x16xi32, #tpu.memory_space<vmem>>, vector<16xi32>,
      %swap3A_547 = arith.constant 44 : i32
      %swap3A_548 = arith.index_cast %swap3A_547 : i32 to index
      %swap3A_549 = arith.constant 0 : index
      %swap3A_550 = tpu.vector_load %arg13[%swap3A_548, %swap3A_549] {strides = array<i32>} : memref<64x16xi32, #tpu.memory_space<vmem>>, vector<16xi32>,
      tpu.vector_store %arg13[%swap3A_548, %swap3A_549], %broadcast_in_dim3A_1 {strides = array<i32>} : memref<64x16xi32, #tpu.memory_space<vmem>>, vector<16xi32>,
      %swap3A_551 = arith.constant 45 : i32
      %swap3A_552 = arith.index_cast %swap3A_551 : i32 to index
      %swap3A_553 = arith.constant 0 : index
      %swap3A_554 = tpu.vector_load %arg13[%swap3A_552, %swap3A_553] {strides = array<i32>} : memref<64x16xi32, #tpu.memory_space<vmem>>, vector<16xi32>,
      tpu.vector_store %arg13[%swap3A_552, %swap3A_553], %broadcast_in_dim3A_1 {strides = array<i32>} : memref<64x16xi32, #tpu.memory_space<vmem>>, vector<16xi32>,
      %swap3A_555 = arith.constant 46 : i32
      %swap3A_556 = arith.index_cast %swap3A_555 : i32 to index
      %swap3A_557 = arith.constant 0 : index
      %swap3A_558 = tpu.vector_load %arg13[%swap3A_556, %swap3A_557] {strides = array<i32>} : memref<64x16xi32, #tpu.memory_space<vmem>>, vector<16xi32>,
      tpu.vector_store %arg13[%swap3A_556, %swap3A_557], %broadcast_in_dim3A_1 {strides = array<i32>} : memref<64x16xi32, #tpu.memory_space<vmem>>, vector<16xi32>,
      %swap3A_559 = arith.constant 47 : i32
      %swap3A_560 = arith.index_cast %swap3A_559 : i32 to index
      %swap3A_561 = arith.constant 0 : index
      %swap3A_562 = tpu.vector_load %arg13[%swap3A_560, %swap3A_561] {strides = array<i32>} : memref<64x16xi32, #tpu.memory_space<vmem>>, vector<16xi32>,
      tpu.vector_store %arg13[%swap3A_560, %swap3A_561], %broadcast_in_dim3A_1 {strides = array<i32>} : memref<64x16xi32, #tpu.memory_space<vmem>>, vector<16xi32>,
      %swap3A_563 = arith.constant 48 : i32
      %swap3A_564 = arith.index_cast %swap3A_563 : i32 to index
      %swap3A_565 = arith.constant 0 : index
      %swap3A_566 = tpu.vector_load %arg13[%swap3A_564, %swap3A_565] {strides = array<i32>} : memref<64x16xi32, #tpu.memory_space<vmem>>, vector<16xi32>,
      tpu.vector_store %arg13[%swap3A_564, %swap3A_565], %broadcast_in_dim3A_1 {strides = array<i32>} : memref<64x16xi32, #tpu.memory_space<vmem>>, vector<16xi32>,
      %swap3A_567 = arith.constant 49 : i32
      %swap3A_568 = arith.index_cast %swap3A_567 : i32 to index
      %swap3A_569 = arith.constant 0 : index
      %swap3A_570 = tpu.vector_load %arg13[%swap3A_568, %swap3A_569] {strides = array<i32>} : memref<64x16xi32, #tpu.memory_space<vmem>>, vector<16xi32>,
      tpu.vector_store %arg13[%swap3A_568, %swap3A_569], %broadcast_in_dim3A_1 {strides = array<i32>} : memref<64x16xi32, #tpu.memory_space<vmem>>, vector<16xi32>,
      %swap3A_571 = arith.constant 50 : i32
      %swap3A_572 = arith.index_cast %swap3A_571 : i32 to index
      %swap3A_573 = arith.constant 0 : index
      %swap3A_574 = tpu.vector_load %arg13[%swap3A_572, %swap3A_573] {strides = array<i32>} : memref<64x16xi32, #tpu.memory_space<vmem>>, vector<16xi32>,
      tpu.vector_store %arg13[%swap3A_572, %swap3A_573], %broadcast_in_dim3A_1 {strides = array<i32>} : memref<64x16xi32, #tpu.memory_space<vmem>>, vector<16xi32>,
      %swap3A_575 = arith.constant 51 : i32
      %swap3A_576 = arith.index_cast %swap3A_575 : i32 to index
      %swap3A_577 = arith.constant 0 : index
      %swap3A_578 = tpu.vector_load %arg13[%swap3A_576, %swap3A_577] {strides = array<i32>} : memref<64x16xi32, #tpu.memory_space<vmem>>, vector<16xi32>,
      tpu.vector_store %arg13[%swap3A_576, %swap3A_577], %broadcast_in_dim3A_1 {strides = array<i32>} : memref<64x16xi32, #tpu.memory_space<vmem>>, vector<16xi32>,
      %swap3A_579 = arith.constant 52 : i32
      %swap3A_580 = arith.index_cast %swap3A_579 : i32 to index
      %swap3A_581 = arith.constant 0 : index
      %swap3A_582 = tpu.vector_load %arg13[%swap3A_580, %swap3A_581] {strides = array<i32>} : memref<64x16xi32, #tpu.memory_space<vmem>>, vector<16xi32>,
      tpu.vector_store %arg13[%swap3A_580, %swap3A_581], %broadcast_in_dim3A_1 {strides = array<i32>} : memref<64x16xi32, #tpu.memory_space<vmem>>, vector<16xi32>,
      %swap3A_583 = arith.constant 53 : i32
      %swap3A_584 = arith.index_cast %swap3A_583 : i32 to index
      %swap3A_585 = arith.constant 0 : index
      %swap3A_586 = tpu.vector_load %arg13[%swap3A_584, %swap3A_585] {strides = array<i32>} : memref<64x16xi32, #tpu.memory_space<vmem>>, vector<16xi32>,
      tpu.vector_store %arg13[%swap3A_584, %swap3A_585], %broadcast_in_dim3A_1 {strides = array<i32>} : memref<64x16xi32, #tpu.memory_space<vmem>>, vector<16xi32>,
      %swap3A_587 = arith.constant 54 : i32
      %swap3A_588 = arith.index_cast %swap3A_587 : i32 to index
      %swap3A_589 = arith.constant 0 : index
      %swap3A_590 = tpu.vector_load %arg13[%swap3A_588, %swap3A_589] {strides = array<i32>} : memref<64x16xi32, #tpu.memory_space<vmem>>, vector<16xi32>,
      tpu.vector_store %arg13[%swap3A_588, %swap3A_589], %broadcast_in_dim3A_1 {strides = array<i32>} : memref<64x16xi32, #tpu.memory_space<vmem>>, vector<16xi32>,
      %swap3A_591 = arith.constant 55 : i32
      %swap3A_592 = arith.index_cast %swap3A_591 : i32 to index
      %swap3A_593 = arith.constant 0 : index
      %swap3A_594 = tpu.vector_load %arg13[%swap3A_592, %swap3A_593] {strides = array<i32>} : memref<64x16xi32, #tpu.memory_space<vmem>>, vector<16xi32>,
      tpu.vector_store %arg13[%swap3A_592, %swap3A_593], %broadcast_in_dim3A_1 {strides = array<i32>} : memref<64x16xi32, #tpu.memory_space<vmem>>, vector<16xi32>,
      %swap3A_595 = arith.constant 56 : i32
      %swap3A_596 = arith.index_cast %swap3A_595 : i32 to index
      %swap3A_597 = arith.constant 0 : index
      %swap3A_598 = tpu.vector_load %arg13[%swap3A_596, %swap3A_597] {strides = array<i32>} : memref<64x16xi32, #tpu.memory_space<vmem>>, vector<16xi32>,
      tpu.vector_store %arg13[%swap3A_596, %swap3A_597], %broadcast_in_dim3A_1 {strides = array<i32>} : memref<64x16xi32, #tpu.memory_space<vmem>>, vector<16xi32>,
      %swap3A_599 = arith.constant 57 : i32
      %swap3A_600 = arith.index_cast %swap3A_599 : i32 to index
      %swap3A_601 = arith.constant 0 : index
      %swap3A_602 = tpu.vector_load %arg13[%swap3A_600, %swap3A_601] {strides = array<i32>} : memref<64x16xi32, #tpu.memory_space<vmem>>, vector<16xi32>,
      tpu.vector_store %arg13[%swap3A_600, %swap3A_601], %broadcast_in_dim3A_1 {strides = array<i32>} : memref<64x16xi32, #tpu.memory_space<vmem>>, vector<16xi32>,
      %swap3A_603 = arith.constant 58 : i32
      %swap3A_604 = arith.index_cast %swap3A_603 : i32 to index
      %swap3A_605 = arith.constant 0 : index
      %swap3A_606 = tpu.vector_load %arg13[%swap3A_604, %swap3A_605] {strides = array<i32>} : memref<64x16xi32, #tpu.memory_space<vmem>>, vector<16xi32>,
      tpu.vector_store %arg13[%swap3A_604, %swap3A_605], %broadcast_in_dim3A_1 {strides = array<i32>} : memref<64x16xi32, #tpu.memory_space<vmem>>, vector<16xi32>,
      %swap3A_607 = arith.constant 59 : i32
      %swap3A_608 = arith.index_cast %swap3A_607 : i32 to index
      %swap3A_609 = arith.constant 0 : index
      %swap3A_610 = tpu.vector_load %arg13[%swap3A_608, %swap3A_609] {strides = array<i32>} : memref<64x16xi32, #tpu.memory_space<vmem>>, vector<16xi32>,
      tpu.vector_store %arg13[%swap3A_608, %swap3A_609], %broadcast_in_dim3A_1 {strides = array<i32>} : memref<64x16xi32, #tpu.memory_space<vmem>>, vector<16xi32>,
      %swap3A_611 = arith.constant 60 : i32
      %swap3A_612 = arith.index_cast %swap3A_611 : i32 to index
      %swap3A_613 = arith.constant 0 : index
      %swap3A_614 = tpu.vector_load %arg13[%swap3A_612, %swap3A_613] {strides = array<i32>} : memref<64x16xi32, #tpu.memory_space<vmem>>, vector<16xi32>,
      tpu.vector_store %arg13[%swap3A_612, %swap3A_613], %broadcast_in_dim3A_1 {strides = array<i32>} : memref<64x16xi32, #tpu.memory_space<vmem>>, vector<16xi32>,
      %swap3A_615 = arith.constant 61 : i32
      %swap3A_616 = arith.index_cast %swap3A_615 : i32 to index
      %swap3A_617 = arith.constant 0 : index
      %swap3A_618 = tpu.vector_load %arg13[%swap3A_616, %swap3A_617] {strides = array<i32>} : memref<64x16xi32, #tpu.memory_space<vmem>>, vector<16xi32>,
      tpu.vector_store %arg13[%swap3A_616, %swap3A_617], %broadcast_in_dim3A_1 {strides = array<i32>} : memref<64x16xi32, #tpu.memory_space<vmem>>, vector<16xi32>,
      %swap3A_619 = arith.constant 62 : i32
      %swap3A_620 = arith.index_cast %swap3A_619 : i32 to index
      %swap3A_621 = arith.constant 0 : index
      %swap3A_622 = tpu.vector_load %arg13[%swap3A_620, %swap3A_621] {strides = array<i32>} : memref<64x16xi32, #tpu.memory_space<vmem>>, vector<16xi32>,
      tpu.vector_store %arg13[%swap3A_620, %swap3A_621], %broadcast_in_dim3A_1 {strides = array<i32>} : memref<64x16xi32, #tpu.memory_space<vmem>>, vector<16xi32>,
      %swap3A_623 = arith.constant 63 : i32
      %swap3A_624 = arith.index_cast %swap3A_623 : i32 to index
      %swap3A_625 = arith.constant 0 : index
      %swap3A_626 = tpu.vector_load %arg13[%swap3A_624, %swap3A_625] {strides = array<i32>} : memref<64x16xi32, #tpu.memory_space<vmem>>, vector<16xi32>,
      tpu.vector_store %arg13[%swap3A_624, %swap3A_625], %broadcast_in_dim3A_1 {strides = array<i32>} : memref<64x16xi32, #tpu.memory_space<vmem>>, vector<16xi32>,
      %scan3A_627 = arith.constant 0 : i32
      %scan3A_628 = arith.constant 0 : i32
      %scan3A_629 = arith.constant 128 : i32
      %scan3A_630 = arith.addi %scan3A_628, %scan3A_629 : i32
      %scan3A_631 = arith.constant 8 : i32
      %scan3A_632 = scf.for %scan3A_1252 = %scan3A_628 to %scan3A_630 step %scan3A_631 iter_args(%scan3A_1253 = %broadcast_in_dim3A_3) -> (vector<16xf32>)  : i32 {
        %get3A = arith.constant 0 : i32
        %get3A_1254 = arith.constant 0 : i32
        %get3A_1255 = tpu.memref_slice %arg8[%scan3A_627, %get3A, %get3A_1254] : memref<2x128x16xf32, #tpu.memory_space<vmem>> -> memref<1x128x16xf32, #tpu.memory_space<vmem>>
        %get3A_1256 = tpu.memref_squeeze %get3A_1255 : memref<1x128x16xf32, #tpu.memory_space<vmem>> -> memref<128x16xf32, #tpu.memory_space<vmem>>
        %get3A_1257 = arith.index_cast %scan3A_1252 : i32 to index
        %get3A_1258 = arith.constant 0 : index
        %get3A_1259 = tpu.vector_load %get3A_1256[%get3A_1257, %get3A_1258] {strides = array<i32>} : memref<128x16xf32, #tpu.memory_space<vmem>>, vector<16xf32>,
        %add3A_1260 = arith.addf %scan3A_1253, %get3A_1259 : vector<16xf32>
        %add3A_1261 = arith.constant 9.99999974E-6 : f32
        %add3A_1262 = vector.broadcast %add3A_1261 : f32 to vector<16xf32>
        %add3A_1263 = arith.addf %add3A_1260, %add3A_1262 : vector<16xf32>
        %swap3A_1264 = arith.index_cast %scan3A_1252 : i32 to index
        %swap3A_1265 = arith.constant 0 : index
        %swap3A_1266 = tpu.vector_load %arg12[%swap3A_1264, %swap3A_1265] {strides = array<i32>} : memref<128x16xf32, #tpu.memory_space<vmem>>, vector<16xf32>,
        tpu.vector_store %arg12[%swap3A_1264, %swap3A_1265], %add3A_1263 {strides = array<i32>} : memref<128x16xf32, #tpu.memory_space<vmem>>, vector<16xf32>,
        %scan3A_1267 = arith.constant 1 : i32
        %scan3A_1268 = arith.addi %scan3A_1252, %scan3A_1267 : i32
        %get3A_1269 = arith.constant 0 : i32
        %get3A_1270 = arith.constant 0 : i32
        %get3A_1271 = tpu.memref_slice %arg8[%scan3A_627, %get3A_1269, %get3A_1270] : memref<2x128x16xf32, #tpu.memory_space<vmem>> -> memref<1x128x16xf32, #tpu.memory_space<vmem>>
        %get3A_1272 = tpu.memref_squeeze %get3A_1271 : memref<1x128x16xf32, #tpu.memory_space<vmem>> -> memref<128x16xf32, #tpu.memory_space<vmem>>
        %get3A_1273 = arith.index_cast %scan3A_1268 : i32 to index
        %get3A_1274 = arith.constant 0 : index
        %get3A_1275 = tpu.vector_load %get3A_1272[%get3A_1273, %get3A_1274] {strides = array<i32>} : memref<128x16xf32, #tpu.memory_space<vmem>>, vector<16xf32>,
        %add3A_1276 = arith.addf %add3A_1263, %get3A_1275 : vector<16xf32>
        %add3A_1277 = arith.constant 9.99999974E-6 : f32
        %add3A_1278 = vector.broadcast %add3A_1277 : f32 to vector<16xf32>
        %add3A_1279 = arith.addf %add3A_1276, %add3A_1278 : vector<16xf32>
        %swap3A_1280 = arith.index_cast %scan3A_1268 : i32 to index
        %swap3A_1281 = arith.constant 0 : index
        %swap3A_1282 = tpu.vector_load %arg12[%swap3A_1280, %swap3A_1281] {strides = array<i32>} : memref<128x16xf32, #tpu.memory_space<vmem>>, vector<16xf32>,
        tpu.vector_store %arg12[%swap3A_1280, %swap3A_1281], %add3A_1279 {strides = array<i32>} : memref<128x16xf32, #tpu.memory_space<vmem>>, vector<16xf32>,
        %scan3A_1283 = arith.constant 2 : i32
        %scan3A_1284 = arith.addi %scan3A_1252, %scan3A_1283 : i32
        %get3A_1285 = arith.constant 0 : i32
        %get3A_1286 = arith.constant 0 : i32
        %get3A_1287 = tpu.memref_slice %arg8[%scan3A_627, %get3A_1285, %get3A_1286] : memref<2x128x16xf32, #tpu.memory_space<vmem>> -> memref<1x128x16xf32, #tpu.memory_space<vmem>>
        %get3A_1288 = tpu.memref_squeeze %get3A_1287 : memref<1x128x16xf32, #tpu.memory_space<vmem>> -> memref<128x16xf32, #tpu.memory_space<vmem>>
        %get3A_1289 = arith.index_cast %scan3A_1284 : i32 to index
        %get3A_1290 = arith.constant 0 : index
        %get3A_1291 = tpu.vector_load %get3A_1288[%get3A_1289, %get3A_1290] {strides = array<i32>} : memref<128x16xf32, #tpu.memory_space<vmem>>, vector<16xf32>,
        %add3A_1292 = arith.addf %add3A_1279, %get3A_1291 : vector<16xf32>
        %add3A_1293 = arith.constant 9.99999974E-6 : f32
        %add3A_1294 = vector.broadcast %add3A_1293 : f32 to vector<16xf32>
        %add3A_1295 = arith.addf %add3A_1292, %add3A_1294 : vector<16xf32>
        %swap3A_1296 = arith.index_cast %scan3A_1284 : i32 to index
        %swap3A_1297 = arith.constant 0 : index
        %swap3A_1298 = tpu.vector_load %arg12[%swap3A_1296, %swap3A_1297] {strides = array<i32>} : memref<128x16xf32, #tpu.memory_space<vmem>>, vector<16xf32>,
        tpu.vector_store %arg12[%swap3A_1296, %swap3A_1297], %add3A_1295 {strides = array<i32>} : memref<128x16xf32, #tpu.memory_space<vmem>>, vector<16xf32>,
        %scan3A_1299 = arith.constant 3 : i32
        %scan3A_1300 = arith.addi %scan3A_1252, %scan3A_1299 : i32
        %get3A_1301 = arith.constant 0 : i32
        %get3A_1302 = arith.constant 0 : i32
        %get3A_1303 = tpu.memref_slice %arg8[%scan3A_627, %get3A_1301, %get3A_1302] : memref<2x128x16xf32, #tpu.memory_space<vmem>> -> memref<1x128x16xf32, #tpu.memory_space<vmem>>
        %get3A_1304 = tpu.memref_squeeze %get3A_1303 : memref<1x128x16xf32, #tpu.memory_space<vmem>> -> memref<128x16xf32, #tpu.memory_space<vmem>>
        %get3A_1305 = arith.index_cast %scan3A_1300 : i32 to index
        %get3A_1306 = arith.constant 0 : index
        %get3A_1307 = tpu.vector_load %get3A_1304[%get3A_1305, %get3A_1306] {strides = array<i32>} : memref<128x16xf32, #tpu.memory_space<vmem>>, vector<16xf32>,
        %add3A_1308 = arith.addf %add3A_1295, %get3A_1307 : vector<16xf32>
        %add3A_1309 = arith.constant 9.99999974E-6 : f32
        %add3A_1310 = vector.broadcast %add3A_1309 : f32 to vector<16xf32>
        %add3A_1311 = arith.addf %add3A_1308, %add3A_1310 : vector<16xf32>
        %swap3A_1312 = arith.index_cast %scan3A_1300 : i32 to index
        %swap3A_1313 = arith.constant 0 : index
        %swap3A_1314 = tpu.vector_load %arg12[%swap3A_1312, %swap3A_1313] {strides = array<i32>} : memref<128x16xf32, #tpu.memory_space<vmem>>, vector<16xf32>,
        tpu.vector_store %arg12[%swap3A_1312, %swap3A_1313], %add3A_1311 {strides = array<i32>} : memref<128x16xf32, #tpu.memory_space<vmem>>, vector<16xf32>,
        %scan3A_1315 = arith.constant 4 : i32
        %scan3A_1316 = arith.addi %scan3A_1252, %scan3A_1315 : i32
        %get3A_1317 = arith.constant 0 : i32
        %get3A_1318 = arith.constant 0 : i32
        %get3A_1319 = tpu.memref_slice %arg8[%scan3A_627, %get3A_1317, %get3A_1318] : memref<2x128x16xf32, #tpu.memory_space<vmem>> -> memref<1x128x16xf32, #tpu.memory_space<vmem>>
        %get3A_1320 = tpu.memref_squeeze %get3A_1319 : memref<1x128x16xf32, #tpu.memory_space<vmem>> -> memref<128x16xf32, #tpu.memory_space<vmem>>
        %get3A_1321 = arith.index_cast %scan3A_1316 : i32 to index
        %get3A_1322 = arith.constant 0 : index
        %get3A_1323 = tpu.vector_load %get3A_1320[%get3A_1321, %get3A_1322] {strides = array<i32>} : memref<128x16xf32, #tpu.memory_space<vmem>>, vector<16xf32>,
        %add3A_1324 = arith.addf %add3A_1311, %get3A_1323 : vector<16xf32>
        %add3A_1325 = arith.constant 9.99999974E-6 : f32
        %add3A_1326 = vector.broadcast %add3A_1325 : f32 to vector<16xf32>
        %add3A_1327 = arith.addf %add3A_1324, %add3A_1326 : vector<16xf32>
        %swap3A_1328 = arith.index_cast %scan3A_1316 : i32 to index
        %swap3A_1329 = arith.constant 0 : index
        %swap3A_1330 = tpu.vector_load %arg12[%swap3A_1328, %swap3A_1329] {strides = array<i32>} : memref<128x16xf32, #tpu.memory_space<vmem>>, vector<16xf32>,
        tpu.vector_store %arg12[%swap3A_1328, %swap3A_1329], %add3A_1327 {strides = array<i32>} : memref<128x16xf32, #tpu.memory_space<vmem>>, vector<16xf32>,
        %scan3A_1331 = arith.constant 5 : i32
        %scan3A_1332 = arith.addi %scan3A_1252, %scan3A_1331 : i32
        %get3A_1333 = arith.constant 0 : i32
        %get3A_1334 = arith.constant 0 : i32
        %get3A_1335 = tpu.memref_slice %arg8[%scan3A_627, %get3A_1333, %get3A_1334] : memref<2x128x16xf32, #tpu.memory_space<vmem>> -> memref<1x128x16xf32, #tpu.memory_space<vmem>>
        %get3A_1336 = tpu.memref_squeeze %get3A_1335 : memref<1x128x16xf32, #tpu.memory_space<vmem>> -> memref<128x16xf32, #tpu.memory_space<vmem>>
        %get3A_1337 = arith.index_cast %scan3A_1332 : i32 to index
        %get3A_1338 = arith.constant 0 : index
        %get3A_1339 = tpu.vector_load %get3A_1336[%get3A_1337, %get3A_1338] {strides = array<i32>} : memref<128x16xf32, #tpu.memory_space<vmem>>, vector<16xf32>,
        %add3A_1340 = arith.addf %add3A_1327, %get3A_1339 : vector<16xf32>
        %add3A_1341 = arith.constant 9.99999974E-6 : f32
        %add3A_1342 = vector.broadcast %add3A_1341 : f32 to vector<16xf32>
        %add3A_1343 = arith.addf %add3A_1340, %add3A_1342 : vector<16xf32>
        %swap3A_1344 = arith.index_cast %scan3A_1332 : i32 to index
        %swap3A_1345 = arith.constant 0 : index
        %swap3A_1346 = tpu.vector_load %arg12[%swap3A_1344, %swap3A_1345] {strides = array<i32>} : memref<128x16xf32, #tpu.memory_space<vmem>>, vector<16xf32>,
        tpu.vector_store %arg12[%swap3A_1344, %swap3A_1345], %add3A_1343 {strides = array<i32>} : memref<128x16xf32, #tpu.memory_space<vmem>>, vector<16xf32>,
        %scan3A_1347 = arith.constant 6 : i32
        %scan3A_1348 = arith.addi %scan3A_1252, %scan3A_1347 : i32
        %get3A_1349 = arith.constant 0 : i32
        %get3A_1350 = arith.constant 0 : i32
        %get3A_1351 = tpu.memref_slice %arg8[%scan3A_627, %get3A_1349, %get3A_1350] : memref<2x128x16xf32, #tpu.memory_space<vmem>> -> memref<1x128x16xf32, #tpu.memory_space<vmem>>
        %get3A_1352 = tpu.memref_squeeze %get3A_1351 : memref<1x128x16xf32, #tpu.memory_space<vmem>> -> memref<128x16xf32, #tpu.memory_space<vmem>>
        %get3A_1353 = arith.index_cast %scan3A_1348 : i32 to index
        %get3A_1354 = arith.constant 0 : index
        %get3A_1355 = tpu.vector_load %get3A_1352[%get3A_1353, %get3A_1354] {strides = array<i32>} : memref<128x16xf32, #tpu.memory_space<vmem>>, vector<16xf32>,
        %add3A_1356 = arith.addf %add3A_1343, %get3A_1355 : vector<16xf32>
        %add3A_1357 = arith.constant 9.99999974E-6 : f32
        %add3A_1358 = vector.broadcast %add3A_1357 : f32 to vector<16xf32>
        %add3A_1359 = arith.addf %add3A_1356, %add3A_1358 : vector<16xf32>
        %swap3A_1360 = arith.index_cast %scan3A_1348 : i32 to index
        %swap3A_1361 = arith.constant 0 : index
        %swap3A_1362 = tpu.vector_load %arg12[%swap3A_1360, %swap3A_1361] {strides = array<i32>} : memref<128x16xf32, #tpu.memory_space<vmem>>, vector<16xf32>,
        tpu.vector_store %arg12[%swap3A_1360, %swap3A_1361], %add3A_1359 {strides = array<i32>} : memref<128x16xf32, #tpu.memory_space<vmem>>, vector<16xf32>,
        %scan3A_1363 = arith.constant 7 : i32
        %scan3A_1364 = arith.addi %scan3A_1252, %scan3A_1363 : i32
        %get3A_1365 = arith.constant 0 : i32
        %get3A_1366 = arith.constant 0 : i32
        %get3A_1367 = tpu.memref_slice %arg8[%scan3A_627, %get3A_1365, %get3A_1366] : memref<2x128x16xf32, #tpu.memory_space<vmem>> -> memref<1x128x16xf32, #tpu.memory_space<vmem>>
        %get3A_1368 = tpu.memref_squeeze %get3A_1367 : memref<1x128x16xf32, #tpu.memory_space<vmem>> -> memref<128x16xf32, #tpu.memory_space<vmem>>
        %get3A_1369 = arith.index_cast %scan3A_1364 : i32 to index
        %get3A_1370 = arith.constant 0 : index
        %get3A_1371 = tpu.vector_load %get3A_1368[%get3A_1369, %get3A_1370] {strides = array<i32>} : memref<128x16xf32, #tpu.memory_space<vmem>>, vector<16xf32>,
        %add3A_1372 = arith.addf %add3A_1359, %get3A_1371 : vector<16xf32>
        %add3A_1373 = arith.constant 9.99999974E-6 : f32
        %add3A_1374 = vector.broadcast %add3A_1373 : f32 to vector<16xf32>
        %add3A_1375 = arith.addf %add3A_1372, %add3A_1374 : vector<16xf32>
        %swap3A_1376 = arith.index_cast %scan3A_1364 : i32 to index
        %swap3A_1377 = arith.constant 0 : index
        %swap3A_1378 = tpu.vector_load %arg12[%swap3A_1376, %swap3A_1377] {strides = array<i32>} : memref<128x16xf32, #tpu.memory_space<vmem>>, vector<16xf32>,
        tpu.vector_store %arg12[%swap3A_1376, %swap3A_1377], %add3A_1375 {strides = array<i32>} : memref<128x16xf32, #tpu.memory_space<vmem>>, vector<16xf32>,
        scf.yield %add3A_1375 : vector<16xf32>
      }
      %scan3A_633 = arith.constant 128 : i32
      %div3A = arith.constant 1.000000e+00 : f32
      %div3A_634 = vector.broadcast %div3A : f32 to vector<16xf32>
      %div3A_635 = arith.divf %div3A_634, %scan3A_632 : vector<16xf32>
      %mul3A_636 = arith.constant 6.300000e+01 : f32
      %mul3A_637 = vector.broadcast %mul3A_636 : f32 to vector<16xf32>
      %mul3A_638 = arith.mulf %div3A_635, %mul3A_637 : vector<16xf32>
      %scan3A_639 = arith.constant 0 : i32
      %scan3A_640 = arith.constant 128 : i32
      %scan3A_641 = arith.addi %scan3A_639, %scan3A_640 : i32
      %scan3A_642 = arith.constant 8 : i32
      %scan3A_643 = scf.for %scan3A_1252 = %scan3A_639 to %scan3A_641 step %scan3A_642 iter_args(%scan3A_1253 = %broadcast_in_dim3A_1) -> (vector<16xi32>)  : i32 {
        %get3A = arith.index_cast %scan3A_1252 : i32 to index
        %get3A_1254 = arith.constant 0 : index
        %get3A_1255 = tpu.vector_load %arg12[%get3A, %get3A_1254] {strides = array<i32>} : memref<128x16xf32, #tpu.memory_space<vmem>>, vector<16xf32>,
        %mul3A_1256 = arith.mulf %get3A_1255, %mul3A_638 : vector<16xf32>
        %convert_element_type3A = arith.fptosi %mul3A_1256 : vector<16xf32> to vector<16xi32>
        %convert_element_type3A_1257 = arith.sitofp %convert_element_type3A : vector<16xi32> to vector<16xf32>
        %gt3A = arith.cmpf ogt, %mul3A_1256, %convert_element_type3A_1257 : vector<16xf32>
        %add3A_1258 = arith.constant 1 : i32
        %add3A_1259 = vector.broadcast %add3A_1258 : i32 to vector<16xi32>
        %add3A_1260 = arith.addi %convert_element_type3A, %add3A_1259 : vector<16xi32>
        %select_n3A = arith.select %gt3A, %add3A_1260, %convert_element_type3A : vector<16xi1>, vector<16xi32>
        %min3A_1261 = arith.constant 64 : i32
        %min3A_1262 = vector.broadcast %min3A_1261 : i32 to vector<16xi32>
        %min3A_1263 = arith.minsi %select_n3A, %min3A_1262 : vector<16xi32>
        %gt3A_1264 = arith.cmpi sgt, %min3A_1263, %scan3A_1253 : vector<16xi32>
        %min3A_1265 = arith.constant 63 : i32
        %min3A_1266 = vector.broadcast %min3A_1265 : i32 to vector<16xi32>
        %min3A_1267 = arith.minsi %scan3A_1253, %min3A_1266 : vector<16xi32>
        %broadcast_in_dim3A_1268 = vector.broadcast %scan3A_1252 : i32 to vector<16xi32>
        tpu.vector_store_idx %arg13[%min3A_1267, %iota3A], %broadcast_in_dim3A_1268 masked %gt3A_1264 : memref<64x16xi32, #tpu.memory_space<vmem>>[vector<16xi32>, vector<16xi32>], vector<16xi32>, vector<16xi1>
        %scan3A_1269 = arith.constant 1 : i32
        %scan3A_1270 = arith.addi %scan3A_1252, %scan3A_1269 : i32
        %get3A_1271 = arith.index_cast %scan3A_1270 : i32 to index
        %get3A_1272 = arith.constant 0 : index
        %get3A_1273 = tpu.vector_load %arg12[%get3A_1271, %get3A_1272] {strides = array<i32>} : memref<128x16xf32, #tpu.memory_space<vmem>>, vector<16xf32>,
        %mul3A_1274 = arith.mulf %get3A_1273, %mul3A_638 : vector<16xf32>
        %convert_element_type3A_1275 = arith.fptosi %mul3A_1274 : vector<16xf32> to vector<16xi32>
        %convert_element_type3A_1276 = arith.sitofp %convert_element_type3A_1275 : vector<16xi32> to vector<16xf32>
        %gt3A_1277 = arith.cmpf ogt, %mul3A_1274, %convert_element_type3A_1276 : vector<16xf32>
        %add3A_1278 = arith.constant 1 : i32
        %add3A_1279 = vector.broadcast %add3A_1278 : i32 to vector<16xi32>
        %add3A_1280 = arith.addi %convert_element_type3A_1275, %add3A_1279 : vector<16xi32>
        %select_n3A_1281 = arith.select %gt3A_1277, %add3A_1280, %convert_element_type3A_1275 : vector<16xi1>, vector<16xi32>
        %min3A_1282 = arith.constant 64 : i32
        %min3A_1283 = vector.broadcast %min3A_1282 : i32 to vector<16xi32>
        %min3A_1284 = arith.minsi %select_n3A_1281, %min3A_1283 : vector<16xi32>
        %gt3A_1285 = arith.cmpi sgt, %min3A_1284, %min3A_1263 : vector<16xi32>
        %min3A_1286 = arith.constant 63 : i32
        %min3A_1287 = vector.broadcast %min3A_1286 : i32 to vector<16xi32>
        %min3A_1288 = arith.minsi %min3A_1263, %min3A_1287 : vector<16xi32>
        %broadcast_in_dim3A_1289 = vector.broadcast %scan3A_1270 : i32 to vector<16xi32>
        tpu.vector_store_idx %arg13[%min3A_1288, %iota3A], %broadcast_in_dim3A_1289 masked %gt3A_1285 : memref<64x16xi32, #tpu.memory_space<vmem>>[vector<16xi32>, vector<16xi32>], vector<16xi32>, vector<16xi1>
        %scan3A_1290 = arith.constant 2 : i32
        %scan3A_1291 = arith.addi %scan3A_1252, %scan3A_1290 : i32
        %get3A_1292 = arith.index_cast %scan3A_1291 : i32 to index
        %get3A_1293 = arith.constant 0 : index
        %get3A_1294 = tpu.vector_load %arg12[%get3A_1292, %get3A_1293] {strides = array<i32>} : memref<128x16xf32, #tpu.memory_space<vmem>>, vector<16xf32>,
        %mul3A_1295 = arith.mulf %get3A_1294, %mul3A_638 : vector<16xf32>
        %convert_element_type3A_1296 = arith.fptosi %mul3A_1295 : vector<16xf32> to vector<16xi32>
        %convert_element_type3A_1297 = arith.sitofp %convert_element_type3A_1296 : vector<16xi32> to vector<16xf32>
        %gt3A_1298 = arith.cmpf ogt, %mul3A_1295, %convert_element_type3A_1297 : vector<16xf32>
        %add3A_1299 = arith.constant 1 : i32
        %add3A_1300 = vector.broadcast %add3A_1299 : i32 to vector<16xi32>
        %add3A_1301 = arith.addi %convert_element_type3A_1296, %add3A_1300 : vector<16xi32>
        %select_n3A_1302 = arith.select %gt3A_1298, %add3A_1301, %convert_element_type3A_1296 : vector<16xi1>, vector<16xi32>
        %min3A_1303 = arith.constant 64 : i32
        %min3A_1304 = vector.broadcast %min3A_1303 : i32 to vector<16xi32>
        %min3A_1305 = arith.minsi %select_n3A_1302, %min3A_1304 : vector<16xi32>
        %gt3A_1306 = arith.cmpi sgt, %min3A_1305, %min3A_1284 : vector<16xi32>
        %min3A_1307 = arith.constant 63 : i32
        %min3A_1308 = vector.broadcast %min3A_1307 : i32 to vector<16xi32>
        %min3A_1309 = arith.minsi %min3A_1284, %min3A_1308 : vector<16xi32>
        %broadcast_in_dim3A_1310 = vector.broadcast %scan3A_1291 : i32 to vector<16xi32>
        tpu.vector_store_idx %arg13[%min3A_1309, %iota3A], %broadcast_in_dim3A_1310 masked %gt3A_1306 : memref<64x16xi32, #tpu.memory_space<vmem>>[vector<16xi32>, vector<16xi32>], vector<16xi32>, vector<16xi1>
        %scan3A_1311 = arith.constant 3 : i32
        %scan3A_1312 = arith.addi %scan3A_1252, %scan3A_1311 : i32
        %get3A_1313 = arith.index_cast %scan3A_1312 : i32 to index
        %get3A_1314 = arith.constant 0 : index
        %get3A_1315 = tpu.vector_load %arg12[%get3A_1313, %get3A_1314] {strides = array<i32>} : memref<128x16xf32, #tpu.memory_space<vmem>>, vector<16xf32>,
        %mul3A_1316 = arith.mulf %get3A_1315, %mul3A_638 : vector<16xf32>
        %convert_element_type3A_1317 = arith.fptosi %mul3A_1316 : vector<16xf32> to vector<16xi32>
        %convert_element_type3A_1318 = arith.sitofp %convert_element_type3A_1317 : vector<16xi32> to vector<16xf32>
        %gt3A_1319 = arith.cmpf ogt, %mul3A_1316, %convert_element_type3A_1318 : vector<16xf32>
        %add3A_1320 = arith.constant 1 : i32
        %add3A_1321 = vector.broadcast %add3A_1320 : i32 to vector<16xi32>
        %add3A_1322 = arith.addi %convert_element_type3A_1317, %add3A_1321 : vector<16xi32>
        %select_n3A_1323 = arith.select %gt3A_1319, %add3A_1322, %convert_element_type3A_1317 : vector<16xi1>, vector<16xi32>
        %min3A_1324 = arith.constant 64 : i32
        %min3A_1325 = vector.broadcast %min3A_1324 : i32 to vector<16xi32>
        %min3A_1326 = arith.minsi %select_n3A_1323, %min3A_1325 : vector<16xi32>
        %gt3A_1327 = arith.cmpi sgt, %min3A_1326, %min3A_1305 : vector<16xi32>
        %min3A_1328 = arith.constant 63 : i32
        %min3A_1329 = vector.broadcast %min3A_1328 : i32 to vector<16xi32>
        %min3A_1330 = arith.minsi %min3A_1305, %min3A_1329 : vector<16xi32>
        %broadcast_in_dim3A_1331 = vector.broadcast %scan3A_1312 : i32 to vector<16xi32>
        tpu.vector_store_idx %arg13[%min3A_1330, %iota3A], %broadcast_in_dim3A_1331 masked %gt3A_1327 : memref<64x16xi32, #tpu.memory_space<vmem>>[vector<16xi32>, vector<16xi32>], vector<16xi32>, vector<16xi1>
        %scan3A_1332 = arith.constant 4 : i32
        %scan3A_1333 = arith.addi %scan3A_1252, %scan3A_1332 : i32
        %get3A_1334 = arith.index_cast %scan3A_1333 : i32 to index
        %get3A_1335 = arith.constant 0 : index
        %get3A_1336 = tpu.vector_load %arg12[%get3A_1334, %get3A_1335] {strides = array<i32>} : memref<128x16xf32, #tpu.memory_space<vmem>>, vector<16xf32>,
        %mul3A_1337 = arith.mulf %get3A_1336, %mul3A_638 : vector<16xf32>
        %convert_element_type3A_1338 = arith.fptosi %mul3A_1337 : vector<16xf32> to vector<16xi32>
        %convert_element_type3A_1339 = arith.sitofp %convert_element_type3A_1338 : vector<16xi32> to vector<16xf32>
        %gt3A_1340 = arith.cmpf ogt, %mul3A_1337, %convert_element_type3A_1339 : vector<16xf32>
        %add3A_1341 = arith.constant 1 : i32
        %add3A_1342 = vector.broadcast %add3A_1341 : i32 to vector<16xi32>
        %add3A_1343 = arith.addi %convert_element_type3A_1338, %add3A_1342 : vector<16xi32>
        %select_n3A_1344 = arith.select %gt3A_1340, %add3A_1343, %convert_element_type3A_1338 : vector<16xi1>, vector<16xi32>
        %min3A_1345 = arith.constant 64 : i32
        %min3A_1346 = vector.broadcast %min3A_1345 : i32 to vector<16xi32>
        %min3A_1347 = arith.minsi %select_n3A_1344, %min3A_1346 : vector<16xi32>
        %gt3A_1348 = arith.cmpi sgt, %min3A_1347, %min3A_1326 : vector<16xi32>
        %min3A_1349 = arith.constant 63 : i32
        %min3A_1350 = vector.broadcast %min3A_1349 : i32 to vector<16xi32>
        %min3A_1351 = arith.minsi %min3A_1326, %min3A_1350 : vector<16xi32>
        %broadcast_in_dim3A_1352 = vector.broadcast %scan3A_1333 : i32 to vector<16xi32>
        tpu.vector_store_idx %arg13[%min3A_1351, %iota3A], %broadcast_in_dim3A_1352 masked %gt3A_1348 : memref<64x16xi32, #tpu.memory_space<vmem>>[vector<16xi32>, vector<16xi32>], vector<16xi32>, vector<16xi1>
        %scan3A_1353 = arith.constant 5 : i32
        %scan3A_1354 = arith.addi %scan3A_1252, %scan3A_1353 : i32
        %get3A_1355 = arith.index_cast %scan3A_1354 : i32 to index
        %get3A_1356 = arith.constant 0 : index
        %get3A_1357 = tpu.vector_load %arg12[%get3A_1355, %get3A_1356] {strides = array<i32>} : memref<128x16xf32, #tpu.memory_space<vmem>>, vector<16xf32>,
        %mul3A_1358 = arith.mulf %get3A_1357, %mul3A_638 : vector<16xf32>
        %convert_element_type3A_1359 = arith.fptosi %mul3A_1358 : vector<16xf32> to vector<16xi32>
        %convert_element_type3A_1360 = arith.sitofp %convert_element_type3A_1359 : vector<16xi32> to vector<16xf32>
        %gt3A_1361 = arith.cmpf ogt, %mul3A_1358, %convert_element_type3A_1360 : vector<16xf32>
        %add3A_1362 = arith.constant 1 : i32
        %add3A_1363 = vector.broadcast %add3A_1362 : i32 to vector<16xi32>
        %add3A_1364 = arith.addi %convert_element_type3A_1359, %add3A_1363 : vector<16xi32>
        %select_n3A_1365 = arith.select %gt3A_1361, %add3A_1364, %convert_element_type3A_1359 : vector<16xi1>, vector<16xi32>
        %min3A_1366 = arith.constant 64 : i32
        %min3A_1367 = vector.broadcast %min3A_1366 : i32 to vector<16xi32>
        %min3A_1368 = arith.minsi %select_n3A_1365, %min3A_1367 : vector<16xi32>
        %gt3A_1369 = arith.cmpi sgt, %min3A_1368, %min3A_1347 : vector<16xi32>
        %min3A_1370 = arith.constant 63 : i32
        %min3A_1371 = vector.broadcast %min3A_1370 : i32 to vector<16xi32>
        %min3A_1372 = arith.minsi %min3A_1347, %min3A_1371 : vector<16xi32>
        %broadcast_in_dim3A_1373 = vector.broadcast %scan3A_1354 : i32 to vector<16xi32>
        tpu.vector_store_idx %arg13[%min3A_1372, %iota3A], %broadcast_in_dim3A_1373 masked %gt3A_1369 : memref<64x16xi32, #tpu.memory_space<vmem>>[vector<16xi32>, vector<16xi32>], vector<16xi32>, vector<16xi1>
        %scan3A_1374 = arith.constant 6 : i32
        %scan3A_1375 = arith.addi %scan3A_1252, %scan3A_1374 : i32
        %get3A_1376 = arith.index_cast %scan3A_1375 : i32 to index
        %get3A_1377 = arith.constant 0 : index
        %get3A_1378 = tpu.vector_load %arg12[%get3A_1376, %get3A_1377] {strides = array<i32>} : memref<128x16xf32, #tpu.memory_space<vmem>>, vector<16xf32>,
        %mul3A_1379 = arith.mulf %get3A_1378, %mul3A_638 : vector<16xf32>
        %convert_element_type3A_1380 = arith.fptosi %mul3A_1379 : vector<16xf32> to vector<16xi32>
        %convert_element_type3A_1381 = arith.sitofp %convert_element_type3A_1380 : vector<16xi32> to vector<16xf32>
        %gt3A_1382 = arith.cmpf ogt, %mul3A_1379, %convert_element_type3A_1381 : vector<16xf32>
        %add3A_1383 = arith.constant 1 : i32
        %add3A_1384 = vector.broadcast %add3A_1383 : i32 to vector<16xi32>
        %add3A_1385 = arith.addi %convert_element_type3A_1380, %add3A_1384 : vector<16xi32>
        %select_n3A_1386 = arith.select %gt3A_1382, %add3A_1385, %convert_element_type3A_1380 : vector<16xi1>, vector<16xi32>
        %min3A_1387 = arith.constant 64 : i32
        %min3A_1388 = vector.broadcast %min3A_1387 : i32 to vector<16xi32>
        %min3A_1389 = arith.minsi %select_n3A_1386, %min3A_1388 : vector<16xi32>
        %gt3A_1390 = arith.cmpi sgt, %min3A_1389, %min3A_1368 : vector<16xi32>
        %min3A_1391 = arith.constant 63 : i32
        %min3A_1392 = vector.broadcast %min3A_1391 : i32 to vector<16xi32>
        %min3A_1393 = arith.minsi %min3A_1368, %min3A_1392 : vector<16xi32>
        %broadcast_in_dim3A_1394 = vector.broadcast %scan3A_1375 : i32 to vector<16xi32>
        tpu.vector_store_idx %arg13[%min3A_1393, %iota3A], %broadcast_in_dim3A_1394 masked %gt3A_1390 : memref<64x16xi32, #tpu.memory_space<vmem>>[vector<16xi32>, vector<16xi32>], vector<16xi32>, vector<16xi1>
        %scan3A_1395 = arith.constant 7 : i32
        %scan3A_1396 = arith.addi %scan3A_1252, %scan3A_1395 : i32
        %get3A_1397 = arith.index_cast %scan3A_1396 : i32 to index
        %get3A_1398 = arith.constant 0 : index
        %get3A_1399 = tpu.vector_load %arg12[%get3A_1397, %get3A_1398] {strides = array<i32>} : memref<128x16xf32, #tpu.memory_space<vmem>>, vector<16xf32>,
        %mul3A_1400 = arith.mulf %get3A_1399, %mul3A_638 : vector<16xf32>
        %convert_element_type3A_1401 = arith.fptosi %mul3A_1400 : vector<16xf32> to vector<16xi32>
        %convert_element_type3A_1402 = arith.sitofp %convert_element_type3A_1401 : vector<16xi32> to vector<16xf32>
        %gt3A_1403 = arith.cmpf ogt, %mul3A_1400, %convert_element_type3A_1402 : vector<16xf32>
        %add3A_1404 = arith.constant 1 : i32
        %add3A_1405 = vector.broadcast %add3A_1404 : i32 to vector<16xi32>
        %add3A_1406 = arith.addi %convert_element_type3A_1401, %add3A_1405 : vector<16xi32>
        %select_n3A_1407 = arith.select %gt3A_1403, %add3A_1406, %convert_element_type3A_1401 : vector<16xi1>, vector<16xi32>
        %min3A_1408 = arith.constant 64 : i32
        %min3A_1409 = vector.broadcast %min3A_1408 : i32 to vector<16xi32>
        %min3A_1410 = arith.minsi %select_n3A_1407, %min3A_1409 : vector<16xi32>
        %gt3A_1411 = arith.cmpi sgt, %min3A_1410, %min3A_1389 : vector<16xi32>
        %min3A_1412 = arith.constant 63 : i32
        %min3A_1413 = vector.broadcast %min3A_1412 : i32 to vector<16xi32>
        %min3A_1414 = arith.minsi %min3A_1389, %min3A_1413 : vector<16xi32>
        %broadcast_in_dim3A_1415 = vector.broadcast %scan3A_1396 : i32 to vector<16xi32>
        tpu.vector_store_idx %arg13[%min3A_1414, %iota3A], %broadcast_in_dim3A_1415 masked %gt3A_1411 : memref<64x16xi32, #tpu.memory_space<vmem>>[vector<16xi32>, vector<16xi32>], vector<16xi32>, vector<16xi1>
        scf.yield %min3A_1410 : vector<16xi32>
      }
      %scan3A_644 = arith.constant 128 : i32
      %le3A = arith.constant 63 : i32
      %le3A_645 = vector.broadcast %le3A : i32 to vector<16xi32>
      %le3A_646 = arith.cmpi sle, %scan3A_643, %le3A_645 : vector<16xi32>
      %min3A = arith.constant 63 : i32
      %min3A_647 = vector.broadcast %min3A : i32 to vector<16xi32>
      %min3A_648 = arith.minsi %scan3A_643, %min3A_647 : vector<16xi32>
      %broadcast_in_dim3A_649 = arith.constant 128 : i32
      %broadcast_in_dim3A_650 = vector.broadcast %broadcast_in_dim3A_649 : i32 to vector<16xi32>
      tpu.vector_store_idx %arg13[%min3A_648, %iota3A], %broadcast_in_dim3A_650 masked %le3A_646 : memref<64x16xi32, #tpu.memory_space<vmem>>[vector<16xi32>, vector<16xi32>], vector<16xi32>, vector<16xi1>
      %scan3A_651 = arith.constant 0 : i32
      %scan3A_652 = arith.constant 64 : i32
      %scan3A_653 = arith.addi %scan3A_651, %scan3A_652 : i32
      %scan3A_654 = arith.constant 8 : i32
      %scan3A_655 = scf.for %scan3A_1252 = %scan3A_651 to %scan3A_653 step %scan3A_654 iter_args(%scan3A_1253 = %broadcast_in_dim3A_1) -> (vector<16xi32>)  : i32 {
        %get3A = arith.index_cast %scan3A_1252 : i32 to index
        %get3A_1254 = arith.constant 0 : index
        %get3A_1255 = tpu.vector_load %arg13[%get3A, %get3A_1254] {strides = array<i32>} : memref<64x16xi32, #tpu.memory_space<vmem>>, vector<16xi32>,
        %max3A = arith.maxsi %scan3A_1253, %get3A_1255 : vector<16xi32>
        %swap3A_1256 = arith.index_cast %scan3A_1252 : i32 to index
        %swap3A_1257 = arith.constant 0 : index
        %swap3A_1258 = tpu.vector_load %arg13[%swap3A_1256, %swap3A_1257] {strides = array<i32>} : memref<64x16xi32, #tpu.memory_space<vmem>>, vector<16xi32>,
        tpu.vector_store %arg13[%swap3A_1256, %swap3A_1257], %max3A {strides = array<i32>} : memref<64x16xi32, #tpu.memory_space<vmem>>, vector<16xi32>,
        %scan3A_1259 = arith.constant 1 : i32
        %scan3A_1260 = arith.addi %scan3A_1252, %scan3A_1259 : i32
        %get3A_1261 = arith.index_cast %scan3A_1260 : i32 to index
        %get3A_1262 = arith.constant 0 : index
        %get3A_1263 = tpu.vector_load %arg13[%get3A_1261, %get3A_1262] {strides = array<i32>} : memref<64x16xi32, #tpu.memory_space<vmem>>, vector<16xi32>,
        %max3A_1264 = arith.maxsi %max3A, %get3A_1263 : vector<16xi32>
        %swap3A_1265 = arith.index_cast %scan3A_1260 : i32 to index
        %swap3A_1266 = arith.constant 0 : index
        %swap3A_1267 = tpu.vector_load %arg13[%swap3A_1265, %swap3A_1266] {strides = array<i32>} : memref<64x16xi32, #tpu.memory_space<vmem>>, vector<16xi32>,
        tpu.vector_store %arg13[%swap3A_1265, %swap3A_1266], %max3A_1264 {strides = array<i32>} : memref<64x16xi32, #tpu.memory_space<vmem>>, vector<16xi32>,
        %scan3A_1268 = arith.constant 2 : i32
        %scan3A_1269 = arith.addi %scan3A_1252, %scan3A_1268 : i32
        %get3A_1270 = arith.index_cast %scan3A_1269 : i32 to index
        %get3A_1271 = arith.constant 0 : index
        %get3A_1272 = tpu.vector_load %arg13[%get3A_1270, %get3A_1271] {strides = array<i32>} : memref<64x16xi32, #tpu.memory_space<vmem>>, vector<16xi32>,
        %max3A_1273 = arith.maxsi %max3A_1264, %get3A_1272 : vector<16xi32>
        %swap3A_1274 = arith.index_cast %scan3A_1269 : i32 to index
        %swap3A_1275 = arith.constant 0 : index
        %swap3A_1276 = tpu.vector_load %arg13[%swap3A_1274, %swap3A_1275] {strides = array<i32>} : memref<64x16xi32, #tpu.memory_space<vmem>>, vector<16xi32>,
        tpu.vector_store %arg13[%swap3A_1274, %swap3A_1275], %max3A_1273 {strides = array<i32>} : memref<64x16xi32, #tpu.memory_space<vmem>>, vector<16xi32>,
        %scan3A_1277 = arith.constant 3 : i32
        %scan3A_1278 = arith.addi %scan3A_1252, %scan3A_1277 : i32
        %get3A_1279 = arith.index_cast %scan3A_1278 : i32 to index
        %get3A_1280 = arith.constant 0 : index
        %get3A_1281 = tpu.vector_load %arg13[%get3A_1279, %get3A_1280] {strides = array<i32>} : memref<64x16xi32, #tpu.memory_space<vmem>>, vector<16xi32>,
        %max3A_1282 = arith.maxsi %max3A_1273, %get3A_1281 : vector<16xi32>
        %swap3A_1283 = arith.index_cast %scan3A_1278 : i32 to index
        %swap3A_1284 = arith.constant 0 : index
        %swap3A_1285 = tpu.vector_load %arg13[%swap3A_1283, %swap3A_1284] {strides = array<i32>} : memref<64x16xi32, #tpu.memory_space<vmem>>, vector<16xi32>,
        tpu.vector_store %arg13[%swap3A_1283, %swap3A_1284], %max3A_1282 {strides = array<i32>} : memref<64x16xi32, #tpu.memory_space<vmem>>, vector<16xi32>,
        %scan3A_1286 = arith.constant 4 : i32
        %scan3A_1287 = arith.addi %scan3A_1252, %scan3A_1286 : i32
        %get3A_1288 = arith.index_cast %scan3A_1287 : i32 to index
        %get3A_1289 = arith.constant 0 : index
        %get3A_1290 = tpu.vector_load %arg13[%get3A_1288, %get3A_1289] {strides = array<i32>} : memref<64x16xi32, #tpu.memory_space<vmem>>, vector<16xi32>,
        %max3A_1291 = arith.maxsi %max3A_1282, %get3A_1290 : vector<16xi32>
        %swap3A_1292 = arith.index_cast %scan3A_1287 : i32 to index
        %swap3A_1293 = arith.constant 0 : index
        %swap3A_1294 = tpu.vector_load %arg13[%swap3A_1292, %swap3A_1293] {strides = array<i32>} : memref<64x16xi32, #tpu.memory_space<vmem>>, vector<16xi32>,
        tpu.vector_store %arg13[%swap3A_1292, %swap3A_1293], %max3A_1291 {strides = array<i32>} : memref<64x16xi32, #tpu.memory_space<vmem>>, vector<16xi32>,
        %scan3A_1295 = arith.constant 5 : i32
        %scan3A_1296 = arith.addi %scan3A_1252, %scan3A_1295 : i32
        %get3A_1297 = arith.index_cast %scan3A_1296 : i32 to index
        %get3A_1298 = arith.constant 0 : index
        %get3A_1299 = tpu.vector_load %arg13[%get3A_1297, %get3A_1298] {strides = array<i32>} : memref<64x16xi32, #tpu.memory_space<vmem>>, vector<16xi32>,
        %max3A_1300 = arith.maxsi %max3A_1291, %get3A_1299 : vector<16xi32>
        %swap3A_1301 = arith.index_cast %scan3A_1296 : i32 to index
        %swap3A_1302 = arith.constant 0 : index
        %swap3A_1303 = tpu.vector_load %arg13[%swap3A_1301, %swap3A_1302] {strides = array<i32>} : memref<64x16xi32, #tpu.memory_space<vmem>>, vector<16xi32>,
        tpu.vector_store %arg13[%swap3A_1301, %swap3A_1302], %max3A_1300 {strides = array<i32>} : memref<64x16xi32, #tpu.memory_space<vmem>>, vector<16xi32>,
        %scan3A_1304 = arith.constant 6 : i32
        %scan3A_1305 = arith.addi %scan3A_1252, %scan3A_1304 : i32
        %get3A_1306 = arith.index_cast %scan3A_1305 : i32 to index
        %get3A_1307 = arith.constant 0 : index
        %get3A_1308 = tpu.vector_load %arg13[%get3A_1306, %get3A_1307] {strides = array<i32>} : memref<64x16xi32, #tpu.memory_space<vmem>>, vector<16xi32>,
        %max3A_1309 = arith.maxsi %max3A_1300, %get3A_1308 : vector<16xi32>
        %swap3A_1310 = arith.index_cast %scan3A_1305 : i32 to index
        %swap3A_1311 = arith.constant 0 : index
        %swap3A_1312 = tpu.vector_load %arg13[%swap3A_1310, %swap3A_1311] {strides = array<i32>} : memref<64x16xi32, #tpu.memory_space<vmem>>, vector<16xi32>,
        tpu.vector_store %arg13[%swap3A_1310, %swap3A_1311], %max3A_1309 {strides = array<i32>} : memref<64x16xi32, #tpu.memory_space<vmem>>, vector<16xi32>,
        %scan3A_1313 = arith.constant 7 : i32
        %scan3A_1314 = arith.addi %scan3A_1252, %scan3A_1313 : i32
        %get3A_1315 = arith.index_cast %scan3A_1314 : i32 to index
        %get3A_1316 = arith.constant 0 : index
        %get3A_1317 = tpu.vector_load %arg13[%get3A_1315, %get3A_1316] {strides = array<i32>} : memref<64x16xi32, #tpu.memory_space<vmem>>, vector<16xi32>,
        %max3A_1318 = arith.maxsi %max3A_1309, %get3A_1317 : vector<16xi32>
        %swap3A_1319 = arith.index_cast %scan3A_1314 : i32 to index
        %swap3A_1320 = arith.constant 0 : index
        %swap3A_1321 = tpu.vector_load %arg13[%swap3A_1319, %swap3A_1320] {strides = array<i32>} : memref<64x16xi32, #tpu.memory_space<vmem>>, vector<16xi32>,
        tpu.vector_store %arg13[%swap3A_1319, %swap3A_1320], %max3A_1318 {strides = array<i32>} : memref<64x16xi32, #tpu.memory_space<vmem>>, vector<16xi32>,
        scf.yield %max3A_1318 : vector<16xi32>
      }
      %scan3A_656 = arith.constant 64 : i32
      %gather3A = arith.constant 0 : i32
      %gather3A_657 = arith.constant 0 : i32
      %gather3A_658 = arith.constant 0 : i32
      %gather3A_659 = tpu.memref_slice %arg10[%gather3A, %gather3A_657, %gather3A_658] : memref<2x16x3xf32, #tpu.memory_space<vmem>> -> memref<1x16x3xf32, #tpu.memory_space<vmem>>
      %gather3A_660 = tpu.memref_squeeze %gather3A_659 : memref<1x16x3xf32, #tpu.memory_space<vmem>> -> memref<16x3xf32, #tpu.memory_space<vmem>>
      %gather3A_661 = tpu.vector_load_idx %gather3A_660[%iota3A, %broadcast_in_dim3A_1] : memref<16x3xf32, #tpu.memory_space<vmem>>[vector<16xi32>, vector<16xi32>], vector<16xf32>,
      %gather3A_662 = arith.constant 0 : i32
      %gather3A_663 = arith.constant 0 : i32
      %gather3A_664 = arith.constant 0 : i32
      %gather3A_665 = tpu.memref_slice %arg10[%gather3A_662, %gather3A_663, %gather3A_664] : memref<2x16x3xf32, #tpu.memory_space<vmem>> -> memref<1x16x3xf32, #tpu.memory_space<vmem>>
      %gather3A_666 = tpu.memref_squeeze %gather3A_665 : memref<1x16x3xf32, #tpu.memory_space<vmem>> -> memref<16x3xf32, #tpu.memory_space<vmem>>
      %gather3A_667 = tpu.vector_load_idx %gather3A_666[%iota3A, %broadcast_in_dim3A_5] : memref<16x3xf32, #tpu.memory_space<vmem>>[vector<16xi32>, vector<16xi32>], vector<16xf32>,
      %gather3A_668 = arith.constant 0 : i32
      %gather3A_669 = arith.constant 0 : i32
      %gather3A_670 = arith.constant 0 : i32
      %gather3A_671 = tpu.memref_slice %arg10[%gather3A_668, %gather3A_669, %gather3A_670] : memref<2x16x3xf32, #tpu.memory_space<vmem>> -> memref<1x16x3xf32, #tpu.memory_space<vmem>>
      %gather3A_672 = tpu.memref_squeeze %gather3A_671 : memref<1x16x3xf32, #tpu.memory_space<vmem>> -> memref<16x3xf32, #tpu.memory_space<vmem>>
      %gather3A_673 = tpu.vector_load_idx %gather3A_672[%iota3A, %broadcast_in_dim3A_7] : memref<16x3xf32, #tpu.memory_space<vmem>>[vector<16xi32>, vector<16xi32>], vector<16xf32>,
      %gather3A_674 = arith.constant 0 : i32
      %gather3A_675 = arith.constant 0 : i32
      %gather3A_676 = arith.constant 0 : i32
      %gather3A_677 = tpu.memref_slice %arg11[%gather3A_674, %gather3A_675, %gather3A_676] : memref<2x16x3xf32, #tpu.memory_space<vmem>> -> memref<1x16x3xf32, #tpu.memory_space<vmem>>
      %gather3A_678 = tpu.memref_squeeze %gather3A_677 : memref<1x16x3xf32, #tpu.memory_space<vmem>> -> memref<16x3xf32, #tpu.memory_space<vmem>>
      %gather3A_679 = tpu.vector_load_idx %gather3A_678[%iota3A, %broadcast_in_dim3A_1] : memref<16x3xf32, #tpu.memory_space<vmem>>[vector<16xi32>, vector<16xi32>], vector<16xf32>,
      %gather3A_680 = arith.constant 0 : i32
      %gather3A_681 = arith.constant 0 : i32
      %gather3A_682 = arith.constant 0 : i32
      %gather3A_683 = tpu.memref_slice %arg11[%gather3A_680, %gather3A_681, %gather3A_682] : memref<2x16x3xf32, #tpu.memory_space<vmem>> -> memref<1x16x3xf32, #tpu.memory_space<vmem>>
      %gather3A_684 = tpu.memref_squeeze %gather3A_683 : memref<1x16x3xf32, #tpu.memory_space<vmem>> -> memref<16x3xf32, #tpu.memory_space<vmem>>
      %gather3A_685 = tpu.vector_load_idx %gather3A_684[%iota3A, %broadcast_in_dim3A_5] : memref<16x3xf32, #tpu.memory_space<vmem>>[vector<16xi32>, vector<16xi32>], vector<16xf32>,
      %gather3A_686 = arith.constant 0 : i32
      %gather3A_687 = arith.constant 0 : i32
      %gather3A_688 = arith.constant 0 : i32
      %gather3A_689 = tpu.memref_slice %arg11[%gather3A_686, %gather3A_687, %gather3A_688] : memref<2x16x3xf32, #tpu.memory_space<vmem>> -> memref<1x16x3xf32, #tpu.memory_space<vmem>>
      %gather3A_690 = tpu.memref_squeeze %gather3A_689 : memref<1x16x3xf32, #tpu.memory_space<vmem>> -> memref<16x3xf32, #tpu.memory_space<vmem>>
      %gather3A_691 = tpu.vector_load_idx %gather3A_690[%iota3A, %broadcast_in_dim3A_7] : memref<16x3xf32, #tpu.memory_space<vmem>>[vector<16xi32>, vector<16xi32>], vector<16xf32>,
      %scan3A_692 = arith.constant 0 : i32
      %scan3A_693 = arith.constant 0 : i32
      %scan3A_694 = arith.constant 0 : i32
      %scan3A_695 = arith.constant 64 : i32
      %scan3A_696 = arith.addi %scan3A_694, %scan3A_695 : i32
      %scan3A_697 = arith.constant 4 : i32
      %scan3A_698 = scf.for %scan3A_1252 = %scan3A_694 to %scan3A_696 step %scan3A_697 iter_args(%scan3A_1253 = %scan3A_693) -> (i32)  : i32 {
        %broadcast_in_dim3A_1254 = vector.broadcast %scan3A_1252 : i32 to vector<16xi32>
        %get3A = arith.index_cast %scan3A_1252 : i32 to index
        %get3A_1255 = arith.constant 0 : index
        %get3A_1256 = tpu.vector_load %arg13[%get3A, %get3A_1255] {strides = array<i32>} : memref<64x16xi32, #tpu.memory_space<vmem>>, vector<16xi32>,
        %sub3A = arith.constant 1 : i32
        %sub3A_1257 = vector.broadcast %sub3A : i32 to vector<16xi32>
        %sub3A_1258 = arith.subi %get3A_1256, %sub3A_1257 : vector<16xi32>
        %max3A = arith.constant 0 : i32
        %max3A_1259 = vector.broadcast %max3A : i32 to vector<16xi32>
        %max3A_1260 = arith.maxsi %sub3A_1258, %max3A_1259 : vector<16xi32>
        %gather3A_1261 = tpu.vector_load_idx %arg12[%max3A_1260, %iota3A] : memref<128x16xf32, #tpu.memory_space<vmem>>[vector<16xi32>, vector<16xi32>], vector<16xf32>,
        %eq3A = arith.constant 0 : i32
        %eq3A_1262 = vector.broadcast %eq3A : i32 to vector<16xi32>
        %eq3A_1263 = arith.cmpi eq, %get3A_1256, %eq3A_1262 : vector<16xi32>
        %mul3A_1264 = arith.mulf %gather3A_1261, %div3A_635 : vector<16xf32>
        %jit3A = arith.constant 0.000000e+00 : f32
        %broadcast_in_dim3A_1265 = vector.broadcast %jit3A : f32 to vector<16xf32>
        %select_n3A = arith.select %eq3A_1263, %broadcast_in_dim3A_1265, %mul3A_1264 : vector<16xi1>, vector<16xf32>
        %min3A_1266 = arith.constant 127 : i32
        %min3A_1267 = vector.broadcast %min3A_1266 : i32 to vector<16xi32>
        %min3A_1268 = arith.minsi %get3A_1256, %min3A_1267 : vector<16xi32>
        %gather3A_1269 = tpu.vector_load_idx %arg12[%min3A_1268, %iota3A] : memref<128x16xf32, #tpu.memory_space<vmem>>[vector<16xi32>, vector<16xi32>], vector<16xf32>,
        %mul3A_1270 = arith.mulf %gather3A_1269, %div3A_635 : vector<16xf32>
        %gather3A_1271 = arith.constant 0 : i32
        %gather3A_1272 = arith.constant 0 : i32
        %gather3A_1273 = tpu.memref_slice %arg9[%scan3A_692, %gather3A_1271, %gather3A_1272] : memref<2x16x128xf32, #tpu.memory_space<vmem>> -> memref<1x16x128xf32, #tpu.memory_space<vmem>>
        %gather3A_1274 = tpu.memref_squeeze %gather3A_1273 : memref<1x16x128xf32, #tpu.memory_space<vmem>> -> memref<16x128xf32, #tpu.memory_space<vmem>>
        %gather3A_1275 = tpu.vector_load_idx %gather3A_1274[%iota3A, %min3A_1268] : memref<16x128xf32, #tpu.memory_space<vmem>>[vector<16xi32>, vector<16xi32>], vector<16xf32>,
        %add3A_1276 = arith.constant 1 : i32
        %add3A_1277 = vector.broadcast %add3A_1276 : i32 to vector<16xi32>
        %add3A_1278 = arith.addi %get3A_1256, %add3A_1277 : vector<16xi32>
        %min3A_1279 = arith.constant 127 : i32
        %min3A_1280 = vector.broadcast %min3A_1279 : i32 to vector<16xi32>
        %min3A_1281 = arith.minsi %add3A_1278, %min3A_1280 : vector<16xi32>
        %gather3A_1282 = arith.constant 0 : i32
        %gather3A_1283 = arith.constant 0 : i32
        %gather3A_1284 = tpu.memref_slice %arg9[%scan3A_692, %gather3A_1282, %gather3A_1283] : memref<2x16x128xf32, #tpu.memory_space<vmem>> -> memref<1x16x128xf32, #tpu.memory_space<vmem>>
        %gather3A_1285 = tpu.memref_squeeze %gather3A_1284 : memref<1x16x128xf32, #tpu.memory_space<vmem>> -> memref<16x128xf32, #tpu.memory_space<vmem>>
        %gather3A_1286 = tpu.vector_load_idx %gather3A_1285[%iota3A, %min3A_1281] : memref<16x128xf32, #tpu.memory_space<vmem>>[vector<16xi32>, vector<16xi32>], vector<16xf32>,
        %sub3A_1287 = arith.subf %mul3A_1270, %select_n3A : vector<16xf32>
        %lt3A = arith.constant 9.99999974E-6 : f32
        %lt3A_1288 = vector.broadcast %lt3A : f32 to vector<16xf32>
        %lt3A_1289 = arith.cmpf olt, %sub3A_1287, %lt3A_1288 : vector<16xf32>
        %jit3A_1290 = arith.constant 1.000000e+00 : f32
        %broadcast_in_dim3A_1291 = vector.broadcast %jit3A_1290 : f32 to vector<16xf32>
        %select_n3A_1292 = arith.select %lt3A_1289, %broadcast_in_dim3A_1291, %sub3A_1287 : vector<16xi1>, vector<16xf32>
        %eq3A_1293 = arith.constant 63 : i32
        %eq3A_1294 = vector.broadcast %eq3A_1293 : i32 to vector<16xi32>
        %eq3A_1295 = arith.cmpi eq, %broadcast_in_dim3A_1254, %eq3A_1294 : vector<16xi32>
        %convert_element_type3A = arith.sitofp %broadcast_in_dim3A_1254 : vector<16xi32> to vector<16xf32>
        %mul3A_1296 = arith.constant 0.0158730168 : f32
        %mul3A_1297 = vector.broadcast %mul3A_1296 : f32 to vector<16xf32>
        %mul3A_1298 = arith.mulf %convert_element_type3A, %mul3A_1297 : vector<16xf32>
        %jit3A_1299 = arith.constant 1.000000e+00 : f32
        %broadcast_in_dim3A_1300 = vector.broadcast %jit3A_1299 : f32 to vector<16xf32>
        %select_n3A_1301 = arith.select %eq3A_1295, %broadcast_in_dim3A_1300, %mul3A_1298 : vector<16xi1>, vector<16xf32>
        %sub3A_1302 = arith.subf %select_n3A_1301, %select_n3A : vector<16xf32>
        %div3A_1303 = arith.divf %sub3A_1302, %select_n3A_1292 : vector<16xf32>
        %sub3A_1304 = arith.subf %gather3A_1286, %gather3A_1275 : vector<16xf32>
        %mul3A_1305 = arith.mulf %div3A_1303, %sub3A_1304 : vector<16xf32>
        %add3A_1306 = arith.addf %gather3A_1275, %mul3A_1305 : vector<16xf32>
        tpu.vector_store_idx %arg15[%iota3A, %broadcast_in_dim3A_1254], %add3A_1306 : memref<16x64xf32, #tpu.memory_space<vmem>>[vector<16xi32>, vector<16xi32>], vector<16xf32>,
        %mul3A_1307 = arith.mulf %gather3A_679, %add3A_1306 : vector<16xf32>
        %add3A_1308 = arith.addf %gather3A_661, %mul3A_1307 : vector<16xf32>
        tpu.vector_store_idx %arg14[%broadcast_in_dim3A_1, %iota3A, %broadcast_in_dim3A_1254], %add3A_1308 : memref<3x16x64xf32, #tpu.memory_space<vmem>>[vector<16xi32>, vector<16xi32>, vector<16xi32>], vector<16xf32>,
        %mul3A_1309 = arith.mulf %gather3A_685, %add3A_1306 : vector<16xf32>
        %add3A_1310 = arith.addf %gather3A_667, %mul3A_1309 : vector<16xf32>
        tpu.vector_store_idx %arg14[%broadcast_in_dim3A_5, %iota3A, %broadcast_in_dim3A_1254], %add3A_1310 : memref<3x16x64xf32, #tpu.memory_space<vmem>>[vector<16xi32>, vector<16xi32>, vector<16xi32>], vector<16xf32>,
        %mul3A_1311 = arith.mulf %gather3A_691, %add3A_1306 : vector<16xf32>
        %add3A_1312 = arith.addf %gather3A_673, %mul3A_1311 : vector<16xf32>
        tpu.vector_store_idx %arg14[%broadcast_in_dim3A_7, %iota3A, %broadcast_in_dim3A_1254], %add3A_1312 : memref<3x16x64xf32, #tpu.memory_space<vmem>>[vector<16xi32>, vector<16xi32>, vector<16xi32>], vector<16xf32>,
        %scan3A_1313 = arith.constant 0 : i32
        %scan3A_1314 = arith.constant 1 : i32
        %scan3A_1315 = arith.addi %scan3A_1252, %scan3A_1314 : i32
        %broadcast_in_dim3A_1316 = vector.broadcast %scan3A_1315 : i32 to vector<16xi32>
        %get3A_1317 = arith.index_cast %scan3A_1315 : i32 to index
        %get3A_1318 = arith.constant 0 : index
        %get3A_1319 = tpu.vector_load %arg13[%get3A_1317, %get3A_1318] {strides = array<i32>} : memref<64x16xi32, #tpu.memory_space<vmem>>, vector<16xi32>,
        %sub3A_1320 = arith.constant 1 : i32
        %sub3A_1321 = vector.broadcast %sub3A_1320 : i32 to vector<16xi32>
        %sub3A_1322 = arith.subi %get3A_1319, %sub3A_1321 : vector<16xi32>
        %max3A_1323 = arith.constant 0 : i32
        %max3A_1324 = vector.broadcast %max3A_1323 : i32 to vector<16xi32>
        %max3A_1325 = arith.maxsi %sub3A_1322, %max3A_1324 : vector<16xi32>
        %gather3A_1326 = tpu.vector_load_idx %arg12[%max3A_1325, %iota3A] : memref<128x16xf32, #tpu.memory_space<vmem>>[vector<16xi32>, vector<16xi32>], vector<16xf32>,
        %eq3A_1327 = arith.constant 0 : i32
        %eq3A_1328 = vector.broadcast %eq3A_1327 : i32 to vector<16xi32>
        %eq3A_1329 = arith.cmpi eq, %get3A_1319, %eq3A_1328 : vector<16xi32>
        %mul3A_1330 = arith.mulf %gather3A_1326, %div3A_635 : vector<16xf32>
        %jit3A_1331 = arith.constant 0.000000e+00 : f32
        %broadcast_in_dim3A_1332 = vector.broadcast %jit3A_1331 : f32 to vector<16xf32>
        %select_n3A_1333 = arith.select %eq3A_1329, %broadcast_in_dim3A_1332, %mul3A_1330 : vector<16xi1>, vector<16xf32>
        %min3A_1334 = arith.constant 127 : i32
        %min3A_1335 = vector.broadcast %min3A_1334 : i32 to vector<16xi32>
        %min3A_1336 = arith.minsi %get3A_1319, %min3A_1335 : vector<16xi32>
        %gather3A_1337 = tpu.vector_load_idx %arg12[%min3A_1336, %iota3A] : memref<128x16xf32, #tpu.memory_space<vmem>>[vector<16xi32>, vector<16xi32>], vector<16xf32>,
        %mul3A_1338 = arith.mulf %gather3A_1337, %div3A_635 : vector<16xf32>
        %gather3A_1339 = arith.constant 0 : i32
        %gather3A_1340 = arith.constant 0 : i32
        %gather3A_1341 = tpu.memref_slice %arg9[%scan3A_692, %gather3A_1339, %gather3A_1340] : memref<2x16x128xf32, #tpu.memory_space<vmem>> -> memref<1x16x128xf32, #tpu.memory_space<vmem>>
        %gather3A_1342 = tpu.memref_squeeze %gather3A_1341 : memref<1x16x128xf32, #tpu.memory_space<vmem>> -> memref<16x128xf32, #tpu.memory_space<vmem>>
        %gather3A_1343 = tpu.vector_load_idx %gather3A_1342[%iota3A, %min3A_1336] : memref<16x128xf32, #tpu.memory_space<vmem>>[vector<16xi32>, vector<16xi32>], vector<16xf32>,
        %add3A_1344 = arith.constant 1 : i32
        %add3A_1345 = vector.broadcast %add3A_1344 : i32 to vector<16xi32>
        %add3A_1346 = arith.addi %get3A_1319, %add3A_1345 : vector<16xi32>
        %min3A_1347 = arith.constant 127 : i32
        %min3A_1348 = vector.broadcast %min3A_1347 : i32 to vector<16xi32>
        %min3A_1349 = arith.minsi %add3A_1346, %min3A_1348 : vector<16xi32>
        %gather3A_1350 = arith.constant 0 : i32
        %gather3A_1351 = arith.constant 0 : i32
        %gather3A_1352 = tpu.memref_slice %arg9[%scan3A_692, %gather3A_1350, %gather3A_1351] : memref<2x16x128xf32, #tpu.memory_space<vmem>> -> memref<1x16x128xf32, #tpu.memory_space<vmem>>
        %gather3A_1353 = tpu.memref_squeeze %gather3A_1352 : memref<1x16x128xf32, #tpu.memory_space<vmem>> -> memref<16x128xf32, #tpu.memory_space<vmem>>
        %gather3A_1354 = tpu.vector_load_idx %gather3A_1353[%iota3A, %min3A_1349] : memref<16x128xf32, #tpu.memory_space<vmem>>[vector<16xi32>, vector<16xi32>], vector<16xf32>,
        %sub3A_1355 = arith.subf %mul3A_1338, %select_n3A_1333 : vector<16xf32>
        %lt3A_1356 = arith.constant 9.99999974E-6 : f32
        %lt3A_1357 = vector.broadcast %lt3A_1356 : f32 to vector<16xf32>
        %lt3A_1358 = arith.cmpf olt, %sub3A_1355, %lt3A_1357 : vector<16xf32>
        %jit3A_1359 = arith.constant 1.000000e+00 : f32
        %broadcast_in_dim3A_1360 = vector.broadcast %jit3A_1359 : f32 to vector<16xf32>
        %select_n3A_1361 = arith.select %lt3A_1358, %broadcast_in_dim3A_1360, %sub3A_1355 : vector<16xi1>, vector<16xf32>
        %eq3A_1362 = arith.constant 63 : i32
        %eq3A_1363 = vector.broadcast %eq3A_1362 : i32 to vector<16xi32>
        %eq3A_1364 = arith.cmpi eq, %broadcast_in_dim3A_1316, %eq3A_1363 : vector<16xi32>
        %convert_element_type3A_1365 = arith.sitofp %broadcast_in_dim3A_1316 : vector<16xi32> to vector<16xf32>
        %mul3A_1366 = arith.constant 0.0158730168 : f32
        %mul3A_1367 = vector.broadcast %mul3A_1366 : f32 to vector<16xf32>
        %mul3A_1368 = arith.mulf %convert_element_type3A_1365, %mul3A_1367 : vector<16xf32>
        %jit3A_1369 = arith.constant 1.000000e+00 : f32
        %broadcast_in_dim3A_1370 = vector.broadcast %jit3A_1369 : f32 to vector<16xf32>
        %select_n3A_1371 = arith.select %eq3A_1364, %broadcast_in_dim3A_1370, %mul3A_1368 : vector<16xi1>, vector<16xf32>
        %sub3A_1372 = arith.subf %select_n3A_1371, %select_n3A_1333 : vector<16xf32>
        %div3A_1373 = arith.divf %sub3A_1372, %select_n3A_1361 : vector<16xf32>
        %sub3A_1374 = arith.subf %gather3A_1354, %gather3A_1343 : vector<16xf32>
        %mul3A_1375 = arith.mulf %div3A_1373, %sub3A_1374 : vector<16xf32>
        %add3A_1376 = arith.addf %gather3A_1343, %mul3A_1375 : vector<16xf32>
        tpu.vector_store_idx %arg15[%iota3A, %broadcast_in_dim3A_1316], %add3A_1376 : memref<16x64xf32, #tpu.memory_space<vmem>>[vector<16xi32>, vector<16xi32>], vector<16xf32>,
        %mul3A_1377 = arith.mulf %gather3A_679, %add3A_1376 : vector<16xf32>
        %add3A_1378 = arith.addf %gather3A_661, %mul3A_1377 : vector<16xf32>
        tpu.vector_store_idx %arg14[%broadcast_in_dim3A_1, %iota3A, %broadcast_in_dim3A_1316], %add3A_1378 : memref<3x16x64xf32, #tpu.memory_space<vmem>>[vector<16xi32>, vector<16xi32>, vector<16xi32>], vector<16xf32>,
        %mul3A_1379 = arith.mulf %gather3A_685, %add3A_1376 : vector<16xf32>
        %add3A_1380 = arith.addf %gather3A_667, %mul3A_1379 : vector<16xf32>
        tpu.vector_store_idx %arg14[%broadcast_in_dim3A_5, %iota3A, %broadcast_in_dim3A_1316], %add3A_1380 : memref<3x16x64xf32, #tpu.memory_space<vmem>>[vector<16xi32>, vector<16xi32>, vector<16xi32>], vector<16xf32>,
        %mul3A_1381 = arith.mulf %gather3A_691, %add3A_1376 : vector<16xf32>
        %add3A_1382 = arith.addf %gather3A_673, %mul3A_1381 : vector<16xf32>
        tpu.vector_store_idx %arg14[%broadcast_in_dim3A_7, %iota3A, %broadcast_in_dim3A_1316], %add3A_1382 : memref<3x16x64xf32, #tpu.memory_space<vmem>>[vector<16xi32>, vector<16xi32>, vector<16xi32>], vector<16xf32>,
        %scan3A_1383 = arith.constant 0 : i32
        %scan3A_1384 = arith.constant 2 : i32
        %scan3A_1385 = arith.addi %scan3A_1252, %scan3A_1384 : i32
        %broadcast_in_dim3A_1386 = vector.broadcast %scan3A_1385 : i32 to vector<16xi32>
        %get3A_1387 = arith.index_cast %scan3A_1385 : i32 to index
        %get3A_1388 = arith.constant 0 : index
        %get3A_1389 = tpu.vector_load %arg13[%get3A_1387, %get3A_1388] {strides = array<i32>} : memref<64x16xi32, #tpu.memory_space<vmem>>, vector<16xi32>,
        %sub3A_1390 = arith.constant 1 : i32
        %sub3A_1391 = vector.broadcast %sub3A_1390 : i32 to vector<16xi32>
        %sub3A_1392 = arith.subi %get3A_1389, %sub3A_1391 : vector<16xi32>
        %max3A_1393 = arith.constant 0 : i32
        %max3A_1394 = vector.broadcast %max3A_1393 : i32 to vector<16xi32>
        %max3A_1395 = arith.maxsi %sub3A_1392, %max3A_1394 : vector<16xi32>
        %gather3A_1396 = tpu.vector_load_idx %arg12[%max3A_1395, %iota3A] : memref<128x16xf32, #tpu.memory_space<vmem>>[vector<16xi32>, vector<16xi32>], vector<16xf32>,
        %eq3A_1397 = arith.constant 0 : i32
        %eq3A_1398 = vector.broadcast %eq3A_1397 : i32 to vector<16xi32>
        %eq3A_1399 = arith.cmpi eq, %get3A_1389, %eq3A_1398 : vector<16xi32>
        %mul3A_1400 = arith.mulf %gather3A_1396, %div3A_635 : vector<16xf32>
        %jit3A_1401 = arith.constant 0.000000e+00 : f32
        %broadcast_in_dim3A_1402 = vector.broadcast %jit3A_1401 : f32 to vector<16xf32>
        %select_n3A_1403 = arith.select %eq3A_1399, %broadcast_in_dim3A_1402, %mul3A_1400 : vector<16xi1>, vector<16xf32>
        %min3A_1404 = arith.constant 127 : i32
        %min3A_1405 = vector.broadcast %min3A_1404 : i32 to vector<16xi32>
        %min3A_1406 = arith.minsi %get3A_1389, %min3A_1405 : vector<16xi32>
        %gather3A_1407 = tpu.vector_load_idx %arg12[%min3A_1406, %iota3A] : memref<128x16xf32, #tpu.memory_space<vmem>>[vector<16xi32>, vector<16xi32>], vector<16xf32>,
        %mul3A_1408 = arith.mulf %gather3A_1407, %div3A_635 : vector<16xf32>
        %gather3A_1409 = arith.constant 0 : i32
        %gather3A_1410 = arith.constant 0 : i32
        %gather3A_1411 = tpu.memref_slice %arg9[%scan3A_692, %gather3A_1409, %gather3A_1410] : memref<2x16x128xf32, #tpu.memory_space<vmem>> -> memref<1x16x128xf32, #tpu.memory_space<vmem>>
        %gather3A_1412 = tpu.memref_squeeze %gather3A_1411 : memref<1x16x128xf32, #tpu.memory_space<vmem>> -> memref<16x128xf32, #tpu.memory_space<vmem>>
        %gather3A_1413 = tpu.vector_load_idx %gather3A_1412[%iota3A, %min3A_1406] : memref<16x128xf32, #tpu.memory_space<vmem>>[vector<16xi32>, vector<16xi32>], vector<16xf32>,
        %add3A_1414 = arith.constant 1 : i32
        %add3A_1415 = vector.broadcast %add3A_1414 : i32 to vector<16xi32>
        %add3A_1416 = arith.addi %get3A_1389, %add3A_1415 : vector<16xi32>
        %min3A_1417 = arith.constant 127 : i32
        %min3A_1418 = vector.broadcast %min3A_1417 : i32 to vector<16xi32>
        %min3A_1419 = arith.minsi %add3A_1416, %min3A_1418 : vector<16xi32>
        %gather3A_1420 = arith.constant 0 : i32
        %gather3A_1421 = arith.constant 0 : i32
        %gather3A_1422 = tpu.memref_slice %arg9[%scan3A_692, %gather3A_1420, %gather3A_1421] : memref<2x16x128xf32, #tpu.memory_space<vmem>> -> memref<1x16x128xf32, #tpu.memory_space<vmem>>
        %gather3A_1423 = tpu.memref_squeeze %gather3A_1422 : memref<1x16x128xf32, #tpu.memory_space<vmem>> -> memref<16x128xf32, #tpu.memory_space<vmem>>
        %gather3A_1424 = tpu.vector_load_idx %gather3A_1423[%iota3A, %min3A_1419] : memref<16x128xf32, #tpu.memory_space<vmem>>[vector<16xi32>, vector<16xi32>], vector<16xf32>,
        %sub3A_1425 = arith.subf %mul3A_1408, %select_n3A_1403 : vector<16xf32>
        %lt3A_1426 = arith.constant 9.99999974E-6 : f32
        %lt3A_1427 = vector.broadcast %lt3A_1426 : f32 to vector<16xf32>
        %lt3A_1428 = arith.cmpf olt, %sub3A_1425, %lt3A_1427 : vector<16xf32>
        %jit3A_1429 = arith.constant 1.000000e+00 : f32
        %broadcast_in_dim3A_1430 = vector.broadcast %jit3A_1429 : f32 to vector<16xf32>
        %select_n3A_1431 = arith.select %lt3A_1428, %broadcast_in_dim3A_1430, %sub3A_1425 : vector<16xi1>, vector<16xf32>
        %eq3A_1432 = arith.constant 63 : i32
        %eq3A_1433 = vector.broadcast %eq3A_1432 : i32 to vector<16xi32>
        %eq3A_1434 = arith.cmpi eq, %broadcast_in_dim3A_1386, %eq3A_1433 : vector<16xi32>
        %convert_element_type3A_1435 = arith.sitofp %broadcast_in_dim3A_1386 : vector<16xi32> to vector<16xf32>
        %mul3A_1436 = arith.constant 0.0158730168 : f32
        %mul3A_1437 = vector.broadcast %mul3A_1436 : f32 to vector<16xf32>
        %mul3A_1438 = arith.mulf %convert_element_type3A_1435, %mul3A_1437 : vector<16xf32>
        %jit3A_1439 = arith.constant 1.000000e+00 : f32
        %broadcast_in_dim3A_1440 = vector.broadcast %jit3A_1439 : f32 to vector<16xf32>
        %select_n3A_1441 = arith.select %eq3A_1434, %broadcast_in_dim3A_1440, %mul3A_1438 : vector<16xi1>, vector<16xf32>
        %sub3A_1442 = arith.subf %select_n3A_1441, %select_n3A_1403 : vector<16xf32>
        %div3A_1443 = arith.divf %sub3A_1442, %select_n3A_1431 : vector<16xf32>
        %sub3A_1444 = arith.subf %gather3A_1424, %gather3A_1413 : vector<16xf32>
        %mul3A_1445 = arith.mulf %div3A_1443, %sub3A_1444 : vector<16xf32>
        %add3A_1446 = arith.addf %gather3A_1413, %mul3A_1445 : vector<16xf32>
        tpu.vector_store_idx %arg15[%iota3A, %broadcast_in_dim3A_1386], %add3A_1446 : memref<16x64xf32, #tpu.memory_space<vmem>>[vector<16xi32>, vector<16xi32>], vector<16xf32>,
        %mul3A_1447 = arith.mulf %gather3A_679, %add3A_1446 : vector<16xf32>
        %add3A_1448 = arith.addf %gather3A_661, %mul3A_1447 : vector<16xf32>
        tpu.vector_store_idx %arg14[%broadcast_in_dim3A_1, %iota3A, %broadcast_in_dim3A_1386], %add3A_1448 : memref<3x16x64xf32, #tpu.memory_space<vmem>>[vector<16xi32>, vector<16xi32>, vector<16xi32>], vector<16xf32>,
        %mul3A_1449 = arith.mulf %gather3A_685, %add3A_1446 : vector<16xf32>
        %add3A_1450 = arith.addf %gather3A_667, %mul3A_1449 : vector<16xf32>
        tpu.vector_store_idx %arg14[%broadcast_in_dim3A_5, %iota3A, %broadcast_in_dim3A_1386], %add3A_1450 : memref<3x16x64xf32, #tpu.memory_space<vmem>>[vector<16xi32>, vector<16xi32>, vector<16xi32>], vector<16xf32>,
        %mul3A_1451 = arith.mulf %gather3A_691, %add3A_1446 : vector<16xf32>
        %add3A_1452 = arith.addf %gather3A_673, %mul3A_1451 : vector<16xf32>
        tpu.vector_store_idx %arg14[%broadcast_in_dim3A_7, %iota3A, %broadcast_in_dim3A_1386], %add3A_1452 : memref<3x16x64xf32, #tpu.memory_space<vmem>>[vector<16xi32>, vector<16xi32>, vector<16xi32>], vector<16xf32>,
        %scan3A_1453 = arith.constant 0 : i32
        %scan3A_1454 = arith.constant 3 : i32
        %scan3A_1455 = arith.addi %scan3A_1252, %scan3A_1454 : i32
        %broadcast_in_dim3A_1456 = vector.broadcast %scan3A_1455 : i32 to vector<16xi32>
        %get3A_1457 = arith.index_cast %scan3A_1455 : i32 to index
        %get3A_1458 = arith.constant 0 : index
        %get3A_1459 = tpu.vector_load %arg13[%get3A_1457, %get3A_1458] {strides = array<i32>} : memref<64x16xi32, #tpu.memory_space<vmem>>, vector<16xi32>,
        %sub3A_1460 = arith.constant 1 : i32
        %sub3A_1461 = vector.broadcast %sub3A_1460 : i32 to vector<16xi32>
        %sub3A_1462 = arith.subi %get3A_1459, %sub3A_1461 : vector<16xi32>
        %max3A_1463 = arith.constant 0 : i32
        %max3A_1464 = vector.broadcast %max3A_1463 : i32 to vector<16xi32>
        %max3A_1465 = arith.maxsi %sub3A_1462, %max3A_1464 : vector<16xi32>
        %gather3A_1466 = tpu.vector_load_idx %arg12[%max3A_1465, %iota3A] : memref<128x16xf32, #tpu.memory_space<vmem>>[vector<16xi32>, vector<16xi32>], vector<16xf32>,
        %eq3A_1467 = arith.constant 0 : i32
        %eq3A_1468 = vector.broadcast %eq3A_1467 : i32 to vector<16xi32>
        %eq3A_1469 = arith.cmpi eq, %get3A_1459, %eq3A_1468 : vector<16xi32>
        %mul3A_1470 = arith.mulf %gather3A_1466, %div3A_635 : vector<16xf32>
        %jit3A_1471 = arith.constant 0.000000e+00 : f32
        %broadcast_in_dim3A_1472 = vector.broadcast %jit3A_1471 : f32 to vector<16xf32>
        %select_n3A_1473 = arith.select %eq3A_1469, %broadcast_in_dim3A_1472, %mul3A_1470 : vector<16xi1>, vector<16xf32>
        %min3A_1474 = arith.constant 127 : i32
        %min3A_1475 = vector.broadcast %min3A_1474 : i32 to vector<16xi32>
        %min3A_1476 = arith.minsi %get3A_1459, %min3A_1475 : vector<16xi32>
        %gather3A_1477 = tpu.vector_load_idx %arg12[%min3A_1476, %iota3A] : memref<128x16xf32, #tpu.memory_space<vmem>>[vector<16xi32>, vector<16xi32>], vector<16xf32>,
        %mul3A_1478 = arith.mulf %gather3A_1477, %div3A_635 : vector<16xf32>
        %gather3A_1479 = arith.constant 0 : i32
        %gather3A_1480 = arith.constant 0 : i32
        %gather3A_1481 = tpu.memref_slice %arg9[%scan3A_692, %gather3A_1479, %gather3A_1480] : memref<2x16x128xf32, #tpu.memory_space<vmem>> -> memref<1x16x128xf32, #tpu.memory_space<vmem>>
        %gather3A_1482 = tpu.memref_squeeze %gather3A_1481 : memref<1x16x128xf32, #tpu.memory_space<vmem>> -> memref<16x128xf32, #tpu.memory_space<vmem>>
        %gather3A_1483 = tpu.vector_load_idx %gather3A_1482[%iota3A, %min3A_1476] : memref<16x128xf32, #tpu.memory_space<vmem>>[vector<16xi32>, vector<16xi32>], vector<16xf32>,
        %add3A_1484 = arith.constant 1 : i32
        %add3A_1485 = vector.broadcast %add3A_1484 : i32 to vector<16xi32>
        %add3A_1486 = arith.addi %get3A_1459, %add3A_1485 : vector<16xi32>
        %min3A_1487 = arith.constant 127 : i32
        %min3A_1488 = vector.broadcast %min3A_1487 : i32 to vector<16xi32>
        %min3A_1489 = arith.minsi %add3A_1486, %min3A_1488 : vector<16xi32>
        %gather3A_1490 = arith.constant 0 : i32
        %gather3A_1491 = arith.constant 0 : i32
        %gather3A_1492 = tpu.memref_slice %arg9[%scan3A_692, %gather3A_1490, %gather3A_1491] : memref<2x16x128xf32, #tpu.memory_space<vmem>> -> memref<1x16x128xf32, #tpu.memory_space<vmem>>
        %gather3A_1493 = tpu.memref_squeeze %gather3A_1492 : memref<1x16x128xf32, #tpu.memory_space<vmem>> -> memref<16x128xf32, #tpu.memory_space<vmem>>
        %gather3A_1494 = tpu.vector_load_idx %gather3A_1493[%iota3A, %min3A_1489] : memref<16x128xf32, #tpu.memory_space<vmem>>[vector<16xi32>, vector<16xi32>], vector<16xf32>,
        %sub3A_1495 = arith.subf %mul3A_1478, %select_n3A_1473 : vector<16xf32>
        %lt3A_1496 = arith.constant 9.99999974E-6 : f32
        %lt3A_1497 = vector.broadcast %lt3A_1496 : f32 to vector<16xf32>
        %lt3A_1498 = arith.cmpf olt, %sub3A_1495, %lt3A_1497 : vector<16xf32>
        %jit3A_1499 = arith.constant 1.000000e+00 : f32
        %broadcast_in_dim3A_1500 = vector.broadcast %jit3A_1499 : f32 to vector<16xf32>
        %select_n3A_1501 = arith.select %lt3A_1498, %broadcast_in_dim3A_1500, %sub3A_1495 : vector<16xi1>, vector<16xf32>
        %eq3A_1502 = arith.constant 63 : i32
        %eq3A_1503 = vector.broadcast %eq3A_1502 : i32 to vector<16xi32>
        %eq3A_1504 = arith.cmpi eq, %broadcast_in_dim3A_1456, %eq3A_1503 : vector<16xi32>
        %convert_element_type3A_1505 = arith.sitofp %broadcast_in_dim3A_1456 : vector<16xi32> to vector<16xf32>
        %mul3A_1506 = arith.constant 0.0158730168 : f32
        %mul3A_1507 = vector.broadcast %mul3A_1506 : f32 to vector<16xf32>
        %mul3A_1508 = arith.mulf %convert_element_type3A_1505, %mul3A_1507 : vector<16xf32>
        %jit3A_1509 = arith.constant 1.000000e+00 : f32
        %broadcast_in_dim3A_1510 = vector.broadcast %jit3A_1509 : f32 to vector<16xf32>
        %select_n3A_1511 = arith.select %eq3A_1504, %broadcast_in_dim3A_1510, %mul3A_1508 : vector<16xi1>, vector<16xf32>
        %sub3A_1512 = arith.subf %select_n3A_1511, %select_n3A_1473 : vector<16xf32>
        %div3A_1513 = arith.divf %sub3A_1512, %select_n3A_1501 : vector<16xf32>
        %sub3A_1514 = arith.subf %gather3A_1494, %gather3A_1483 : vector<16xf32>
        %mul3A_1515 = arith.mulf %div3A_1513, %sub3A_1514 : vector<16xf32>
        %add3A_1516 = arith.addf %gather3A_1483, %mul3A_1515 : vector<16xf32>
        tpu.vector_store_idx %arg15[%iota3A, %broadcast_in_dim3A_1456], %add3A_1516 : memref<16x64xf32, #tpu.memory_space<vmem>>[vector<16xi32>, vector<16xi32>], vector<16xf32>,
        %mul3A_1517 = arith.mulf %gather3A_679, %add3A_1516 : vector<16xf32>
        %add3A_1518 = arith.addf %gather3A_661, %mul3A_1517 : vector<16xf32>
        tpu.vector_store_idx %arg14[%broadcast_in_dim3A_1, %iota3A, %broadcast_in_dim3A_1456], %add3A_1518 : memref<3x16x64xf32, #tpu.memory_space<vmem>>[vector<16xi32>, vector<16xi32>, vector<16xi32>], vector<16xf32>,
        %mul3A_1519 = arith.mulf %gather3A_685, %add3A_1516 : vector<16xf32>
        %add3A_1520 = arith.addf %gather3A_667, %mul3A_1519 : vector<16xf32>
        tpu.vector_store_idx %arg14[%broadcast_in_dim3A_5, %iota3A, %broadcast_in_dim3A_1456], %add3A_1520 : memref<3x16x64xf32, #tpu.memory_space<vmem>>[vector<16xi32>, vector<16xi32>, vector<16xi32>], vector<16xf32>,
        %mul3A_1521 = arith.mulf %gather3A_691, %add3A_1516 : vector<16xf32>
        %add3A_1522 = arith.addf %gather3A_673, %mul3A_1521 : vector<16xf32>
        tpu.vector_store_idx %arg14[%broadcast_in_dim3A_7, %iota3A, %broadcast_in_dim3A_1456], %add3A_1522 : memref<3x16x64xf32, #tpu.memory_space<vmem>>[vector<16xi32>, vector<16xi32>, vector<16xi32>], vector<16xf32>,
        %scan3A_1523 = arith.constant 0 : i32
        scf.yield %scan3A_1523 : i32
      }
      %scan3A_699 = arith.constant 64 : i32
      "tpu.region"() ({
        %run_scoped3A = tpu.sem_alloc : memref<!tpu.dma_semaphore, #tpu.memory_space<semaphore_mem>>
        %dma_start3A_1252 = arith.constant 0 : i32
        %dma_start3A_1253 = tpu.memref_slice %arg7[%mul3A_371, %dma_start3A_1252] : memref<65536x64xf32, #tpu.memory_space<hbm>> -> memref<16x64xf32, #tpu.memory_space<hbm>>
        %dma_start3A_1254 = arith.constant 0 : i32
        %dma_start3A_1255 = tpu.memref_slice %arg7[%mul3A_371, %dma_start3A_1254] : memref<65536x64xf32, #tpu.memory_space<hbm>> -> memref<16x64xf32, #tpu.memory_space<hbm>>
        tpu.enqueue_dma source(%arg15 : memref<16x64xf32, #tpu.memory_space<vmem>>) target(%dma_start3A_1255 : memref<16x64xf32, #tpu.memory_space<hbm>>) target_semaphore(%run_scoped3A : memref<!tpu.dma_semaphore, #tpu.memory_space<semaphore_mem>>)
        %dma_wait3A_1256 = arith.constant 0 : i32
        %dma_wait3A_1257 = tpu.memref_slice %arg7[%mul3A_371, %dma_wait3A_1256] : memref<65536x64xf32, #tpu.memory_space<hbm>> -> memref<16x64xf32, #tpu.memory_space<hbm>>
        %dma_wait3A_1258 = arith.constant 0 : i32
        %dma_wait3A_1259 = tpu.memref_slice %arg7[%mul3A_371, %dma_wait3A_1258] : memref<65536x64xf32, #tpu.memory_space<hbm>> -> memref<16x64xf32, #tpu.memory_space<hbm>>
        tpu.wait_dma2 semaphore(%run_scoped3A : memref<!tpu.dma_semaphore, #tpu.memory_space<semaphore_mem>>) src(%arg15 : memref<16x64xf32, #tpu.memory_space<vmem>>) dst(%dma_wait3A_1259 : memref<16x64xf32, #tpu.memory_space<hbm>>)
        tpu.yield
      }) : () -> ()
      "tpu.region"() ({
        %run_scoped3A = tpu.sem_alloc : memref<!tpu.dma_semaphore, #tpu.memory_space<semaphore_mem>>
        %dma_start3A_1252 = arith.constant 0 : i32
        %dma_start3A_1253 = arith.constant 0 : i32
        %dma_start3A_1254 = tpu.memref_slice %arg6[%dma_start3A_1252, %mul3A_371, %dma_start3A_1253] : memref<3x65536x64xf32, #tpu.memory_space<hbm>> -> memref<3x16x64xf32, #tpu.memory_space<hbm>>
        %dma_start3A_1255 = arith.constant 0 : i32
        %dma_start3A_1256 = arith.constant 0 : i32
        %dma_start3A_1257 = tpu.memref_slice %arg6[%dma_start3A_1255, %mul3A_371, %dma_start3A_1256] : memref<3x65536x64xf32, #tpu.memory_space<hbm>> -> memref<3x16x64xf32, #tpu.memory_space<hbm>>
        tpu.enqueue_dma source(%arg14 : memref<3x16x64xf32, #tpu.memory_space<vmem>>) target(%dma_start3A_1257 : memref<3x16x64xf32, #tpu.memory_space<hbm>>) target_semaphore(%run_scoped3A : memref<!tpu.dma_semaphore, #tpu.memory_space<semaphore_mem>>)
        %dma_wait3A_1258 = arith.constant 0 : i32
        %dma_wait3A_1259 = arith.constant 0 : i32
        %dma_wait3A_1260 = tpu.memref_slice %arg6[%dma_wait3A_1258, %mul3A_371, %dma_wait3A_1259] : memref<3x65536x64xf32, #tpu.memory_space<hbm>> -> memref<3x16x64xf32, #tpu.memory_space<hbm>>
        %dma_wait3A_1261 = arith.constant 0 : i32
        %dma_wait3A_1262 = arith.constant 0 : i32
        %dma_wait3A_1263 = tpu.memref_slice %arg6[%dma_wait3A_1261, %mul3A_371, %dma_wait3A_1262] : memref<3x65536x64xf32, #tpu.memory_space<hbm>> -> memref<3x16x64xf32, #tpu.memory_space<hbm>>
        tpu.wait_dma2 semaphore(%run_scoped3A : memref<!tpu.dma_semaphore, #tpu.memory_space<semaphore_mem>>) src(%arg14 : memref<3x16x64xf32, #tpu.memory_space<vmem>>) dst(%dma_wait3A_1263 : memref<3x16x64xf32, #tpu.memory_space<hbm>>)
        tpu.yield
      }) : () -> ()
      %add3A_700 = arith.constant 2 : i32
      %add3A_701 = arith.addi %mul3A_293, %add3A_700 : i32
      %rem3A = arith.constant 128 : i32
      %rem3A_702 = arith.remsi %add3A_701, %rem3A : i32
      %mul3A_703 = arith.constant 128 : i32
      %mul3A_704 = arith.muli %add3A, %mul3A_703 : i32
      %add3A_705 = arith.addi %mul3A_704, %rem3A_702 : i32
      %mul3A_706 = arith.constant 16 : i32
      %mul3A_707 = arith.muli %add3A_705, %mul3A_706 : i32
      %dma_start3A_708 = arith.constant 0 : i32
      %dma_start3A_709 = arith.constant 0 : i32
      %dma_start3A_710 = arith.constant 0 : i32
      %dma_start3A_711 = arith.constant 0 : i32
      %dma_start3A_712 = tpu.memref_slice %arg8[%dma_start3A_708, %dma_start3A_710, %dma_start3A_711] : memref<2x128x16xf32, #tpu.memory_space<vmem>> -> memref<1x128x16xf32, #tpu.memory_space<vmem>>
      %dma_start3A_713 = tpu.memref_squeeze %dma_start3A_712 : memref<1x128x16xf32, #tpu.memory_space<vmem>> -> memref<128x16xf32, #tpu.memory_space<vmem>>
      %dma_start3A_714 = arith.constant 0 : i32
      %dma_start3A_715 = tpu.memref_slice %arg2[%dma_start3A_714, %mul3A_707] : memref<128x65536xf32, #tpu.memory_space<hbm>> -> memref<128x16xf32, #tpu.memory_space<hbm>>
      %dma_start3A_716 = tpu.memref_slice %arg16[%dma_start3A_709] : memref<2x!tpu.dma_semaphore, #tpu.memory_space<semaphore_mem>> -> memref<1x!tpu.dma_semaphore, #tpu.memory_space<semaphore_mem>>
      %dma_start3A_717 = tpu.memref_squeeze %dma_start3A_716 : memref<1x!tpu.dma_semaphore, #tpu.memory_space<semaphore_mem>> -> memref<!tpu.dma_semaphore, #tpu.memory_space<semaphore_mem>>
      %dma_start3A_718 = arith.constant 0 : i32
      %dma_start3A_719 = arith.constant 0 : i32
      %dma_start3A_720 = tpu.memref_slice %arg8[%dma_start3A_708, %dma_start3A_718, %dma_start3A_719] : memref<2x128x16xf32, #tpu.memory_space<vmem>> -> memref<1x128x16xf32, #tpu.memory_space<vmem>>
      %dma_start3A_721 = tpu.memref_squeeze %dma_start3A_720 : memref<1x128x16xf32, #tpu.memory_space<vmem>> -> memref<128x16xf32, #tpu.memory_space<vmem>>
      %dma_start3A_722 = arith.constant 0 : i32
      %dma_start3A_723 = tpu.memref_slice %arg2[%dma_start3A_722, %mul3A_707] : memref<128x65536xf32, #tpu.memory_space<hbm>> -> memref<128x16xf32, #tpu.memory_space<hbm>>
      tpu.enqueue_dma source(%dma_start3A_723 : memref<128x16xf32, #tpu.memory_space<hbm>>) target(%dma_start3A_721 : memref<128x16xf32, #tpu.memory_space<vmem>>) target_semaphore(%dma_start3A_717 : memref<!tpu.dma_semaphore, #tpu.memory_space<semaphore_mem>>)
      %dma_start3A_724 = arith.constant 0 : i32
      %dma_start3A_725 = arith.constant 0 : i32
      %dma_start3A_726 = arith.constant 0 : i32
      %dma_start3A_727 = arith.constant 0 : i32
      %dma_start3A_728 = tpu.memref_slice %arg9[%dma_start3A_724, %dma_start3A_726, %dma_start3A_727] : memref<2x16x128xf32, #tpu.memory_space<vmem>> -> memref<1x16x128xf32, #tpu.memory_space<vmem>>
      %dma_start3A_729 = tpu.memref_squeeze %dma_start3A_728 : memref<1x16x128xf32, #tpu.memory_space<vmem>> -> memref<16x128xf32, #tpu.memory_space<vmem>>
      %dma_start3A_730 = arith.constant 0 : i32
      %dma_start3A_731 = tpu.memref_slice %arg3[%mul3A_707, %dma_start3A_730] : memref<65536x128xf32, #tpu.memory_space<hbm>> -> memref<16x128xf32, #tpu.memory_space<hbm>>
      %dma_start3A_732 = tpu.memref_slice %arg16[%dma_start3A_725] : memref<2x!tpu.dma_semaphore, #tpu.memory_space<semaphore_mem>> -> memref<1x!tpu.dma_semaphore, #tpu.memory_space<semaphore_mem>>
      %dma_start3A_733 = tpu.memref_squeeze %dma_start3A_732 : memref<1x!tpu.dma_semaphore, #tpu.memory_space<semaphore_mem>> -> memref<!tpu.dma_semaphore, #tpu.memory_space<semaphore_mem>>
      %dma_start3A_734 = arith.constant 0 : i32
      %dma_start3A_735 = arith.constant 0 : i32
      %dma_start3A_736 = tpu.memref_slice %arg9[%dma_start3A_724, %dma_start3A_734, %dma_start3A_735] : memref<2x16x128xf32, #tpu.memory_space<vmem>> -> memref<1x16x128xf32, #tpu.memory_space<vmem>>
      %dma_start3A_737 = tpu.memref_squeeze %dma_start3A_736 : memref<1x16x128xf32, #tpu.memory_space<vmem>> -> memref<16x128xf32, #tpu.memory_space<vmem>>
      %dma_start3A_738 = arith.constant 0 : i32
      %dma_start3A_739 = tpu.memref_slice %arg3[%mul3A_707, %dma_start3A_738] : memref<65536x128xf32, #tpu.memory_space<hbm>> -> memref<16x128xf32, #tpu.memory_space<hbm>>
      tpu.enqueue_dma source(%dma_start3A_739 : memref<16x128xf32, #tpu.memory_space<hbm>>) target(%dma_start3A_737 : memref<16x128xf32, #tpu.memory_space<vmem>>) target_semaphore(%dma_start3A_733 : memref<!tpu.dma_semaphore, #tpu.memory_space<semaphore_mem>>)
      %dma_start3A_740 = arith.constant 0 : i32
      %dma_start3A_741 = arith.constant 0 : i32
      %dma_start3A_742 = arith.constant 0 : i32
      %dma_start3A_743 = arith.constant 0 : i32
      %dma_start3A_744 = tpu.memref_slice %arg10[%dma_start3A_740, %dma_start3A_742, %dma_start3A_743] : memref<2x16x3xf32, #tpu.memory_space<vmem>> -> memref<1x16x3xf32, #tpu.memory_space<vmem>>
      %dma_start3A_745 = tpu.memref_squeeze %dma_start3A_744 : memref<1x16x3xf32, #tpu.memory_space<vmem>> -> memref<16x3xf32, #tpu.memory_space<vmem>>
      %dma_start3A_746 = arith.constant 0 : i32
      %dma_start3A_747 = tpu.memref_slice %arg4[%mul3A_707, %dma_start3A_746] : memref<65536x3xf32, #tpu.memory_space<hbm>> -> memref<16x3xf32, #tpu.memory_space<hbm>>
      %dma_start3A_748 = tpu.memref_slice %arg16[%dma_start3A_741] : memref<2x!tpu.dma_semaphore, #tpu.memory_space<semaphore_mem>> -> memref<1x!tpu.dma_semaphore, #tpu.memory_space<semaphore_mem>>
      %dma_start3A_749 = tpu.memref_squeeze %dma_start3A_748 : memref<1x!tpu.dma_semaphore, #tpu.memory_space<semaphore_mem>> -> memref<!tpu.dma_semaphore, #tpu.memory_space<semaphore_mem>>
      %dma_start3A_750 = arith.constant 0 : i32
      %dma_start3A_751 = arith.constant 0 : i32
      %dma_start3A_752 = tpu.memref_slice %arg10[%dma_start3A_740, %dma_start3A_750, %dma_start3A_751] : memref<2x16x3xf32, #tpu.memory_space<vmem>> -> memref<1x16x3xf32, #tpu.memory_space<vmem>>
      %dma_start3A_753 = tpu.memref_squeeze %dma_start3A_752 : memref<1x16x3xf32, #tpu.memory_space<vmem>> -> memref<16x3xf32, #tpu.memory_space<vmem>>
      %dma_start3A_754 = arith.constant 0 : i32
      %dma_start3A_755 = tpu.memref_slice %arg4[%mul3A_707, %dma_start3A_754] : memref<65536x3xf32, #tpu.memory_space<hbm>> -> memref<16x3xf32, #tpu.memory_space<hbm>>
      tpu.enqueue_dma source(%dma_start3A_755 : memref<16x3xf32, #tpu.memory_space<hbm>>) target(%dma_start3A_753 : memref<16x3xf32, #tpu.memory_space<vmem>>) target_semaphore(%dma_start3A_749 : memref<!tpu.dma_semaphore, #tpu.memory_space<semaphore_mem>>)
      %dma_start3A_756 = arith.constant 0 : i32
      %dma_start3A_757 = arith.constant 0 : i32
      %dma_start3A_758 = arith.constant 0 : i32
      %dma_start3A_759 = arith.constant 0 : i32
      %dma_start3A_760 = tpu.memref_slice %arg11[%dma_start3A_756, %dma_start3A_758, %dma_start3A_759] : memref<2x16x3xf32, #tpu.memory_space<vmem>> -> memref<1x16x3xf32, #tpu.memory_space<vmem>>
      %dma_start3A_761 = tpu.memref_squeeze %dma_start3A_760 : memref<1x16x3xf32, #tpu.memory_space<vmem>> -> memref<16x3xf32, #tpu.memory_space<vmem>>
      %dma_start3A_762 = arith.constant 0 : i32
      %dma_start3A_763 = tpu.memref_slice %arg5[%mul3A_707, %dma_start3A_762] : memref<65536x3xf32, #tpu.memory_space<hbm>> -> memref<16x3xf32, #tpu.memory_space<hbm>>
      %dma_start3A_764 = tpu.memref_slice %arg16[%dma_start3A_757] : memref<2x!tpu.dma_semaphore, #tpu.memory_space<semaphore_mem>> -> memref<1x!tpu.dma_semaphore, #tpu.memory_space<semaphore_mem>>
      %dma_start3A_765 = tpu.memref_squeeze %dma_start3A_764 : memref<1x!tpu.dma_semaphore, #tpu.memory_space<semaphore_mem>> -> memref<!tpu.dma_semaphore, #tpu.memory_space<semaphore_mem>>
      %dma_start3A_766 = arith.constant 0 : i32
      %dma_start3A_767 = arith.constant 0 : i32
      %dma_start3A_768 = tpu.memref_slice %arg11[%dma_start3A_756, %dma_start3A_766, %dma_start3A_767] : memref<2x16x3xf32, #tpu.memory_space<vmem>> -> memref<1x16x3xf32, #tpu.memory_space<vmem>>
      %dma_start3A_769 = tpu.memref_squeeze %dma_start3A_768 : memref<1x16x3xf32, #tpu.memory_space<vmem>> -> memref<16x3xf32, #tpu.memory_space<vmem>>
      %dma_start3A_770 = arith.constant 0 : i32
      %dma_start3A_771 = tpu.memref_slice %arg5[%mul3A_707, %dma_start3A_770] : memref<65536x3xf32, #tpu.memory_space<hbm>> -> memref<16x3xf32, #tpu.memory_space<hbm>>
      tpu.enqueue_dma source(%dma_start3A_771 : memref<16x3xf32, #tpu.memory_space<hbm>>) target(%dma_start3A_769 : memref<16x3xf32, #tpu.memory_space<vmem>>) target_semaphore(%dma_start3A_765 : memref<!tpu.dma_semaphore, #tpu.memory_space<semaphore_mem>>)
      %mul3A_772 = arith.constant 128 : i32
      %mul3A_773 = arith.muli %add3A, %mul3A_772 : i32
      %add3A_774 = arith.addi %mul3A_773, %add3A_297 : i32
      %mul3A_775 = arith.constant 16 : i32
      %mul3A_776 = arith.muli %add3A_774, %mul3A_775 : i32
      %dma_wait3A_777 = arith.constant 1 : i32
      %dma_wait3A_778 = arith.constant 1 : i32
      %dma_wait3A_779 = arith.constant 0 : i32
      %dma_wait3A_780 = arith.constant 0 : i32
      %dma_wait3A_781 = tpu.memref_slice %arg8[%dma_wait3A_777, %dma_wait3A_779, %dma_wait3A_780] : memref<2x128x16xf32, #tpu.memory_space<vmem>> -> memref<1x128x16xf32, #tpu.memory_space<vmem>>
      %dma_wait3A_782 = tpu.memref_squeeze %dma_wait3A_781 : memref<1x128x16xf32, #tpu.memory_space<vmem>> -> memref<128x16xf32, #tpu.memory_space<vmem>>
      %dma_wait3A_783 = arith.constant 0 : i32
      %dma_wait3A_784 = tpu.memref_slice %arg2[%dma_wait3A_783, %mul3A_776] : memref<128x65536xf32, #tpu.memory_space<hbm>> -> memref<128x16xf32, #tpu.memory_space<hbm>>
      %dma_wait3A_785 = tpu.memref_slice %arg16[%dma_wait3A_778] : memref<2x!tpu.dma_semaphore, #tpu.memory_space<semaphore_mem>> -> memref<1x!tpu.dma_semaphore, #tpu.memory_space<semaphore_mem>>
      %dma_wait3A_786 = tpu.memref_squeeze %dma_wait3A_785 : memref<1x!tpu.dma_semaphore, #tpu.memory_space<semaphore_mem>> -> memref<!tpu.dma_semaphore, #tpu.memory_space<semaphore_mem>>
      %dma_wait3A_787 = arith.constant 0 : i32
      %dma_wait3A_788 = arith.constant 0 : i32
      %dma_wait3A_789 = tpu.memref_slice %arg8[%dma_wait3A_777, %dma_wait3A_787, %dma_wait3A_788] : memref<2x128x16xf32, #tpu.memory_space<vmem>> -> memref<1x128x16xf32, #tpu.memory_space<vmem>>
      %dma_wait3A_790 = tpu.memref_squeeze %dma_wait3A_789 : memref<1x128x16xf32, #tpu.memory_space<vmem>> -> memref<128x16xf32, #tpu.memory_space<vmem>>
      %dma_wait3A_791 = arith.constant 0 : i32
      %dma_wait3A_792 = tpu.memref_slice %arg2[%dma_wait3A_791, %mul3A_776] : memref<128x65536xf32, #tpu.memory_space<hbm>> -> memref<128x16xf32, #tpu.memory_space<hbm>>
      tpu.wait_dma2 semaphore(%dma_wait3A_786 : memref<!tpu.dma_semaphore, #tpu.memory_space<semaphore_mem>>) src(%dma_wait3A_792 : memref<128x16xf32, #tpu.memory_space<hbm>>) dst(%dma_wait3A_790 : memref<128x16xf32, #tpu.memory_space<vmem>>)
      %dma_wait3A_793 = arith.constant 1 : i32
      %dma_wait3A_794 = arith.constant 1 : i32
      %dma_wait3A_795 = arith.constant 0 : i32
      %dma_wait3A_796 = arith.constant 0 : i32
      %dma_wait3A_797 = tpu.memref_slice %arg9[%dma_wait3A_793, %dma_wait3A_795, %dma_wait3A_796] : memref<2x16x128xf32, #tpu.memory_space<vmem>> -> memref<1x16x128xf32, #tpu.memory_space<vmem>>
      %dma_wait3A_798 = tpu.memref_squeeze %dma_wait3A_797 : memref<1x16x128xf32, #tpu.memory_space<vmem>> -> memref<16x128xf32, #tpu.memory_space<vmem>>
      %dma_wait3A_799 = arith.constant 0 : i32
      %dma_wait3A_800 = tpu.memref_slice %arg3[%mul3A_776, %dma_wait3A_799] : memref<65536x128xf32, #tpu.memory_space<hbm>> -> memref<16x128xf32, #tpu.memory_space<hbm>>
      %dma_wait3A_801 = tpu.memref_slice %arg16[%dma_wait3A_794] : memref<2x!tpu.dma_semaphore, #tpu.memory_space<semaphore_mem>> -> memref<1x!tpu.dma_semaphore, #tpu.memory_space<semaphore_mem>>
      %dma_wait3A_802 = tpu.memref_squeeze %dma_wait3A_801 : memref<1x!tpu.dma_semaphore, #tpu.memory_space<semaphore_mem>> -> memref<!tpu.dma_semaphore, #tpu.memory_space<semaphore_mem>>
      %dma_wait3A_803 = arith.constant 0 : i32
      %dma_wait3A_804 = arith.constant 0 : i32
      %dma_wait3A_805 = tpu.memref_slice %arg9[%dma_wait3A_793, %dma_wait3A_803, %dma_wait3A_804] : memref<2x16x128xf32, #tpu.memory_space<vmem>> -> memref<1x16x128xf32, #tpu.memory_space<vmem>>
      %dma_wait3A_806 = tpu.memref_squeeze %dma_wait3A_805 : memref<1x16x128xf32, #tpu.memory_space<vmem>> -> memref<16x128xf32, #tpu.memory_space<vmem>>
      %dma_wait3A_807 = arith.constant 0 : i32
      %dma_wait3A_808 = tpu.memref_slice %arg3[%mul3A_776, %dma_wait3A_807] : memref<65536x128xf32, #tpu.memory_space<hbm>> -> memref<16x128xf32, #tpu.memory_space<hbm>>
      tpu.wait_dma2 semaphore(%dma_wait3A_802 : memref<!tpu.dma_semaphore, #tpu.memory_space<semaphore_mem>>) src(%dma_wait3A_808 : memref<16x128xf32, #tpu.memory_space<hbm>>) dst(%dma_wait3A_806 : memref<16x128xf32, #tpu.memory_space<vmem>>)
      %dma_wait3A_809 = arith.constant 1 : i32
      %dma_wait3A_810 = arith.constant 1 : i32
      %dma_wait3A_811 = arith.constant 0 : i32
      %dma_wait3A_812 = arith.constant 0 : i32
      %dma_wait3A_813 = tpu.memref_slice %arg10[%dma_wait3A_809, %dma_wait3A_811, %dma_wait3A_812] : memref<2x16x3xf32, #tpu.memory_space<vmem>> -> memref<1x16x3xf32, #tpu.memory_space<vmem>>
      %dma_wait3A_814 = tpu.memref_squeeze %dma_wait3A_813 : memref<1x16x3xf32, #tpu.memory_space<vmem>> -> memref<16x3xf32, #tpu.memory_space<vmem>>
      %dma_wait3A_815 = arith.constant 0 : i32
      %dma_wait3A_816 = tpu.memref_slice %arg4[%mul3A_776, %dma_wait3A_815] : memref<65536x3xf32, #tpu.memory_space<hbm>> -> memref<16x3xf32, #tpu.memory_space<hbm>>
      %dma_wait3A_817 = tpu.memref_slice %arg16[%dma_wait3A_810] : memref<2x!tpu.dma_semaphore, #tpu.memory_space<semaphore_mem>> -> memref<1x!tpu.dma_semaphore, #tpu.memory_space<semaphore_mem>>
      %dma_wait3A_818 = tpu.memref_squeeze %dma_wait3A_817 : memref<1x!tpu.dma_semaphore, #tpu.memory_space<semaphore_mem>> -> memref<!tpu.dma_semaphore, #tpu.memory_space<semaphore_mem>>
      %dma_wait3A_819 = arith.constant 0 : i32
      %dma_wait3A_820 = arith.constant 0 : i32
      %dma_wait3A_821 = tpu.memref_slice %arg10[%dma_wait3A_809, %dma_wait3A_819, %dma_wait3A_820] : memref<2x16x3xf32, #tpu.memory_space<vmem>> -> memref<1x16x3xf32, #tpu.memory_space<vmem>>
      %dma_wait3A_822 = tpu.memref_squeeze %dma_wait3A_821 : memref<1x16x3xf32, #tpu.memory_space<vmem>> -> memref<16x3xf32, #tpu.memory_space<vmem>>
      %dma_wait3A_823 = arith.constant 0 : i32
      %dma_wait3A_824 = tpu.memref_slice %arg4[%mul3A_776, %dma_wait3A_823] : memref<65536x3xf32, #tpu.memory_space<hbm>> -> memref<16x3xf32, #tpu.memory_space<hbm>>
      tpu.wait_dma2 semaphore(%dma_wait3A_818 : memref<!tpu.dma_semaphore, #tpu.memory_space<semaphore_mem>>) src(%dma_wait3A_824 : memref<16x3xf32, #tpu.memory_space<hbm>>) dst(%dma_wait3A_822 : memref<16x3xf32, #tpu.memory_space<vmem>>)
      %dma_wait3A_825 = arith.constant 1 : i32
      %dma_wait3A_826 = arith.constant 1 : i32
      %dma_wait3A_827 = arith.constant 0 : i32
      %dma_wait3A_828 = arith.constant 0 : i32
      %dma_wait3A_829 = tpu.memref_slice %arg11[%dma_wait3A_825, %dma_wait3A_827, %dma_wait3A_828] : memref<2x16x3xf32, #tpu.memory_space<vmem>> -> memref<1x16x3xf32, #tpu.memory_space<vmem>>
      %dma_wait3A_830 = tpu.memref_squeeze %dma_wait3A_829 : memref<1x16x3xf32, #tpu.memory_space<vmem>> -> memref<16x3xf32, #tpu.memory_space<vmem>>
      %dma_wait3A_831 = arith.constant 0 : i32
      %dma_wait3A_832 = tpu.memref_slice %arg5[%mul3A_776, %dma_wait3A_831] : memref<65536x3xf32, #tpu.memory_space<hbm>> -> memref<16x3xf32, #tpu.memory_space<hbm>>
      %dma_wait3A_833 = tpu.memref_slice %arg16[%dma_wait3A_826] : memref<2x!tpu.dma_semaphore, #tpu.memory_space<semaphore_mem>> -> memref<1x!tpu.dma_semaphore, #tpu.memory_space<semaphore_mem>>
      %dma_wait3A_834 = tpu.memref_squeeze %dma_wait3A_833 : memref<1x!tpu.dma_semaphore, #tpu.memory_space<semaphore_mem>> -> memref<!tpu.dma_semaphore, #tpu.memory_space<semaphore_mem>>
      %dma_wait3A_835 = arith.constant 0 : i32
      %dma_wait3A_836 = arith.constant 0 : i32
      %dma_wait3A_837 = tpu.memref_slice %arg11[%dma_wait3A_825, %dma_wait3A_835, %dma_wait3A_836] : memref<2x16x3xf32, #tpu.memory_space<vmem>> -> memref<1x16x3xf32, #tpu.memory_space<vmem>>
      %dma_wait3A_838 = tpu.memref_squeeze %dma_wait3A_837 : memref<1x16x3xf32, #tpu.memory_space<vmem>> -> memref<16x3xf32, #tpu.memory_space<vmem>>
      %dma_wait3A_839 = arith.constant 0 : i32
      %dma_wait3A_840 = tpu.memref_slice %arg5[%mul3A_776, %dma_wait3A_839] : memref<65536x3xf32, #tpu.memory_space<hbm>> -> memref<16x3xf32, #tpu.memory_space<hbm>>
      tpu.wait_dma2 semaphore(%dma_wait3A_834 : memref<!tpu.dma_semaphore, #tpu.memory_space<semaphore_mem>>) src(%dma_wait3A_840 : memref<16x3xf32, #tpu.memory_space<hbm>>) dst(%dma_wait3A_838 : memref<16x3xf32, #tpu.memory_space<vmem>>)
      %mul3A_841 = arith.constant 128 : i32
      %mul3A_842 = arith.muli %add3A, %mul3A_841 : i32
      %add3A_843 = arith.addi %mul3A_842, %add3A_297 : i32
      %mul3A_844 = arith.constant 16 : i32
      %mul3A_845 = arith.muli %add3A_843, %mul3A_844 : i32
      %swap3A_846 = arith.constant 0 : i32
      %swap3A_847 = arith.index_cast %swap3A_846 : i32 to index
      %swap3A_848 = arith.constant 0 : index
      %swap3A_849 = tpu.vector_load %arg13[%swap3A_847, %swap3A_848] {strides = array<i32>} : memref<64x16xi32, #tpu.memory_space<vmem>>, vector<16xi32>,
      tpu.vector_store %arg13[%swap3A_847, %swap3A_848], %broadcast_in_dim3A_1 {strides = array<i32>} : memref<64x16xi32, #tpu.memory_space<vmem>>, vector<16xi32>,
      %swap3A_850 = arith.constant 1 : i32
      %swap3A_851 = arith.index_cast %swap3A_850 : i32 to index
      %swap3A_852 = arith.constant 0 : index
      %swap3A_853 = tpu.vector_load %arg13[%swap3A_851, %swap3A_852] {strides = array<i32>} : memref<64x16xi32, #tpu.memory_space<vmem>>, vector<16xi32>,
      tpu.vector_store %arg13[%swap3A_851, %swap3A_852], %broadcast_in_dim3A_1 {strides = array<i32>} : memref<64x16xi32, #tpu.memory_space<vmem>>, vector<16xi32>,
      %swap3A_854 = arith.constant 2 : i32
      %swap3A_855 = arith.index_cast %swap3A_854 : i32 to index
      %swap3A_856 = arith.constant 0 : index
      %swap3A_857 = tpu.vector_load %arg13[%swap3A_855, %swap3A_856] {strides = array<i32>} : memref<64x16xi32, #tpu.memory_space<vmem>>, vector<16xi32>,
      tpu.vector_store %arg13[%swap3A_855, %swap3A_856], %broadcast_in_dim3A_1 {strides = array<i32>} : memref<64x16xi32, #tpu.memory_space<vmem>>, vector<16xi32>,
      %swap3A_858 = arith.constant 3 : i32
      %swap3A_859 = arith.index_cast %swap3A_858 : i32 to index
      %swap3A_860 = arith.constant 0 : index
      %swap3A_861 = tpu.vector_load %arg13[%swap3A_859, %swap3A_860] {strides = array<i32>} : memref<64x16xi32, #tpu.memory_space<vmem>>, vector<16xi32>,
      tpu.vector_store %arg13[%swap3A_859, %swap3A_860], %broadcast_in_dim3A_1 {strides = array<i32>} : memref<64x16xi32, #tpu.memory_space<vmem>>, vector<16xi32>,
      %swap3A_862 = arith.constant 4 : i32
      %swap3A_863 = arith.index_cast %swap3A_862 : i32 to index
      %swap3A_864 = arith.constant 0 : index
      %swap3A_865 = tpu.vector_load %arg13[%swap3A_863, %swap3A_864] {strides = array<i32>} : memref<64x16xi32, #tpu.memory_space<vmem>>, vector<16xi32>,
      tpu.vector_store %arg13[%swap3A_863, %swap3A_864], %broadcast_in_dim3A_1 {strides = array<i32>} : memref<64x16xi32, #tpu.memory_space<vmem>>, vector<16xi32>,
      %swap3A_866 = arith.constant 5 : i32
      %swap3A_867 = arith.index_cast %swap3A_866 : i32 to index
      %swap3A_868 = arith.constant 0 : index
      %swap3A_869 = tpu.vector_load %arg13[%swap3A_867, %swap3A_868] {strides = array<i32>} : memref<64x16xi32, #tpu.memory_space<vmem>>, vector<16xi32>,
      tpu.vector_store %arg13[%swap3A_867, %swap3A_868], %broadcast_in_dim3A_1 {strides = array<i32>} : memref<64x16xi32, #tpu.memory_space<vmem>>, vector<16xi32>,
      %swap3A_870 = arith.constant 6 : i32
      %swap3A_871 = arith.index_cast %swap3A_870 : i32 to index
      %swap3A_872 = arith.constant 0 : index
      %swap3A_873 = tpu.vector_load %arg13[%swap3A_871, %swap3A_872] {strides = array<i32>} : memref<64x16xi32, #tpu.memory_space<vmem>>, vector<16xi32>,
      tpu.vector_store %arg13[%swap3A_871, %swap3A_872], %broadcast_in_dim3A_1 {strides = array<i32>} : memref<64x16xi32, #tpu.memory_space<vmem>>, vector<16xi32>,
      %swap3A_874 = arith.constant 7 : i32
      %swap3A_875 = arith.index_cast %swap3A_874 : i32 to index
      %swap3A_876 = arith.constant 0 : index
      %swap3A_877 = tpu.vector_load %arg13[%swap3A_875, %swap3A_876] {strides = array<i32>} : memref<64x16xi32, #tpu.memory_space<vmem>>, vector<16xi32>,
      tpu.vector_store %arg13[%swap3A_875, %swap3A_876], %broadcast_in_dim3A_1 {strides = array<i32>} : memref<64x16xi32, #tpu.memory_space<vmem>>, vector<16xi32>,
      %swap3A_878 = arith.constant 8 : i32
      %swap3A_879 = arith.index_cast %swap3A_878 : i32 to index
      %swap3A_880 = arith.constant 0 : index
      %swap3A_881 = tpu.vector_load %arg13[%swap3A_879, %swap3A_880] {strides = array<i32>} : memref<64x16xi32, #tpu.memory_space<vmem>>, vector<16xi32>,
      tpu.vector_store %arg13[%swap3A_879, %swap3A_880], %broadcast_in_dim3A_1 {strides = array<i32>} : memref<64x16xi32, #tpu.memory_space<vmem>>, vector<16xi32>,
      %swap3A_882 = arith.constant 9 : i32
      %swap3A_883 = arith.index_cast %swap3A_882 : i32 to index
      %swap3A_884 = arith.constant 0 : index
      %swap3A_885 = tpu.vector_load %arg13[%swap3A_883, %swap3A_884] {strides = array<i32>} : memref<64x16xi32, #tpu.memory_space<vmem>>, vector<16xi32>,
      tpu.vector_store %arg13[%swap3A_883, %swap3A_884], %broadcast_in_dim3A_1 {strides = array<i32>} : memref<64x16xi32, #tpu.memory_space<vmem>>, vector<16xi32>,
      %swap3A_886 = arith.constant 10 : i32
      %swap3A_887 = arith.index_cast %swap3A_886 : i32 to index
      %swap3A_888 = arith.constant 0 : index
      %swap3A_889 = tpu.vector_load %arg13[%swap3A_887, %swap3A_888] {strides = array<i32>} : memref<64x16xi32, #tpu.memory_space<vmem>>, vector<16xi32>,
      tpu.vector_store %arg13[%swap3A_887, %swap3A_888], %broadcast_in_dim3A_1 {strides = array<i32>} : memref<64x16xi32, #tpu.memory_space<vmem>>, vector<16xi32>,
      %swap3A_890 = arith.constant 11 : i32
      %swap3A_891 = arith.index_cast %swap3A_890 : i32 to index
      %swap3A_892 = arith.constant 0 : index
      %swap3A_893 = tpu.vector_load %arg13[%swap3A_891, %swap3A_892] {strides = array<i32>} : memref<64x16xi32, #tpu.memory_space<vmem>>, vector<16xi32>,
      tpu.vector_store %arg13[%swap3A_891, %swap3A_892], %broadcast_in_dim3A_1 {strides = array<i32>} : memref<64x16xi32, #tpu.memory_space<vmem>>, vector<16xi32>,
      %swap3A_894 = arith.constant 12 : i32
      %swap3A_895 = arith.index_cast %swap3A_894 : i32 to index
      %swap3A_896 = arith.constant 0 : index
      %swap3A_897 = tpu.vector_load %arg13[%swap3A_895, %swap3A_896] {strides = array<i32>} : memref<64x16xi32, #tpu.memory_space<vmem>>, vector<16xi32>,
      tpu.vector_store %arg13[%swap3A_895, %swap3A_896], %broadcast_in_dim3A_1 {strides = array<i32>} : memref<64x16xi32, #tpu.memory_space<vmem>>, vector<16xi32>,
      %swap3A_898 = arith.constant 13 : i32
      %swap3A_899 = arith.index_cast %swap3A_898 : i32 to index
      %swap3A_900 = arith.constant 0 : index
      %swap3A_901 = tpu.vector_load %arg13[%swap3A_899, %swap3A_900] {strides = array<i32>} : memref<64x16xi32, #tpu.memory_space<vmem>>, vector<16xi32>,
      tpu.vector_store %arg13[%swap3A_899, %swap3A_900], %broadcast_in_dim3A_1 {strides = array<i32>} : memref<64x16xi32, #tpu.memory_space<vmem>>, vector<16xi32>,
      %swap3A_902 = arith.constant 14 : i32
      %swap3A_903 = arith.index_cast %swap3A_902 : i32 to index
      %swap3A_904 = arith.constant 0 : index
      %swap3A_905 = tpu.vector_load %arg13[%swap3A_903, %swap3A_904] {strides = array<i32>} : memref<64x16xi32, #tpu.memory_space<vmem>>, vector<16xi32>,
      tpu.vector_store %arg13[%swap3A_903, %swap3A_904], %broadcast_in_dim3A_1 {strides = array<i32>} : memref<64x16xi32, #tpu.memory_space<vmem>>, vector<16xi32>,
      %swap3A_906 = arith.constant 15 : i32
      %swap3A_907 = arith.index_cast %swap3A_906 : i32 to index
      %swap3A_908 = arith.constant 0 : index
      %swap3A_909 = tpu.vector_load %arg13[%swap3A_907, %swap3A_908] {strides = array<i32>} : memref<64x16xi32, #tpu.memory_space<vmem>>, vector<16xi32>,
      tpu.vector_store %arg13[%swap3A_907, %swap3A_908], %broadcast_in_dim3A_1 {strides = array<i32>} : memref<64x16xi32, #tpu.memory_space<vmem>>, vector<16xi32>,
      %swap3A_910 = arith.constant 16 : i32
      %swap3A_911 = arith.index_cast %swap3A_910 : i32 to index
      %swap3A_912 = arith.constant 0 : index
      %swap3A_913 = tpu.vector_load %arg13[%swap3A_911, %swap3A_912] {strides = array<i32>} : memref<64x16xi32, #tpu.memory_space<vmem>>, vector<16xi32>,
      tpu.vector_store %arg13[%swap3A_911, %swap3A_912], %broadcast_in_dim3A_1 {strides = array<i32>} : memref<64x16xi32, #tpu.memory_space<vmem>>, vector<16xi32>,
      %swap3A_914 = arith.constant 17 : i32
      %swap3A_915 = arith.index_cast %swap3A_914 : i32 to index
      %swap3A_916 = arith.constant 0 : index
      %swap3A_917 = tpu.vector_load %arg13[%swap3A_915, %swap3A_916] {strides = array<i32>} : memref<64x16xi32, #tpu.memory_space<vmem>>, vector<16xi32>,
      tpu.vector_store %arg13[%swap3A_915, %swap3A_916], %broadcast_in_dim3A_1 {strides = array<i32>} : memref<64x16xi32, #tpu.memory_space<vmem>>, vector<16xi32>,
      %swap3A_918 = arith.constant 18 : i32
      %swap3A_919 = arith.index_cast %swap3A_918 : i32 to index
      %swap3A_920 = arith.constant 0 : index
      %swap3A_921 = tpu.vector_load %arg13[%swap3A_919, %swap3A_920] {strides = array<i32>} : memref<64x16xi32, #tpu.memory_space<vmem>>, vector<16xi32>,
      tpu.vector_store %arg13[%swap3A_919, %swap3A_920], %broadcast_in_dim3A_1 {strides = array<i32>} : memref<64x16xi32, #tpu.memory_space<vmem>>, vector<16xi32>,
      %swap3A_922 = arith.constant 19 : i32
      %swap3A_923 = arith.index_cast %swap3A_922 : i32 to index
      %swap3A_924 = arith.constant 0 : index
      %swap3A_925 = tpu.vector_load %arg13[%swap3A_923, %swap3A_924] {strides = array<i32>} : memref<64x16xi32, #tpu.memory_space<vmem>>, vector<16xi32>,
      tpu.vector_store %arg13[%swap3A_923, %swap3A_924], %broadcast_in_dim3A_1 {strides = array<i32>} : memref<64x16xi32, #tpu.memory_space<vmem>>, vector<16xi32>,
      %swap3A_926 = arith.constant 20 : i32
      %swap3A_927 = arith.index_cast %swap3A_926 : i32 to index
      %swap3A_928 = arith.constant 0 : index
      %swap3A_929 = tpu.vector_load %arg13[%swap3A_927, %swap3A_928] {strides = array<i32>} : memref<64x16xi32, #tpu.memory_space<vmem>>, vector<16xi32>,
      tpu.vector_store %arg13[%swap3A_927, %swap3A_928], %broadcast_in_dim3A_1 {strides = array<i32>} : memref<64x16xi32, #tpu.memory_space<vmem>>, vector<16xi32>,
      %swap3A_930 = arith.constant 21 : i32
      %swap3A_931 = arith.index_cast %swap3A_930 : i32 to index
      %swap3A_932 = arith.constant 0 : index
      %swap3A_933 = tpu.vector_load %arg13[%swap3A_931, %swap3A_932] {strides = array<i32>} : memref<64x16xi32, #tpu.memory_space<vmem>>, vector<16xi32>,
      tpu.vector_store %arg13[%swap3A_931, %swap3A_932], %broadcast_in_dim3A_1 {strides = array<i32>} : memref<64x16xi32, #tpu.memory_space<vmem>>, vector<16xi32>,
      %swap3A_934 = arith.constant 22 : i32
      %swap3A_935 = arith.index_cast %swap3A_934 : i32 to index
      %swap3A_936 = arith.constant 0 : index
      %swap3A_937 = tpu.vector_load %arg13[%swap3A_935, %swap3A_936] {strides = array<i32>} : memref<64x16xi32, #tpu.memory_space<vmem>>, vector<16xi32>,
      tpu.vector_store %arg13[%swap3A_935, %swap3A_936], %broadcast_in_dim3A_1 {strides = array<i32>} : memref<64x16xi32, #tpu.memory_space<vmem>>, vector<16xi32>,
      %swap3A_938 = arith.constant 23 : i32
      %swap3A_939 = arith.index_cast %swap3A_938 : i32 to index
      %swap3A_940 = arith.constant 0 : index
      %swap3A_941 = tpu.vector_load %arg13[%swap3A_939, %swap3A_940] {strides = array<i32>} : memref<64x16xi32, #tpu.memory_space<vmem>>, vector<16xi32>,
      tpu.vector_store %arg13[%swap3A_939, %swap3A_940], %broadcast_in_dim3A_1 {strides = array<i32>} : memref<64x16xi32, #tpu.memory_space<vmem>>, vector<16xi32>,
      %swap3A_942 = arith.constant 24 : i32
      %swap3A_943 = arith.index_cast %swap3A_942 : i32 to index
      %swap3A_944 = arith.constant 0 : index
      %swap3A_945 = tpu.vector_load %arg13[%swap3A_943, %swap3A_944] {strides = array<i32>} : memref<64x16xi32, #tpu.memory_space<vmem>>, vector<16xi32>,
      tpu.vector_store %arg13[%swap3A_943, %swap3A_944], %broadcast_in_dim3A_1 {strides = array<i32>} : memref<64x16xi32, #tpu.memory_space<vmem>>, vector<16xi32>,
      %swap3A_946 = arith.constant 25 : i32
      %swap3A_947 = arith.index_cast %swap3A_946 : i32 to index
      %swap3A_948 = arith.constant 0 : index
      %swap3A_949 = tpu.vector_load %arg13[%swap3A_947, %swap3A_948] {strides = array<i32>} : memref<64x16xi32, #tpu.memory_space<vmem>>, vector<16xi32>,
      tpu.vector_store %arg13[%swap3A_947, %swap3A_948], %broadcast_in_dim3A_1 {strides = array<i32>} : memref<64x16xi32, #tpu.memory_space<vmem>>, vector<16xi32>,
      %swap3A_950 = arith.constant 26 : i32
      %swap3A_951 = arith.index_cast %swap3A_950 : i32 to index
      %swap3A_952 = arith.constant 0 : index
      %swap3A_953 = tpu.vector_load %arg13[%swap3A_951, %swap3A_952] {strides = array<i32>} : memref<64x16xi32, #tpu.memory_space<vmem>>, vector<16xi32>,
      tpu.vector_store %arg13[%swap3A_951, %swap3A_952], %broadcast_in_dim3A_1 {strides = array<i32>} : memref<64x16xi32, #tpu.memory_space<vmem>>, vector<16xi32>,
      %swap3A_954 = arith.constant 27 : i32
      %swap3A_955 = arith.index_cast %swap3A_954 : i32 to index
      %swap3A_956 = arith.constant 0 : index
      %swap3A_957 = tpu.vector_load %arg13[%swap3A_955, %swap3A_956] {strides = array<i32>} : memref<64x16xi32, #tpu.memory_space<vmem>>, vector<16xi32>,
      tpu.vector_store %arg13[%swap3A_955, %swap3A_956], %broadcast_in_dim3A_1 {strides = array<i32>} : memref<64x16xi32, #tpu.memory_space<vmem>>, vector<16xi32>,
      %swap3A_958 = arith.constant 28 : i32
      %swap3A_959 = arith.index_cast %swap3A_958 : i32 to index
      %swap3A_960 = arith.constant 0 : index
      %swap3A_961 = tpu.vector_load %arg13[%swap3A_959, %swap3A_960] {strides = array<i32>} : memref<64x16xi32, #tpu.memory_space<vmem>>, vector<16xi32>,
      tpu.vector_store %arg13[%swap3A_959, %swap3A_960], %broadcast_in_dim3A_1 {strides = array<i32>} : memref<64x16xi32, #tpu.memory_space<vmem>>, vector<16xi32>,
      %swap3A_962 = arith.constant 29 : i32
      %swap3A_963 = arith.index_cast %swap3A_962 : i32 to index
      %swap3A_964 = arith.constant 0 : index
      %swap3A_965 = tpu.vector_load %arg13[%swap3A_963, %swap3A_964] {strides = array<i32>} : memref<64x16xi32, #tpu.memory_space<vmem>>, vector<16xi32>,
      tpu.vector_store %arg13[%swap3A_963, %swap3A_964], %broadcast_in_dim3A_1 {strides = array<i32>} : memref<64x16xi32, #tpu.memory_space<vmem>>, vector<16xi32>,
      %swap3A_966 = arith.constant 30 : i32
      %swap3A_967 = arith.index_cast %swap3A_966 : i32 to index
      %swap3A_968 = arith.constant 0 : index
      %swap3A_969 = tpu.vector_load %arg13[%swap3A_967, %swap3A_968] {strides = array<i32>} : memref<64x16xi32, #tpu.memory_space<vmem>>, vector<16xi32>,
      tpu.vector_store %arg13[%swap3A_967, %swap3A_968], %broadcast_in_dim3A_1 {strides = array<i32>} : memref<64x16xi32, #tpu.memory_space<vmem>>, vector<16xi32>,
      %swap3A_970 = arith.constant 31 : i32
      %swap3A_971 = arith.index_cast %swap3A_970 : i32 to index
      %swap3A_972 = arith.constant 0 : index
      %swap3A_973 = tpu.vector_load %arg13[%swap3A_971, %swap3A_972] {strides = array<i32>} : memref<64x16xi32, #tpu.memory_space<vmem>>, vector<16xi32>,
      tpu.vector_store %arg13[%swap3A_971, %swap3A_972], %broadcast_in_dim3A_1 {strides = array<i32>} : memref<64x16xi32, #tpu.memory_space<vmem>>, vector<16xi32>,
      %swap3A_974 = arith.constant 32 : i32
      %swap3A_975 = arith.index_cast %swap3A_974 : i32 to index
      %swap3A_976 = arith.constant 0 : index
      %swap3A_977 = tpu.vector_load %arg13[%swap3A_975, %swap3A_976] {strides = array<i32>} : memref<64x16xi32, #tpu.memory_space<vmem>>, vector<16xi32>,
      tpu.vector_store %arg13[%swap3A_975, %swap3A_976], %broadcast_in_dim3A_1 {strides = array<i32>} : memref<64x16xi32, #tpu.memory_space<vmem>>, vector<16xi32>,
      %swap3A_978 = arith.constant 33 : i32
      %swap3A_979 = arith.index_cast %swap3A_978 : i32 to index
      %swap3A_980 = arith.constant 0 : index
      %swap3A_981 = tpu.vector_load %arg13[%swap3A_979, %swap3A_980] {strides = array<i32>} : memref<64x16xi32, #tpu.memory_space<vmem>>, vector<16xi32>,
      tpu.vector_store %arg13[%swap3A_979, %swap3A_980], %broadcast_in_dim3A_1 {strides = array<i32>} : memref<64x16xi32, #tpu.memory_space<vmem>>, vector<16xi32>,
      %swap3A_982 = arith.constant 34 : i32
      %swap3A_983 = arith.index_cast %swap3A_982 : i32 to index
      %swap3A_984 = arith.constant 0 : index
      %swap3A_985 = tpu.vector_load %arg13[%swap3A_983, %swap3A_984] {strides = array<i32>} : memref<64x16xi32, #tpu.memory_space<vmem>>, vector<16xi32>,
      tpu.vector_store %arg13[%swap3A_983, %swap3A_984], %broadcast_in_dim3A_1 {strides = array<i32>} : memref<64x16xi32, #tpu.memory_space<vmem>>, vector<16xi32>,
      %swap3A_986 = arith.constant 35 : i32
      %swap3A_987 = arith.index_cast %swap3A_986 : i32 to index
      %swap3A_988 = arith.constant 0 : index
      %swap3A_989 = tpu.vector_load %arg13[%swap3A_987, %swap3A_988] {strides = array<i32>} : memref<64x16xi32, #tpu.memory_space<vmem>>, vector<16xi32>,
      tpu.vector_store %arg13[%swap3A_987, %swap3A_988], %broadcast_in_dim3A_1 {strides = array<i32>} : memref<64x16xi32, #tpu.memory_space<vmem>>, vector<16xi32>,
      %swap3A_990 = arith.constant 36 : i32
      %swap3A_991 = arith.index_cast %swap3A_990 : i32 to index
      %swap3A_992 = arith.constant 0 : index
      %swap3A_993 = tpu.vector_load %arg13[%swap3A_991, %swap3A_992] {strides = array<i32>} : memref<64x16xi32, #tpu.memory_space<vmem>>, vector<16xi32>,
      tpu.vector_store %arg13[%swap3A_991, %swap3A_992], %broadcast_in_dim3A_1 {strides = array<i32>} : memref<64x16xi32, #tpu.memory_space<vmem>>, vector<16xi32>,
      %swap3A_994 = arith.constant 37 : i32
      %swap3A_995 = arith.index_cast %swap3A_994 : i32 to index
      %swap3A_996 = arith.constant 0 : index
      %swap3A_997 = tpu.vector_load %arg13[%swap3A_995, %swap3A_996] {strides = array<i32>} : memref<64x16xi32, #tpu.memory_space<vmem>>, vector<16xi32>,
      tpu.vector_store %arg13[%swap3A_995, %swap3A_996], %broadcast_in_dim3A_1 {strides = array<i32>} : memref<64x16xi32, #tpu.memory_space<vmem>>, vector<16xi32>,
      %swap3A_998 = arith.constant 38 : i32
      %swap3A_999 = arith.index_cast %swap3A_998 : i32 to index
      %swap3A_1000 = arith.constant 0 : index
      %swap3A_1001 = tpu.vector_load %arg13[%swap3A_999, %swap3A_1000] {strides = array<i32>} : memref<64x16xi32, #tpu.memory_space<vmem>>, vector<16xi32>,
      tpu.vector_store %arg13[%swap3A_999, %swap3A_1000], %broadcast_in_dim3A_1 {strides = array<i32>} : memref<64x16xi32, #tpu.memory_space<vmem>>, vector<16xi32>,
      %swap3A_1002 = arith.constant 39 : i32
      %swap3A_1003 = arith.index_cast %swap3A_1002 : i32 to index
      %swap3A_1004 = arith.constant 0 : index
      %swap3A_1005 = tpu.vector_load %arg13[%swap3A_1003, %swap3A_1004] {strides = array<i32>} : memref<64x16xi32, #tpu.memory_space<vmem>>, vector<16xi32>,
      tpu.vector_store %arg13[%swap3A_1003, %swap3A_1004], %broadcast_in_dim3A_1 {strides = array<i32>} : memref<64x16xi32, #tpu.memory_space<vmem>>, vector<16xi32>,
      %swap3A_1006 = arith.constant 40 : i32
      %swap3A_1007 = arith.index_cast %swap3A_1006 : i32 to index
      %swap3A_1008 = arith.constant 0 : index
      %swap3A_1009 = tpu.vector_load %arg13[%swap3A_1007, %swap3A_1008] {strides = array<i32>} : memref<64x16xi32, #tpu.memory_space<vmem>>, vector<16xi32>,
      tpu.vector_store %arg13[%swap3A_1007, %swap3A_1008], %broadcast_in_dim3A_1 {strides = array<i32>} : memref<64x16xi32, #tpu.memory_space<vmem>>, vector<16xi32>,
      %swap3A_1010 = arith.constant 41 : i32
      %swap3A_1011 = arith.index_cast %swap3A_1010 : i32 to index
      %swap3A_1012 = arith.constant 0 : index
      %swap3A_1013 = tpu.vector_load %arg13[%swap3A_1011, %swap3A_1012] {strides = array<i32>} : memref<64x16xi32, #tpu.memory_space<vmem>>, vector<16xi32>,
      tpu.vector_store %arg13[%swap3A_1011, %swap3A_1012], %broadcast_in_dim3A_1 {strides = array<i32>} : memref<64x16xi32, #tpu.memory_space<vmem>>, vector<16xi32>,
      %swap3A_1014 = arith.constant 42 : i32
      %swap3A_1015 = arith.index_cast %swap3A_1014 : i32 to index
      %swap3A_1016 = arith.constant 0 : index
      %swap3A_1017 = tpu.vector_load %arg13[%swap3A_1015, %swap3A_1016] {strides = array<i32>} : memref<64x16xi32, #tpu.memory_space<vmem>>, vector<16xi32>,
      tpu.vector_store %arg13[%swap3A_1015, %swap3A_1016], %broadcast_in_dim3A_1 {strides = array<i32>} : memref<64x16xi32, #tpu.memory_space<vmem>>, vector<16xi32>,
      %swap3A_1018 = arith.constant 43 : i32
      %swap3A_1019 = arith.index_cast %swap3A_1018 : i32 to index
      %swap3A_1020 = arith.constant 0 : index
      %swap3A_1021 = tpu.vector_load %arg13[%swap3A_1019, %swap3A_1020] {strides = array<i32>} : memref<64x16xi32, #tpu.memory_space<vmem>>, vector<16xi32>,
      tpu.vector_store %arg13[%swap3A_1019, %swap3A_1020], %broadcast_in_dim3A_1 {strides = array<i32>} : memref<64x16xi32, #tpu.memory_space<vmem>>, vector<16xi32>,
      %swap3A_1022 = arith.constant 44 : i32
      %swap3A_1023 = arith.index_cast %swap3A_1022 : i32 to index
      %swap3A_1024 = arith.constant 0 : index
      %swap3A_1025 = tpu.vector_load %arg13[%swap3A_1023, %swap3A_1024] {strides = array<i32>} : memref<64x16xi32, #tpu.memory_space<vmem>>, vector<16xi32>,
      tpu.vector_store %arg13[%swap3A_1023, %swap3A_1024], %broadcast_in_dim3A_1 {strides = array<i32>} : memref<64x16xi32, #tpu.memory_space<vmem>>, vector<16xi32>,
      %swap3A_1026 = arith.constant 45 : i32
      %swap3A_1027 = arith.index_cast %swap3A_1026 : i32 to index
      %swap3A_1028 = arith.constant 0 : index
      %swap3A_1029 = tpu.vector_load %arg13[%swap3A_1027, %swap3A_1028] {strides = array<i32>} : memref<64x16xi32, #tpu.memory_space<vmem>>, vector<16xi32>,
      tpu.vector_store %arg13[%swap3A_1027, %swap3A_1028], %broadcast_in_dim3A_1 {strides = array<i32>} : memref<64x16xi32, #tpu.memory_space<vmem>>, vector<16xi32>,
      %swap3A_1030 = arith.constant 46 : i32
      %swap3A_1031 = arith.index_cast %swap3A_1030 : i32 to index
      %swap3A_1032 = arith.constant 0 : index
      %swap3A_1033 = tpu.vector_load %arg13[%swap3A_1031, %swap3A_1032] {strides = array<i32>} : memref<64x16xi32, #tpu.memory_space<vmem>>, vector<16xi32>,
      tpu.vector_store %arg13[%swap3A_1031, %swap3A_1032], %broadcast_in_dim3A_1 {strides = array<i32>} : memref<64x16xi32, #tpu.memory_space<vmem>>, vector<16xi32>,
      %swap3A_1034 = arith.constant 47 : i32
      %swap3A_1035 = arith.index_cast %swap3A_1034 : i32 to index
      %swap3A_1036 = arith.constant 0 : index
      %swap3A_1037 = tpu.vector_load %arg13[%swap3A_1035, %swap3A_1036] {strides = array<i32>} : memref<64x16xi32, #tpu.memory_space<vmem>>, vector<16xi32>,
      tpu.vector_store %arg13[%swap3A_1035, %swap3A_1036], %broadcast_in_dim3A_1 {strides = array<i32>} : memref<64x16xi32, #tpu.memory_space<vmem>>, vector<16xi32>,
      %swap3A_1038 = arith.constant 48 : i32
      %swap3A_1039 = arith.index_cast %swap3A_1038 : i32 to index
      %swap3A_1040 = arith.constant 0 : index
      %swap3A_1041 = tpu.vector_load %arg13[%swap3A_1039, %swap3A_1040] {strides = array<i32>} : memref<64x16xi32, #tpu.memory_space<vmem>>, vector<16xi32>,
      tpu.vector_store %arg13[%swap3A_1039, %swap3A_1040], %broadcast_in_dim3A_1 {strides = array<i32>} : memref<64x16xi32, #tpu.memory_space<vmem>>, vector<16xi32>,
      %swap3A_1042 = arith.constant 49 : i32
      %swap3A_1043 = arith.index_cast %swap3A_1042 : i32 to index
      %swap3A_1044 = arith.constant 0 : index
      %swap3A_1045 = tpu.vector_load %arg13[%swap3A_1043, %swap3A_1044] {strides = array<i32>} : memref<64x16xi32, #tpu.memory_space<vmem>>, vector<16xi32>,
      tpu.vector_store %arg13[%swap3A_1043, %swap3A_1044], %broadcast_in_dim3A_1 {strides = array<i32>} : memref<64x16xi32, #tpu.memory_space<vmem>>, vector<16xi32>,
      %swap3A_1046 = arith.constant 50 : i32
      %swap3A_1047 = arith.index_cast %swap3A_1046 : i32 to index
      %swap3A_1048 = arith.constant 0 : index
      %swap3A_1049 = tpu.vector_load %arg13[%swap3A_1047, %swap3A_1048] {strides = array<i32>} : memref<64x16xi32, #tpu.memory_space<vmem>>, vector<16xi32>,
      tpu.vector_store %arg13[%swap3A_1047, %swap3A_1048], %broadcast_in_dim3A_1 {strides = array<i32>} : memref<64x16xi32, #tpu.memory_space<vmem>>, vector<16xi32>,
      %swap3A_1050 = arith.constant 51 : i32
      %swap3A_1051 = arith.index_cast %swap3A_1050 : i32 to index
      %swap3A_1052 = arith.constant 0 : index
      %swap3A_1053 = tpu.vector_load %arg13[%swap3A_1051, %swap3A_1052] {strides = array<i32>} : memref<64x16xi32, #tpu.memory_space<vmem>>, vector<16xi32>,
      tpu.vector_store %arg13[%swap3A_1051, %swap3A_1052], %broadcast_in_dim3A_1 {strides = array<i32>} : memref<64x16xi32, #tpu.memory_space<vmem>>, vector<16xi32>,
      %swap3A_1054 = arith.constant 52 : i32
      %swap3A_1055 = arith.index_cast %swap3A_1054 : i32 to index
      %swap3A_1056 = arith.constant 0 : index
      %swap3A_1057 = tpu.vector_load %arg13[%swap3A_1055, %swap3A_1056] {strides = array<i32>} : memref<64x16xi32, #tpu.memory_space<vmem>>, vector<16xi32>,
      tpu.vector_store %arg13[%swap3A_1055, %swap3A_1056], %broadcast_in_dim3A_1 {strides = array<i32>} : memref<64x16xi32, #tpu.memory_space<vmem>>, vector<16xi32>,
      %swap3A_1058 = arith.constant 53 : i32
      %swap3A_1059 = arith.index_cast %swap3A_1058 : i32 to index
      %swap3A_1060 = arith.constant 0 : index
      %swap3A_1061 = tpu.vector_load %arg13[%swap3A_1059, %swap3A_1060] {strides = array<i32>} : memref<64x16xi32, #tpu.memory_space<vmem>>, vector<16xi32>,
      tpu.vector_store %arg13[%swap3A_1059, %swap3A_1060], %broadcast_in_dim3A_1 {strides = array<i32>} : memref<64x16xi32, #tpu.memory_space<vmem>>, vector<16xi32>,
      %swap3A_1062 = arith.constant 54 : i32
      %swap3A_1063 = arith.index_cast %swap3A_1062 : i32 to index
      %swap3A_1064 = arith.constant 0 : index
      %swap3A_1065 = tpu.vector_load %arg13[%swap3A_1063, %swap3A_1064] {strides = array<i32>} : memref<64x16xi32, #tpu.memory_space<vmem>>, vector<16xi32>,
      tpu.vector_store %arg13[%swap3A_1063, %swap3A_1064], %broadcast_in_dim3A_1 {strides = array<i32>} : memref<64x16xi32, #tpu.memory_space<vmem>>, vector<16xi32>,
      %swap3A_1066 = arith.constant 55 : i32
      %swap3A_1067 = arith.index_cast %swap3A_1066 : i32 to index
      %swap3A_1068 = arith.constant 0 : index
      %swap3A_1069 = tpu.vector_load %arg13[%swap3A_1067, %swap3A_1068] {strides = array<i32>} : memref<64x16xi32, #tpu.memory_space<vmem>>, vector<16xi32>,
      tpu.vector_store %arg13[%swap3A_1067, %swap3A_1068], %broadcast_in_dim3A_1 {strides = array<i32>} : memref<64x16xi32, #tpu.memory_space<vmem>>, vector<16xi32>,
      %swap3A_1070 = arith.constant 56 : i32
      %swap3A_1071 = arith.index_cast %swap3A_1070 : i32 to index
      %swap3A_1072 = arith.constant 0 : index
      %swap3A_1073 = tpu.vector_load %arg13[%swap3A_1071, %swap3A_1072] {strides = array<i32>} : memref<64x16xi32, #tpu.memory_space<vmem>>, vector<16xi32>,
      tpu.vector_store %arg13[%swap3A_1071, %swap3A_1072], %broadcast_in_dim3A_1 {strides = array<i32>} : memref<64x16xi32, #tpu.memory_space<vmem>>, vector<16xi32>,
      %swap3A_1074 = arith.constant 57 : i32
      %swap3A_1075 = arith.index_cast %swap3A_1074 : i32 to index
      %swap3A_1076 = arith.constant 0 : index
      %swap3A_1077 = tpu.vector_load %arg13[%swap3A_1075, %swap3A_1076] {strides = array<i32>} : memref<64x16xi32, #tpu.memory_space<vmem>>, vector<16xi32>,
      tpu.vector_store %arg13[%swap3A_1075, %swap3A_1076], %broadcast_in_dim3A_1 {strides = array<i32>} : memref<64x16xi32, #tpu.memory_space<vmem>>, vector<16xi32>,
      %swap3A_1078 = arith.constant 58 : i32
      %swap3A_1079 = arith.index_cast %swap3A_1078 : i32 to index
      %swap3A_1080 = arith.constant 0 : index
      %swap3A_1081 = tpu.vector_load %arg13[%swap3A_1079, %swap3A_1080] {strides = array<i32>} : memref<64x16xi32, #tpu.memory_space<vmem>>, vector<16xi32>,
      tpu.vector_store %arg13[%swap3A_1079, %swap3A_1080], %broadcast_in_dim3A_1 {strides = array<i32>} : memref<64x16xi32, #tpu.memory_space<vmem>>, vector<16xi32>,
      %swap3A_1082 = arith.constant 59 : i32
      %swap3A_1083 = arith.index_cast %swap3A_1082 : i32 to index
      %swap3A_1084 = arith.constant 0 : index
      %swap3A_1085 = tpu.vector_load %arg13[%swap3A_1083, %swap3A_1084] {strides = array<i32>} : memref<64x16xi32, #tpu.memory_space<vmem>>, vector<16xi32>,
      tpu.vector_store %arg13[%swap3A_1083, %swap3A_1084], %broadcast_in_dim3A_1 {strides = array<i32>} : memref<64x16xi32, #tpu.memory_space<vmem>>, vector<16xi32>,
      %swap3A_1086 = arith.constant 60 : i32
      %swap3A_1087 = arith.index_cast %swap3A_1086 : i32 to index
      %swap3A_1088 = arith.constant 0 : index
      %swap3A_1089 = tpu.vector_load %arg13[%swap3A_1087, %swap3A_1088] {strides = array<i32>} : memref<64x16xi32, #tpu.memory_space<vmem>>, vector<16xi32>,
      tpu.vector_store %arg13[%swap3A_1087, %swap3A_1088], %broadcast_in_dim3A_1 {strides = array<i32>} : memref<64x16xi32, #tpu.memory_space<vmem>>, vector<16xi32>,
      %swap3A_1090 = arith.constant 61 : i32
      %swap3A_1091 = arith.index_cast %swap3A_1090 : i32 to index
      %swap3A_1092 = arith.constant 0 : index
      %swap3A_1093 = tpu.vector_load %arg13[%swap3A_1091, %swap3A_1092] {strides = array<i32>} : memref<64x16xi32, #tpu.memory_space<vmem>>, vector<16xi32>,
      tpu.vector_store %arg13[%swap3A_1091, %swap3A_1092], %broadcast_in_dim3A_1 {strides = array<i32>} : memref<64x16xi32, #tpu.memory_space<vmem>>, vector<16xi32>,
      %swap3A_1094 = arith.constant 62 : i32
      %swap3A_1095 = arith.index_cast %swap3A_1094 : i32 to index
      %swap3A_1096 = arith.constant 0 : index
      %swap3A_1097 = tpu.vector_load %arg13[%swap3A_1095, %swap3A_1096] {strides = array<i32>} : memref<64x16xi32, #tpu.memory_space<vmem>>, vector<16xi32>,
      tpu.vector_store %arg13[%swap3A_1095, %swap3A_1096], %broadcast_in_dim3A_1 {strides = array<i32>} : memref<64x16xi32, #tpu.memory_space<vmem>>, vector<16xi32>,
      %swap3A_1098 = arith.constant 63 : i32
      %swap3A_1099 = arith.index_cast %swap3A_1098 : i32 to index
      %swap3A_1100 = arith.constant 0 : index
      %swap3A_1101 = tpu.vector_load %arg13[%swap3A_1099, %swap3A_1100] {strides = array<i32>} : memref<64x16xi32, #tpu.memory_space<vmem>>, vector<16xi32>,
      tpu.vector_store %arg13[%swap3A_1099, %swap3A_1100], %broadcast_in_dim3A_1 {strides = array<i32>} : memref<64x16xi32, #tpu.memory_space<vmem>>, vector<16xi32>,
      %scan3A_1102 = arith.constant 1 : i32
      %scan3A_1103 = arith.constant 0 : i32
      %scan3A_1104 = arith.constant 128 : i32
      %scan3A_1105 = arith.addi %scan3A_1103, %scan3A_1104 : i32
      %scan3A_1106 = arith.constant 8 : i32
      %scan3A_1107 = scf.for %scan3A_1252 = %scan3A_1103 to %scan3A_1105 step %scan3A_1106 iter_args(%scan3A_1253 = %broadcast_in_dim3A_3) -> (vector<16xf32>)  : i32 {
        %get3A = arith.constant 0 : i32
        %get3A_1254 = arith.constant 0 : i32
        %get3A_1255 = tpu.memref_slice %arg8[%scan3A_1102, %get3A, %get3A_1254] : memref<2x128x16xf32, #tpu.memory_space<vmem>> -> memref<1x128x16xf32, #tpu.memory_space<vmem>>
        %get3A_1256 = tpu.memref_squeeze %get3A_1255 : memref<1x128x16xf32, #tpu.memory_space<vmem>> -> memref<128x16xf32, #tpu.memory_space<vmem>>
        %get3A_1257 = arith.index_cast %scan3A_1252 : i32 to index
        %get3A_1258 = arith.constant 0 : index
        %get3A_1259 = tpu.vector_load %get3A_1256[%get3A_1257, %get3A_1258] {strides = array<i32>} : memref<128x16xf32, #tpu.memory_space<vmem>>, vector<16xf32>,
        %add3A_1260 = arith.addf %scan3A_1253, %get3A_1259 : vector<16xf32>
        %add3A_1261 = arith.constant 9.99999974E-6 : f32
        %add3A_1262 = vector.broadcast %add3A_1261 : f32 to vector<16xf32>
        %add3A_1263 = arith.addf %add3A_1260, %add3A_1262 : vector<16xf32>
        %swap3A_1264 = arith.index_cast %scan3A_1252 : i32 to index
        %swap3A_1265 = arith.constant 0 : index
        %swap3A_1266 = tpu.vector_load %arg12[%swap3A_1264, %swap3A_1265] {strides = array<i32>} : memref<128x16xf32, #tpu.memory_space<vmem>>, vector<16xf32>,
        tpu.vector_store %arg12[%swap3A_1264, %swap3A_1265], %add3A_1263 {strides = array<i32>} : memref<128x16xf32, #tpu.memory_space<vmem>>, vector<16xf32>,
        %scan3A_1267 = arith.constant 1 : i32
        %scan3A_1268 = arith.addi %scan3A_1252, %scan3A_1267 : i32
        %get3A_1269 = arith.constant 0 : i32
        %get3A_1270 = arith.constant 0 : i32
        %get3A_1271 = tpu.memref_slice %arg8[%scan3A_1102, %get3A_1269, %get3A_1270] : memref<2x128x16xf32, #tpu.memory_space<vmem>> -> memref<1x128x16xf32, #tpu.memory_space<vmem>>
        %get3A_1272 = tpu.memref_squeeze %get3A_1271 : memref<1x128x16xf32, #tpu.memory_space<vmem>> -> memref<128x16xf32, #tpu.memory_space<vmem>>
        %get3A_1273 = arith.index_cast %scan3A_1268 : i32 to index
        %get3A_1274 = arith.constant 0 : index
        %get3A_1275 = tpu.vector_load %get3A_1272[%get3A_1273, %get3A_1274] {strides = array<i32>} : memref<128x16xf32, #tpu.memory_space<vmem>>, vector<16xf32>,
        %add3A_1276 = arith.addf %add3A_1263, %get3A_1275 : vector<16xf32>
        %add3A_1277 = arith.constant 9.99999974E-6 : f32
        %add3A_1278 = vector.broadcast %add3A_1277 : f32 to vector<16xf32>
        %add3A_1279 = arith.addf %add3A_1276, %add3A_1278 : vector<16xf32>
        %swap3A_1280 = arith.index_cast %scan3A_1268 : i32 to index
        %swap3A_1281 = arith.constant 0 : index
        %swap3A_1282 = tpu.vector_load %arg12[%swap3A_1280, %swap3A_1281] {strides = array<i32>} : memref<128x16xf32, #tpu.memory_space<vmem>>, vector<16xf32>,
        tpu.vector_store %arg12[%swap3A_1280, %swap3A_1281], %add3A_1279 {strides = array<i32>} : memref<128x16xf32, #tpu.memory_space<vmem>>, vector<16xf32>,
        %scan3A_1283 = arith.constant 2 : i32
        %scan3A_1284 = arith.addi %scan3A_1252, %scan3A_1283 : i32
        %get3A_1285 = arith.constant 0 : i32
        %get3A_1286 = arith.constant 0 : i32
        %get3A_1287 = tpu.memref_slice %arg8[%scan3A_1102, %get3A_1285, %get3A_1286] : memref<2x128x16xf32, #tpu.memory_space<vmem>> -> memref<1x128x16xf32, #tpu.memory_space<vmem>>
        %get3A_1288 = tpu.memref_squeeze %get3A_1287 : memref<1x128x16xf32, #tpu.memory_space<vmem>> -> memref<128x16xf32, #tpu.memory_space<vmem>>
        %get3A_1289 = arith.index_cast %scan3A_1284 : i32 to index
        %get3A_1290 = arith.constant 0 : index
        %get3A_1291 = tpu.vector_load %get3A_1288[%get3A_1289, %get3A_1290] {strides = array<i32>} : memref<128x16xf32, #tpu.memory_space<vmem>>, vector<16xf32>,
        %add3A_1292 = arith.addf %add3A_1279, %get3A_1291 : vector<16xf32>
        %add3A_1293 = arith.constant 9.99999974E-6 : f32
        %add3A_1294 = vector.broadcast %add3A_1293 : f32 to vector<16xf32>
        %add3A_1295 = arith.addf %add3A_1292, %add3A_1294 : vector<16xf32>
        %swap3A_1296 = arith.index_cast %scan3A_1284 : i32 to index
        %swap3A_1297 = arith.constant 0 : index
        %swap3A_1298 = tpu.vector_load %arg12[%swap3A_1296, %swap3A_1297] {strides = array<i32>} : memref<128x16xf32, #tpu.memory_space<vmem>>, vector<16xf32>,
        tpu.vector_store %arg12[%swap3A_1296, %swap3A_1297], %add3A_1295 {strides = array<i32>} : memref<128x16xf32, #tpu.memory_space<vmem>>, vector<16xf32>,
        %scan3A_1299 = arith.constant 3 : i32
        %scan3A_1300 = arith.addi %scan3A_1252, %scan3A_1299 : i32
        %get3A_1301 = arith.constant 0 : i32
        %get3A_1302 = arith.constant 0 : i32
        %get3A_1303 = tpu.memref_slice %arg8[%scan3A_1102, %get3A_1301, %get3A_1302] : memref<2x128x16xf32, #tpu.memory_space<vmem>> -> memref<1x128x16xf32, #tpu.memory_space<vmem>>
        %get3A_1304 = tpu.memref_squeeze %get3A_1303 : memref<1x128x16xf32, #tpu.memory_space<vmem>> -> memref<128x16xf32, #tpu.memory_space<vmem>>
        %get3A_1305 = arith.index_cast %scan3A_1300 : i32 to index
        %get3A_1306 = arith.constant 0 : index
        %get3A_1307 = tpu.vector_load %get3A_1304[%get3A_1305, %get3A_1306] {strides = array<i32>} : memref<128x16xf32, #tpu.memory_space<vmem>>, vector<16xf32>,
        %add3A_1308 = arith.addf %add3A_1295, %get3A_1307 : vector<16xf32>
        %add3A_1309 = arith.constant 9.99999974E-6 : f32
        %add3A_1310 = vector.broadcast %add3A_1309 : f32 to vector<16xf32>
        %add3A_1311 = arith.addf %add3A_1308, %add3A_1310 : vector<16xf32>
        %swap3A_1312 = arith.index_cast %scan3A_1300 : i32 to index
        %swap3A_1313 = arith.constant 0 : index
        %swap3A_1314 = tpu.vector_load %arg12[%swap3A_1312, %swap3A_1313] {strides = array<i32>} : memref<128x16xf32, #tpu.memory_space<vmem>>, vector<16xf32>,
        tpu.vector_store %arg12[%swap3A_1312, %swap3A_1313], %add3A_1311 {strides = array<i32>} : memref<128x16xf32, #tpu.memory_space<vmem>>, vector<16xf32>,
        %scan3A_1315 = arith.constant 4 : i32
        %scan3A_1316 = arith.addi %scan3A_1252, %scan3A_1315 : i32
        %get3A_1317 = arith.constant 0 : i32
        %get3A_1318 = arith.constant 0 : i32
        %get3A_1319 = tpu.memref_slice %arg8[%scan3A_1102, %get3A_1317, %get3A_1318] : memref<2x128x16xf32, #tpu.memory_space<vmem>> -> memref<1x128x16xf32, #tpu.memory_space<vmem>>
        %get3A_1320 = tpu.memref_squeeze %get3A_1319 : memref<1x128x16xf32, #tpu.memory_space<vmem>> -> memref<128x16xf32, #tpu.memory_space<vmem>>
        %get3A_1321 = arith.index_cast %scan3A_1316 : i32 to index
        %get3A_1322 = arith.constant 0 : index
        %get3A_1323 = tpu.vector_load %get3A_1320[%get3A_1321, %get3A_1322] {strides = array<i32>} : memref<128x16xf32, #tpu.memory_space<vmem>>, vector<16xf32>,
        %add3A_1324 = arith.addf %add3A_1311, %get3A_1323 : vector<16xf32>
        %add3A_1325 = arith.constant 9.99999974E-6 : f32
        %add3A_1326 = vector.broadcast %add3A_1325 : f32 to vector<16xf32>
        %add3A_1327 = arith.addf %add3A_1324, %add3A_1326 : vector<16xf32>
        %swap3A_1328 = arith.index_cast %scan3A_1316 : i32 to index
        %swap3A_1329 = arith.constant 0 : index
        %swap3A_1330 = tpu.vector_load %arg12[%swap3A_1328, %swap3A_1329] {strides = array<i32>} : memref<128x16xf32, #tpu.memory_space<vmem>>, vector<16xf32>,
        tpu.vector_store %arg12[%swap3A_1328, %swap3A_1329], %add3A_1327 {strides = array<i32>} : memref<128x16xf32, #tpu.memory_space<vmem>>, vector<16xf32>,
        %scan3A_1331 = arith.constant 5 : i32
        %scan3A_1332 = arith.addi %scan3A_1252, %scan3A_1331 : i32
        %get3A_1333 = arith.constant 0 : i32
        %get3A_1334 = arith.constant 0 : i32
        %get3A_1335 = tpu.memref_slice %arg8[%scan3A_1102, %get3A_1333, %get3A_1334] : memref<2x128x16xf32, #tpu.memory_space<vmem>> -> memref<1x128x16xf32, #tpu.memory_space<vmem>>
        %get3A_1336 = tpu.memref_squeeze %get3A_1335 : memref<1x128x16xf32, #tpu.memory_space<vmem>> -> memref<128x16xf32, #tpu.memory_space<vmem>>
        %get3A_1337 = arith.index_cast %scan3A_1332 : i32 to index
        %get3A_1338 = arith.constant 0 : index
        %get3A_1339 = tpu.vector_load %get3A_1336[%get3A_1337, %get3A_1338] {strides = array<i32>} : memref<128x16xf32, #tpu.memory_space<vmem>>, vector<16xf32>,
        %add3A_1340 = arith.addf %add3A_1327, %get3A_1339 : vector<16xf32>
        %add3A_1341 = arith.constant 9.99999974E-6 : f32
        %add3A_1342 = vector.broadcast %add3A_1341 : f32 to vector<16xf32>
        %add3A_1343 = arith.addf %add3A_1340, %add3A_1342 : vector<16xf32>
        %swap3A_1344 = arith.index_cast %scan3A_1332 : i32 to index
        %swap3A_1345 = arith.constant 0 : index
        %swap3A_1346 = tpu.vector_load %arg12[%swap3A_1344, %swap3A_1345] {strides = array<i32>} : memref<128x16xf32, #tpu.memory_space<vmem>>, vector<16xf32>,
        tpu.vector_store %arg12[%swap3A_1344, %swap3A_1345], %add3A_1343 {strides = array<i32>} : memref<128x16xf32, #tpu.memory_space<vmem>>, vector<16xf32>,
        %scan3A_1347 = arith.constant 6 : i32
        %scan3A_1348 = arith.addi %scan3A_1252, %scan3A_1347 : i32
        %get3A_1349 = arith.constant 0 : i32
        %get3A_1350 = arith.constant 0 : i32
        %get3A_1351 = tpu.memref_slice %arg8[%scan3A_1102, %get3A_1349, %get3A_1350] : memref<2x128x16xf32, #tpu.memory_space<vmem>> -> memref<1x128x16xf32, #tpu.memory_space<vmem>>
        %get3A_1352 = tpu.memref_squeeze %get3A_1351 : memref<1x128x16xf32, #tpu.memory_space<vmem>> -> memref<128x16xf32, #tpu.memory_space<vmem>>
        %get3A_1353 = arith.index_cast %scan3A_1348 : i32 to index
        %get3A_1354 = arith.constant 0 : index
        %get3A_1355 = tpu.vector_load %get3A_1352[%get3A_1353, %get3A_1354] {strides = array<i32>} : memref<128x16xf32, #tpu.memory_space<vmem>>, vector<16xf32>,
        %add3A_1356 = arith.addf %add3A_1343, %get3A_1355 : vector<16xf32>
        %add3A_1357 = arith.constant 9.99999974E-6 : f32
        %add3A_1358 = vector.broadcast %add3A_1357 : f32 to vector<16xf32>
        %add3A_1359 = arith.addf %add3A_1356, %add3A_1358 : vector<16xf32>
        %swap3A_1360 = arith.index_cast %scan3A_1348 : i32 to index
        %swap3A_1361 = arith.constant 0 : index
        %swap3A_1362 = tpu.vector_load %arg12[%swap3A_1360, %swap3A_1361] {strides = array<i32>} : memref<128x16xf32, #tpu.memory_space<vmem>>, vector<16xf32>,
        tpu.vector_store %arg12[%swap3A_1360, %swap3A_1361], %add3A_1359 {strides = array<i32>} : memref<128x16xf32, #tpu.memory_space<vmem>>, vector<16xf32>,
        %scan3A_1363 = arith.constant 7 : i32
        %scan3A_1364 = arith.addi %scan3A_1252, %scan3A_1363 : i32
        %get3A_1365 = arith.constant 0 : i32
        %get3A_1366 = arith.constant 0 : i32
        %get3A_1367 = tpu.memref_slice %arg8[%scan3A_1102, %get3A_1365, %get3A_1366] : memref<2x128x16xf32, #tpu.memory_space<vmem>> -> memref<1x128x16xf32, #tpu.memory_space<vmem>>
        %get3A_1368 = tpu.memref_squeeze %get3A_1367 : memref<1x128x16xf32, #tpu.memory_space<vmem>> -> memref<128x16xf32, #tpu.memory_space<vmem>>
        %get3A_1369 = arith.index_cast %scan3A_1364 : i32 to index
        %get3A_1370 = arith.constant 0 : index
        %get3A_1371 = tpu.vector_load %get3A_1368[%get3A_1369, %get3A_1370] {strides = array<i32>} : memref<128x16xf32, #tpu.memory_space<vmem>>, vector<16xf32>,
        %add3A_1372 = arith.addf %add3A_1359, %get3A_1371 : vector<16xf32>
        %add3A_1373 = arith.constant 9.99999974E-6 : f32
        %add3A_1374 = vector.broadcast %add3A_1373 : f32 to vector<16xf32>
        %add3A_1375 = arith.addf %add3A_1372, %add3A_1374 : vector<16xf32>
        %swap3A_1376 = arith.index_cast %scan3A_1364 : i32 to index
        %swap3A_1377 = arith.constant 0 : index
        %swap3A_1378 = tpu.vector_load %arg12[%swap3A_1376, %swap3A_1377] {strides = array<i32>} : memref<128x16xf32, #tpu.memory_space<vmem>>, vector<16xf32>,
        tpu.vector_store %arg12[%swap3A_1376, %swap3A_1377], %add3A_1375 {strides = array<i32>} : memref<128x16xf32, #tpu.memory_space<vmem>>, vector<16xf32>,
        scf.yield %add3A_1375 : vector<16xf32>
      }
      %scan3A_1108 = arith.constant 128 : i32
      %div3A_1109 = arith.constant 1.000000e+00 : f32
      %div3A_1110 = vector.broadcast %div3A_1109 : f32 to vector<16xf32>
      %div3A_1111 = arith.divf %div3A_1110, %scan3A_1107 : vector<16xf32>
      %mul3A_1112 = arith.constant 6.300000e+01 : f32
      %mul3A_1113 = vector.broadcast %mul3A_1112 : f32 to vector<16xf32>
      %mul3A_1114 = arith.mulf %div3A_1111, %mul3A_1113 : vector<16xf32>
      %scan3A_1115 = arith.constant 0 : i32
      %scan3A_1116 = arith.constant 128 : i32
      %scan3A_1117 = arith.addi %scan3A_1115, %scan3A_1116 : i32
      %scan3A_1118 = arith.constant 8 : i32
      %scan3A_1119 = scf.for %scan3A_1252 = %scan3A_1115 to %scan3A_1117 step %scan3A_1118 iter_args(%scan3A_1253 = %broadcast_in_dim3A_1) -> (vector<16xi32>)  : i32 {
        %get3A = arith.index_cast %scan3A_1252 : i32 to index
        %get3A_1254 = arith.constant 0 : index
        %get3A_1255 = tpu.vector_load %arg12[%get3A, %get3A_1254] {strides = array<i32>} : memref<128x16xf32, #tpu.memory_space<vmem>>, vector<16xf32>,
        %mul3A_1256 = arith.mulf %get3A_1255, %mul3A_1114 : vector<16xf32>
        %convert_element_type3A = arith.fptosi %mul3A_1256 : vector<16xf32> to vector<16xi32>
        %convert_element_type3A_1257 = arith.sitofp %convert_element_type3A : vector<16xi32> to vector<16xf32>
        %gt3A = arith.cmpf ogt, %mul3A_1256, %convert_element_type3A_1257 : vector<16xf32>
        %add3A_1258 = arith.constant 1 : i32
        %add3A_1259 = vector.broadcast %add3A_1258 : i32 to vector<16xi32>
        %add3A_1260 = arith.addi %convert_element_type3A, %add3A_1259 : vector<16xi32>
        %select_n3A = arith.select %gt3A, %add3A_1260, %convert_element_type3A : vector<16xi1>, vector<16xi32>
        %min3A_1261 = arith.constant 64 : i32
        %min3A_1262 = vector.broadcast %min3A_1261 : i32 to vector<16xi32>
        %min3A_1263 = arith.minsi %select_n3A, %min3A_1262 : vector<16xi32>
        %gt3A_1264 = arith.cmpi sgt, %min3A_1263, %scan3A_1253 : vector<16xi32>
        %min3A_1265 = arith.constant 63 : i32
        %min3A_1266 = vector.broadcast %min3A_1265 : i32 to vector<16xi32>
        %min3A_1267 = arith.minsi %scan3A_1253, %min3A_1266 : vector<16xi32>
        %broadcast_in_dim3A_1268 = vector.broadcast %scan3A_1252 : i32 to vector<16xi32>
        tpu.vector_store_idx %arg13[%min3A_1267, %iota3A], %broadcast_in_dim3A_1268 masked %gt3A_1264 : memref<64x16xi32, #tpu.memory_space<vmem>>[vector<16xi32>, vector<16xi32>], vector<16xi32>, vector<16xi1>
        %scan3A_1269 = arith.constant 1 : i32
        %scan3A_1270 = arith.addi %scan3A_1252, %scan3A_1269 : i32
        %get3A_1271 = arith.index_cast %scan3A_1270 : i32 to index
        %get3A_1272 = arith.constant 0 : index
        %get3A_1273 = tpu.vector_load %arg12[%get3A_1271, %get3A_1272] {strides = array<i32>} : memref<128x16xf32, #tpu.memory_space<vmem>>, vector<16xf32>,
        %mul3A_1274 = arith.mulf %get3A_1273, %mul3A_1114 : vector<16xf32>
        %convert_element_type3A_1275 = arith.fptosi %mul3A_1274 : vector<16xf32> to vector<16xi32>
        %convert_element_type3A_1276 = arith.sitofp %convert_element_type3A_1275 : vector<16xi32> to vector<16xf32>
        %gt3A_1277 = arith.cmpf ogt, %mul3A_1274, %convert_element_type3A_1276 : vector<16xf32>
        %add3A_1278 = arith.constant 1 : i32
        %add3A_1279 = vector.broadcast %add3A_1278 : i32 to vector<16xi32>
        %add3A_1280 = arith.addi %convert_element_type3A_1275, %add3A_1279 : vector<16xi32>
        %select_n3A_1281 = arith.select %gt3A_1277, %add3A_1280, %convert_element_type3A_1275 : vector<16xi1>, vector<16xi32>
        %min3A_1282 = arith.constant 64 : i32
        %min3A_1283 = vector.broadcast %min3A_1282 : i32 to vector<16xi32>
        %min3A_1284 = arith.minsi %select_n3A_1281, %min3A_1283 : vector<16xi32>
        %gt3A_1285 = arith.cmpi sgt, %min3A_1284, %min3A_1263 : vector<16xi32>
        %min3A_1286 = arith.constant 63 : i32
        %min3A_1287 = vector.broadcast %min3A_1286 : i32 to vector<16xi32>
        %min3A_1288 = arith.minsi %min3A_1263, %min3A_1287 : vector<16xi32>
        %broadcast_in_dim3A_1289 = vector.broadcast %scan3A_1270 : i32 to vector<16xi32>
        tpu.vector_store_idx %arg13[%min3A_1288, %iota3A], %broadcast_in_dim3A_1289 masked %gt3A_1285 : memref<64x16xi32, #tpu.memory_space<vmem>>[vector<16xi32>, vector<16xi32>], vector<16xi32>, vector<16xi1>
        %scan3A_1290 = arith.constant 2 : i32
        %scan3A_1291 = arith.addi %scan3A_1252, %scan3A_1290 : i32
        %get3A_1292 = arith.index_cast %scan3A_1291 : i32 to index
        %get3A_1293 = arith.constant 0 : index
        %get3A_1294 = tpu.vector_load %arg12[%get3A_1292, %get3A_1293] {strides = array<i32>} : memref<128x16xf32, #tpu.memory_space<vmem>>, vector<16xf32>,
        %mul3A_1295 = arith.mulf %get3A_1294, %mul3A_1114 : vector<16xf32>
        %convert_element_type3A_1296 = arith.fptosi %mul3A_1295 : vector<16xf32> to vector<16xi32>
        %convert_element_type3A_1297 = arith.sitofp %convert_element_type3A_1296 : vector<16xi32> to vector<16xf32>
        %gt3A_1298 = arith.cmpf ogt, %mul3A_1295, %convert_element_type3A_1297 : vector<16xf32>
        %add3A_1299 = arith.constant 1 : i32
        %add3A_1300 = vector.broadcast %add3A_1299 : i32 to vector<16xi32>
        %add3A_1301 = arith.addi %convert_element_type3A_1296, %add3A_1300 : vector<16xi32>
        %select_n3A_1302 = arith.select %gt3A_1298, %add3A_1301, %convert_element_type3A_1296 : vector<16xi1>, vector<16xi32>
        %min3A_1303 = arith.constant 64 : i32
        %min3A_1304 = vector.broadcast %min3A_1303 : i32 to vector<16xi32>
        %min3A_1305 = arith.minsi %select_n3A_1302, %min3A_1304 : vector<16xi32>
        %gt3A_1306 = arith.cmpi sgt, %min3A_1305, %min3A_1284 : vector<16xi32>
        %min3A_1307 = arith.constant 63 : i32
        %min3A_1308 = vector.broadcast %min3A_1307 : i32 to vector<16xi32>
        %min3A_1309 = arith.minsi %min3A_1284, %min3A_1308 : vector<16xi32>
        %broadcast_in_dim3A_1310 = vector.broadcast %scan3A_1291 : i32 to vector<16xi32>
        tpu.vector_store_idx %arg13[%min3A_1309, %iota3A], %broadcast_in_dim3A_1310 masked %gt3A_1306 : memref<64x16xi32, #tpu.memory_space<vmem>>[vector<16xi32>, vector<16xi32>], vector<16xi32>, vector<16xi1>
        %scan3A_1311 = arith.constant 3 : i32
        %scan3A_1312 = arith.addi %scan3A_1252, %scan3A_1311 : i32
        %get3A_1313 = arith.index_cast %scan3A_1312 : i32 to index
        %get3A_1314 = arith.constant 0 : index
        %get3A_1315 = tpu.vector_load %arg12[%get3A_1313, %get3A_1314] {strides = array<i32>} : memref<128x16xf32, #tpu.memory_space<vmem>>, vector<16xf32>,
        %mul3A_1316 = arith.mulf %get3A_1315, %mul3A_1114 : vector<16xf32>
        %convert_element_type3A_1317 = arith.fptosi %mul3A_1316 : vector<16xf32> to vector<16xi32>
        %convert_element_type3A_1318 = arith.sitofp %convert_element_type3A_1317 : vector<16xi32> to vector<16xf32>
        %gt3A_1319 = arith.cmpf ogt, %mul3A_1316, %convert_element_type3A_1318 : vector<16xf32>
        %add3A_1320 = arith.constant 1 : i32
        %add3A_1321 = vector.broadcast %add3A_1320 : i32 to vector<16xi32>
        %add3A_1322 = arith.addi %convert_element_type3A_1317, %add3A_1321 : vector<16xi32>
        %select_n3A_1323 = arith.select %gt3A_1319, %add3A_1322, %convert_element_type3A_1317 : vector<16xi1>, vector<16xi32>
        %min3A_1324 = arith.constant 64 : i32
        %min3A_1325 = vector.broadcast %min3A_1324 : i32 to vector<16xi32>
        %min3A_1326 = arith.minsi %select_n3A_1323, %min3A_1325 : vector<16xi32>
        %gt3A_1327 = arith.cmpi sgt, %min3A_1326, %min3A_1305 : vector<16xi32>
        %min3A_1328 = arith.constant 63 : i32
        %min3A_1329 = vector.broadcast %min3A_1328 : i32 to vector<16xi32>
        %min3A_1330 = arith.minsi %min3A_1305, %min3A_1329 : vector<16xi32>
        %broadcast_in_dim3A_1331 = vector.broadcast %scan3A_1312 : i32 to vector<16xi32>
        tpu.vector_store_idx %arg13[%min3A_1330, %iota3A], %broadcast_in_dim3A_1331 masked %gt3A_1327 : memref<64x16xi32, #tpu.memory_space<vmem>>[vector<16xi32>, vector<16xi32>], vector<16xi32>, vector<16xi1>
        %scan3A_1332 = arith.constant 4 : i32
        %scan3A_1333 = arith.addi %scan3A_1252, %scan3A_1332 : i32
        %get3A_1334 = arith.index_cast %scan3A_1333 : i32 to index
        %get3A_1335 = arith.constant 0 : index
        %get3A_1336 = tpu.vector_load %arg12[%get3A_1334, %get3A_1335] {strides = array<i32>} : memref<128x16xf32, #tpu.memory_space<vmem>>, vector<16xf32>,
        %mul3A_1337 = arith.mulf %get3A_1336, %mul3A_1114 : vector<16xf32>
        %convert_element_type3A_1338 = arith.fptosi %mul3A_1337 : vector<16xf32> to vector<16xi32>
        %convert_element_type3A_1339 = arith.sitofp %convert_element_type3A_1338 : vector<16xi32> to vector<16xf32>
        %gt3A_1340 = arith.cmpf ogt, %mul3A_1337, %convert_element_type3A_1339 : vector<16xf32>
        %add3A_1341 = arith.constant 1 : i32
        %add3A_1342 = vector.broadcast %add3A_1341 : i32 to vector<16xi32>
        %add3A_1343 = arith.addi %convert_element_type3A_1338, %add3A_1342 : vector<16xi32>
        %select_n3A_1344 = arith.select %gt3A_1340, %add3A_1343, %convert_element_type3A_1338 : vector<16xi1>, vector<16xi32>
        %min3A_1345 = arith.constant 64 : i32
        %min3A_1346 = vector.broadcast %min3A_1345 : i32 to vector<16xi32>
        %min3A_1347 = arith.minsi %select_n3A_1344, %min3A_1346 : vector<16xi32>
        %gt3A_1348 = arith.cmpi sgt, %min3A_1347, %min3A_1326 : vector<16xi32>
        %min3A_1349 = arith.constant 63 : i32
        %min3A_1350 = vector.broadcast %min3A_1349 : i32 to vector<16xi32>
        %min3A_1351 = arith.minsi %min3A_1326, %min3A_1350 : vector<16xi32>
        %broadcast_in_dim3A_1352 = vector.broadcast %scan3A_1333 : i32 to vector<16xi32>
        tpu.vector_store_idx %arg13[%min3A_1351, %iota3A], %broadcast_in_dim3A_1352 masked %gt3A_1348 : memref<64x16xi32, #tpu.memory_space<vmem>>[vector<16xi32>, vector<16xi32>], vector<16xi32>, vector<16xi1>
        %scan3A_1353 = arith.constant 5 : i32
        %scan3A_1354 = arith.addi %scan3A_1252, %scan3A_1353 : i32
        %get3A_1355 = arith.index_cast %scan3A_1354 : i32 to index
        %get3A_1356 = arith.constant 0 : index
        %get3A_1357 = tpu.vector_load %arg12[%get3A_1355, %get3A_1356] {strides = array<i32>} : memref<128x16xf32, #tpu.memory_space<vmem>>, vector<16xf32>,
        %mul3A_1358 = arith.mulf %get3A_1357, %mul3A_1114 : vector<16xf32>
        %convert_element_type3A_1359 = arith.fptosi %mul3A_1358 : vector<16xf32> to vector<16xi32>
        %convert_element_type3A_1360 = arith.sitofp %convert_element_type3A_1359 : vector<16xi32> to vector<16xf32>
        %gt3A_1361 = arith.cmpf ogt, %mul3A_1358, %convert_element_type3A_1360 : vector<16xf32>
        %add3A_1362 = arith.constant 1 : i32
        %add3A_1363 = vector.broadcast %add3A_1362 : i32 to vector<16xi32>
        %add3A_1364 = arith.addi %convert_element_type3A_1359, %add3A_1363 : vector<16xi32>
        %select_n3A_1365 = arith.select %gt3A_1361, %add3A_1364, %convert_element_type3A_1359 : vector<16xi1>, vector<16xi32>
        %min3A_1366 = arith.constant 64 : i32
        %min3A_1367 = vector.broadcast %min3A_1366 : i32 to vector<16xi32>
        %min3A_1368 = arith.minsi %select_n3A_1365, %min3A_1367 : vector<16xi32>
        %gt3A_1369 = arith.cmpi sgt, %min3A_1368, %min3A_1347 : vector<16xi32>
        %min3A_1370 = arith.constant 63 : i32
        %min3A_1371 = vector.broadcast %min3A_1370 : i32 to vector<16xi32>
        %min3A_1372 = arith.minsi %min3A_1347, %min3A_1371 : vector<16xi32>
        %broadcast_in_dim3A_1373 = vector.broadcast %scan3A_1354 : i32 to vector<16xi32>
        tpu.vector_store_idx %arg13[%min3A_1372, %iota3A], %broadcast_in_dim3A_1373 masked %gt3A_1369 : memref<64x16xi32, #tpu.memory_space<vmem>>[vector<16xi32>, vector<16xi32>], vector<16xi32>, vector<16xi1>
        %scan3A_1374 = arith.constant 6 : i32
        %scan3A_1375 = arith.addi %scan3A_1252, %scan3A_1374 : i32
        %get3A_1376 = arith.index_cast %scan3A_1375 : i32 to index
        %get3A_1377 = arith.constant 0 : index
        %get3A_1378 = tpu.vector_load %arg12[%get3A_1376, %get3A_1377] {strides = array<i32>} : memref<128x16xf32, #tpu.memory_space<vmem>>, vector<16xf32>,
        %mul3A_1379 = arith.mulf %get3A_1378, %mul3A_1114 : vector<16xf32>
        %convert_element_type3A_1380 = arith.fptosi %mul3A_1379 : vector<16xf32> to vector<16xi32>
        %convert_element_type3A_1381 = arith.sitofp %convert_element_type3A_1380 : vector<16xi32> to vector<16xf32>
        %gt3A_1382 = arith.cmpf ogt, %mul3A_1379, %convert_element_type3A_1381 : vector<16xf32>
        %add3A_1383 = arith.constant 1 : i32
        %add3A_1384 = vector.broadcast %add3A_1383 : i32 to vector<16xi32>
        %add3A_1385 = arith.addi %convert_element_type3A_1380, %add3A_1384 : vector<16xi32>
        %select_n3A_1386 = arith.select %gt3A_1382, %add3A_1385, %convert_element_type3A_1380 : vector<16xi1>, vector<16xi32>
        %min3A_1387 = arith.constant 64 : i32
        %min3A_1388 = vector.broadcast %min3A_1387 : i32 to vector<16xi32>
        %min3A_1389 = arith.minsi %select_n3A_1386, %min3A_1388 : vector<16xi32>
        %gt3A_1390 = arith.cmpi sgt, %min3A_1389, %min3A_1368 : vector<16xi32>
        %min3A_1391 = arith.constant 63 : i32
        %min3A_1392 = vector.broadcast %min3A_1391 : i32 to vector<16xi32>
        %min3A_1393 = arith.minsi %min3A_1368, %min3A_1392 : vector<16xi32>
        %broadcast_in_dim3A_1394 = vector.broadcast %scan3A_1375 : i32 to vector<16xi32>
        tpu.vector_store_idx %arg13[%min3A_1393, %iota3A], %broadcast_in_dim3A_1394 masked %gt3A_1390 : memref<64x16xi32, #tpu.memory_space<vmem>>[vector<16xi32>, vector<16xi32>], vector<16xi32>, vector<16xi1>
        %scan3A_1395 = arith.constant 7 : i32
        %scan3A_1396 = arith.addi %scan3A_1252, %scan3A_1395 : i32
        %get3A_1397 = arith.index_cast %scan3A_1396 : i32 to index
        %get3A_1398 = arith.constant 0 : index
        %get3A_1399 = tpu.vector_load %arg12[%get3A_1397, %get3A_1398] {strides = array<i32>} : memref<128x16xf32, #tpu.memory_space<vmem>>, vector<16xf32>,
        %mul3A_1400 = arith.mulf %get3A_1399, %mul3A_1114 : vector<16xf32>
        %convert_element_type3A_1401 = arith.fptosi %mul3A_1400 : vector<16xf32> to vector<16xi32>
        %convert_element_type3A_1402 = arith.sitofp %convert_element_type3A_1401 : vector<16xi32> to vector<16xf32>
        %gt3A_1403 = arith.cmpf ogt, %mul3A_1400, %convert_element_type3A_1402 : vector<16xf32>
        %add3A_1404 = arith.constant 1 : i32
        %add3A_1405 = vector.broadcast %add3A_1404 : i32 to vector<16xi32>
        %add3A_1406 = arith.addi %convert_element_type3A_1401, %add3A_1405 : vector<16xi32>
        %select_n3A_1407 = arith.select %gt3A_1403, %add3A_1406, %convert_element_type3A_1401 : vector<16xi1>, vector<16xi32>
        %min3A_1408 = arith.constant 64 : i32
        %min3A_1409 = vector.broadcast %min3A_1408 : i32 to vector<16xi32>
        %min3A_1410 = arith.minsi %select_n3A_1407, %min3A_1409 : vector<16xi32>
        %gt3A_1411 = arith.cmpi sgt, %min3A_1410, %min3A_1389 : vector<16xi32>
        %min3A_1412 = arith.constant 63 : i32
        %min3A_1413 = vector.broadcast %min3A_1412 : i32 to vector<16xi32>
        %min3A_1414 = arith.minsi %min3A_1389, %min3A_1413 : vector<16xi32>
        %broadcast_in_dim3A_1415 = vector.broadcast %scan3A_1396 : i32 to vector<16xi32>
        tpu.vector_store_idx %arg13[%min3A_1414, %iota3A], %broadcast_in_dim3A_1415 masked %gt3A_1411 : memref<64x16xi32, #tpu.memory_space<vmem>>[vector<16xi32>, vector<16xi32>], vector<16xi32>, vector<16xi1>
        scf.yield %min3A_1410 : vector<16xi32>
      }
      %scan3A_1120 = arith.constant 128 : i32
      %le3A_1121 = arith.constant 63 : i32
      %le3A_1122 = vector.broadcast %le3A_1121 : i32 to vector<16xi32>
      %le3A_1123 = arith.cmpi sle, %scan3A_1119, %le3A_1122 : vector<16xi32>
      %min3A_1124 = arith.constant 63 : i32
      %min3A_1125 = vector.broadcast %min3A_1124 : i32 to vector<16xi32>
      %min3A_1126 = arith.minsi %scan3A_1119, %min3A_1125 : vector<16xi32>
      %broadcast_in_dim3A_1127 = arith.constant 128 : i32
      %broadcast_in_dim3A_1128 = vector.broadcast %broadcast_in_dim3A_1127 : i32 to vector<16xi32>
      tpu.vector_store_idx %arg13[%min3A_1126, %iota3A], %broadcast_in_dim3A_1128 masked %le3A_1123 : memref<64x16xi32, #tpu.memory_space<vmem>>[vector<16xi32>, vector<16xi32>], vector<16xi32>, vector<16xi1>
      %scan3A_1129 = arith.constant 0 : i32
      %scan3A_1130 = arith.constant 64 : i32
      %scan3A_1131 = arith.addi %scan3A_1129, %scan3A_1130 : i32
      %scan3A_1132 = arith.constant 8 : i32
      %scan3A_1133 = scf.for %scan3A_1252 = %scan3A_1129 to %scan3A_1131 step %scan3A_1132 iter_args(%scan3A_1253 = %broadcast_in_dim3A_1) -> (vector<16xi32>)  : i32 {
        %get3A = arith.index_cast %scan3A_1252 : i32 to index
        %get3A_1254 = arith.constant 0 : index
        %get3A_1255 = tpu.vector_load %arg13[%get3A, %get3A_1254] {strides = array<i32>} : memref<64x16xi32, #tpu.memory_space<vmem>>, vector<16xi32>,
        %max3A = arith.maxsi %scan3A_1253, %get3A_1255 : vector<16xi32>
        %swap3A_1256 = arith.index_cast %scan3A_1252 : i32 to index
        %swap3A_1257 = arith.constant 0 : index
        %swap3A_1258 = tpu.vector_load %arg13[%swap3A_1256, %swap3A_1257] {strides = array<i32>} : memref<64x16xi32, #tpu.memory_space<vmem>>, vector<16xi32>,
        tpu.vector_store %arg13[%swap3A_1256, %swap3A_1257], %max3A {strides = array<i32>} : memref<64x16xi32, #tpu.memory_space<vmem>>, vector<16xi32>,
        %scan3A_1259 = arith.constant 1 : i32
        %scan3A_1260 = arith.addi %scan3A_1252, %scan3A_1259 : i32
        %get3A_1261 = arith.index_cast %scan3A_1260 : i32 to index
        %get3A_1262 = arith.constant 0 : index
        %get3A_1263 = tpu.vector_load %arg13[%get3A_1261, %get3A_1262] {strides = array<i32>} : memref<64x16xi32, #tpu.memory_space<vmem>>, vector<16xi32>,
        %max3A_1264 = arith.maxsi %max3A, %get3A_1263 : vector<16xi32>
        %swap3A_1265 = arith.index_cast %scan3A_1260 : i32 to index
        %swap3A_1266 = arith.constant 0 : index
        %swap3A_1267 = tpu.vector_load %arg13[%swap3A_1265, %swap3A_1266] {strides = array<i32>} : memref<64x16xi32, #tpu.memory_space<vmem>>, vector<16xi32>,
        tpu.vector_store %arg13[%swap3A_1265, %swap3A_1266], %max3A_1264 {strides = array<i32>} : memref<64x16xi32, #tpu.memory_space<vmem>>, vector<16xi32>,
        %scan3A_1268 = arith.constant 2 : i32
        %scan3A_1269 = arith.addi %scan3A_1252, %scan3A_1268 : i32
        %get3A_1270 = arith.index_cast %scan3A_1269 : i32 to index
        %get3A_1271 = arith.constant 0 : index
        %get3A_1272 = tpu.vector_load %arg13[%get3A_1270, %get3A_1271] {strides = array<i32>} : memref<64x16xi32, #tpu.memory_space<vmem>>, vector<16xi32>,
        %max3A_1273 = arith.maxsi %max3A_1264, %get3A_1272 : vector<16xi32>
        %swap3A_1274 = arith.index_cast %scan3A_1269 : i32 to index
        %swap3A_1275 = arith.constant 0 : index
        %swap3A_1276 = tpu.vector_load %arg13[%swap3A_1274, %swap3A_1275] {strides = array<i32>} : memref<64x16xi32, #tpu.memory_space<vmem>>, vector<16xi32>,
        tpu.vector_store %arg13[%swap3A_1274, %swap3A_1275], %max3A_1273 {strides = array<i32>} : memref<64x16xi32, #tpu.memory_space<vmem>>, vector<16xi32>,
        %scan3A_1277 = arith.constant 3 : i32
        %scan3A_1278 = arith.addi %scan3A_1252, %scan3A_1277 : i32
        %get3A_1279 = arith.index_cast %scan3A_1278 : i32 to index
        %get3A_1280 = arith.constant 0 : index
        %get3A_1281 = tpu.vector_load %arg13[%get3A_1279, %get3A_1280] {strides = array<i32>} : memref<64x16xi32, #tpu.memory_space<vmem>>, vector<16xi32>,
        %max3A_1282 = arith.maxsi %max3A_1273, %get3A_1281 : vector<16xi32>
        %swap3A_1283 = arith.index_cast %scan3A_1278 : i32 to index
        %swap3A_1284 = arith.constant 0 : index
        %swap3A_1285 = tpu.vector_load %arg13[%swap3A_1283, %swap3A_1284] {strides = array<i32>} : memref<64x16xi32, #tpu.memory_space<vmem>>, vector<16xi32>,
        tpu.vector_store %arg13[%swap3A_1283, %swap3A_1284], %max3A_1282 {strides = array<i32>} : memref<64x16xi32, #tpu.memory_space<vmem>>, vector<16xi32>,
        %scan3A_1286 = arith.constant 4 : i32
        %scan3A_1287 = arith.addi %scan3A_1252, %scan3A_1286 : i32
        %get3A_1288 = arith.index_cast %scan3A_1287 : i32 to index
        %get3A_1289 = arith.constant 0 : index
        %get3A_1290 = tpu.vector_load %arg13[%get3A_1288, %get3A_1289] {strides = array<i32>} : memref<64x16xi32, #tpu.memory_space<vmem>>, vector<16xi32>,
        %max3A_1291 = arith.maxsi %max3A_1282, %get3A_1290 : vector<16xi32>
        %swap3A_1292 = arith.index_cast %scan3A_1287 : i32 to index
        %swap3A_1293 = arith.constant 0 : index
        %swap3A_1294 = tpu.vector_load %arg13[%swap3A_1292, %swap3A_1293] {strides = array<i32>} : memref<64x16xi32, #tpu.memory_space<vmem>>, vector<16xi32>,
        tpu.vector_store %arg13[%swap3A_1292, %swap3A_1293], %max3A_1291 {strides = array<i32>} : memref<64x16xi32, #tpu.memory_space<vmem>>, vector<16xi32>,
        %scan3A_1295 = arith.constant 5 : i32
        %scan3A_1296 = arith.addi %scan3A_1252, %scan3A_1295 : i32
        %get3A_1297 = arith.index_cast %scan3A_1296 : i32 to index
        %get3A_1298 = arith.constant 0 : index
        %get3A_1299 = tpu.vector_load %arg13[%get3A_1297, %get3A_1298] {strides = array<i32>} : memref<64x16xi32, #tpu.memory_space<vmem>>, vector<16xi32>,
        %max3A_1300 = arith.maxsi %max3A_1291, %get3A_1299 : vector<16xi32>
        %swap3A_1301 = arith.index_cast %scan3A_1296 : i32 to index
        %swap3A_1302 = arith.constant 0 : index
        %swap3A_1303 = tpu.vector_load %arg13[%swap3A_1301, %swap3A_1302] {strides = array<i32>} : memref<64x16xi32, #tpu.memory_space<vmem>>, vector<16xi32>,
        tpu.vector_store %arg13[%swap3A_1301, %swap3A_1302], %max3A_1300 {strides = array<i32>} : memref<64x16xi32, #tpu.memory_space<vmem>>, vector<16xi32>,
        %scan3A_1304 = arith.constant 6 : i32
        %scan3A_1305 = arith.addi %scan3A_1252, %scan3A_1304 : i32
        %get3A_1306 = arith.index_cast %scan3A_1305 : i32 to index
        %get3A_1307 = arith.constant 0 : index
        %get3A_1308 = tpu.vector_load %arg13[%get3A_1306, %get3A_1307] {strides = array<i32>} : memref<64x16xi32, #tpu.memory_space<vmem>>, vector<16xi32>,
        %max3A_1309 = arith.maxsi %max3A_1300, %get3A_1308 : vector<16xi32>
        %swap3A_1310 = arith.index_cast %scan3A_1305 : i32 to index
        %swap3A_1311 = arith.constant 0 : index
        %swap3A_1312 = tpu.vector_load %arg13[%swap3A_1310, %swap3A_1311] {strides = array<i32>} : memref<64x16xi32, #tpu.memory_space<vmem>>, vector<16xi32>,
        tpu.vector_store %arg13[%swap3A_1310, %swap3A_1311], %max3A_1309 {strides = array<i32>} : memref<64x16xi32, #tpu.memory_space<vmem>>, vector<16xi32>,
        %scan3A_1313 = arith.constant 7 : i32
        %scan3A_1314 = arith.addi %scan3A_1252, %scan3A_1313 : i32
        %get3A_1315 = arith.index_cast %scan3A_1314 : i32 to index
        %get3A_1316 = arith.constant 0 : index
        %get3A_1317 = tpu.vector_load %arg13[%get3A_1315, %get3A_1316] {strides = array<i32>} : memref<64x16xi32, #tpu.memory_space<vmem>>, vector<16xi32>,
        %max3A_1318 = arith.maxsi %max3A_1309, %get3A_1317 : vector<16xi32>
        %swap3A_1319 = arith.index_cast %scan3A_1314 : i32 to index
        %swap3A_1320 = arith.constant 0 : index
        %swap3A_1321 = tpu.vector_load %arg13[%swap3A_1319, %swap3A_1320] {strides = array<i32>} : memref<64x16xi32, #tpu.memory_space<vmem>>, vector<16xi32>,
        tpu.vector_store %arg13[%swap3A_1319, %swap3A_1320], %max3A_1318 {strides = array<i32>} : memref<64x16xi32, #tpu.memory_space<vmem>>, vector<16xi32>,
        scf.yield %max3A_1318 : vector<16xi32>
      }
      %scan3A_1134 = arith.constant 64 : i32
      %gather3A_1135 = arith.constant 1 : i32
      %gather3A_1136 = arith.constant 0 : i32
      %gather3A_1137 = arith.constant 0 : i32
      %gather3A_1138 = tpu.memref_slice %arg10[%gather3A_1135, %gather3A_1136, %gather3A_1137] : memref<2x16x3xf32, #tpu.memory_space<vmem>> -> memref<1x16x3xf32, #tpu.memory_space<vmem>>
      %gather3A_1139 = tpu.memref_squeeze %gather3A_1138 : memref<1x16x3xf32, #tpu.memory_space<vmem>> -> memref<16x3xf32, #tpu.memory_space<vmem>>
      %gather3A_1140 = tpu.vector_load_idx %gather3A_1139[%iota3A, %broadcast_in_dim3A_1] : memref<16x3xf32, #tpu.memory_space<vmem>>[vector<16xi32>, vector<16xi32>], vector<16xf32>,
      %gather3A_1141 = arith.constant 1 : i32
      %gather3A_1142 = arith.constant 0 : i32
      %gather3A_1143 = arith.constant 0 : i32
      %gather3A_1144 = tpu.memref_slice %arg10[%gather3A_1141, %gather3A_1142, %gather3A_1143] : memref<2x16x3xf32, #tpu.memory_space<vmem>> -> memref<1x16x3xf32, #tpu.memory_space<vmem>>
      %gather3A_1145 = tpu.memref_squeeze %gather3A_1144 : memref<1x16x3xf32, #tpu.memory_space<vmem>> -> memref<16x3xf32, #tpu.memory_space<vmem>>
      %gather3A_1146 = tpu.vector_load_idx %gather3A_1145[%iota3A, %broadcast_in_dim3A_5] : memref<16x3xf32, #tpu.memory_space<vmem>>[vector<16xi32>, vector<16xi32>], vector<16xf32>,
      %gather3A_1147 = arith.constant 1 : i32
      %gather3A_1148 = arith.constant 0 : i32
      %gather3A_1149 = arith.constant 0 : i32
      %gather3A_1150 = tpu.memref_slice %arg10[%gather3A_1147, %gather3A_1148, %gather3A_1149] : memref<2x16x3xf32, #tpu.memory_space<vmem>> -> memref<1x16x3xf32, #tpu.memory_space<vmem>>
      %gather3A_1151 = tpu.memref_squeeze %gather3A_1150 : memref<1x16x3xf32, #tpu.memory_space<vmem>> -> memref<16x3xf32, #tpu.memory_space<vmem>>
      %gather3A_1152 = tpu.vector_load_idx %gather3A_1151[%iota3A, %broadcast_in_dim3A_7] : memref<16x3xf32, #tpu.memory_space<vmem>>[vector<16xi32>, vector<16xi32>], vector<16xf32>,
      %gather3A_1153 = arith.constant 1 : i32
      %gather3A_1154 = arith.constant 0 : i32
      %gather3A_1155 = arith.constant 0 : i32
      %gather3A_1156 = tpu.memref_slice %arg11[%gather3A_1153, %gather3A_1154, %gather3A_1155] : memref<2x16x3xf32, #tpu.memory_space<vmem>> -> memref<1x16x3xf32, #tpu.memory_space<vmem>>
      %gather3A_1157 = tpu.memref_squeeze %gather3A_1156 : memref<1x16x3xf32, #tpu.memory_space<vmem>> -> memref<16x3xf32, #tpu.memory_space<vmem>>
      %gather3A_1158 = tpu.vector_load_idx %gather3A_1157[%iota3A, %broadcast_in_dim3A_1] : memref<16x3xf32, #tpu.memory_space<vmem>>[vector<16xi32>, vector<16xi32>], vector<16xf32>,
      %gather3A_1159 = arith.constant 1 : i32
      %gather3A_1160 = arith.constant 0 : i32
      %gather3A_1161 = arith.constant 0 : i32
      %gather3A_1162 = tpu.memref_slice %arg11[%gather3A_1159, %gather3A_1160, %gather3A_1161] : memref<2x16x3xf32, #tpu.memory_space<vmem>> -> memref<1x16x3xf32, #tpu.memory_space<vmem>>
      %gather3A_1163 = tpu.memref_squeeze %gather3A_1162 : memref<1x16x3xf32, #tpu.memory_space<vmem>> -> memref<16x3xf32, #tpu.memory_space<vmem>>
      %gather3A_1164 = tpu.vector_load_idx %gather3A_1163[%iota3A, %broadcast_in_dim3A_5] : memref<16x3xf32, #tpu.memory_space<vmem>>[vector<16xi32>, vector<16xi32>], vector<16xf32>,
      %gather3A_1165 = arith.constant 1 : i32
      %gather3A_1166 = arith.constant 0 : i32
      %gather3A_1167 = arith.constant 0 : i32
      %gather3A_1168 = tpu.memref_slice %arg11[%gather3A_1165, %gather3A_1166, %gather3A_1167] : memref<2x16x3xf32, #tpu.memory_space<vmem>> -> memref<1x16x3xf32, #tpu.memory_space<vmem>>
      %gather3A_1169 = tpu.memref_squeeze %gather3A_1168 : memref<1x16x3xf32, #tpu.memory_space<vmem>> -> memref<16x3xf32, #tpu.memory_space<vmem>>
      %gather3A_1170 = tpu.vector_load_idx %gather3A_1169[%iota3A, %broadcast_in_dim3A_7] : memref<16x3xf32, #tpu.memory_space<vmem>>[vector<16xi32>, vector<16xi32>], vector<16xf32>,
      %scan3A_1171 = arith.constant 1 : i32
      %scan3A_1172 = arith.constant 0 : i32
      %scan3A_1173 = arith.constant 0 : i32
      %scan3A_1174 = arith.constant 64 : i32
      %scan3A_1175 = arith.addi %scan3A_1173, %scan3A_1174 : i32
      %scan3A_1176 = arith.constant 4 : i32
      %scan3A_1177 = scf.for %scan3A_1252 = %scan3A_1173 to %scan3A_1175 step %scan3A_1176 iter_args(%scan3A_1253 = %scan3A_1172) -> (i32)  : i32 {
        %broadcast_in_dim3A_1254 = vector.broadcast %scan3A_1252 : i32 to vector<16xi32>
        %get3A = arith.index_cast %scan3A_1252 : i32 to index
        %get3A_1255 = arith.constant 0 : index
        %get3A_1256 = tpu.vector_load %arg13[%get3A, %get3A_1255] {strides = array<i32>} : memref<64x16xi32, #tpu.memory_space<vmem>>, vector<16xi32>,
        %sub3A = arith.constant 1 : i32
        %sub3A_1257 = vector.broadcast %sub3A : i32 to vector<16xi32>
        %sub3A_1258 = arith.subi %get3A_1256, %sub3A_1257 : vector<16xi32>
        %max3A = arith.constant 0 : i32
        %max3A_1259 = vector.broadcast %max3A : i32 to vector<16xi32>
        %max3A_1260 = arith.maxsi %sub3A_1258, %max3A_1259 : vector<16xi32>
        %gather3A_1261 = tpu.vector_load_idx %arg12[%max3A_1260, %iota3A] : memref<128x16xf32, #tpu.memory_space<vmem>>[vector<16xi32>, vector<16xi32>], vector<16xf32>,
        %eq3A = arith.constant 0 : i32
        %eq3A_1262 = vector.broadcast %eq3A : i32 to vector<16xi32>
        %eq3A_1263 = arith.cmpi eq, %get3A_1256, %eq3A_1262 : vector<16xi32>
        %mul3A_1264 = arith.mulf %gather3A_1261, %div3A_1111 : vector<16xf32>
        %jit3A = arith.constant 0.000000e+00 : f32
        %broadcast_in_dim3A_1265 = vector.broadcast %jit3A : f32 to vector<16xf32>
        %select_n3A = arith.select %eq3A_1263, %broadcast_in_dim3A_1265, %mul3A_1264 : vector<16xi1>, vector<16xf32>
        %min3A_1266 = arith.constant 127 : i32
        %min3A_1267 = vector.broadcast %min3A_1266 : i32 to vector<16xi32>
        %min3A_1268 = arith.minsi %get3A_1256, %min3A_1267 : vector<16xi32>
        %gather3A_1269 = tpu.vector_load_idx %arg12[%min3A_1268, %iota3A] : memref<128x16xf32, #tpu.memory_space<vmem>>[vector<16xi32>, vector<16xi32>], vector<16xf32>,
        %mul3A_1270 = arith.mulf %gather3A_1269, %div3A_1111 : vector<16xf32>
        %gather3A_1271 = arith.constant 0 : i32
        %gather3A_1272 = arith.constant 0 : i32
        %gather3A_1273 = tpu.memref_slice %arg9[%scan3A_1171, %gather3A_1271, %gather3A_1272] : memref<2x16x128xf32, #tpu.memory_space<vmem>> -> memref<1x16x128xf32, #tpu.memory_space<vmem>>
        %gather3A_1274 = tpu.memref_squeeze %gather3A_1273 : memref<1x16x128xf32, #tpu.memory_space<vmem>> -> memref<16x128xf32, #tpu.memory_space<vmem>>
        %gather3A_1275 = tpu.vector_load_idx %gather3A_1274[%iota3A, %min3A_1268] : memref<16x128xf32, #tpu.memory_space<vmem>>[vector<16xi32>, vector<16xi32>], vector<16xf32>,
        %add3A_1276 = arith.constant 1 : i32
        %add3A_1277 = vector.broadcast %add3A_1276 : i32 to vector<16xi32>
        %add3A_1278 = arith.addi %get3A_1256, %add3A_1277 : vector<16xi32>
        %min3A_1279 = arith.constant 127 : i32
        %min3A_1280 = vector.broadcast %min3A_1279 : i32 to vector<16xi32>
        %min3A_1281 = arith.minsi %add3A_1278, %min3A_1280 : vector<16xi32>
        %gather3A_1282 = arith.constant 0 : i32
        %gather3A_1283 = arith.constant 0 : i32
        %gather3A_1284 = tpu.memref_slice %arg9[%scan3A_1171, %gather3A_1282, %gather3A_1283] : memref<2x16x128xf32, #tpu.memory_space<vmem>> -> memref<1x16x128xf32, #tpu.memory_space<vmem>>
        %gather3A_1285 = tpu.memref_squeeze %gather3A_1284 : memref<1x16x128xf32, #tpu.memory_space<vmem>> -> memref<16x128xf32, #tpu.memory_space<vmem>>
        %gather3A_1286 = tpu.vector_load_idx %gather3A_1285[%iota3A, %min3A_1281] : memref<16x128xf32, #tpu.memory_space<vmem>>[vector<16xi32>, vector<16xi32>], vector<16xf32>,
        %sub3A_1287 = arith.subf %mul3A_1270, %select_n3A : vector<16xf32>
        %lt3A = arith.constant 9.99999974E-6 : f32
        %lt3A_1288 = vector.broadcast %lt3A : f32 to vector<16xf32>
        %lt3A_1289 = arith.cmpf olt, %sub3A_1287, %lt3A_1288 : vector<16xf32>
        %jit3A_1290 = arith.constant 1.000000e+00 : f32
        %broadcast_in_dim3A_1291 = vector.broadcast %jit3A_1290 : f32 to vector<16xf32>
        %select_n3A_1292 = arith.select %lt3A_1289, %broadcast_in_dim3A_1291, %sub3A_1287 : vector<16xi1>, vector<16xf32>
        %eq3A_1293 = arith.constant 63 : i32
        %eq3A_1294 = vector.broadcast %eq3A_1293 : i32 to vector<16xi32>
        %eq3A_1295 = arith.cmpi eq, %broadcast_in_dim3A_1254, %eq3A_1294 : vector<16xi32>
        %convert_element_type3A = arith.sitofp %broadcast_in_dim3A_1254 : vector<16xi32> to vector<16xf32>
        %mul3A_1296 = arith.constant 0.0158730168 : f32
        %mul3A_1297 = vector.broadcast %mul3A_1296 : f32 to vector<16xf32>
        %mul3A_1298 = arith.mulf %convert_element_type3A, %mul3A_1297 : vector<16xf32>
        %jit3A_1299 = arith.constant 1.000000e+00 : f32
        %broadcast_in_dim3A_1300 = vector.broadcast %jit3A_1299 : f32 to vector<16xf32>
        %select_n3A_1301 = arith.select %eq3A_1295, %broadcast_in_dim3A_1300, %mul3A_1298 : vector<16xi1>, vector<16xf32>
        %sub3A_1302 = arith.subf %select_n3A_1301, %select_n3A : vector<16xf32>
        %div3A_1303 = arith.divf %sub3A_1302, %select_n3A_1292 : vector<16xf32>
        %sub3A_1304 = arith.subf %gather3A_1286, %gather3A_1275 : vector<16xf32>
        %mul3A_1305 = arith.mulf %div3A_1303, %sub3A_1304 : vector<16xf32>
        %add3A_1306 = arith.addf %gather3A_1275, %mul3A_1305 : vector<16xf32>
        tpu.vector_store_idx %arg15[%iota3A, %broadcast_in_dim3A_1254], %add3A_1306 : memref<16x64xf32, #tpu.memory_space<vmem>>[vector<16xi32>, vector<16xi32>], vector<16xf32>,
        %mul3A_1307 = arith.mulf %gather3A_1158, %add3A_1306 : vector<16xf32>
        %add3A_1308 = arith.addf %gather3A_1140, %mul3A_1307 : vector<16xf32>
        tpu.vector_store_idx %arg14[%broadcast_in_dim3A_1, %iota3A, %broadcast_in_dim3A_1254], %add3A_1308 : memref<3x16x64xf32, #tpu.memory_space<vmem>>[vector<16xi32>, vector<16xi32>, vector<16xi32>], vector<16xf32>,
        %mul3A_1309 = arith.mulf %gather3A_1164, %add3A_1306 : vector<16xf32>
        %add3A_1310 = arith.addf %gather3A_1146, %mul3A_1309 : vector<16xf32>
        tpu.vector_store_idx %arg14[%broadcast_in_dim3A_5, %iota3A, %broadcast_in_dim3A_1254], %add3A_1310 : memref<3x16x64xf32, #tpu.memory_space<vmem>>[vector<16xi32>, vector<16xi32>, vector<16xi32>], vector<16xf32>,
        %mul3A_1311 = arith.mulf %gather3A_1170, %add3A_1306 : vector<16xf32>
        %add3A_1312 = arith.addf %gather3A_1152, %mul3A_1311 : vector<16xf32>
        tpu.vector_store_idx %arg14[%broadcast_in_dim3A_7, %iota3A, %broadcast_in_dim3A_1254], %add3A_1312 : memref<3x16x64xf32, #tpu.memory_space<vmem>>[vector<16xi32>, vector<16xi32>, vector<16xi32>], vector<16xf32>,
        %scan3A_1313 = arith.constant 0 : i32
        %scan3A_1314 = arith.constant 1 : i32
        %scan3A_1315 = arith.addi %scan3A_1252, %scan3A_1314 : i32
        %broadcast_in_dim3A_1316 = vector.broadcast %scan3A_1315 : i32 to vector<16xi32>
        %get3A_1317 = arith.index_cast %scan3A_1315 : i32 to index
        %get3A_1318 = arith.constant 0 : index
        %get3A_1319 = tpu.vector_load %arg13[%get3A_1317, %get3A_1318] {strides = array<i32>} : memref<64x16xi32, #tpu.memory_space<vmem>>, vector<16xi32>,
        %sub3A_1320 = arith.constant 1 : i32
        %sub3A_1321 = vector.broadcast %sub3A_1320 : i32 to vector<16xi32>
        %sub3A_1322 = arith.subi %get3A_1319, %sub3A_1321 : vector<16xi32>
        %max3A_1323 = arith.constant 0 : i32
        %max3A_1324 = vector.broadcast %max3A_1323 : i32 to vector<16xi32>
        %max3A_1325 = arith.maxsi %sub3A_1322, %max3A_1324 : vector<16xi32>
        %gather3A_1326 = tpu.vector_load_idx %arg12[%max3A_1325, %iota3A] : memref<128x16xf32, #tpu.memory_space<vmem>>[vector<16xi32>, vector<16xi32>], vector<16xf32>,
        %eq3A_1327 = arith.constant 0 : i32
        %eq3A_1328 = vector.broadcast %eq3A_1327 : i32 to vector<16xi32>
        %eq3A_1329 = arith.cmpi eq, %get3A_1319, %eq3A_1328 : vector<16xi32>
        %mul3A_1330 = arith.mulf %gather3A_1326, %div3A_1111 : vector<16xf32>
        %jit3A_1331 = arith.constant 0.000000e+00 : f32
        %broadcast_in_dim3A_1332 = vector.broadcast %jit3A_1331 : f32 to vector<16xf32>
        %select_n3A_1333 = arith.select %eq3A_1329, %broadcast_in_dim3A_1332, %mul3A_1330 : vector<16xi1>, vector<16xf32>
        %min3A_1334 = arith.constant 127 : i32
        %min3A_1335 = vector.broadcast %min3A_1334 : i32 to vector<16xi32>
        %min3A_1336 = arith.minsi %get3A_1319, %min3A_1335 : vector<16xi32>
        %gather3A_1337 = tpu.vector_load_idx %arg12[%min3A_1336, %iota3A] : memref<128x16xf32, #tpu.memory_space<vmem>>[vector<16xi32>, vector<16xi32>], vector<16xf32>,
        %mul3A_1338 = arith.mulf %gather3A_1337, %div3A_1111 : vector<16xf32>
        %gather3A_1339 = arith.constant 0 : i32
        %gather3A_1340 = arith.constant 0 : i32
        %gather3A_1341 = tpu.memref_slice %arg9[%scan3A_1171, %gather3A_1339, %gather3A_1340] : memref<2x16x128xf32, #tpu.memory_space<vmem>> -> memref<1x16x128xf32, #tpu.memory_space<vmem>>
        %gather3A_1342 = tpu.memref_squeeze %gather3A_1341 : memref<1x16x128xf32, #tpu.memory_space<vmem>> -> memref<16x128xf32, #tpu.memory_space<vmem>>
        %gather3A_1343 = tpu.vector_load_idx %gather3A_1342[%iota3A, %min3A_1336] : memref<16x128xf32, #tpu.memory_space<vmem>>[vector<16xi32>, vector<16xi32>], vector<16xf32>,
        %add3A_1344 = arith.constant 1 : i32
        %add3A_1345 = vector.broadcast %add3A_1344 : i32 to vector<16xi32>
        %add3A_1346 = arith.addi %get3A_1319, %add3A_1345 : vector<16xi32>
        %min3A_1347 = arith.constant 127 : i32
        %min3A_1348 = vector.broadcast %min3A_1347 : i32 to vector<16xi32>
        %min3A_1349 = arith.minsi %add3A_1346, %min3A_1348 : vector<16xi32>
        %gather3A_1350 = arith.constant 0 : i32
        %gather3A_1351 = arith.constant 0 : i32
        %gather3A_1352 = tpu.memref_slice %arg9[%scan3A_1171, %gather3A_1350, %gather3A_1351] : memref<2x16x128xf32, #tpu.memory_space<vmem>> -> memref<1x16x128xf32, #tpu.memory_space<vmem>>
        %gather3A_1353 = tpu.memref_squeeze %gather3A_1352 : memref<1x16x128xf32, #tpu.memory_space<vmem>> -> memref<16x128xf32, #tpu.memory_space<vmem>>
        %gather3A_1354 = tpu.vector_load_idx %gather3A_1353[%iota3A, %min3A_1349] : memref<16x128xf32, #tpu.memory_space<vmem>>[vector<16xi32>, vector<16xi32>], vector<16xf32>,
        %sub3A_1355 = arith.subf %mul3A_1338, %select_n3A_1333 : vector<16xf32>
        %lt3A_1356 = arith.constant 9.99999974E-6 : f32
        %lt3A_1357 = vector.broadcast %lt3A_1356 : f32 to vector<16xf32>
        %lt3A_1358 = arith.cmpf olt, %sub3A_1355, %lt3A_1357 : vector<16xf32>
        %jit3A_1359 = arith.constant 1.000000e+00 : f32
        %broadcast_in_dim3A_1360 = vector.broadcast %jit3A_1359 : f32 to vector<16xf32>
        %select_n3A_1361 = arith.select %lt3A_1358, %broadcast_in_dim3A_1360, %sub3A_1355 : vector<16xi1>, vector<16xf32>
        %eq3A_1362 = arith.constant 63 : i32
        %eq3A_1363 = vector.broadcast %eq3A_1362 : i32 to vector<16xi32>
        %eq3A_1364 = arith.cmpi eq, %broadcast_in_dim3A_1316, %eq3A_1363 : vector<16xi32>
        %convert_element_type3A_1365 = arith.sitofp %broadcast_in_dim3A_1316 : vector<16xi32> to vector<16xf32>
        %mul3A_1366 = arith.constant 0.0158730168 : f32
        %mul3A_1367 = vector.broadcast %mul3A_1366 : f32 to vector<16xf32>
        %mul3A_1368 = arith.mulf %convert_element_type3A_1365, %mul3A_1367 : vector<16xf32>
        %jit3A_1369 = arith.constant 1.000000e+00 : f32
        %broadcast_in_dim3A_1370 = vector.broadcast %jit3A_1369 : f32 to vector<16xf32>
        %select_n3A_1371 = arith.select %eq3A_1364, %broadcast_in_dim3A_1370, %mul3A_1368 : vector<16xi1>, vector<16xf32>
        %sub3A_1372 = arith.subf %select_n3A_1371, %select_n3A_1333 : vector<16xf32>
        %div3A_1373 = arith.divf %sub3A_1372, %select_n3A_1361 : vector<16xf32>
        %sub3A_1374 = arith.subf %gather3A_1354, %gather3A_1343 : vector<16xf32>
        %mul3A_1375 = arith.mulf %div3A_1373, %sub3A_1374 : vector<16xf32>
        %add3A_1376 = arith.addf %gather3A_1343, %mul3A_1375 : vector<16xf32>
        tpu.vector_store_idx %arg15[%iota3A, %broadcast_in_dim3A_1316], %add3A_1376 : memref<16x64xf32, #tpu.memory_space<vmem>>[vector<16xi32>, vector<16xi32>], vector<16xf32>,
        %mul3A_1377 = arith.mulf %gather3A_1158, %add3A_1376 : vector<16xf32>
        %add3A_1378 = arith.addf %gather3A_1140, %mul3A_1377 : vector<16xf32>
        tpu.vector_store_idx %arg14[%broadcast_in_dim3A_1, %iota3A, %broadcast_in_dim3A_1316], %add3A_1378 : memref<3x16x64xf32, #tpu.memory_space<vmem>>[vector<16xi32>, vector<16xi32>, vector<16xi32>], vector<16xf32>,
        %mul3A_1379 = arith.mulf %gather3A_1164, %add3A_1376 : vector<16xf32>
        %add3A_1380 = arith.addf %gather3A_1146, %mul3A_1379 : vector<16xf32>
        tpu.vector_store_idx %arg14[%broadcast_in_dim3A_5, %iota3A, %broadcast_in_dim3A_1316], %add3A_1380 : memref<3x16x64xf32, #tpu.memory_space<vmem>>[vector<16xi32>, vector<16xi32>, vector<16xi32>], vector<16xf32>,
        %mul3A_1381 = arith.mulf %gather3A_1170, %add3A_1376 : vector<16xf32>
        %add3A_1382 = arith.addf %gather3A_1152, %mul3A_1381 : vector<16xf32>
        tpu.vector_store_idx %arg14[%broadcast_in_dim3A_7, %iota3A, %broadcast_in_dim3A_1316], %add3A_1382 : memref<3x16x64xf32, #tpu.memory_space<vmem>>[vector<16xi32>, vector<16xi32>, vector<16xi32>], vector<16xf32>,
        %scan3A_1383 = arith.constant 0 : i32
        %scan3A_1384 = arith.constant 2 : i32
        %scan3A_1385 = arith.addi %scan3A_1252, %scan3A_1384 : i32
        %broadcast_in_dim3A_1386 = vector.broadcast %scan3A_1385 : i32 to vector<16xi32>
        %get3A_1387 = arith.index_cast %scan3A_1385 : i32 to index
        %get3A_1388 = arith.constant 0 : index
        %get3A_1389 = tpu.vector_load %arg13[%get3A_1387, %get3A_1388] {strides = array<i32>} : memref<64x16xi32, #tpu.memory_space<vmem>>, vector<16xi32>,
        %sub3A_1390 = arith.constant 1 : i32
        %sub3A_1391 = vector.broadcast %sub3A_1390 : i32 to vector<16xi32>
        %sub3A_1392 = arith.subi %get3A_1389, %sub3A_1391 : vector<16xi32>
        %max3A_1393 = arith.constant 0 : i32
        %max3A_1394 = vector.broadcast %max3A_1393 : i32 to vector<16xi32>
        %max3A_1395 = arith.maxsi %sub3A_1392, %max3A_1394 : vector<16xi32>
        %gather3A_1396 = tpu.vector_load_idx %arg12[%max3A_1395, %iota3A] : memref<128x16xf32, #tpu.memory_space<vmem>>[vector<16xi32>, vector<16xi32>], vector<16xf32>,
        %eq3A_1397 = arith.constant 0 : i32
        %eq3A_1398 = vector.broadcast %eq3A_1397 : i32 to vector<16xi32>
        %eq3A_1399 = arith.cmpi eq, %get3A_1389, %eq3A_1398 : vector<16xi32>
        %mul3A_1400 = arith.mulf %gather3A_1396, %div3A_1111 : vector<16xf32>
        %jit3A_1401 = arith.constant 0.000000e+00 : f32
        %broadcast_in_dim3A_1402 = vector.broadcast %jit3A_1401 : f32 to vector<16xf32>
        %select_n3A_1403 = arith.select %eq3A_1399, %broadcast_in_dim3A_1402, %mul3A_1400 : vector<16xi1>, vector<16xf32>
        %min3A_1404 = arith.constant 127 : i32
        %min3A_1405 = vector.broadcast %min3A_1404 : i32 to vector<16xi32>
        %min3A_1406 = arith.minsi %get3A_1389, %min3A_1405 : vector<16xi32>
        %gather3A_1407 = tpu.vector_load_idx %arg12[%min3A_1406, %iota3A] : memref<128x16xf32, #tpu.memory_space<vmem>>[vector<16xi32>, vector<16xi32>], vector<16xf32>,
        %mul3A_1408 = arith.mulf %gather3A_1407, %div3A_1111 : vector<16xf32>
        %gather3A_1409 = arith.constant 0 : i32
        %gather3A_1410 = arith.constant 0 : i32
        %gather3A_1411 = tpu.memref_slice %arg9[%scan3A_1171, %gather3A_1409, %gather3A_1410] : memref<2x16x128xf32, #tpu.memory_space<vmem>> -> memref<1x16x128xf32, #tpu.memory_space<vmem>>
        %gather3A_1412 = tpu.memref_squeeze %gather3A_1411 : memref<1x16x128xf32, #tpu.memory_space<vmem>> -> memref<16x128xf32, #tpu.memory_space<vmem>>
        %gather3A_1413 = tpu.vector_load_idx %gather3A_1412[%iota3A, %min3A_1406] : memref<16x128xf32, #tpu.memory_space<vmem>>[vector<16xi32>, vector<16xi32>], vector<16xf32>,
        %add3A_1414 = arith.constant 1 : i32
        %add3A_1415 = vector.broadcast %add3A_1414 : i32 to vector<16xi32>
        %add3A_1416 = arith.addi %get3A_1389, %add3A_1415 : vector<16xi32>
        %min3A_1417 = arith.constant 127 : i32
        %min3A_1418 = vector.broadcast %min3A_1417 : i32 to vector<16xi32>
        %min3A_1419 = arith.minsi %add3A_1416, %min3A_1418 : vector<16xi32>
        %gather3A_1420 = arith.constant 0 : i32
        %gather3A_1421 = arith.constant 0 : i32
        %gather3A_1422 = tpu.memref_slice %arg9[%scan3A_1171, %gather3A_1420, %gather3A_1421] : memref<2x16x128xf32, #tpu.memory_space<vmem>> -> memref<1x16x128xf32, #tpu.memory_space<vmem>>
        %gather3A_1423 = tpu.memref_squeeze %gather3A_1422 : memref<1x16x128xf32, #tpu.memory_space<vmem>> -> memref<16x128xf32, #tpu.memory_space<vmem>>
        %gather3A_1424 = tpu.vector_load_idx %gather3A_1423[%iota3A, %min3A_1419] : memref<16x128xf32, #tpu.memory_space<vmem>>[vector<16xi32>, vector<16xi32>], vector<16xf32>,
        %sub3A_1425 = arith.subf %mul3A_1408, %select_n3A_1403 : vector<16xf32>
        %lt3A_1426 = arith.constant 9.99999974E-6 : f32
        %lt3A_1427 = vector.broadcast %lt3A_1426 : f32 to vector<16xf32>
        %lt3A_1428 = arith.cmpf olt, %sub3A_1425, %lt3A_1427 : vector<16xf32>
        %jit3A_1429 = arith.constant 1.000000e+00 : f32
        %broadcast_in_dim3A_1430 = vector.broadcast %jit3A_1429 : f32 to vector<16xf32>
        %select_n3A_1431 = arith.select %lt3A_1428, %broadcast_in_dim3A_1430, %sub3A_1425 : vector<16xi1>, vector<16xf32>
        %eq3A_1432 = arith.constant 63 : i32
        %eq3A_1433 = vector.broadcast %eq3A_1432 : i32 to vector<16xi32>
        %eq3A_1434 = arith.cmpi eq, %broadcast_in_dim3A_1386, %eq3A_1433 : vector<16xi32>
        %convert_element_type3A_1435 = arith.sitofp %broadcast_in_dim3A_1386 : vector<16xi32> to vector<16xf32>
        %mul3A_1436 = arith.constant 0.0158730168 : f32
        %mul3A_1437 = vector.broadcast %mul3A_1436 : f32 to vector<16xf32>
        %mul3A_1438 = arith.mulf %convert_element_type3A_1435, %mul3A_1437 : vector<16xf32>
        %jit3A_1439 = arith.constant 1.000000e+00 : f32
        %broadcast_in_dim3A_1440 = vector.broadcast %jit3A_1439 : f32 to vector<16xf32>
        %select_n3A_1441 = arith.select %eq3A_1434, %broadcast_in_dim3A_1440, %mul3A_1438 : vector<16xi1>, vector<16xf32>
        %sub3A_1442 = arith.subf %select_n3A_1441, %select_n3A_1403 : vector<16xf32>
        %div3A_1443 = arith.divf %sub3A_1442, %select_n3A_1431 : vector<16xf32>
        %sub3A_1444 = arith.subf %gather3A_1424, %gather3A_1413 : vector<16xf32>
        %mul3A_1445 = arith.mulf %div3A_1443, %sub3A_1444 : vector<16xf32>
        %add3A_1446 = arith.addf %gather3A_1413, %mul3A_1445 : vector<16xf32>
        tpu.vector_store_idx %arg15[%iota3A, %broadcast_in_dim3A_1386], %add3A_1446 : memref<16x64xf32, #tpu.memory_space<vmem>>[vector<16xi32>, vector<16xi32>], vector<16xf32>,
        %mul3A_1447 = arith.mulf %gather3A_1158, %add3A_1446 : vector<16xf32>
        %add3A_1448 = arith.addf %gather3A_1140, %mul3A_1447 : vector<16xf32>
        tpu.vector_store_idx %arg14[%broadcast_in_dim3A_1, %iota3A, %broadcast_in_dim3A_1386], %add3A_1448 : memref<3x16x64xf32, #tpu.memory_space<vmem>>[vector<16xi32>, vector<16xi32>, vector<16xi32>], vector<16xf32>,
        %mul3A_1449 = arith.mulf %gather3A_1164, %add3A_1446 : vector<16xf32>
        %add3A_1450 = arith.addf %gather3A_1146, %mul3A_1449 : vector<16xf32>
        tpu.vector_store_idx %arg14[%broadcast_in_dim3A_5, %iota3A, %broadcast_in_dim3A_1386], %add3A_1450 : memref<3x16x64xf32, #tpu.memory_space<vmem>>[vector<16xi32>, vector<16xi32>, vector<16xi32>], vector<16xf32>,
        %mul3A_1451 = arith.mulf %gather3A_1170, %add3A_1446 : vector<16xf32>
        %add3A_1452 = arith.addf %gather3A_1152, %mul3A_1451 : vector<16xf32>
        tpu.vector_store_idx %arg14[%broadcast_in_dim3A_7, %iota3A, %broadcast_in_dim3A_1386], %add3A_1452 : memref<3x16x64xf32, #tpu.memory_space<vmem>>[vector<16xi32>, vector<16xi32>, vector<16xi32>], vector<16xf32>,
        %scan3A_1453 = arith.constant 0 : i32
        %scan3A_1454 = arith.constant 3 : i32
        %scan3A_1455 = arith.addi %scan3A_1252, %scan3A_1454 : i32
        %broadcast_in_dim3A_1456 = vector.broadcast %scan3A_1455 : i32 to vector<16xi32>
        %get3A_1457 = arith.index_cast %scan3A_1455 : i32 to index
        %get3A_1458 = arith.constant 0 : index
        %get3A_1459 = tpu.vector_load %arg13[%get3A_1457, %get3A_1458] {strides = array<i32>} : memref<64x16xi32, #tpu.memory_space<vmem>>, vector<16xi32>,
        %sub3A_1460 = arith.constant 1 : i32
        %sub3A_1461 = vector.broadcast %sub3A_1460 : i32 to vector<16xi32>
        %sub3A_1462 = arith.subi %get3A_1459, %sub3A_1461 : vector<16xi32>
        %max3A_1463 = arith.constant 0 : i32
        %max3A_1464 = vector.broadcast %max3A_1463 : i32 to vector<16xi32>
        %max3A_1465 = arith.maxsi %sub3A_1462, %max3A_1464 : vector<16xi32>
        %gather3A_1466 = tpu.vector_load_idx %arg12[%max3A_1465, %iota3A] : memref<128x16xf32, #tpu.memory_space<vmem>>[vector<16xi32>, vector<16xi32>], vector<16xf32>,
        %eq3A_1467 = arith.constant 0 : i32
        %eq3A_1468 = vector.broadcast %eq3A_1467 : i32 to vector<16xi32>
        %eq3A_1469 = arith.cmpi eq, %get3A_1459, %eq3A_1468 : vector<16xi32>
        %mul3A_1470 = arith.mulf %gather3A_1466, %div3A_1111 : vector<16xf32>
        %jit3A_1471 = arith.constant 0.000000e+00 : f32
        %broadcast_in_dim3A_1472 = vector.broadcast %jit3A_1471 : f32 to vector<16xf32>
        %select_n3A_1473 = arith.select %eq3A_1469, %broadcast_in_dim3A_1472, %mul3A_1470 : vector<16xi1>, vector<16xf32>
        %min3A_1474 = arith.constant 127 : i32
        %min3A_1475 = vector.broadcast %min3A_1474 : i32 to vector<16xi32>
        %min3A_1476 = arith.minsi %get3A_1459, %min3A_1475 : vector<16xi32>
        %gather3A_1477 = tpu.vector_load_idx %arg12[%min3A_1476, %iota3A] : memref<128x16xf32, #tpu.memory_space<vmem>>[vector<16xi32>, vector<16xi32>], vector<16xf32>,
        %mul3A_1478 = arith.mulf %gather3A_1477, %div3A_1111 : vector<16xf32>
        %gather3A_1479 = arith.constant 0 : i32
        %gather3A_1480 = arith.constant 0 : i32
        %gather3A_1481 = tpu.memref_slice %arg9[%scan3A_1171, %gather3A_1479, %gather3A_1480] : memref<2x16x128xf32, #tpu.memory_space<vmem>> -> memref<1x16x128xf32, #tpu.memory_space<vmem>>
        %gather3A_1482 = tpu.memref_squeeze %gather3A_1481 : memref<1x16x128xf32, #tpu.memory_space<vmem>> -> memref<16x128xf32, #tpu.memory_space<vmem>>
        %gather3A_1483 = tpu.vector_load_idx %gather3A_1482[%iota3A, %min3A_1476] : memref<16x128xf32, #tpu.memory_space<vmem>>[vector<16xi32>, vector<16xi32>], vector<16xf32>,
        %add3A_1484 = arith.constant 1 : i32
        %add3A_1485 = vector.broadcast %add3A_1484 : i32 to vector<16xi32>
        %add3A_1486 = arith.addi %get3A_1459, %add3A_1485 : vector<16xi32>
        %min3A_1487 = arith.constant 127 : i32
        %min3A_1488 = vector.broadcast %min3A_1487 : i32 to vector<16xi32>
        %min3A_1489 = arith.minsi %add3A_1486, %min3A_1488 : vector<16xi32>
        %gather3A_1490 = arith.constant 0 : i32
        %gather3A_1491 = arith.constant 0 : i32
        %gather3A_1492 = tpu.memref_slice %arg9[%scan3A_1171, %gather3A_1490, %gather3A_1491] : memref<2x16x128xf32, #tpu.memory_space<vmem>> -> memref<1x16x128xf32, #tpu.memory_space<vmem>>
        %gather3A_1493 = tpu.memref_squeeze %gather3A_1492 : memref<1x16x128xf32, #tpu.memory_space<vmem>> -> memref<16x128xf32, #tpu.memory_space<vmem>>
        %gather3A_1494 = tpu.vector_load_idx %gather3A_1493[%iota3A, %min3A_1489] : memref<16x128xf32, #tpu.memory_space<vmem>>[vector<16xi32>, vector<16xi32>], vector<16xf32>,
        %sub3A_1495 = arith.subf %mul3A_1478, %select_n3A_1473 : vector<16xf32>
        %lt3A_1496 = arith.constant 9.99999974E-6 : f32
        %lt3A_1497 = vector.broadcast %lt3A_1496 : f32 to vector<16xf32>
        %lt3A_1498 = arith.cmpf olt, %sub3A_1495, %lt3A_1497 : vector<16xf32>
        %jit3A_1499 = arith.constant 1.000000e+00 : f32
        %broadcast_in_dim3A_1500 = vector.broadcast %jit3A_1499 : f32 to vector<16xf32>
        %select_n3A_1501 = arith.select %lt3A_1498, %broadcast_in_dim3A_1500, %sub3A_1495 : vector<16xi1>, vector<16xf32>
        %eq3A_1502 = arith.constant 63 : i32
        %eq3A_1503 = vector.broadcast %eq3A_1502 : i32 to vector<16xi32>
        %eq3A_1504 = arith.cmpi eq, %broadcast_in_dim3A_1456, %eq3A_1503 : vector<16xi32>
        %convert_element_type3A_1505 = arith.sitofp %broadcast_in_dim3A_1456 : vector<16xi32> to vector<16xf32>
        %mul3A_1506 = arith.constant 0.0158730168 : f32
        %mul3A_1507 = vector.broadcast %mul3A_1506 : f32 to vector<16xf32>
        %mul3A_1508 = arith.mulf %convert_element_type3A_1505, %mul3A_1507 : vector<16xf32>
        %jit3A_1509 = arith.constant 1.000000e+00 : f32
        %broadcast_in_dim3A_1510 = vector.broadcast %jit3A_1509 : f32 to vector<16xf32>
        %select_n3A_1511 = arith.select %eq3A_1504, %broadcast_in_dim3A_1510, %mul3A_1508 : vector<16xi1>, vector<16xf32>
        %sub3A_1512 = arith.subf %select_n3A_1511, %select_n3A_1473 : vector<16xf32>
        %div3A_1513 = arith.divf %sub3A_1512, %select_n3A_1501 : vector<16xf32>
        %sub3A_1514 = arith.subf %gather3A_1494, %gather3A_1483 : vector<16xf32>
        %mul3A_1515 = arith.mulf %div3A_1513, %sub3A_1514 : vector<16xf32>
        %add3A_1516 = arith.addf %gather3A_1483, %mul3A_1515 : vector<16xf32>
        tpu.vector_store_idx %arg15[%iota3A, %broadcast_in_dim3A_1456], %add3A_1516 : memref<16x64xf32, #tpu.memory_space<vmem>>[vector<16xi32>, vector<16xi32>], vector<16xf32>,
        %mul3A_1517 = arith.mulf %gather3A_1158, %add3A_1516 : vector<16xf32>
        %add3A_1518 = arith.addf %gather3A_1140, %mul3A_1517 : vector<16xf32>
        tpu.vector_store_idx %arg14[%broadcast_in_dim3A_1, %iota3A, %broadcast_in_dim3A_1456], %add3A_1518 : memref<3x16x64xf32, #tpu.memory_space<vmem>>[vector<16xi32>, vector<16xi32>, vector<16xi32>], vector<16xf32>,
        %mul3A_1519 = arith.mulf %gather3A_1164, %add3A_1516 : vector<16xf32>
        %add3A_1520 = arith.addf %gather3A_1146, %mul3A_1519 : vector<16xf32>
        tpu.vector_store_idx %arg14[%broadcast_in_dim3A_5, %iota3A, %broadcast_in_dim3A_1456], %add3A_1520 : memref<3x16x64xf32, #tpu.memory_space<vmem>>[vector<16xi32>, vector<16xi32>, vector<16xi32>], vector<16xf32>,
        %mul3A_1521 = arith.mulf %gather3A_1170, %add3A_1516 : vector<16xf32>
        %add3A_1522 = arith.addf %gather3A_1152, %mul3A_1521 : vector<16xf32>
        tpu.vector_store_idx %arg14[%broadcast_in_dim3A_7, %iota3A, %broadcast_in_dim3A_1456], %add3A_1522 : memref<3x16x64xf32, #tpu.memory_space<vmem>>[vector<16xi32>, vector<16xi32>, vector<16xi32>], vector<16xf32>,
        %scan3A_1523 = arith.constant 0 : i32
        scf.yield %scan3A_1523 : i32
      }
      %scan3A_1178 = arith.constant 64 : i32
      "tpu.region"() ({
        %run_scoped3A = tpu.sem_alloc : memref<!tpu.dma_semaphore, #tpu.memory_space<semaphore_mem>>
        %dma_start3A_1252 = arith.constant 0 : i32
        %dma_start3A_1253 = tpu.memref_slice %arg7[%mul3A_845, %dma_start3A_1252] : memref<65536x64xf32, #tpu.memory_space<hbm>> -> memref<16x64xf32, #tpu.memory_space<hbm>>
        %dma_start3A_1254 = arith.constant 0 : i32
        %dma_start3A_1255 = tpu.memref_slice %arg7[%mul3A_845, %dma_start3A_1254] : memref<65536x64xf32, #tpu.memory_space<hbm>> -> memref<16x64xf32, #tpu.memory_space<hbm>>
        tpu.enqueue_dma source(%arg15 : memref<16x64xf32, #tpu.memory_space<vmem>>) target(%dma_start3A_1255 : memref<16x64xf32, #tpu.memory_space<hbm>>) target_semaphore(%run_scoped3A : memref<!tpu.dma_semaphore, #tpu.memory_space<semaphore_mem>>)
        %dma_wait3A_1256 = arith.constant 0 : i32
        %dma_wait3A_1257 = tpu.memref_slice %arg7[%mul3A_845, %dma_wait3A_1256] : memref<65536x64xf32, #tpu.memory_space<hbm>> -> memref<16x64xf32, #tpu.memory_space<hbm>>
        %dma_wait3A_1258 = arith.constant 0 : i32
        %dma_wait3A_1259 = tpu.memref_slice %arg7[%mul3A_845, %dma_wait3A_1258] : memref<65536x64xf32, #tpu.memory_space<hbm>> -> memref<16x64xf32, #tpu.memory_space<hbm>>
        tpu.wait_dma2 semaphore(%run_scoped3A : memref<!tpu.dma_semaphore, #tpu.memory_space<semaphore_mem>>) src(%arg15 : memref<16x64xf32, #tpu.memory_space<vmem>>) dst(%dma_wait3A_1259 : memref<16x64xf32, #tpu.memory_space<hbm>>)
        tpu.yield
      }) : () -> ()
      "tpu.region"() ({
        %run_scoped3A = tpu.sem_alloc : memref<!tpu.dma_semaphore, #tpu.memory_space<semaphore_mem>>
        %dma_start3A_1252 = arith.constant 0 : i32
        %dma_start3A_1253 = arith.constant 0 : i32
        %dma_start3A_1254 = tpu.memref_slice %arg6[%dma_start3A_1252, %mul3A_845, %dma_start3A_1253] : memref<3x65536x64xf32, #tpu.memory_space<hbm>> -> memref<3x16x64xf32, #tpu.memory_space<hbm>>
        %dma_start3A_1255 = arith.constant 0 : i32
        %dma_start3A_1256 = arith.constant 0 : i32
        %dma_start3A_1257 = tpu.memref_slice %arg6[%dma_start3A_1255, %mul3A_845, %dma_start3A_1256] : memref<3x65536x64xf32, #tpu.memory_space<hbm>> -> memref<3x16x64xf32, #tpu.memory_space<hbm>>
        tpu.enqueue_dma source(%arg14 : memref<3x16x64xf32, #tpu.memory_space<vmem>>) target(%dma_start3A_1257 : memref<3x16x64xf32, #tpu.memory_space<hbm>>) target_semaphore(%run_scoped3A : memref<!tpu.dma_semaphore, #tpu.memory_space<semaphore_mem>>)
        %dma_wait3A_1258 = arith.constant 0 : i32
        %dma_wait3A_1259 = arith.constant 0 : i32
        %dma_wait3A_1260 = tpu.memref_slice %arg6[%dma_wait3A_1258, %mul3A_845, %dma_wait3A_1259] : memref<3x65536x64xf32, #tpu.memory_space<hbm>> -> memref<3x16x64xf32, #tpu.memory_space<hbm>>
        %dma_wait3A_1261 = arith.constant 0 : i32
        %dma_wait3A_1262 = arith.constant 0 : i32
        %dma_wait3A_1263 = tpu.memref_slice %arg6[%dma_wait3A_1261, %mul3A_845, %dma_wait3A_1262] : memref<3x65536x64xf32, #tpu.memory_space<hbm>> -> memref<3x16x64xf32, #tpu.memory_space<hbm>>
        tpu.wait_dma2 semaphore(%run_scoped3A : memref<!tpu.dma_semaphore, #tpu.memory_space<semaphore_mem>>) src(%arg14 : memref<3x16x64xf32, #tpu.memory_space<vmem>>) dst(%dma_wait3A_1263 : memref<3x16x64xf32, #tpu.memory_space<hbm>>)
        tpu.yield
      }) : () -> ()
      %add3A_1179 = arith.constant 2 : i32
      %add3A_1180 = arith.addi %add3A_297, %add3A_1179 : i32
      %rem3A_1181 = arith.constant 128 : i32
      %rem3A_1182 = arith.remsi %add3A_1180, %rem3A_1181 : i32
      %mul3A_1183 = arith.constant 128 : i32
      %mul3A_1184 = arith.muli %add3A, %mul3A_1183 : i32
      %add3A_1185 = arith.addi %mul3A_1184, %rem3A_1182 : i32
      %mul3A_1186 = arith.constant 16 : i32
      %mul3A_1187 = arith.muli %add3A_1185, %mul3A_1186 : i32
      %dma_start3A_1188 = arith.constant 1 : i32
      %dma_start3A_1189 = arith.constant 1 : i32
      %dma_start3A_1190 = arith.constant 0 : i32
      %dma_start3A_1191 = arith.constant 0 : i32
      %dma_start3A_1192 = tpu.memref_slice %arg8[%dma_start3A_1188, %dma_start3A_1190, %dma_start3A_1191] : memref<2x128x16xf32, #tpu.memory_space<vmem>> -> memref<1x128x16xf32, #tpu.memory_space<vmem>>
      %dma_start3A_1193 = tpu.memref_squeeze %dma_start3A_1192 : memref<1x128x16xf32, #tpu.memory_space<vmem>> -> memref<128x16xf32, #tpu.memory_space<vmem>>
      %dma_start3A_1194 = arith.constant 0 : i32
      %dma_start3A_1195 = tpu.memref_slice %arg2[%dma_start3A_1194, %mul3A_1187] : memref<128x65536xf32, #tpu.memory_space<hbm>> -> memref<128x16xf32, #tpu.memory_space<hbm>>
      %dma_start3A_1196 = tpu.memref_slice %arg16[%dma_start3A_1189] : memref<2x!tpu.dma_semaphore, #tpu.memory_space<semaphore_mem>> -> memref<1x!tpu.dma_semaphore, #tpu.memory_space<semaphore_mem>>
      %dma_start3A_1197 = tpu.memref_squeeze %dma_start3A_1196 : memref<1x!tpu.dma_semaphore, #tpu.memory_space<semaphore_mem>> -> memref<!tpu.dma_semaphore, #tpu.memory_space<semaphore_mem>>
      %dma_start3A_1198 = arith.constant 0 : i32
      %dma_start3A_1199 = arith.constant 0 : i32
      %dma_start3A_1200 = tpu.memref_slice %arg8[%dma_start3A_1188, %dma_start3A_1198, %dma_start3A_1199] : memref<2x128x16xf32, #tpu.memory_space<vmem>> -> memref<1x128x16xf32, #tpu.memory_space<vmem>>
      %dma_start3A_1201 = tpu.memref_squeeze %dma_start3A_1200 : memref<1x128x16xf32, #tpu.memory_space<vmem>> -> memref<128x16xf32, #tpu.memory_space<vmem>>
      %dma_start3A_1202 = arith.constant 0 : i32
      %dma_start3A_1203 = tpu.memref_slice %arg2[%dma_start3A_1202, %mul3A_1187] : memref<128x65536xf32, #tpu.memory_space<hbm>> -> memref<128x16xf32, #tpu.memory_space<hbm>>
      tpu.enqueue_dma source(%dma_start3A_1203 : memref<128x16xf32, #tpu.memory_space<hbm>>) target(%dma_start3A_1201 : memref<128x16xf32, #tpu.memory_space<vmem>>) target_semaphore(%dma_start3A_1197 : memref<!tpu.dma_semaphore, #tpu.memory_space<semaphore_mem>>)
      %dma_start3A_1204 = arith.constant 1 : i32
      %dma_start3A_1205 = arith.constant 1 : i32
      %dma_start3A_1206 = arith.constant 0 : i32
      %dma_start3A_1207 = arith.constant 0 : i32
      %dma_start3A_1208 = tpu.memref_slice %arg9[%dma_start3A_1204, %dma_start3A_1206, %dma_start3A_1207] : memref<2x16x128xf32, #tpu.memory_space<vmem>> -> memref<1x16x128xf32, #tpu.memory_space<vmem>>
      %dma_start3A_1209 = tpu.memref_squeeze %dma_start3A_1208 : memref<1x16x128xf32, #tpu.memory_space<vmem>> -> memref<16x128xf32, #tpu.memory_space<vmem>>
      %dma_start3A_1210 = arith.constant 0 : i32
      %dma_start3A_1211 = tpu.memref_slice %arg3[%mul3A_1187, %dma_start3A_1210] : memref<65536x128xf32, #tpu.memory_space<hbm>> -> memref<16x128xf32, #tpu.memory_space<hbm>>
      %dma_start3A_1212 = tpu.memref_slice %arg16[%dma_start3A_1205] : memref<2x!tpu.dma_semaphore, #tpu.memory_space<semaphore_mem>> -> memref<1x!tpu.dma_semaphore, #tpu.memory_space<semaphore_mem>>
      %dma_start3A_1213 = tpu.memref_squeeze %dma_start3A_1212 : memref<1x!tpu.dma_semaphore, #tpu.memory_space<semaphore_mem>> -> memref<!tpu.dma_semaphore, #tpu.memory_space<semaphore_mem>>
      %dma_start3A_1214 = arith.constant 0 : i32
      %dma_start3A_1215 = arith.constant 0 : i32
      %dma_start3A_1216 = tpu.memref_slice %arg9[%dma_start3A_1204, %dma_start3A_1214, %dma_start3A_1215] : memref<2x16x128xf32, #tpu.memory_space<vmem>> -> memref<1x16x128xf32, #tpu.memory_space<vmem>>
      %dma_start3A_1217 = tpu.memref_squeeze %dma_start3A_1216 : memref<1x16x128xf32, #tpu.memory_space<vmem>> -> memref<16x128xf32, #tpu.memory_space<vmem>>
      %dma_start3A_1218 = arith.constant 0 : i32
      %dma_start3A_1219 = tpu.memref_slice %arg3[%mul3A_1187, %dma_start3A_1218] : memref<65536x128xf32, #tpu.memory_space<hbm>> -> memref<16x128xf32, #tpu.memory_space<hbm>>
      tpu.enqueue_dma source(%dma_start3A_1219 : memref<16x128xf32, #tpu.memory_space<hbm>>) target(%dma_start3A_1217 : memref<16x128xf32, #tpu.memory_space<vmem>>) target_semaphore(%dma_start3A_1213 : memref<!tpu.dma_semaphore, #tpu.memory_space<semaphore_mem>>)
      %dma_start3A_1220 = arith.constant 1 : i32
      %dma_start3A_1221 = arith.constant 1 : i32
      %dma_start3A_1222 = arith.constant 0 : i32
      %dma_start3A_1223 = arith.constant 0 : i32
      %dma_start3A_1224 = tpu.memref_slice %arg10[%dma_start3A_1220, %dma_start3A_1222, %dma_start3A_1223] : memref<2x16x3xf32, #tpu.memory_space<vmem>> -> memref<1x16x3xf32, #tpu.memory_space<vmem>>
      %dma_start3A_1225 = tpu.memref_squeeze %dma_start3A_1224 : memref<1x16x3xf32, #tpu.memory_space<vmem>> -> memref<16x3xf32, #tpu.memory_space<vmem>>
      %dma_start3A_1226 = arith.constant 0 : i32
      %dma_start3A_1227 = tpu.memref_slice %arg4[%mul3A_1187, %dma_start3A_1226] : memref<65536x3xf32, #tpu.memory_space<hbm>> -> memref<16x3xf32, #tpu.memory_space<hbm>>
      %dma_start3A_1228 = tpu.memref_slice %arg16[%dma_start3A_1221] : memref<2x!tpu.dma_semaphore, #tpu.memory_space<semaphore_mem>> -> memref<1x!tpu.dma_semaphore, #tpu.memory_space<semaphore_mem>>
      %dma_start3A_1229 = tpu.memref_squeeze %dma_start3A_1228 : memref<1x!tpu.dma_semaphore, #tpu.memory_space<semaphore_mem>> -> memref<!tpu.dma_semaphore, #tpu.memory_space<semaphore_mem>>
      %dma_start3A_1230 = arith.constant 0 : i32
      %dma_start3A_1231 = arith.constant 0 : i32
      %dma_start3A_1232 = tpu.memref_slice %arg10[%dma_start3A_1220, %dma_start3A_1230, %dma_start3A_1231] : memref<2x16x3xf32, #tpu.memory_space<vmem>> -> memref<1x16x3xf32, #tpu.memory_space<vmem>>
      %dma_start3A_1233 = tpu.memref_squeeze %dma_start3A_1232 : memref<1x16x3xf32, #tpu.memory_space<vmem>> -> memref<16x3xf32, #tpu.memory_space<vmem>>
      %dma_start3A_1234 = arith.constant 0 : i32
      %dma_start3A_1235 = tpu.memref_slice %arg4[%mul3A_1187, %dma_start3A_1234] : memref<65536x3xf32, #tpu.memory_space<hbm>> -> memref<16x3xf32, #tpu.memory_space<hbm>>
      tpu.enqueue_dma source(%dma_start3A_1235 : memref<16x3xf32, #tpu.memory_space<hbm>>) target(%dma_start3A_1233 : memref<16x3xf32, #tpu.memory_space<vmem>>) target_semaphore(%dma_start3A_1229 : memref<!tpu.dma_semaphore, #tpu.memory_space<semaphore_mem>>)
      %dma_start3A_1236 = arith.constant 1 : i32
      %dma_start3A_1237 = arith.constant 1 : i32
      %dma_start3A_1238 = arith.constant 0 : i32
      %dma_start3A_1239 = arith.constant 0 : i32
      %dma_start3A_1240 = tpu.memref_slice %arg11[%dma_start3A_1236, %dma_start3A_1238, %dma_start3A_1239] : memref<2x16x3xf32, #tpu.memory_space<vmem>> -> memref<1x16x3xf32, #tpu.memory_space<vmem>>
      %dma_start3A_1241 = tpu.memref_squeeze %dma_start3A_1240 : memref<1x16x3xf32, #tpu.memory_space<vmem>> -> memref<16x3xf32, #tpu.memory_space<vmem>>
      %dma_start3A_1242 = arith.constant 0 : i32
      %dma_start3A_1243 = tpu.memref_slice %arg5[%mul3A_1187, %dma_start3A_1242] : memref<65536x3xf32, #tpu.memory_space<hbm>> -> memref<16x3xf32, #tpu.memory_space<hbm>>
      %dma_start3A_1244 = tpu.memref_slice %arg16[%dma_start3A_1237] : memref<2x!tpu.dma_semaphore, #tpu.memory_space<semaphore_mem>> -> memref<1x!tpu.dma_semaphore, #tpu.memory_space<semaphore_mem>>
      %dma_start3A_1245 = tpu.memref_squeeze %dma_start3A_1244 : memref<1x!tpu.dma_semaphore, #tpu.memory_space<semaphore_mem>> -> memref<!tpu.dma_semaphore, #tpu.memory_space<semaphore_mem>>
      %dma_start3A_1246 = arith.constant 0 : i32
      %dma_start3A_1247 = arith.constant 0 : i32
      %dma_start3A_1248 = tpu.memref_slice %arg11[%dma_start3A_1236, %dma_start3A_1246, %dma_start3A_1247] : memref<2x16x3xf32, #tpu.memory_space<vmem>> -> memref<1x16x3xf32, #tpu.memory_space<vmem>>
      %dma_start3A_1249 = tpu.memref_squeeze %dma_start3A_1248 : memref<1x16x3xf32, #tpu.memory_space<vmem>> -> memref<16x3xf32, #tpu.memory_space<vmem>>
      %dma_start3A_1250 = arith.constant 0 : i32
      %dma_start3A_1251 = tpu.memref_slice %arg5[%mul3A_1187, %dma_start3A_1250] : memref<65536x3xf32, #tpu.memory_space<hbm>> -> memref<16x3xf32, #tpu.memory_space<hbm>>
      tpu.enqueue_dma source(%dma_start3A_1251 : memref<16x3xf32, #tpu.memory_space<hbm>>) target(%dma_start3A_1249 : memref<16x3xf32, #tpu.memory_space<vmem>>) target_semaphore(%dma_start3A_1245 : memref<!tpu.dma_semaphore, #tpu.memory_space<semaphore_mem>>)
    }
    %scan3A_151 = arith.constant 64 : i32
    %mul3A_152 = arith.constant 128 : i32
    %mul3A_153 = arith.muli %add3A, %mul3A_152 : i32
    %add3A_154 = arith.constant 0 : i32
    %add3A_155 = arith.addi %mul3A_153, %add3A_154 : i32
    %mul3A_156 = arith.constant 16 : i32
    %mul3A_157 = arith.muli %add3A_155, %mul3A_156 : i32
    %dma_wait3A = arith.constant 0 : i32
    %dma_wait3A_158 = arith.constant 0 : i32
    %dma_wait3A_159 = arith.constant 0 : i32
    %dma_wait3A_160 = arith.constant 0 : i32
    %dma_wait3A_161 = tpu.memref_slice %arg8[%dma_wait3A, %dma_wait3A_159, %dma_wait3A_160] : memref<2x128x16xf32, #tpu.memory_space<vmem>> -> memref<1x128x16xf32, #tpu.memory_space<vmem>>
    %dma_wait3A_162 = tpu.memref_squeeze %dma_wait3A_161 : memref<1x128x16xf32, #tpu.memory_space<vmem>> -> memref<128x16xf32, #tpu.memory_space<vmem>>
    %dma_wait3A_163 = arith.constant 0 : i32
    %dma_wait3A_164 = tpu.memref_slice %arg2[%dma_wait3A_163, %mul3A_157] : memref<128x65536xf32, #tpu.memory_space<hbm>> -> memref<128x16xf32, #tpu.memory_space<hbm>>
    %dma_wait3A_165 = tpu.memref_slice %arg16[%dma_wait3A_158] : memref<2x!tpu.dma_semaphore, #tpu.memory_space<semaphore_mem>> -> memref<1x!tpu.dma_semaphore, #tpu.memory_space<semaphore_mem>>
    %dma_wait3A_166 = tpu.memref_squeeze %dma_wait3A_165 : memref<1x!tpu.dma_semaphore, #tpu.memory_space<semaphore_mem>> -> memref<!tpu.dma_semaphore, #tpu.memory_space<semaphore_mem>>
    %dma_wait3A_167 = arith.constant 0 : i32
    %dma_wait3A_168 = arith.constant 0 : i32
    %dma_wait3A_169 = tpu.memref_slice %arg8[%dma_wait3A, %dma_wait3A_167, %dma_wait3A_168] : memref<2x128x16xf32, #tpu.memory_space<vmem>> -> memref<1x128x16xf32, #tpu.memory_space<vmem>>
    %dma_wait3A_170 = tpu.memref_squeeze %dma_wait3A_169 : memref<1x128x16xf32, #tpu.memory_space<vmem>> -> memref<128x16xf32, #tpu.memory_space<vmem>>
    %dma_wait3A_171 = arith.constant 0 : i32
    %dma_wait3A_172 = tpu.memref_slice %arg2[%dma_wait3A_171, %mul3A_157] : memref<128x65536xf32, #tpu.memory_space<hbm>> -> memref<128x16xf32, #tpu.memory_space<hbm>>
    tpu.wait_dma2 semaphore(%dma_wait3A_166 : memref<!tpu.dma_semaphore, #tpu.memory_space<semaphore_mem>>) src(%dma_wait3A_172 : memref<128x16xf32, #tpu.memory_space<hbm>>) dst(%dma_wait3A_170 : memref<128x16xf32, #tpu.memory_space<vmem>>)
    %dma_wait3A_173 = arith.constant 0 : i32
    %dma_wait3A_174 = arith.constant 0 : i32
    %dma_wait3A_175 = arith.constant 0 : i32
    %dma_wait3A_176 = arith.constant 0 : i32
    %dma_wait3A_177 = tpu.memref_slice %arg9[%dma_wait3A_173, %dma_wait3A_175, %dma_wait3A_176] : memref<2x16x128xf32, #tpu.memory_space<vmem>> -> memref<1x16x128xf32, #tpu.memory_space<vmem>>
    %dma_wait3A_178 = tpu.memref_squeeze %dma_wait3A_177 : memref<1x16x128xf32, #tpu.memory_space<vmem>> -> memref<16x128xf32, #tpu.memory_space<vmem>>
    %dma_wait3A_179 = arith.constant 0 : i32
    %dma_wait3A_180 = tpu.memref_slice %arg3[%mul3A_157, %dma_wait3A_179] : memref<65536x128xf32, #tpu.memory_space<hbm>> -> memref<16x128xf32, #tpu.memory_space<hbm>>
    %dma_wait3A_181 = tpu.memref_slice %arg16[%dma_wait3A_174] : memref<2x!tpu.dma_semaphore, #tpu.memory_space<semaphore_mem>> -> memref<1x!tpu.dma_semaphore, #tpu.memory_space<semaphore_mem>>
    %dma_wait3A_182 = tpu.memref_squeeze %dma_wait3A_181 : memref<1x!tpu.dma_semaphore, #tpu.memory_space<semaphore_mem>> -> memref<!tpu.dma_semaphore, #tpu.memory_space<semaphore_mem>>
    %dma_wait3A_183 = arith.constant 0 : i32
    %dma_wait3A_184 = arith.constant 0 : i32
    %dma_wait3A_185 = tpu.memref_slice %arg9[%dma_wait3A_173, %dma_wait3A_183, %dma_wait3A_184] : memref<2x16x128xf32, #tpu.memory_space<vmem>> -> memref<1x16x128xf32, #tpu.memory_space<vmem>>
    %dma_wait3A_186 = tpu.memref_squeeze %dma_wait3A_185 : memref<1x16x128xf32, #tpu.memory_space<vmem>> -> memref<16x128xf32, #tpu.memory_space<vmem>>
    %dma_wait3A_187 = arith.constant 0 : i32
    %dma_wait3A_188 = tpu.memref_slice %arg3[%mul3A_157, %dma_wait3A_187] : memref<65536x128xf32, #tpu.memory_space<hbm>> -> memref<16x128xf32, #tpu.memory_space<hbm>>
    tpu.wait_dma2 semaphore(%dma_wait3A_182 : memref<!tpu.dma_semaphore, #tpu.memory_space<semaphore_mem>>) src(%dma_wait3A_188 : memref<16x128xf32, #tpu.memory_space<hbm>>) dst(%dma_wait3A_186 : memref<16x128xf32, #tpu.memory_space<vmem>>)
    %dma_wait3A_189 = arith.constant 0 : i32
    %dma_wait3A_190 = arith.constant 0 : i32
    %dma_wait3A_191 = arith.constant 0 : i32
    %dma_wait3A_192 = arith.constant 0 : i32
    %dma_wait3A_193 = tpu.memref_slice %arg10[%dma_wait3A_189, %dma_wait3A_191, %dma_wait3A_192] : memref<2x16x3xf32, #tpu.memory_space<vmem>> -> memref<1x16x3xf32, #tpu.memory_space<vmem>>
    %dma_wait3A_194 = tpu.memref_squeeze %dma_wait3A_193 : memref<1x16x3xf32, #tpu.memory_space<vmem>> -> memref<16x3xf32, #tpu.memory_space<vmem>>
    %dma_wait3A_195 = arith.constant 0 : i32
    %dma_wait3A_196 = tpu.memref_slice %arg4[%mul3A_157, %dma_wait3A_195] : memref<65536x3xf32, #tpu.memory_space<hbm>> -> memref<16x3xf32, #tpu.memory_space<hbm>>
    %dma_wait3A_197 = tpu.memref_slice %arg16[%dma_wait3A_190] : memref<2x!tpu.dma_semaphore, #tpu.memory_space<semaphore_mem>> -> memref<1x!tpu.dma_semaphore, #tpu.memory_space<semaphore_mem>>
    %dma_wait3A_198 = tpu.memref_squeeze %dma_wait3A_197 : memref<1x!tpu.dma_semaphore, #tpu.memory_space<semaphore_mem>> -> memref<!tpu.dma_semaphore, #tpu.memory_space<semaphore_mem>>
    %dma_wait3A_199 = arith.constant 0 : i32
    %dma_wait3A_200 = arith.constant 0 : i32
    %dma_wait3A_201 = tpu.memref_slice %arg10[%dma_wait3A_189, %dma_wait3A_199, %dma_wait3A_200] : memref<2x16x3xf32, #tpu.memory_space<vmem>> -> memref<1x16x3xf32, #tpu.memory_space<vmem>>
    %dma_wait3A_202 = tpu.memref_squeeze %dma_wait3A_201 : memref<1x16x3xf32, #tpu.memory_space<vmem>> -> memref<16x3xf32, #tpu.memory_space<vmem>>
    %dma_wait3A_203 = arith.constant 0 : i32
    %dma_wait3A_204 = tpu.memref_slice %arg4[%mul3A_157, %dma_wait3A_203] : memref<65536x3xf32, #tpu.memory_space<hbm>> -> memref<16x3xf32, #tpu.memory_space<hbm>>
    tpu.wait_dma2 semaphore(%dma_wait3A_198 : memref<!tpu.dma_semaphore, #tpu.memory_space<semaphore_mem>>) src(%dma_wait3A_204 : memref<16x3xf32, #tpu.memory_space<hbm>>) dst(%dma_wait3A_202 : memref<16x3xf32, #tpu.memory_space<vmem>>)
    %dma_wait3A_205 = arith.constant 0 : i32
    %dma_wait3A_206 = arith.constant 0 : i32
    %dma_wait3A_207 = arith.constant 0 : i32
    %dma_wait3A_208 = arith.constant 0 : i32
    %dma_wait3A_209 = tpu.memref_slice %arg11[%dma_wait3A_205, %dma_wait3A_207, %dma_wait3A_208] : memref<2x16x3xf32, #tpu.memory_space<vmem>> -> memref<1x16x3xf32, #tpu.memory_space<vmem>>
    %dma_wait3A_210 = tpu.memref_squeeze %dma_wait3A_209 : memref<1x16x3xf32, #tpu.memory_space<vmem>> -> memref<16x3xf32, #tpu.memory_space<vmem>>
    %dma_wait3A_211 = arith.constant 0 : i32
    %dma_wait3A_212 = tpu.memref_slice %arg5[%mul3A_157, %dma_wait3A_211] : memref<65536x3xf32, #tpu.memory_space<hbm>> -> memref<16x3xf32, #tpu.memory_space<hbm>>
    %dma_wait3A_213 = tpu.memref_slice %arg16[%dma_wait3A_206] : memref<2x!tpu.dma_semaphore, #tpu.memory_space<semaphore_mem>> -> memref<1x!tpu.dma_semaphore, #tpu.memory_space<semaphore_mem>>
    %dma_wait3A_214 = tpu.memref_squeeze %dma_wait3A_213 : memref<1x!tpu.dma_semaphore, #tpu.memory_space<semaphore_mem>> -> memref<!tpu.dma_semaphore, #tpu.memory_space<semaphore_mem>>
    %dma_wait3A_215 = arith.constant 0 : i32
    %dma_wait3A_216 = arith.constant 0 : i32
    %dma_wait3A_217 = tpu.memref_slice %arg11[%dma_wait3A_205, %dma_wait3A_215, %dma_wait3A_216] : memref<2x16x3xf32, #tpu.memory_space<vmem>> -> memref<1x16x3xf32, #tpu.memory_space<vmem>>
    %dma_wait3A_218 = tpu.memref_squeeze %dma_wait3A_217 : memref<1x16x3xf32, #tpu.memory_space<vmem>> -> memref<16x3xf32, #tpu.memory_space<vmem>>
    %dma_wait3A_219 = arith.constant 0 : i32
    %dma_wait3A_220 = tpu.memref_slice %arg5[%mul3A_157, %dma_wait3A_219] : memref<65536x3xf32, #tpu.memory_space<hbm>> -> memref<16x3xf32, #tpu.memory_space<hbm>>
    tpu.wait_dma2 semaphore(%dma_wait3A_214 : memref<!tpu.dma_semaphore, #tpu.memory_space<semaphore_mem>>) src(%dma_wait3A_220 : memref<16x3xf32, #tpu.memory_space<hbm>>) dst(%dma_wait3A_218 : memref<16x3xf32, #tpu.memory_space<vmem>>)
    %mul3A_221 = arith.constant 128 : i32
    %mul3A_222 = arith.muli %add3A, %mul3A_221 : i32
    %add3A_223 = arith.constant 1 : i32
    %add3A_224 = arith.addi %mul3A_222, %add3A_223 : i32
    %mul3A_225 = arith.constant 16 : i32
    %mul3A_226 = arith.muli %add3A_224, %mul3A_225 : i32
    %dma_wait3A_227 = arith.constant 1 : i32
    %dma_wait3A_228 = arith.constant 1 : i32
    %dma_wait3A_229 = arith.constant 0 : i32
    %dma_wait3A_230 = arith.constant 0 : i32
    %dma_wait3A_231 = tpu.memref_slice %arg8[%dma_wait3A_227, %dma_wait3A_229, %dma_wait3A_230] : memref<2x128x16xf32, #tpu.memory_space<vmem>> -> memref<1x128x16xf32, #tpu.memory_space<vmem>>
    %dma_wait3A_232 = tpu.memref_squeeze %dma_wait3A_231 : memref<1x128x16xf32, #tpu.memory_space<vmem>> -> memref<128x16xf32, #tpu.memory_space<vmem>>
    %dma_wait3A_233 = arith.constant 0 : i32
    %dma_wait3A_234 = tpu.memref_slice %arg2[%dma_wait3A_233, %mul3A_226] : memref<128x65536xf32, #tpu.memory_space<hbm>> -> memref<128x16xf32, #tpu.memory_space<hbm>>
    %dma_wait3A_235 = tpu.memref_slice %arg16[%dma_wait3A_228] : memref<2x!tpu.dma_semaphore, #tpu.memory_space<semaphore_mem>> -> memref<1x!tpu.dma_semaphore, #tpu.memory_space<semaphore_mem>>
    %dma_wait3A_236 = tpu.memref_squeeze %dma_wait3A_235 : memref<1x!tpu.dma_semaphore, #tpu.memory_space<semaphore_mem>> -> memref<!tpu.dma_semaphore, #tpu.memory_space<semaphore_mem>>
    %dma_wait3A_237 = arith.constant 0 : i32
    %dma_wait3A_238 = arith.constant 0 : i32
    %dma_wait3A_239 = tpu.memref_slice %arg8[%dma_wait3A_227, %dma_wait3A_237, %dma_wait3A_238] : memref<2x128x16xf32, #tpu.memory_space<vmem>> -> memref<1x128x16xf32, #tpu.memory_space<vmem>>
    %dma_wait3A_240 = tpu.memref_squeeze %dma_wait3A_239 : memref<1x128x16xf32, #tpu.memory_space<vmem>> -> memref<128x16xf32, #tpu.memory_space<vmem>>
    %dma_wait3A_241 = arith.constant 0 : i32
    %dma_wait3A_242 = tpu.memref_slice %arg2[%dma_wait3A_241, %mul3A_226] : memref<128x65536xf32, #tpu.memory_space<hbm>> -> memref<128x16xf32, #tpu.memory_space<hbm>>
    tpu.wait_dma2 semaphore(%dma_wait3A_236 : memref<!tpu.dma_semaphore, #tpu.memory_space<semaphore_mem>>) src(%dma_wait3A_242 : memref<128x16xf32, #tpu.memory_space<hbm>>) dst(%dma_wait3A_240 : memref<128x16xf32, #tpu.memory_space<vmem>>)
    %dma_wait3A_243 = arith.constant 1 : i32
    %dma_wait3A_244 = arith.constant 1 : i32
    %dma_wait3A_245 = arith.constant 0 : i32
    %dma_wait3A_246 = arith.constant 0 : i32
    %dma_wait3A_247 = tpu.memref_slice %arg9[%dma_wait3A_243, %dma_wait3A_245, %dma_wait3A_246] : memref<2x16x128xf32, #tpu.memory_space<vmem>> -> memref<1x16x128xf32, #tpu.memory_space<vmem>>
    %dma_wait3A_248 = tpu.memref_squeeze %dma_wait3A_247 : memref<1x16x128xf32, #tpu.memory_space<vmem>> -> memref<16x128xf32, #tpu.memory_space<vmem>>
    %dma_wait3A_249 = arith.constant 0 : i32
    %dma_wait3A_250 = tpu.memref_slice %arg3[%mul3A_226, %dma_wait3A_249] : memref<65536x128xf32, #tpu.memory_space<hbm>> -> memref<16x128xf32, #tpu.memory_space<hbm>>
    %dma_wait3A_251 = tpu.memref_slice %arg16[%dma_wait3A_244] : memref<2x!tpu.dma_semaphore, #tpu.memory_space<semaphore_mem>> -> memref<1x!tpu.dma_semaphore, #tpu.memory_space<semaphore_mem>>
    %dma_wait3A_252 = tpu.memref_squeeze %dma_wait3A_251 : memref<1x!tpu.dma_semaphore, #tpu.memory_space<semaphore_mem>> -> memref<!tpu.dma_semaphore, #tpu.memory_space<semaphore_mem>>
    %dma_wait3A_253 = arith.constant 0 : i32
    %dma_wait3A_254 = arith.constant 0 : i32
    %dma_wait3A_255 = tpu.memref_slice %arg9[%dma_wait3A_243, %dma_wait3A_253, %dma_wait3A_254] : memref<2x16x128xf32, #tpu.memory_space<vmem>> -> memref<1x16x128xf32, #tpu.memory_space<vmem>>
    %dma_wait3A_256 = tpu.memref_squeeze %dma_wait3A_255 : memref<1x16x128xf32, #tpu.memory_space<vmem>> -> memref<16x128xf32, #tpu.memory_space<vmem>>
    %dma_wait3A_257 = arith.constant 0 : i32
    %dma_wait3A_258 = tpu.memref_slice %arg3[%mul3A_226, %dma_wait3A_257] : memref<65536x128xf32, #tpu.memory_space<hbm>> -> memref<16x128xf32, #tpu.memory_space<hbm>>
    tpu.wait_dma2 semaphore(%dma_wait3A_252 : memref<!tpu.dma_semaphore, #tpu.memory_space<semaphore_mem>>) src(%dma_wait3A_258 : memref<16x128xf32, #tpu.memory_space<hbm>>) dst(%dma_wait3A_256 : memref<16x128xf32, #tpu.memory_space<vmem>>)
    %dma_wait3A_259 = arith.constant 1 : i32
    %dma_wait3A_260 = arith.constant 1 : i32
    %dma_wait3A_261 = arith.constant 0 : i32
    %dma_wait3A_262 = arith.constant 0 : i32
    %dma_wait3A_263 = tpu.memref_slice %arg10[%dma_wait3A_259, %dma_wait3A_261, %dma_wait3A_262] : memref<2x16x3xf32, #tpu.memory_space<vmem>> -> memref<1x16x3xf32, #tpu.memory_space<vmem>>
    %dma_wait3A_264 = tpu.memref_squeeze %dma_wait3A_263 : memref<1x16x3xf32, #tpu.memory_space<vmem>> -> memref<16x3xf32, #tpu.memory_space<vmem>>
    %dma_wait3A_265 = arith.constant 0 : i32
    %dma_wait3A_266 = tpu.memref_slice %arg4[%mul3A_226, %dma_wait3A_265] : memref<65536x3xf32, #tpu.memory_space<hbm>> -> memref<16x3xf32, #tpu.memory_space<hbm>>
    %dma_wait3A_267 = tpu.memref_slice %arg16[%dma_wait3A_260] : memref<2x!tpu.dma_semaphore, #tpu.memory_space<semaphore_mem>> -> memref<1x!tpu.dma_semaphore, #tpu.memory_space<semaphore_mem>>
    %dma_wait3A_268 = tpu.memref_squeeze %dma_wait3A_267 : memref<1x!tpu.dma_semaphore, #tpu.memory_space<semaphore_mem>> -> memref<!tpu.dma_semaphore, #tpu.memory_space<semaphore_mem>>
    %dma_wait3A_269 = arith.constant 0 : i32
    %dma_wait3A_270 = arith.constant 0 : i32
    %dma_wait3A_271 = tpu.memref_slice %arg10[%dma_wait3A_259, %dma_wait3A_269, %dma_wait3A_270] : memref<2x16x3xf32, #tpu.memory_space<vmem>> -> memref<1x16x3xf32, #tpu.memory_space<vmem>>
    %dma_wait3A_272 = tpu.memref_squeeze %dma_wait3A_271 : memref<1x16x3xf32, #tpu.memory_space<vmem>> -> memref<16x3xf32, #tpu.memory_space<vmem>>
    %dma_wait3A_273 = arith.constant 0 : i32
    %dma_wait3A_274 = tpu.memref_slice %arg4[%mul3A_226, %dma_wait3A_273] : memref<65536x3xf32, #tpu.memory_space<hbm>> -> memref<16x3xf32, #tpu.memory_space<hbm>>
    tpu.wait_dma2 semaphore(%dma_wait3A_268 : memref<!tpu.dma_semaphore, #tpu.memory_space<semaphore_mem>>) src(%dma_wait3A_274 : memref<16x3xf32, #tpu.memory_space<hbm>>) dst(%dma_wait3A_272 : memref<16x3xf32, #tpu.memory_space<vmem>>)
    %dma_wait3A_275 = arith.constant 1 : i32
    %dma_wait3A_276 = arith.constant 1 : i32
    %dma_wait3A_277 = arith.constant 0 : i32
    %dma_wait3A_278 = arith.constant 0 : i32
    %dma_wait3A_279 = tpu.memref_slice %arg11[%dma_wait3A_275, %dma_wait3A_277, %dma_wait3A_278] : memref<2x16x3xf32, #tpu.memory_space<vmem>> -> memref<1x16x3xf32, #tpu.memory_space<vmem>>
    %dma_wait3A_280 = tpu.memref_squeeze %dma_wait3A_279 : memref<1x16x3xf32, #tpu.memory_space<vmem>> -> memref<16x3xf32, #tpu.memory_space<vmem>>
    %dma_wait3A_281 = arith.constant 0 : i32
    %dma_wait3A_282 = tpu.memref_slice %arg5[%mul3A_226, %dma_wait3A_281] : memref<65536x3xf32, #tpu.memory_space<hbm>> -> memref<16x3xf32, #tpu.memory_space<hbm>>
    %dma_wait3A_283 = tpu.memref_slice %arg16[%dma_wait3A_276] : memref<2x!tpu.dma_semaphore, #tpu.memory_space<semaphore_mem>> -> memref<1x!tpu.dma_semaphore, #tpu.memory_space<semaphore_mem>>
    %dma_wait3A_284 = tpu.memref_squeeze %dma_wait3A_283 : memref<1x!tpu.dma_semaphore, #tpu.memory_space<semaphore_mem>> -> memref<!tpu.dma_semaphore, #tpu.memory_space<semaphore_mem>>
    %dma_wait3A_285 = arith.constant 0 : i32
    %dma_wait3A_286 = arith.constant 0 : i32
    %dma_wait3A_287 = tpu.memref_slice %arg11[%dma_wait3A_275, %dma_wait3A_285, %dma_wait3A_286] : memref<2x16x3xf32, #tpu.memory_space<vmem>> -> memref<1x16x3xf32, #tpu.memory_space<vmem>>
    %dma_wait3A_288 = tpu.memref_squeeze %dma_wait3A_287 : memref<1x16x3xf32, #tpu.memory_space<vmem>> -> memref<16x3xf32, #tpu.memory_space<vmem>>
    %dma_wait3A_289 = arith.constant 0 : i32
    %dma_wait3A_290 = tpu.memref_slice %arg5[%mul3A_226, %dma_wait3A_289] : memref<65536x3xf32, #tpu.memory_space<hbm>> -> memref<16x3xf32, #tpu.memory_space<hbm>>
    tpu.wait_dma2 semaphore(%dma_wait3A_284 : memref<!tpu.dma_semaphore, #tpu.memory_space<semaphore_mem>>) src(%dma_wait3A_290 : memref<16x3xf32, #tpu.memory_space<hbm>>) dst(%dma_wait3A_288 : memref<16x3xf32, #tpu.memory_space<vmem>>)
    return
  }
}

</mosaic_0001>

<sc_bundles>
// kernel: kernel.3.cloned.1.call-start
scs
__scs_entry_jumppad:
0x0: {  	(pc) =	sbr.rel $0x88, $3  }
0x1: {  	(tag) =	ssettag $0x0;
	lr =	simm.s32 $0x1  }
0x2: {  	[smem:$0x3F9D] =	sst lr;
	_ =	strace $0xD0000000  }
0x3: {  	_ = 	snop  }
0x4: {  	_ = 	snop  }
0x5: {  	_ = 	snop  }
0x6: {  	_ = 	snop  }
0x7: {  	_ = 	snop  }
__scs_overlays_trampoline_lowered:
0x8: {  	[smem:$0x3FAC] =	sst s0  }
0x9: {  	[smem:$0x3FAD] =	sst s1  }
0xa: {  	[smem:$0x3FAE] =	sst s2  }
0xb: {  	[smem:$0x3FAF] =	sst s3  }
0xc: {  	[smem:$0x3FB0] =	sst s4  }
0xd: {  	[smem:$0x3FB1] =	sst s5  }
0xe: {  	[smem:$0x3FB2] =	sst s6  }
0xf: {  	[smem:$0x3FB3] =	sst s7  }
0x10: {  	[smem:$0x3FB4] =	sst s8  }
0x11: {  	[smem:$0x3FB5] =	sst s9;
	s0 =	simm.s32 @!p0 $0x0  }
0x12: {  	s1 =	sld [smem:$0x3F9B];
	s0 =	simm.s32 @p0 $0x1  }
0x13: {  	[smem:$0x3FB6] =	sst s0;
	s0 =	simm.s32 @!p1 $0x0  }
0x14: {  	s2 =	sld [smem:$0x3F9A];
	s0 =	simm.s32 @p1 $0x1  }
0x15: {  	[smem:$0x3FB7] =	sst s0;
	s0 =	simm.s32 @!p2 $0x0  }
0x16: {  	s3 =	sld [smem:$0x3FDB];
	s0 =	simm.s32 @p2 $0x1  }
0x17: {  	s4 =	simm.s32 $0x1BF5;
	[smem:$0x3FB9] =	sst s0  }
0x18: {  	s0 =	sld [smem:$0x3F9C];
	_ =	swait.ge [sflag:s4], $0x0  }
0x19: {  	s7 =	sld [smem:$0x3F9D]  }
0x1a: {  	s8 =	sadd.s32 $0xFFFFE003, lr  }
0x1b: {  	s9 =	sadd.s32 $0xFFFFFEF7, lr;
	s5 =	simm.s32 $0xFFFFFFFF;
	p2 =	slt.u32 s8, $0xFFFFF086  }
0x1c: {  	p1 =	slt.u32 s9, $0xF7A;
	s5 =	simm.s32 @!p2 $0x0  }
0x1d: {  	s5 =	simm.s32 @p1 $0x1;
	p0 =	seq.s32 s7, s2  }
0x1e: {  	s7 =	smul.u32 @!p0 $0xF7A, s2;
	p2 =	seq.s32 @!p0 s5, $0x0  }
0x1f: {  	s9 =	smul.u32 $0xF7A, s1;
	s8 =	simm.s32 @!p0 $0x1BF5;
	p2 =	por !p2, p0  }
0x20: {  	[sflag:s8] =	ssyncset.s32 @!p0 $0xFFFFF086;
	s6 =	sadd.s32 @!p0 s3, s7;
	s7 =	simm.s32 @!p0 $0x108  }
0x21: {  	s3 =	sadd.s32 s3, s9;
	s6 =	sadd.s32 @!p0 $0x88, s6;
	s7 =	simm.s32 @p2 $0x1082  }
0x22: {  	[simem:s7], [sflag:s8] =	dma.local @!p0 [hbm:s6], $0xF7A  }
0x23: {  	s9 =	sor.u32 $0xD0000000, s2;
	s6 =	simm.s32 $0x108;
	_ =	swait.ge @!p0 [sflag:s8], $0x0  }
0x24: {  	s3 =	sadd.s32 $0x88, s3;
	s6 =	simm.s32 @!p1 $0x1082;
	[sflag:s4] =	ssyncset.s32 $0xFFFFF086  }
0x25: {  	[simem:s6], [sflag:s4] =	dma.local [hbm:s3], $0xF7A  }
0x26: {  	[smem:$0x3F9D] =	sst s1;
	(tag) =	ssettag s2;
	_ =	strace s9  }
0x27: {  	s1 =	sld [smem:$0x3FAD]  }
0x28: {  	s2 =	sld [smem:$0x3FAE]  }
0x29: {  	s4 =	sld [smem:$0x3FB0]  }
0x2a: {  	p0 =	seq.s32 s5, $0x0;
	s5 =	sld [smem:$0x3FB1]  }
0x2b: {  	s6 =	sld [smem:$0x3FB2]  }
0x2c: {  	s7 =	sld [smem:$0x3FB3]  }
0x2d: {  	s3 =	simm.s32 $0x108;
	s8 =	sld [smem:$0x3FB4]  }
0x2e: {  	s3 =	simm.s32 @!p0 $0x1082;
	s9 =	sld [smem:$0x3FB5]  }
0x2f: {  	lr =	sadd.s32 s0, s3;
	s0 =	sld [smem:$0x3FAC]  }
0x30: {  	s3 =	sld [smem:$0x3FAF]  }
0x31: {  	[smem:$0x3FB8] =	sst s10  }
0x32: {  	s10 =	sld [smem:$0x3FB6];
	_ =	sdelay $0x3  }
0x33: {  	p0 =	seq.s32 s10, $0x1;
	s10 =	sld [smem:$0x3FB8];
	_ =	sdelay $0x3  }
0x34: {  	[smem:$0x3FB8] =	sst s10  }
0x35: {  	s10 =	sld [smem:$0x3FB7];
	_ =	sdelay $0x3  }
0x36: {  	p1 =	seq.s32 s10, $0x1;
	s10 =	sld [smem:$0x3FB8];
	_ =	sdelay $0x3  }
0x37: {  	[smem:$0x3FB8] =	sst s10  }
0x38: {  	s10 =	sld [smem:$0x3FB9]  }
0x39: {  	_ = 	snop;
	(pc) =	sbr.ind lr, $3  }
0x3a: {  	_ = 	snop  }
0x3b: {  	_ = 	snop  }
0x3c: {  	p2 =	seq.s32 s10, $0x1;
	s10 =	sld [smem:$0x3FB8]  }
0x3d: {  	_ =	shalt  }
0x3e: {  	_ =	shalt  }
0x3f: {  	_ =	shalt  }
0x40: {  	_ =	shalt  }
0x41: {  	_ =	shalt  }
0x42: {  	_ =	shalt  }
0x43: {  	_ =	shalt  }
0x44: {  	_ =	shalt  }
0x45: {  	_ =	shalt  }
0x46: {  	_ =	shalt  }
0x47: {  	_ =	shalt  }
0x48: {  	_ =	shalt  }
0x49: {  	_ =	shalt  }
0x4a: {  	_ =	shalt  }
0x4b: {  	_ =	shalt  }
0x4c: {  	_ =	shalt  }
0x4d: {  	_ =	shalt  }
0x4e: {  	_ =	shalt  }
0x4f: {  	_ =	shalt  }
0x50: {  	_ =	shalt  }
0x51: {  	_ =	shalt  }
0x52: {  	_ =	shalt  }
0x53: {  	_ =	shalt  }
0x54: {  	_ =	shalt  }
0x55: {  	_ =	shalt  }
0x56: {  	_ =	shalt  }
0x57: {  	_ =	shalt  }
0x58: {  	_ =	shalt  }
0x59: {  	_ =	shalt  }
0x5a: {  	_ =	shalt  }
0x5b: {  	_ =	shalt  }
0x5c: {  	_ =	shalt  }
0x5d: {  	_ =	shalt  }
0x5e: {  	_ =	shalt  }
0x5f: {  	_ =	shalt  }
0x60: {  	_ =	shalt  }
0x61: {  	_ =	shalt  }
0x62: {  	_ =	shalt  }
0x63: {  	_ =	shalt  }
0x64: {  	_ =	shalt  }
0x65: {  	_ =	shalt  }
0x66: {  	_ =	shalt  }
0x67: {  	_ =	shalt  }
0x68: {  	_ =	shalt  }
0x69: {  	_ =	shalt  }
0x6a: {  	_ =	shalt  }
0x6b: {  	_ =	shalt  }
0x6c: {  	_ =	shalt  }
0x6d: {  	_ =	shalt  }
0x6e: {  	_ =	shalt  }
0x6f: {  	_ =	shalt  }
0x70: {  	_ =	shalt  }
0x71: {  	_ =	shalt  }
0x72: {  	_ =	shalt  }
0x73: {  	_ =	shalt  }
0x74: {  	_ =	shalt  }
0x75: {  	_ =	shalt  }
0x76: {  	_ =	shalt  }
0x77: {  	_ =	shalt  }
0x78: {  	_ =	shalt  }
0x79: {  	_ =	shalt  }
0x7a: {  	_ =	shalt  }
0x7b: {  	_ =	shalt  }
0x7c: {  	_ =	shalt  }
0x7d: {  	_ =	shalt  }
0x7e: {  	_ =	shalt  }
0x7f: {  	_ =	shalt  }
0x80: {  	_ =	shalt  }
0x81: {  	_ =	shalt  }
0x82: {  	_ =	shalt  }
0x83: {  	_ =	shalt  }
0x84: {  	_ =	shalt  }
0x85: {  	_ =	shalt  }
0x86: {  	_ =	shalt  }
0x87: {  	_ =	shalt  }
.Lfunc_end0:
.L_simem_size_0:
called_computation.2_lowered:
.L_overlay_start_0:
0x88: {  	s2 =	sld [smem:$0x3FD9]  }
0x89: {  	s3 =	sld [smem:$0x3FFE];
	_ =	sdelay $0x1  }
0x8a: {  	s1 =	srdreg.scid  }
0x8b: {  	s0 =	sand.u32 $0x1, s1  }
0x8c: {  	s14 =	sshll.u32 s0, $0xA;
	s2 =	sadd.s32 s3, s2  }
0x8d: {  	s2 =	sadd.s32 s2, s14  }
0x8e: {  	[smem:$0x3FC4] =	sst s2  }
0x8f: {  	_ = 	snop  }
0x90: {  	s2 =	sld [smem:$0x3FD0];
	_ =	sdelay $0x2  }
0x91: {  	s4 =	simm.s32 $0xA;
	s5 =	simm.s32 $0x10;
	s15 =	sld [smem:$0x3FC6]  }
0x92: {  	[smem:s5], [sflag:s4] =	dma.local [hbm:s2], $0x1  }
0x93: {  	_ =	swait.eq [sflag:s4], $0x1  }
0x94: {  	[sflag:s4] =	ssyncset.done $0x0  }
0x95: {  	s16 =	sld [smem:$0x10];
	[sflag:s4] =	ssyncadd.s32 $0xFFFFFFFF  }
0x96: {  	s17 =	sld [smem:$0x11];
	(tm) =	ssettm $0x1  }
0x97: {  	s18 =	sld [smem:$0x3FFB];
	_ =	sdelay $0x3  }
0x98: {  	_ =	strace s18  }
0x99: {  	s5 =	sld [smem:$0x3FFC];
	_ =	sdelay $0x3  }
0x9a: {  	_ =	strace s5  }
0x9b: {  	s5 =	sld [smem:$0x3FFD];
	_ =	sdelay $0x3  }
0x9c: {  	_ =	strace s5  }
0x9d: {  	_ =	strace $0x8FFFFFFF  }
0x9e: {  	s19 =	sld [smem:$0x3FDB];
	_ =	sdelay $0x1  }
0x9f: {  	s6 =	simm.s32 $_scs_section_size  }
0xa0: {  	s7 =	simm.s32 $_size__tile_overlayer_lowered;
	s8 =	simm.s32 $_tile_overlayer_lowered  }
0xa1: {  	s22 =	simm.s32 $0x1BFF;
	s21 =	sshll.u32 s8, $0x1;
	s5 =	sadd.s32 s6, s19  }
0xa2: {  	s9 =	simm.s32 $0x0;
	s20 =	sshll.u32 s7, $0x1;
	s7 =	sadd.s32 s21, s5  }
0xa3: {  	[timem:s9], [sflag:s22] =	dma.local [hbm:s7], s20  }
0xa4: {  	_ =	swait.ge [sflag:s22], s20  }
0xa5: {  	s6 =	ssub.s32 $0x0, s20;
	[sflag:s22] =	ssyncset.done $0x0  }
0xa6: {  	[sflag:s22] =	ssyncadd.s32 s6;
	_ =	sdelay $0x1  }
0xa7: {  	s23 =	simm.s32 $0x1B8B  }
0xa8: {  	_ =	swait.ge [sflag:s23], $0x1  }
0xa9: {  	[sflag:s23] =	ssyncset.done $0x0  }
0xaa: {  	s25 =	simm.s32 $0x1B8E;
	s24 =	sld [smem:$0x3FFE];
	[sflag:s23] =	ssyncadd.s32 $0xFFFFFFFF  }
0xab: {  	s26 =	simm.s32 $execute0_lowered;
	[smem:$0x3FD2] =	sst s25  }
0xac: {  	s7 =	sshll.u32 s26, $0x1;
	_ =	strace $0x80000049;
	[dreg:$0x1] =	wrdreg $0xFFFFFFFF  }
0xad: {  	s28 =	simm.s32 $_size_execute0_lowered;
	s5 =	sadd.s32 s5, s7;
	[dreg:$0x0] =	wrdreg $0x0  }
0xae: {  	s7 =	sshll.u32 s28, $0x1;
	[dreg:$0x2] =	wrdreg s5  }
0xaf: {  	[dreg:$0x3] =	wrdreg s7  }
0xb0: {  	[dreg:$0x4] =	wrdreg $0xC0  }
0xb1: {  	_ =	task [dreg:s9], $0x5FFFF  }
0xb2: {  	[dreg:$0x1] =	wrdreg $0xFFFFFFFF  }
0xb3: {  	[dreg:$0x0] =	wrdreg $0x60  }
0xb4: {  	[dreg:$0x2] =	wrdreg s24  }
0xb5: {  	[dreg:$0x3] =	wrdreg s15  }
0xb6: {  	[dreg:$0x4] =	wrdreg s16  }
0xb7: {  	[dreg:$0x5] =	wrdreg s17  }
0xb8: {  	[dreg:$0x6] =	wrdreg $0x9  }
0xb9: {  	_ =	task.clear_ibuf [dreg:s9], $0x7FFFF;
	_ =	strace $0x90000049  }
0xba: {  	s29 =	simm.s32 $0x9;
	_ =	strace $0x8000004B  }
0xbb: {  	_ =	swait.ge [sflag:s29], $0x1  }
0xbc: {  	[sflag:s29] =	ssyncadd.s32 $0xFFFFFFFF  }
0xbd: {  	_ =	strace $0x9000004B  }
0xbe: {  	_ =	sfence  }
0xbf: {  	s30 =	sld [smem:$0x0];
	_ =	sdelay $0x2  }
0xc0: {  	s31 =	sshll.u32 s1, $0xD;
	s1 =	sshrl.u32 s1, $0x2  }
0xc1: {  	s3 =	sand.u32 $0x4000, s31;
	s1 =	sadd.s32 s1, s30  }
0xc2: {  	s0 =	sor.u32 s3, s0;
	s1 =	sshll.u32 s1, $0x11  }
0xc3: {  	s0 =	sor.u32 s1, s0  }
0xc4: {  	s0 =	sadd.s32 $0x8F2B, s0  }
0xc5: {  	[sflag:s0] =	ssyncadd.remote.s32 $0x1  }
0xc6: {  	_ =	sfence.sel $0xFFFF  }
0xc7: {  	[dreg:$0x0] =	wrdreg $0xFFFFFFFF;
	(pc) =	sbr.abs _section_cstart, $3  }
0xc8: {  	[dreg:$0x1] =	wrdreg $0xFFFFFFFF  }
0xc9: {  	_ =	task.clear_ibuf [dreg:s9], $0x2FFFF;
	_ =	strace $0x9FFFFFFF  }
0xca: {  	(tm) =	ssettm $0x7FFFFFFF  }
0xcb: {  	_ =	shalt  }
tec
execute0_lowered:
.L_overlay_start_1:
0x0: {  	(tag) =	ssettag $0x1  }
0x1: {  	s0 =	rddreg [dreg:$0x0]  }
0x2: {  	s1 =	rddreg [dreg:$0x1]  }
0x3: {  	s2 =	rddreg [dreg:$0x2]  }
0x4: {  	s3 =	rddreg [dreg:$0x3];
	s4 =	simm.s32 $0x0  }
0x5: {  	s5 =	srdreg.scid;
	s8 =	stileid.u32;
	s28 =	simm.s32 $0x2180  }
0x6: {  	s29 =	simm.s32 $0x1;
	s30 =	simm.s32 $0x2A00;
	s31 =	simm.s32 $0x2200  }
0x7: {  	s11 =	simm.s32 $0x400000;
	[smem:$0x7FF] =	sst s4;
	s6 =	sadd.s32 $0x1600, s0  }
0x8: {  	s5 =	sand.u32 $0x1, s5;
	s7 =	sadd.s32 $0x101600, s0;
	s10 =	sshll.u32 s8, $0x1  }
0x9: {  	s8 =	sadd.s32 $0x111600, s0;
	s9 =	ssub.s32 $0x2, s5;
	s5 =	sor.u32 s5, s10  }
0xa: {  	_ =	strace $0x8000004A;
	s16 =	sshrl.u32 s9, $0x1;
	s17 =	sshll.u32 s5, $0x8  }
0xb: {  	s10 =	sshll.u32 s5, $0xF;
	s0 =	ssub.s32 s9, s16;
	s9 =	sadd.s32 s6, s17  }
0xc: {  	s19 =	sshll.u32 s5, $0xB;
	s18 =	sadd.s32 s1, s10;
	[dreg:$0x5] =	wrdreg s9  }
0xd: {  	s12 =	simm.s32 $0x2;
	s20 =	sadd.s32 s7, s19;
	[dreg:$0x6] =	wrdreg s18  }
0xe: {  	s15 =	simm.s32 $0x0;
	s21 =	sadd.s32 s8, s19;
	[dreg:$0x7] =	wrdreg s20  }
0xf: {  	s13 =	sshll.u32 s5, $0x7;
	s10 =	simm.s32 $0x400;
	[dreg:$0x8] =	wrdreg s21  }
0x10: {  	s9 =	sor.u32 $0x10, s19;
	s0 =	smax.u32 s0, $0x1;
	s19 =	simm.s32 $0x10  }
0x11: {  	s20 =	simm.s32 $0x10000;
	s21 =	simm.s32 $0x1000;
	s22 =	sshrl.u32 s9, $0x3  }
0x12: {  	s23 =	sshll.u32 s9, $0x4;
	s25 =	sadd.s32 s7, s9;
	s26 =	sadd.s32 s8, s9  }
0x13: {  	v0 =	vlaneseq.u32;
	[dreg:$0xd] =	wrdreg s0;
	s0 =	simm.s32 $0x3A00;
	s9 =	simm.s32 $0x3  }
0x14: {  	v1 =	vmul.u32 $0x8, v0;
	s5 =	sadd.s32 s6, s22;
	s24 =	sadd.s32 s1, s23;
	[dreg:$0xb] =	wrdreg s25  }
0x15: {  	v2 =	vimm.s32 $0x0;
	v3 =	vmul.u32 $0x40, v0;
	[dreg:$0xc] =	wrdreg s26;
	s22 =	simm.s32 $0x2000;
	s23 =	simm.s32 $0x2100  }
0x16: {  	v4 =	vimm.s32 $0x80;
	v7 =	vmul.u32 $0x80, v0;
	v5 =	vor.u32 $0x1, v1;
	s25 =	simm.s32 $0x1800;
	s26 =	simm.s32 $0x2080;
	[dreg:$0x9] =	wrdreg s5  }
0x17: {  	v6 =	vor.u32 $0x2, v1;
	v8 =	vor.u32 $0x400, v3;
	v9 =	vor.u32 $0x800, v3;
	[dreg:$0xa] =	wrdreg s24;
	s24 =	simm.s32 $0x800;
	s5 =	simm.s32 $0x2E00  }
.LBB2_1:
0x18: {  	[dreg:$0xe] =	wrdreg s15  }
0x19: {  	s14 =	rddreg [dreg:$0x5]  }
0x1a: {  	[tilespmem:s4], [sflag:$0x1] =	stream.strided.gather [hbm4b:s14+s19], $0x800, s20, s19, $0x38;
	[tilespmem:$0x3E00] =	vst v63  }
0x1b: {  	s16 =	rddreg [dreg:$0x6]  }
0x1c: {  	[tilespmem:s21], [sflag:$0x1] =	stream.linear.gather [hbm4b:s16+s4], $0x800, $0x38;
	[tilespmem:$0x3E00] =	vst v63  }
0x1d: {  	s17 =	rddreg [dreg:$0x7]  }
0x1e: {  	[tilespmem:s22], [sflag:$0x1] =	stream.linear.gather [hbm4b:s17+s4], $0x80, $0x38;
	[tilespmem:$0x3E00] =	vst v63  }
0x1f: {  	s18 =	rddreg [dreg:$0x8]  }
0x20: {  	[tilespmem:s23], [sflag:$0x1] =	stream.linear.gather [hbm4b:s18+s4], $0x80, $0x38;
	[tilespmem:$0x3E00] =	vst v63  }
0x21: {  	s15 =	rddreg [dreg:$0x9]  }
0x22: {  	[tilespmem:s24], [sflag:$0x2] =	stream.strided.gather [hbm4b:s15+s19], $0x800, s20, s19, $0x38;
	[tilespmem:$0x3E00] =	vst v63  }
0x23: {  	s16 =	rddreg [dreg:$0xa]  }
0x24: {  	[tilespmem:s25], [sflag:$0x2] =	stream.linear.gather [hbm4b:s16+s4], $0x800, $0x38;
	[tilespmem:$0x3E00] =	vst v63  }
0x25: {  	s17 =	rddreg [dreg:$0xb]  }
0x26: {  	[tilespmem:s26], [sflag:$0x2] =	stream.linear.gather [hbm4b:s17+s4], $0x80, $0x38;
	[tilespmem:$0x3E00] =	vst v63  }
0x27: {  	s18 =	rddreg [dreg:$0xc];
	s15 =	simm.s32 $0x0  }
0x28: {  	[tilespmem:s28], [sflag:$0x2] =	stream.linear.gather [hbm4b:s18+s4], $0x80, $0x38;
	[tilespmem:$0x3E00] =	vst v63  }
.LBB2_2:
0x29: {  	_ =	swait.ge [sflag:s29], $0x800  }
0x2a: {  	[sflag:s29] =	ssyncset.done $0x0  }
0x2b: {  	[sflag:s29] =	ssyncadd.s32 $0xFFFFF800  }
0x2c: {  	_ =	swait.ge [sflag:s29], $0x800  }
0x2d: {  	[sflag:s29] =	ssyncset.done $0x0  }
0x2e: {  	[sflag:s29] =	ssyncadd.s32 $0xFFFFF800  }
0x2f: {  	_ =	swait.ge [sflag:s29], $0x80  }
0x30: {  	[sflag:s29] =	ssyncset.done $0x0  }
0x31: {  	[sflag:s29] =	ssyncadd.s32 $0xFFFFFF80  }
0x32: {  	_ =	swait.ge [sflag:s29], $0x80  }
0x33: {  	[sflag:s29] =	ssyncset.done $0x0  }
0x34: {  	[sflag:s29] =	ssyncadd.s32 $0xFFFFFF80  }
0x35: {  	[tilespmem:$0x2A00] =	vst v2  }
0x36: {  	[tilespmem:$0x2A10] =	vst v2  }
0x37: {  	[tilespmem:$0x2A20] =	vst v2  }
0x38: {  	[tilespmem:$0x2A30] =	vst v2  }
0x39: {  	[tilespmem:$0x2A40] =	vst v2  }
0x3a: {  	[tilespmem:$0x2A50] =	vst v2  }
0x3b: {  	[tilespmem:$0x2A60] =	vst v2  }
0x3c: {  	[tilespmem:$0x2A70] =	vst v2  }
0x3d: {  	[tilespmem:$0x2A80] =	vst v2  }
0x3e: {  	[tilespmem:$0x2A90] =	vst v2  }
0x3f: {  	[tilespmem:$0x2AA0] =	vst v2  }
0x40: {  	[tilespmem:$0x2AB0] =	vst v2  }
0x41: {  	[tilespmem:$0x2AC0] =	vst v2  }
0x42: {  	[tilespmem:$0x2AD0] =	vst v2  }
0x43: {  	[tilespmem:$0x2AE0] =	vst v2  }
0x44: {  	[tilespmem:$0x2AF0] =	vst v2  }
0x45: {  	[tilespmem:$0x2B00] =	vst v2  }
0x46: {  	[tilespmem:$0x2B10] =	vst v2  }
0x47: {  	[tilespmem:$0x2B20] =	vst v2  }
0x48: {  	[tilespmem:$0x2B30] =	vst v2  }
0x49: {  	[tilespmem:$0x2B40] =	vst v2  }
0x4a: {  	[tilespmem:$0x2B50] =	vst v2  }
0x4b: {  	[tilespmem:$0x2B60] =	vst v2  }
0x4c: {  	[tilespmem:$0x2B70] =	vst v2  }
0x4d: {  	[tilespmem:$0x2B80] =	vst v2  }
0x4e: {  	[tilespmem:$0x2B90] =	vst v2  }
0x4f: {  	[tilespmem:$0x2BA0] =	vst v2  }
0x50: {  	[tilespmem:$0x2BB0] =	vst v2  }
0x51: {  	[tilespmem:$0x2BC0] =	vst v2  }
0x52: {  	[tilespmem:$0x2BD0] =	vst v2  }
0x53: {  	[tilespmem:$0x2BE0] =	vst v2  }
0x54: {  	[tilespmem:$0x2BF0] =	vst v2  }
0x55: {  	[tilespmem:$0x2C00] =	vst v2  }
0x56: {  	[tilespmem:$0x2C10] =	vst v2  }
0x57: {  	[tilespmem:$0x2C20] =	vst v2  }
0x58: {  	[tilespmem:$0x2C30] =	vst v2  }
0x59: {  	[tilespmem:$0x2C40] =	vst v2  }
0x5a: {  	[tilespmem:$0x2C50] =	vst v2  }
0x5b: {  	[tilespmem:$0x2C60] =	vst v2  }
0x5c: {  	[tilespmem:$0x2C70] =	vst v2  }
0x5d: {  	[tilespmem:$0x2C80] =	vst v2  }
0x5e: {  	[tilespmem:$0x2C90] =	vst v2  }
0x5f: {  	[tilespmem:$0x2CA0] =	vst v2  }
0x60: {  	[tilespmem:$0x2CB0] =	vst v2  }
0x61: {  	[tilespmem:$0x2CC0] =	vst v2  }
0x62: {  	[tilespmem:$0x2CD0] =	vst v2  }
0x63: {  	[tilespmem:$0x2CE0] =	vst v2  }
0x64: {  	[tilespmem:$0x2CF0] =	vst v2  }
0x65: {  	[tilespmem:$0x2D00] =	vst v2  }
0x66: {  	[tilespmem:$0x2D10] =	vst v2  }
0x67: {  	[tilespmem:$0x2D20] =	vst v2  }
0x68: {  	[tilespmem:$0x2D30] =	vst v2  }
0x69: {  	[tilespmem:$0x2D40] =	vst v2  }
0x6a: {  	[tilespmem:$0x2D50] =	vst v2  }
0x6b: {  	[tilespmem:$0x2D60] =	vst v2  }
0x6c: {  	[tilespmem:$0x2D70] =	vst v2  }
0x6d: {  	[tilespmem:$0x2D80] =	vst v2  }
0x6e: {  	[tilespmem:$0x2D90] =	vst v2  }
0x6f: {  	[tilespmem:$0x2DA0] =	vst v2  }
0x70: {  	[tilespmem:$0x2DB0] =	vst v2  }
0x71: {  	[tilespmem:$0x2DC0] =	vst v2  }
0x72: {  	[tilespmem:$0x2DD0] =	vst v2  }
0x73: {  	[tilespmem:$0x2DE0] =	vst v2  }
0x74: {  	s14 =	simm.s32 $0x40;
	[tilespmem:$0x2DF0] =	vst v2  }
0x75: {  	v10 =	vld [tilespmem:s14+$0xFFFFFFC0];
	_ =	sdelay $0x3  }
0x76: {  	v11 =	vimm.f32 $0.0e+00  }
0x77: {  	v10 =	vadd.f32 v10, v11;
	_ =	sdelay $0x1  }
0x78: {  	v10 =	vadd.f32 $9.999999740e-06, v10  }
0x79: {  	s16 =	simm.s32 $0x2240  }
0x7a: {  	[tilespmem:s16+$0xFFFFFFC0] =	vst v10  }
0x7b: {  	v11 =	vld [tilespmem:s14+$0xFFFFFFD0];
	_ =	sdelay $0x4  }
0x7c: {  	v10 =	vadd.f32 v11, v10;
	_ =	sdelay $0x1  }
0x7d: {  	v10 =	vadd.f32 $9.999999740e-06, v10;
	_ =	sdelay $0x1  }
0x7e: {  	[tilespmem:s16+$0xFFFFFFD0] =	vst v10  }
0x7f: {  	v11 =	vld [tilespmem:s14+$0xFFFFFFE0];
	_ =	sdelay $0x4  }
0x80: {  	v10 =	vadd.f32 v11, v10;
	_ =	sdelay $0x1  }
0x81: {  	v10 =	vadd.f32 $9.999999740e-06, v10;
	_ =	sdelay $0x1  }
0x82: {  	[tilespmem:s16+$0xFFFFFFE0] =	vst v10  }
0x83: {  	v11 =	vld [tilespmem:s14+$0xFFFFFFF0];
	_ =	sdelay $0x4  }
0x84: {  	v10 =	vadd.f32 v11, v10;
	_ =	sdelay $0x1  }
0x85: {  	v10 =	vadd.f32 $9.999999740e-06, v10;
	_ =	sdelay $0x1  }
0x86: {  	[tilespmem:s16+$0xFFFFFFF0] =	vst v10  }
0x87: {  	v11 =	vld [tilespmem:s14+$0x0];
	_ =	sdelay $0x4  }
0x88: {  	v10 =	vadd.f32 v11, v10;
	_ =	sdelay $0x1  }
0x89: {  	v10 =	vadd.f32 $9.999999740e-06, v10;
	_ =	sdelay $0x1  }
0x8a: {  	[tilespmem:s16+$0x0] =	vst v10  }
0x8b: {  	v11 =	vld [tilespmem:s14+$0x10];
	_ =	sdelay $0x4  }
0x8c: {  	v10 =	vadd.f32 v11, v10;
	_ =	sdelay $0x1  }
0x8d: {  	v10 =	vadd.f32 $9.999999740e-06, v10;
	_ =	sdelay $0x1  }
0x8e: {  	[tilespmem:s16+$0x10] =	vst v10  }
0x8f: {  	v11 =	vld [tilespmem:s14+$0x20];
	_ =	sdelay $0x4  }
0x90: {  	v10 =	vadd.f32 v11, v10;
	_ =	sdelay $0x1  }
0x91: {  	v10 =	vadd.f32 $9.999999740e-06, v10;
	_ =	sdelay $0x1  }
0x92: {  	[tilespmem:s16+$0x20] =	vst v10  }
0x93: {  	v11 =	vld [tilespmem:s14+$0x30];
	_ =	sdelay $0x4  }
0x94: {  	v10 =	vadd.f32 v11, v10;
	_ =	sdelay $0x1  }
0x95: {  	v10 =	vadd.f32 $9.999999740e-06, v10;
	_ =	sdelay $0x1  }
0x96: {  	s17 =	simm.s32 $0x0;
	s18 =	simm.s32 $0xC0;
	[tilespmem:s16+$0x30] =	vst v10  }
.LBB2_3:
0x97: {  	v11 =	vld [tilespmem:s18+$0xFFFFFFC0];
	s17 =	sadd.s32 $0x8, s17  }
0x98: {  	p0 =	slt.u32 s17, $0x78;
	_ =	sdelay $0x3  }
0x99: {  	v10 =	vadd.f32 v11, v10;
	_ =	sdelay $0x1  }
0x9a: {  	v10 =	vadd.f32 $9.999999740e-06, v10  }
0x9b: {  	s16 =	sadd.s32 $0x80, s16  }
0x9c: {  	[tilespmem:s16+$0xFFFFFFC0] =	vst v10  }
0x9d: {  	v11 =	vld [tilespmem:s18+$0xFFFFFFD0];
	_ =	sdelay $0x4  }
0x9e: {  	v10 =	vadd.f32 v11, v10;
	_ =	sdelay $0x1  }
0x9f: {  	v10 =	vadd.f32 $9.999999740e-06, v10;
	_ =	sdelay $0x1  }
0xa0: {  	[tilespmem:s16+$0xFFFFFFD0] =	vst v10  }
0xa1: {  	v11 =	vld [tilespmem:s18+$0xFFFFFFE0];
	_ =	sdelay $0x4  }
0xa2: {  	v10 =	vadd.f32 v11, v10;
	_ =	sdelay $0x1  }
0xa3: {  	v10 =	vadd.f32 $9.999999740e-06, v10;
	_ =	sdelay $0x1  }
0xa4: {  	[tilespmem:s16+$0xFFFFFFE0] =	vst v10  }
0xa5: {  	v11 =	vld [tilespmem:s18+$0xFFFFFFF0];
	_ =	sdelay $0x4  }
0xa6: {  	v10 =	vadd.f32 v11, v10;
	_ =	sdelay $0x1  }
0xa7: {  	v10 =	vadd.f32 $9.999999740e-06, v10;
	_ =	sdelay $0x1  }
0xa8: {  	[tilespmem:s16+$0xFFFFFFF0] =	vst v10  }
0xa9: {  	v11 =	vld [tilespmem:s18+$0x0];
	_ =	sdelay $0x4  }
0xaa: {  	v10 =	vadd.f32 v11, v10;
	_ =	sdelay $0x1  }
0xab: {  	v10 =	vadd.f32 $9.999999740e-06, v10;
	_ =	sdelay $0x1  }
0xac: {  	[tilespmem:s16+$0x0] =	vst v10  }
0xad: {  	v11 =	vld [tilespmem:s18+$0x10];
	_ =	sdelay $0x4  }
0xae: {  	v10 =	vadd.f32 v11, v10;
	_ =	sdelay $0x1  }
0xaf: {  	v10 =	vadd.f32 $9.999999740e-06, v10;
	_ =	sdelay $0x1  }
0xb0: {  	[tilespmem:s16+$0x10] =	vst v10  }
0xb1: {  	v11 =	vld [tilespmem:s18+$0x20];
	_ =	sdelay $0x4  }
0xb2: {  	v10 =	vadd.f32 v11, v10;
	_ =	sdelay $0x1  }
0xb3: {  	v10 =	vadd.f32 $9.999999740e-06, v10;
	_ =	sdelay $0x1  }
0xb4: {  	[tilespmem:s16+$0x20] =	vst v10  }
0xb5: {  	v11 =	vld [tilespmem:s18+$0x30];
	_ =	sdelay $0x4  }
.Ltmp0:
0xb6: {  	v10 =	vadd.f32 v11, v10;
	(pc) =	sbr.rel @p0 .LBB2_3-.Ltmp0, $3  }
0xb7: {  	_ = 	snop  }
0xb8: {  	v10 =	vadd.f32 $9.999999740e-06, v10;
	_ =	sdelay $0x1  }
0xb9: {  	s18 =	sadd.s32 $0x80, s18;
	[tilespmem:s16+$0x30] =	vst v10  }
0xba: {  	(erf) = vrcp.f32 v10;
	_ =	sdelay $0x8  }
0xbb: {  	v10 =	vpop (erf)  }
0xbc: {  	s16 =	simm.s32 $0x0;
	v12 =	vimm.s32 $0x0;
	s17 =	simm.s32 $0x2240;
	v11 =	vmul.f32 $6.300000000e+01, v10  }
.LBB2_5:
0xbd: {  	v13 =	vld [tilespmem:s17+$0xFFFFFFC0];
	_ =	sdelay $0x4  }
0xbe: {  	v13 =	vmul.f32 v13, v11;
	_ =	sdelay $0x1  }
0xbf: {  	v14 =	vtrunc.f32 v13  }
0xc0: {  	v15 =	vcvt.f32.s32 v14;
	vm0 =	vgt.f32 v13, v14  }
0xc1: {  	v13 =	vsel vm0, $0x1, v2  }
0xc2: {  	v13 =	vadd.s32 v15, v13  }
0xc3: {  	vm1 =	vlt.s32 v12, $0x3F;
	vm0 =	vlt.s32 v13, $0x40  }
0xc4: {  	v15 =	vnsel vm1, $0x3F, v12;
	v14 =	vnsel vm0, $0x40, v13  }
0xc5: {  	vm0 =	vgt.s32 v14, v12;
	v12 =	vshll.u32 v15, $0x4  }
0xc6: {  	v12 =	vor.u32 v0, v12;
	_ =	sdelay $0x3  }
0xc7: {  	v14 =	vmov s16  }
0xc8: {  	[tilespmem:v12+s30+$0x0] =	vst.idx.msk vm0, v14  }
0xc9: {  	v12 =	vld [tilespmem:s17+$0xFFFFFFD0];
	_ =	sdelay $0x4  }
0xca: {  	v12 =	vmul.f32 v12, v11;
	_ =	sdelay $0x1  }
0xcb: {  	v14 =	vtrunc.f32 v12  }
0xcc: {  	v15 =	vcvt.f32.s32 v14;
	vm0 =	vgt.f32 v12, v14  }
0xcd: {  	v12 =	vsel vm0, $0x1, v2  }
0xce: {  	v12 =	vadd.s32 v15, v12  }
0xcf: {  	vm1 =	vlt.s32 v13, $0x3F;
	vm0 =	vlt.s32 v12, $0x40  }
0xd0: {  	v15 =	vnsel vm1, $0x3F, v13;
	v14 =	vnsel vm0, $0x40, v12  }
0xd1: {  	vm0 =	vlt.s32 v13, v14;
	v13 =	vshll.u32 v15, $0x4  }
0xd2: {  	v13 =	vor.u32 v0, v13;
	_ =	sdelay $0x2  }
0xd3: {  	s14 =	sadd.s32 $0x1, s16  }
0xd4: {  	v14 =	vmov s14  }
0xd5: {  	[tilespmem:v13+s30+$0x0] =	vst.idx.msk vm0, v14  }
0xd6: {  	v13 =	vld [tilespmem:s17+$0xFFFFFFE0];
	_ =	sdelay $0x4  }
0xd7: {  	v13 =	vmul.f32 v13, v11;
	_ =	sdelay $0x1  }
0xd8: {  	v14 =	vtrunc.f32 v13  }
0xd9: {  	v15 =	vcvt.f32.s32 v14;
	vm0 =	vgt.f32 v13, v14  }
0xda: {  	v13 =	vsel vm0, $0x1, v2  }
0xdb: {  	v13 =	vadd.s32 v15, v13  }
0xdc: {  	vm1 =	vlt.s32 v12, $0x3F;
	vm0 =	vlt.s32 v13, $0x40  }
0xdd: {  	v15 =	vnsel vm1, $0x3F, v12;
	v14 =	vnsel vm0, $0x40, v13  }
0xde: {  	vm0 =	vlt.s32 v12, v14;
	v12 =	vshll.u32 v15, $0x4  }
0xdf: {  	v12 =	vor.u32 v0, v12;
	_ =	sdelay $0x2  }
0xe0: {  	s18 =	sadd.s32 $0x2, s16  }
0xe1: {  	v14 =	vmov s18  }
0xe2: {  	[tilespmem:v12+s30+$0x0] =	vst.idx.msk vm0, v14  }
0xe3: {  	v12 =	vld [tilespmem:s17+$0xFFFFFFF0];
	_ =	sdelay $0x4  }
0xe4: {  	v12 =	vmul.f32 v12, v11;
	_ =	sdelay $0x1  }
0xe5: {  	v14 =	vtrunc.f32 v12  }
0xe6: {  	v15 =	vcvt.f32.s32 v14;
	vm0 =	vgt.f32 v12, v14  }
0xe7: {  	v12 =	vsel vm0, $0x1, v2  }
0xe8: {  	v12 =	vadd.s32 v15, v12  }
0xe9: {  	vm1 =	vlt.s32 v13, $0x3F;
	vm0 =	vlt.s32 v12, $0x40  }
0xea: {  	v15 =	vnsel vm1, $0x3F, v13;
	v14 =	vnsel vm0, $0x40, v12  }
0xeb: {  	vm0 =	vlt.s32 v13, v14;
	v13 =	vshll.u32 v15, $0x4  }
0xec: {  	v13 =	vor.u32 v0, v13;
	_ =	sdelay $0x2  }
0xed: {  	s18 =	sadd.s32 $0x3, s16  }
0xee: {  	v14 =	vmov s18  }
0xef: {  	[tilespmem:v13+s30+$0x0] =	vst.idx.msk vm0, v14  }
0xf0: {  	v13 =	vld [tilespmem:s17+$0x0];
	_ =	sdelay $0x4  }
0xf1: {  	v13 =	vmul.f32 v13, v11;
	_ =	sdelay $0x1  }
0xf2: {  	v14 =	vtrunc.f32 v13  }
0xf3: {  	v15 =	vcvt.f32.s32 v14;
	vm0 =	vgt.f32 v13, v14  }
0xf4: {  	v13 =	vsel vm0, $0x1, v2  }
0xf5: {  	v13 =	vadd.s32 v15, v13  }
0xf6: {  	vm1 =	vlt.s32 v12, $0x3F;
	vm0 =	vlt.s32 v13, $0x40  }
0xf7: {  	v15 =	vnsel vm1, $0x3F, v12;
	v14 =	vnsel vm0, $0x40, v13  }
0xf8: {  	vm0 =	vlt.s32 v12, v14;
	v12 =	vshll.u32 v15, $0x4  }
0xf9: {  	v12 =	vor.u32 v0, v12;
	_ =	sdelay $0x2  }
0xfa: {  	s18 =	sadd.s32 $0x4, s16  }
0xfb: {  	v14 =	vmov s18  }
0xfc: {  	[tilespmem:v12+s30+$0x0] =	vst.idx.msk vm0, v14  }
0xfd: {  	v12 =	vld [tilespmem:s17+$0x10];
	_ =	sdelay $0x4  }
0xfe: {  	v12 =	vmul.f32 v12, v11;
	_ =	sdelay $0x1  }
0xff: {  	v14 =	vtrunc.f32 v12  }
0x100: {  	v15 =	vcvt.f32.s32 v14;
	vm0 =	vgt.f32 v12, v14  }
0x101: {  	v12 =	vsel vm0, $0x1, v2  }
0x102: {  	v12 =	vadd.s32 v15, v12  }
0x103: {  	vm1 =	vlt.s32 v13, $0x3F;
	vm0 =	vlt.s32 v12, $0x40  }
0x104: {  	v15 =	vnsel vm1, $0x3F, v13;
	v14 =	vnsel vm0, $0x40, v12  }
0x105: {  	vm0 =	vlt.s32 v13, v14;
	v13 =	vshll.u32 v15, $0x4  }
0x106: {  	v13 =	vor.u32 v0, v13;
	_ =	sdelay $0x2  }
0x107: {  	s18 =	sadd.s32 $0x5, s16  }
0x108: {  	v14 =	vmov s18  }
0x109: {  	[tilespmem:v13+s30+$0x0] =	vst.idx.msk vm0, v14  }
0x10a: {  	v13 =	vld [tilespmem:s17+$0x20];
	_ =	sdelay $0x4  }
0x10b: {  	v13 =	vmul.f32 v13, v11;
	_ =	sdelay $0x1  }
0x10c: {  	v14 =	vtrunc.f32 v13  }
0x10d: {  	v15 =	vcvt.f32.s32 v14;
	vm0 =	vgt.f32 v13, v14  }
0x10e: {  	v13 =	vsel vm0, $0x1, v2  }
0x10f: {  	v14 =	vadd.s32 v15, v13  }
0x110: {  	vm1 =	vlt.s32 v12, $0x3F;
	vm0 =	vlt.s32 v14, $0x40  }
0x111: {  	v15 =	vnsel vm1, $0x3F, v12;
	v13 =	vnsel vm0, $0x40, v14  }
0x112: {  	vm0 =	vlt.s32 v12, v13;
	v12 =	vshll.u32 v15, $0x4  }
0x113: {  	v12 =	vor.u32 v0, v12;
	_ =	sdelay $0x2  }
0x114: {  	s18 =	sadd.s32 $0x6, s16  }
0x115: {  	v13 =	vmov s18  }
0x116: {  	[tilespmem:v12+s30+$0x0] =	vst.idx.msk vm0, v13  }
0x117: {  	v12 =	vld [tilespmem:s17+$0x30];
	_ =	sdelay $0x4  }
0x118: {  	v12 =	vmul.f32 v12, v11;
	_ =	sdelay $0x1  }
0x119: {  	v13 =	vtrunc.f32 v12  }
0x11a: {  	v15 =	vcvt.f32.s32 v13;
	vm0 =	vgt.f32 v12, v13  }
0x11b: {  	v12 =	vsel vm0, $0x1, v2  }
0x11c: {  	v13 =	vadd.s32 v15, v12  }
0x11d: {  	vm1 =	vlt.s32 v14, $0x3F;
	vm0 =	vlt.s32 v13, $0x40  }
0x11e: {  	v15 =	vnsel vm1, $0x3F, v14;
	v12 =	vnsel vm0, $0x40, v13  }
0x11f: {  	vm1 =	vlt.s32 v14, v12;
	v14 =	vshll.u32 v15, $0x4  }
0x120: {  	p0 =	slt.u32 s16, $0x78;
	v14 =	vor.u32 v0, v14  }
.Ltmp1:
0x121: {  	_ = 	snop;
	(pc) =	sbr.rel @p0 .LBB2_5-.Ltmp1, $4  }
0x122: {  	_ = 	snop  }
0x123: {  	s18 =	sadd.s32 $0x7, s16  }
0x124: {  	v15 =	vmov s18  }
0x125: {  	s16 =	sadd.s32 $0x8, s16;
	s17 =	sadd.s32 $0x80, s17;
	[tilespmem:v14+s30+$0x0] =	vst.idx.msk vm1, v15  }
0x126: {  	vm1 =	vlt.s32 v13, $0x3F  }
0x127: {  	v11 =	vnsel vm1, $0x3F, v13  }
0x128: {  	v11 =	vshll.u32 v11, $0x4  }
0x129: {  	v11 =	vor.u32 v0, v11;
	_ =	sdelay $0x4  }
0x12a: {  	s14 =	simm.s32 $0x2A40;
	[tilespmem:v11+s30+$0x0] =	vst.idx.msk vm0, v4  }
0x12b: {  	v11 =	vld [tilespmem:s14+$0xFFFFFFC0];
	_ =	sdelay $0x1  }
0x12c: {  	v12 =	vld [tilespmem:s14+$0xFFFFFFD0];
	_ =	sdelay $0x1  }
0x12d: {  	v13 =	vimm.s32 $0x0;
	v14 =	vld [tilespmem:s14+$0xFFFFFFE0]  }
0x12e: {  	vm0 =	vgt.s32 v13, v11  }
0x12f: {  	v15 =	vld [tilespmem:s14+$0xFFFFFFF0];
	v13 =	vsel vm0, v13, v11  }
0x130: {  	vm0 =	vgt.s32 v13, v12  }
0x131: {  	v16 =	vld [tilespmem:s14+$0x0];
	v12 =	vsel vm0, v13, v12  }
0x132: {  	vm0 =	vgt.s32 v12, v14  }
0x133: {  	v11 =	vld [tilespmem:s14+$0x10];
	v14 =	vsel vm0, v12, v14  }
0x134: {  	[tilespmem:s14+$0xFFFFFFC0] =	vst v13;
	vm0 =	vgt.s32 v14, v15  }
0x135: {  	[tilespmem:s14+$0xFFFFFFD0] =	vst v12;
	v12 =	vld [tilespmem:s14+$0x20];
	v13 =	vsel vm0, v14, v15  }
0x136: {  	[tilespmem:s14+$0xFFFFFFE0] =	vst v14;
	vm0 =	vgt.s32 v13, v16  }
0x137: {  	[tilespmem:s14+$0xFFFFFFF0] =	vst v13;
	v14 =	vsel vm0, v13, v16;
	v13 =	vld [tilespmem:s14+$0x30]  }
0x138: {  	s16 =	simm.s32 $0x0;
	s17 =	simm.s32 $0x2AC0;
	[tilespmem:s14+$0x0] =	vst v14;
	vm0 =	vgt.s32 v14, v11  }
.LBB2_7:
0x139: {  	v15 =	vld [tilespmem:s17+$0xFFFFFFC0];
	s16 =	sadd.s32 $0x8, s16;
	v11 =	vsel vm0, v14, v11  }
0x13a: {  	p0 =	slt.u32 s16, $0x38;
	[tilespmem:s14+$0x10] =	vst v11;
	vm0 =	vgt.s32 v11, v12  }
0x13b: {  	v14 =	vld [tilespmem:s17+$0xFFFFFFD0];
	v11 =	vsel vm0, v11, v12  }
0x13c: {  	[tilespmem:s14+$0x20] =	vst v11;
	vm0 =	vgt.s32 v11, v13  }
0x13d: {  	v12 =	vld [tilespmem:s17+$0xFFFFFFE0];
	v11 =	vsel vm0, v11, v13  }
0x13e: {  	vm0 =	vgt.s32 v11, v15;
	[tilespmem:s14+$0x30] =	vst v11;
	s14 =	smov.u32 s17  }
0x13f: {  	v11 =	vsel vm0, v11, v15;
	v13 =	vld [tilespmem:s17+$0xFFFFFFF0]  }
0x140: {  	[tilespmem:s17+$0xFFFFFFC0] =	vst v11;
	vm0 =	vgt.s32 v11, v14  }
0x141: {  	v11 =	vsel vm0, v11, v14;
	v14 =	vld [tilespmem:s17+$0x0]  }
0x142: {  	[tilespmem:s17+$0xFFFFFFD0] =	vst v11;
	vm0 =	vgt.s32 v11, v12  }
0x143: {  	v12 =	vsel vm0, v11, v12;
	v11 =	vld [tilespmem:s17+$0x10]  }
.Ltmp2:
0x144: {  	[tilespmem:s17+$0xFFFFFFE0] =	vst v12;
	vm0 =	vgt.s32 v12, v13;
	(pc) =	sbr.rel @p0 .LBB2_7-.Ltmp2, $4  }
0x145: {  	v13 =	vsel vm0, v12, v13;
	v12 =	vld [tilespmem:s17+$0x20]  }
0x146: {  	[tilespmem:s17+$0xFFFFFFF0] =	vst v13;
	vm0 =	vgt.s32 v13, v14  }
0x147: {  	v14 =	vsel vm0, v13, v14;
	v13 =	vld [tilespmem:s17+$0x30]  }
0x148: {  	s17 =	sadd.s32 $0x80, s17;
	[tilespmem:s14+$0x0] =	vst v14;
	vm0 =	vgt.s32 v14, v11  }
0x149: {  	v11 =	vsel vm0, v14, v11  }
0x14a: {  	vm0 =	vgt.s32 v11, v12  }
0x14b: {  	v12 =	vsel vm0, v11, v12  }
0x14c: {  	[tilespmem:s14+$0x10] =	vst v11;
	vm0 =	vgt.s32 v12, v13  }
0x14d: {  	[tilespmem:s14+$0x20] =	vst v12;
	v11 =	vsel vm0, v12, v13  }
0x14e: {  	[tilespmem:s14+$0x30] =	vst v11  }
0x14f: {  	v11 =	vld.idx.msk [tilespmem:v1+s22+$0x0], $0xffff  }
0x150: {  	v12 =	vld.idx.msk [tilespmem:v5+s22+$0x0], $0xffff  }
0x151: {  	v13 =	vld.idx.msk [tilespmem:v6+s22+$0x0], $0xffff  }
0x152: {  	v14 =	vld.idx.msk [tilespmem:v1+s23+$0x0], $0xffff  }
0x153: {  	v15 =	vld.idx.msk [tilespmem:v5+s23+$0x0], $0xffff  }
0x154: {  	s16 =	simm.s32 $0x0;
	s17 =	simm.s32 $0x2A20;
	v16 =	vld.idx.msk [tilespmem:v6+s23+$0x0], $0xffff  }
.LBB2_9:
0x155: {  	v17 =	vld [tilespmem:s17+$0xFFFFFFE0];
	_ =	sdelay $0x4  }
0x156: {  	v18 =	vadd.s32 $0xFFFFFFFF, v17  }
0x157: {  	vm0 =	vgt.s32 v18, $0x0  }
0x158: {  	vm10 =	vlt.s32 v17, $0x7F;
	v18 =	vnsel vm0, $0x0, v18  }
0x159: {  	v19 =	vnsel vm10, $0x7F, v17;
	v18 =	vshll.u32 v18, $0x4  }
0x15a: {  	v20 =	vshll.u32 v19, $0x4;
	v18 =	vor.u32 v0, v18  }
0x15b: {  	v20 =	vor.u32 v0, v20;
	_ =	sdelay $0x3  }
0x15c: {  	v18 =	vld.idx.msk [tilespmem:v18+s31+$0x0], $0xffff  }
0x15d: {  	v20 =	vld.idx.msk [tilespmem:v20+s31+$0x0], $0xffff;
	_ =	sdelay $0x3  }
0x15e: {  	v18 =	vmul.f32 v18, v10  }
0x15f: {  	vm11 =	veq.s32 v17, $0x0;
	v20 =	vmul.f32 v20, v10  }
0x160: {  	v18 =	vsel vm11, $0x0, v18  }
0x161: {  	v20 =	vsub.f32 v20, v18  }
0x162: {  	v17 =	vadd.s32 $0x1, v17  }
0x163: {  	vm12 =	vlt.s32 v17, $0x7F;
	vm1 =	vlt.f32 v20, $9.999999740e-06  }
0x164: {  	v19 =	vadd.s32 v7, v19;
	v17 =	vnsel vm12, $0x7F, v17;
	v20 =	vsel vm1, $0x3F800000, v20  }
0x165: {  	v17 =	vadd.s32 v7, v17;
	(erf) = vrcp.f32 v20;
	_ =	sdelay $0x2  }
0x166: {  	v36 =	vmov s16  }
0x167: {  	v21 =	vcvt.s32.f32 v36;
	v19 =	vld.idx.msk [tilespmem:v19+s21+$0x0], $0xffff  }
0x168: {  	v17 =	vld.idx.msk [tilespmem:v17+s21+$0x0], $0xffff  }
0x169: {  	v21 =	vmul.f32 $1.587301680e-02, v21;
	_ =	sdelay $0x1  }
0x16a: {  	v18 =	vsub.f32 v21, v18  }
0x16b: {  	v37 =	vpop (erf)  }
0x16c: {  	v17 =	vsub.f32 v17, v19;
	v18 =	vmul.f32 v37, v18;
	_ =	sdelay $0x1  }
0x16d: {  	v17 =	vmul.f32 v18, v17  }
0x16e: {  	v18 =	vand.u32 $0x3C, v36  }
0x16f: {  	v17 =	vadd.f32 v17, v19;
	v19 =	vor.u32 v3, v18;
	_ =	sdelay $0x1  }
0x170: {  	v39 =	vor.u32 v8, v18;
	v38 =	vmul.f32 v17, v14  }
0x171: {  	v18 =	vor.u32 v9, v18;
	v22 =	vmul.f32 v17, v15  }
0x172: {  	v23 =	vmul.f32 v17, v16;
	v20 =	vadd.f32 v38, v11  }
0x173: {  	[tilespmem:v19+s0+$0x0] =	vst.idx.msk $0xffff, v17;
	v17 =	vadd.f32 v22, v12  }
0x174: {  	[tilespmem:v19+s5+$0x0] =	vst.idx.msk $0xffff, v20;
	v19 =	vadd.f32 v23, v13  }
0x175: {  	[tilespmem:v39+s5+$0x0] =	vst.idx.msk $0xffff, v17  }
0x176: {  	[tilespmem:v18+s5+$0x0] =	vst.idx.msk $0xffff, v19  }
0x177: {  	v17 =	vld [tilespmem:s17+$0xFFFFFFF0];
	_ =	sdelay $0x4  }
0x178: {  	v18 =	vadd.s32 $0xFFFFFFFF, v17  }
0x179: {  	vm13 =	vgt.s32 v18, $0x0  }
0x17a: {  	vm14 =	vlt.s32 v17, $0x7F;
	v18 =	vnsel vm13, $0x0, v18  }
0x17b: {  	v19 =	vnsel vm14, $0x7F, v17;
	v18 =	vshll.u32 v18, $0x4  }
0x17c: {  	v40 =	vshll.u32 v19, $0x4;
	v18 =	vor.u32 v0, v18  }
0x17d: {  	v20 =	vor.u32 v0, v40;
	_ =	sdelay $0x3  }
0x17e: {  	v18 =	vld.idx.msk [tilespmem:v18+s31+$0x0], $0xffff  }
0x17f: {  	v20 =	vld.idx.msk [tilespmem:v20+s31+$0x0], $0xffff;
	_ =	sdelay $0x3  }
0x180: {  	v18 =	vmul.f32 v18, v10  }
0x181: {  	vm15 =	veq.s32 v17, $0x0;
	v20 =	vmul.f32 v20, v10  }
0x182: {  	v18 =	vsel vm15, $0x0, v18  }
0x183: {  	v20 =	vsub.f32 v20, v18  }
0x184: {  	v17 =	vadd.s32 $0x1, v17  }
0x185: {  	vm4 =	vlt.s32 v17, $0x7F;
	vm5 =	vlt.f32 v20, $9.999999740e-06  }
0x186: {  	v19 =	vadd.s32 v7, v19;
	v17 =	vnsel vm4, $0x7F, v17;
	v20 =	vsel vm5, $0x3F800000, v20  }
0x187: {  	v17 =	vadd.s32 v7, v17;
	(erf) = vrcp.f32 v20;
	_ =	sdelay $0x1  }
0x188: {  	s14 =	sadd.s32 $0x1, s16  }
0x189: {  	v41 =	vmov s14  }
0x18a: {  	v42 =	vcvt.s32.f32 v41;
	v19 =	vld.idx.msk [tilespmem:v19+s21+$0x0], $0xffff  }
0x18b: {  	v17 =	vld.idx.msk [tilespmem:v17+s21+$0x0], $0xffff  }
0x18c: {  	v21 =	vmul.f32 $1.587301680e-02, v42;
	_ =	sdelay $0x1  }
0x18d: {  	v18 =	vsub.f32 v21, v18  }
0x18e: {  	v43 =	vpop (erf)  }
0x18f: {  	v17 =	vsub.f32 v17, v19;
	v18 =	vmul.f32 v43, v18;
	_ =	sdelay $0x1  }
0x190: {  	v17 =	vmul.f32 v18, v17  }
0x191: {  	v18 =	vand.u32 $0x3D, v41  }
0x192: {  	v17 =	vadd.f32 v17, v19;
	v19 =	vor.u32 v3, v18;
	_ =	sdelay $0x1  }
0x193: {  	v45 =	vor.u32 v8, v18;
	v44 =	vmul.f32 v17, v14  }
0x194: {  	v18 =	vor.u32 v9, v18;
	v46 =	vmul.f32 v17, v15  }
0x195: {  	v47 =	vmul.f32 v17, v16;
	v20 =	vadd.f32 v44, v11  }
0x196: {  	[tilespmem:v19+s0+$0x0] =	vst.idx.msk $0xffff, v17;
	v17 =	vadd.f32 v46, v12  }
0x197: {  	[tilespmem:v19+s5+$0x0] =	vst.idx.msk $0xffff, v20;
	v19 =	vadd.f32 v47, v13  }
0x198: {  	[tilespmem:v45+s5+$0x0] =	vst.idx.msk $0xffff, v17  }
0x199: {  	[tilespmem:v18+s5+$0x0] =	vst.idx.msk $0xffff, v19  }
0x19a: {  	v17 =	vld [tilespmem:s17+$0x0];
	_ =	sdelay $0x4  }
0x19b: {  	v18 =	vadd.s32 $0xFFFFFFFF, v17  }
0x19c: {  	vm6 =	vgt.s32 v18, $0x0  }
0x19d: {  	vm7 =	vlt.s32 v17, $0x7F;
	v18 =	vnsel vm6, $0x0, v18  }
0x19e: {  	v19 =	vnsel vm7, $0x7F, v17;
	v18 =	vshll.u32 v18, $0x4  }
0x19f: {  	v48 =	vshll.u32 v19, $0x4;
	v18 =	vor.u32 v0, v18  }
0x1a0: {  	v20 =	vor.u32 v0, v48;
	_ =	sdelay $0x3  }
0x1a1: {  	v18 =	vld.idx.msk [tilespmem:v18+s31+$0x0], $0xffff  }
0x1a2: {  	v20 =	vld.idx.msk [tilespmem:v20+s31+$0x0], $0xffff;
	_ =	sdelay $0x3  }
0x1a3: {  	v18 =	vmul.f32 v18, v10  }
0x1a4: {  	vm8 =	veq.s32 v17, $0x0;
	v20 =	vmul.f32 v20, v10  }
0x1a5: {  	v18 =	vsel vm8, $0x0, v18  }
0x1a6: {  	v20 =	vsub.f32 v20, v18  }
0x1a7: {  	v17 =	vadd.s32 $0x1, v17  }
0x1a8: {  	vm9 =	vlt.s32 v17, $0x7F;
	vm10 =	vlt.f32 v20, $9.999999740e-06  }
0x1a9: {  	v19 =	vadd.s32 v7, v19;
	v17 =	vnsel vm9, $0x7F, v17;
	v20 =	vsel vm10, $0x3F800000, v20  }
0x1aa: {  	v17 =	vadd.s32 v7, v17;
	(erf) = vrcp.f32 v20;
	_ =	sdelay $0x1  }
0x1ab: {  	s18 =	sadd.s32 $0x2, s16  }
0x1ac: {  	v49 =	vmov s18  }
0x1ad: {  	v50 =	vcvt.s32.f32 v49;
	v19 =	vld.idx.msk [tilespmem:v19+s21+$0x0], $0xffff  }
0x1ae: {  	v17 =	vld.idx.msk [tilespmem:v17+s21+$0x0], $0xffff  }
0x1af: {  	v21 =	vmul.f32 $1.587301680e-02, v50;
	_ =	sdelay $0x1  }
0x1b0: {  	v18 =	vsub.f32 v21, v18  }
0x1b1: {  	v51 =	vpop (erf)  }
0x1b2: {  	v17 =	vsub.f32 v17, v19;
	v18 =	vmul.f32 v51, v18;
	_ =	sdelay $0x1  }
0x1b3: {  	v17 =	vmul.f32 v18, v17  }
0x1b4: {  	v18 =	vand.u32 $0x3E, v49  }
0x1b5: {  	v17 =	vadd.f32 v17, v19;
	v19 =	vor.u32 v3, v18;
	_ =	sdelay $0x1  }
0x1b6: {  	v53 =	vor.u32 v8, v18;
	v52 =	vmul.f32 v17, v14  }
0x1b7: {  	v18 =	vor.u32 v9, v18;
	v54 =	vmul.f32 v17, v15  }
0x1b8: {  	v55 =	vmul.f32 v17, v16;
	v20 =	vadd.f32 v52, v11  }
0x1b9: {  	[tilespmem:v19+s0+$0x0] =	vst.idx.msk $0xffff, v17;
	v17 =	vadd.f32 v54, v12  }
0x1ba: {  	[tilespmem:v19+s5+$0x0] =	vst.idx.msk $0xffff, v20;
	v19 =	vadd.f32 v55, v13  }
0x1bb: {  	[tilespmem:v53+s5+$0x0] =	vst.idx.msk $0xffff, v17  }
0x1bc: {  	[tilespmem:v18+s5+$0x0] =	vst.idx.msk $0xffff, v19  }
0x1bd: {  	v17 =	vld [tilespmem:s17+$0x10];
	_ =	sdelay $0x4  }
0x1be: {  	v18 =	vadd.s32 $0xFFFFFFFF, v17  }
0x1bf: {  	vm11 =	vgt.s32 v18, $0x0  }
0x1c0: {  	vm12 =	vlt.s32 v17, $0x7F;
	v18 =	vnsel vm11, $0x0, v18  }
0x1c1: {  	v19 =	vnsel vm12, $0x7F, v17;
	v18 =	vshll.u32 v18, $0x4  }
0x1c2: {  	v56 =	vshll.u32 v19, $0x4;
	v18 =	vor.u32 v0, v18  }
0x1c3: {  	v20 =	vor.u32 v0, v56;
	_ =	sdelay $0x3  }
0x1c4: {  	v18 =	vld.idx.msk [tilespmem:v18+s31+$0x0], $0xffff  }
0x1c5: {  	v20 =	vld.idx.msk [tilespmem:v20+s31+$0x0], $0xffff;
	_ =	sdelay $0x3  }
0x1c6: {  	v18 =	vmul.f32 v18, v10  }
0x1c7: {  	vm13 =	veq.s32 v17, $0x0;
	v20 =	vmul.f32 v20, v10  }
0x1c8: {  	v18 =	vsel vm13, $0x0, v18  }
0x1c9: {  	v20 =	vsub.f32 v20, v18  }
0x1ca: {  	v17 =	vadd.s32 $0x1, v17  }
0x1cb: {  	vm14 =	vlt.s32 v17, $0x7F;
	vm15 =	vlt.f32 v20, $9.999999740e-06  }
0x1cc: {  	v19 =	vadd.s32 v7, v19;
	v17 =	vnsel vm14, $0x7F, v17;
	v20 =	vsel vm15, $0x3F800000, v20  }
0x1cd: {  	v17 =	vadd.s32 v7, v17;
	(erf) = vrcp.f32 v20;
	_ =	sdelay $0x1  }
0x1ce: {  	s18 =	sadd.s32 $0x3, s16  }
0x1cf: {  	v57 =	vmov s18  }
0x1d0: {  	v58 =	vcvt.s32.f32 v57;
	v19 =	vld.idx.msk [tilespmem:v19+s21+$0x0], $0xffff  }
0x1d1: {  	v17 =	vld.idx.msk [tilespmem:v17+s21+$0x0], $0xffff  }
0x1d2: {  	v21 =	vmul.f32 $1.587301680e-02, v58;
	_ =	sdelay $0x1  }
0x1d3: {  	v18 =	vsub.f32 v21, v18  }
0x1d4: {  	v59 =	vpop (erf)  }
0x1d5: {  	v17 =	vsub.f32 v17, v19;
	v18 =	vmul.f32 v59, v18;
	_ =	sdelay $0x1  }
0x1d6: {  	v17 =	vmul.f32 v18, v17  }
0x1d7: {  	v18 =	vand.u32 $0x3F, v57  }
0x1d8: {  	v17 =	vadd.f32 v17, v19;
	v19 =	vor.u32 v3, v18;
	_ =	sdelay $0x1  }
0x1d9: {  	v61 =	vor.u32 v8, v18;
	v60 =	vmul.f32 v17, v14  }
0x1da: {  	p0 =	slt.u32 s16, $0x3C;
	v18 =	vor.u32 v9, v18;
	v62 =	vmul.f32 v17, v15  }
.Ltmp3:
0x1db: {  	v63 =	vmul.f32 v17, v16;
	v20 =	vadd.f32 v60, v11;
	(pc) =	sbr.rel @p0 .LBB2_9-.Ltmp3, $4  }
0x1dc: {  	[tilespmem:v19+s0+$0x0] =	vst.idx.msk $0xffff, v17;
	v17 =	vadd.f32 v62, v12  }
0x1dd: {  	[tilespmem:v19+s5+$0x0] =	vst.idx.msk $0xffff, v20;
	v19 =	vadd.f32 v63, v13  }
0x1de: {  	[tilespmem:v61+s5+$0x0] =	vst.idx.msk $0xffff, v17  }
0x1df: {  	s16 =	sadd.s32 $0x4, s16;
	s17 =	sadd.s32 $0x40, s17;
	[tilespmem:v18+s5+$0x0] =	vst.idx.msk $0xffff, v19  }
0x1e0: {  	s16 =	sshll.u32 s15, $0x1  }
0x1e1: {  	s14 =	sadd.s32 s13, s16  }
0x1e2: {  	s14 =	sshll.u32 s14, $0x7  }
0x1e3: {  	s17 =	sadd.s32 s3, s14  }
0x1e4: {  	[hbm4b:s17+s4] =	stream.linear.scatter [tilespmem:s0], [sflag:$0x3], $0x400, $0x38;
	[tilespmem:$0x3E00] =	vst v63  }
0x1e5: {  	_ =	swait.ge [sflag:s9], $0x400  }
0x1e6: {  	[sflag:s9] =	ssyncset.done $0x0  }
0x1e7: {  	s14 =	sadd.s32 s2, s14;
	s17 =	sadd.s32 $0x2, s16;
	[sflag:s9] =	ssyncadd.s32 $0xFFFFFC00  }
0x1e8: {  	[hbm4b:s14+s10] =	stream.strided.scatter [tilespmem:s5], [sflag:$0x3], $0xC00, s11, s10, $0x38;
	[tilespmem:$0x3E00] =	vst v63  }
0x1e9: {  	s14 =	sand.u32 $0x7E, s17  }
0x1ea: {  	s14 =	sor.u32 s13, s14  }
0x1eb: {  	_ =	swait.ge [sflag:s9], $0xC00;
	s18 =	sshll.u32 s14, $0x1  }
0x1ec: {  	[sflag:s9] =	ssyncset.done $0x0;
	s17 =	sand.u32 $0x1FFC, s18  }
0x1ed: {  	[sflag:s9] =	ssyncadd.s32 $0xFFFFF400;
	s18 =	sshll.u32 s14, $0x8;
	s17 =	sadd.s32 s6, s17  }
0x1ee: {  	[tilespmem:s4], [sflag:$0x1] =	stream.strided.gather [hbm4b:s17+s19], $0x800, s20, s19, $0x38;
	[tilespmem:$0x3E00] =	vst v63  }
0x1ef: {  	s14 =	sshll.u32 s14, $0x4;
	s17 =	sand.u32 $0xFFE00, s18  }
0x1f0: {  	s14 =	sand.u32 $0xFFE0, s14;
	s17 =	sadd.s32 s1, s17  }
0x1f1: {  	[tilespmem:s21], [sflag:$0x1] =	stream.linear.gather [hbm4b:s17+s4], $0x800, $0x38;
	[tilespmem:$0x3E00] =	vst v63  }
0x1f2: {  	s18 =	sadd.s32 s7, s14  }
0x1f3: {  	[tilespmem:s22], [sflag:$0x1] =	stream.linear.gather [hbm4b:s18+s4], $0x80, $0x38;
	[tilespmem:$0x3E00] =	vst v63  }
0x1f4: {  	s14 =	sadd.s32 s8, s14  }
0x1f5: {  	[tilespmem:s23], [sflag:$0x1] =	stream.linear.gather [hbm4b:s14+s4], $0x80, $0x38;
	[tilespmem:$0x3E00] =	vst v63  }
0x1f6: {  	_ =	swait.ge [sflag:s12], $0x800  }
0x1f7: {  	[sflag:s12] =	ssyncset.done $0x0  }
0x1f8: {  	[sflag:s12] =	ssyncadd.s32 $0xFFFFF800  }
0x1f9: {  	_ =	swait.ge [sflag:s12], $0x800  }
0x1fa: {  	[sflag:s12] =	ssyncset.done $0x0  }
0x1fb: {  	[sflag:s12] =	ssyncadd.s32 $0xFFFFF800  }
0x1fc: {  	_ =	swait.ge [sflag:s12], $0x80  }
0x1fd: {  	[sflag:s12] =	ssyncset.done $0x0  }
0x1fe: {  	[sflag:s12] =	ssyncadd.s32 $0xFFFFFF80  }
0x1ff: {  	_ =	swait.ge [sflag:s12], $0x80  }
0x200: {  	[sflag:s12] =	ssyncset.done $0x0  }
0x201: {  	[sflag:s12] =	ssyncadd.s32 $0xFFFFFF80  }
0x202: {  	[tilespmem:$0x2A00] =	vst v2  }
0x203: {  	[tilespmem:$0x2A10] =	vst v2  }
0x204: {  	[tilespmem:$0x2A20] =	vst v2  }
0x205: {  	[tilespmem:$0x2A30] =	vst v2  }
0x206: {  	[tilespmem:$0x2A40] =	vst v2  }
0x207: {  	[tilespmem:$0x2A50] =	vst v2  }
0x208: {  	[tilespmem:$0x2A60] =	vst v2  }
0x209: {  	[tilespmem:$0x2A70] =	vst v2  }
0x20a: {  	[tilespmem:$0x2A80] =	vst v2  }
0x20b: {  	[tilespmem:$0x2A90] =	vst v2  }
0x20c: {  	[tilespmem:$0x2AA0] =	vst v2  }
0x20d: {  	[tilespmem:$0x2AB0] =	vst v2  }
0x20e: {  	[tilespmem:$0x2AC0] =	vst v2  }
0x20f: {  	[tilespmem:$0x2AD0] =	vst v2  }
0x210: {  	[tilespmem:$0x2AE0] =	vst v2  }
0x211: {  	[tilespmem:$0x2AF0] =	vst v2  }
0x212: {  	[tilespmem:$0x2B00] =	vst v2  }
0x213: {  	[tilespmem:$0x2B10] =	vst v2  }
0x214: {  	[tilespmem:$0x2B20] =	vst v2  }
0x215: {  	[tilespmem:$0x2B30] =	vst v2  }
0x216: {  	[tilespmem:$0x2B40] =	vst v2  }
0x217: {  	[tilespmem:$0x2B50] =	vst v2  }
0x218: {  	[tilespmem:$0x2B60] =	vst v2  }
0x219: {  	[tilespmem:$0x2B70] =	vst v2  }
0x21a: {  	[tilespmem:$0x2B80] =	vst v2  }
0x21b: {  	[tilespmem:$0x2B90] =	vst v2  }
0x21c: {  	[tilespmem:$0x2BA0] =	vst v2  }
0x21d: {  	[tilespmem:$0x2BB0] =	vst v2  }
0x21e: {  	[tilespmem:$0x2BC0] =	vst v2  }
0x21f: {  	[tilespmem:$0x2BD0] =	vst v2  }
0x220: {  	[tilespmem:$0x2BE0] =	vst v2  }
0x221: {  	[tilespmem:$0x2BF0] =	vst v2  }
0x222: {  	[tilespmem:$0x2C00] =	vst v2  }
0x223: {  	[tilespmem:$0x2C10] =	vst v2  }
0x224: {  	[tilespmem:$0x2C20] =	vst v2  }
0x225: {  	[tilespmem:$0x2C30] =	vst v2  }
0x226: {  	[tilespmem:$0x2C40] =	vst v2  }
0x227: {  	[tilespmem:$0x2C50] =	vst v2  }
0x228: {  	[tilespmem:$0x2C60] =	vst v2  }
0x229: {  	[tilespmem:$0x2C70] =	vst v2  }
0x22a: {  	[tilespmem:$0x2C80] =	vst v2  }
0x22b: {  	[tilespmem:$0x2C90] =	vst v2  }
0x22c: {  	[tilespmem:$0x2CA0] =	vst v2  }
0x22d: {  	[tilespmem:$0x2CB0] =	vst v2  }
0x22e: {  	[tilespmem:$0x2CC0] =	vst v2  }
0x22f: {  	[tilespmem:$0x2CD0] =	vst v2  }
0x230: {  	[tilespmem:$0x2CE0] =	vst v2  }
0x231: {  	[tilespmem:$0x2CF0] =	vst v2  }
0x232: {  	[tilespmem:$0x2D00] =	vst v2  }
0x233: {  	[tilespmem:$0x2D10] =	vst v2  }
0x234: {  	[tilespmem:$0x2D20] =	vst v2  }
0x235: {  	[tilespmem:$0x2D30] =	vst v2  }
0x236: {  	[tilespmem:$0x2D40] =	vst v2  }
0x237: {  	[tilespmem:$0x2D50] =	vst v2  }
0x238: {  	[tilespmem:$0x2D60] =	vst v2  }
0x239: {  	[tilespmem:$0x2D70] =	vst v2  }
0x23a: {  	[tilespmem:$0x2D80] =	vst v2  }
0x23b: {  	[tilespmem:$0x2D90] =	vst v2  }
0x23c: {  	[tilespmem:$0x2DA0] =	vst v2  }
0x23d: {  	[tilespmem:$0x2DB0] =	vst v2  }
0x23e: {  	[tilespmem:$0x2DC0] =	vst v2  }
0x23f: {  	[tilespmem:$0x2DD0] =	vst v2  }
0x240: {  	[tilespmem:$0x2DE0] =	vst v2  }
0x241: {  	s18 =	simm.s32 $0x870;
	[tilespmem:$0x2DF0] =	vst v2  }
0x242: {  	v10 =	vld [tilespmem:s18+$0xFFFFFF90];
	_ =	sdelay $0x3  }
0x243: {  	v11 =	vimm.f32 $0.0e+00  }
0x244: {  	v10 =	vadd.f32 v10, v11;
	_ =	sdelay $0x1  }
0x245: {  	v10 =	vadd.f32 $9.999999740e-06, v10  }
0x246: {  	s17 =	simm.s32 $0x2240  }
0x247: {  	[tilespmem:s17+$0xFFFFFFC0] =	vst v10  }
0x248: {  	v11 =	vld [tilespmem:s18+$0xFFFFFFA0];
	_ =	sdelay $0x4  }
0x249: {  	v10 =	vadd.f32 v11, v10;
	_ =	sdelay $0x1  }
0x24a: {  	v10 =	vadd.f32 $9.999999740e-06, v10;
	_ =	sdelay $0x1  }
0x24b: {  	[tilespmem:s17+$0xFFFFFFD0] =	vst v10  }
0x24c: {  	v11 =	vld [tilespmem:s18+$0xFFFFFFB0];
	_ =	sdelay $0x4  }
0x24d: {  	v10 =	vadd.f32 v11, v10;
	_ =	sdelay $0x1  }
0x24e: {  	v10 =	vadd.f32 $9.999999740e-06, v10;
	_ =	sdelay $0x1  }
0x24f: {  	[tilespmem:s17+$0xFFFFFFE0] =	vst v10  }
0x250: {  	v11 =	vld [tilespmem:s18+$0xFFFFFFC0];
	_ =	sdelay $0x4  }
0x251: {  	v10 =	vadd.f32 v11, v10;
	_ =	sdelay $0x1  }
0x252: {  	v10 =	vadd.f32 $9.999999740e-06, v10;
	_ =	sdelay $0x1  }
0x253: {  	[tilespmem:s17+$0xFFFFFFF0] =	vst v10  }
0x254: {  	v11 =	vld [tilespmem:s18+$0xFFFFFFD0];
	_ =	sdelay $0x4  }
0x255: {  	v10 =	vadd.f32 v11, v10;
	_ =	sdelay $0x1  }
0x256: {  	v10 =	vadd.f32 $9.999999740e-06, v10;
	_ =	sdelay $0x1  }
0x257: {  	[tilespmem:s17+$0x0] =	vst v10  }
0x258: {  	v11 =	vld [tilespmem:s18+$0xFFFFFFE0];
	_ =	sdelay $0x4  }
0x259: {  	v10 =	vadd.f32 v11, v10;
	_ =	sdelay $0x1  }
0x25a: {  	v10 =	vadd.f32 $9.999999740e-06, v10;
	_ =	sdelay $0x1  }
0x25b: {  	[tilespmem:s17+$0x10] =	vst v10  }
0x25c: {  	v11 =	vld [tilespmem:s18+$0xFFFFFFF0];
	_ =	sdelay $0x4  }
0x25d: {  	v10 =	vadd.f32 v11, v10;
	_ =	sdelay $0x1  }
0x25e: {  	v10 =	vadd.f32 $9.999999740e-06, v10;
	_ =	sdelay $0x1  }
0x25f: {  	[tilespmem:s17+$0x20] =	vst v10  }
0x260: {  	v11 =	vld [tilespmem:s18+$0x0];
	_ =	sdelay $0x4  }
0x261: {  	v10 =	vadd.f32 v11, v10;
	_ =	sdelay $0x1  }
0x262: {  	v10 =	vadd.f32 $9.999999740e-06, v10;
	_ =	sdelay $0x1  }
0x263: {  	s14 =	simm.s32 $0x8F0;
	s18 =	simm.s32 $0x0;
	[tilespmem:s17+$0x30] =	vst v10  }
.LBB2_11:
0x264: {  	v11 =	vld [tilespmem:s14+$0xFFFFFF90];
	s18 =	sadd.s32 $0x8, s18  }
0x265: {  	p0 =	slt.u32 s18, $0x78;
	_ =	sdelay $0x3  }
0x266: {  	v10 =	vadd.f32 v11, v10;
	_ =	sdelay $0x1  }
0x267: {  	v10 =	vadd.f32 $9.999999740e-06, v10  }
0x268: {  	s17 =	sadd.s32 $0x80, s17  }
0x269: {  	[tilespmem:s17+$0xFFFFFFC0] =	vst v10  }
0x26a: {  	v11 =	vld [tilespmem:s14+$0xFFFFFFA0];
	_ =	sdelay $0x4  }
0x26b: {  	v10 =	vadd.f32 v11, v10;
	_ =	sdelay $0x1  }
0x26c: {  	v10 =	vadd.f32 $9.999999740e-06, v10;
	_ =	sdelay $0x1  }
0x26d: {  	[tilespmem:s17+$0xFFFFFFD0] =	vst v10  }
0x26e: {  	v11 =	vld [tilespmem:s14+$0xFFFFFFB0];
	_ =	sdelay $0x4  }
0x26f: {  	v10 =	vadd.f32 v11, v10;
	_ =	sdelay $0x1  }
0x270: {  	v10 =	vadd.f32 $9.999999740e-06, v10;
	_ =	sdelay $0x1  }
0x271: {  	[tilespmem:s17+$0xFFFFFFE0] =	vst v10  }
0x272: {  	v11 =	vld [tilespmem:s14+$0xFFFFFFC0];
	_ =	sdelay $0x4  }
0x273: {  	v10 =	vadd.f32 v11, v10;
	_ =	sdelay $0x1  }
0x274: {  	v10 =	vadd.f32 $9.999999740e-06, v10;
	_ =	sdelay $0x1  }
0x275: {  	[tilespmem:s17+$0xFFFFFFF0] =	vst v10  }
0x276: {  	v11 =	vld [tilespmem:s14+$0xFFFFFFD0];
	_ =	sdelay $0x4  }
0x277: {  	v10 =	vadd.f32 v11, v10;
	_ =	sdelay $0x1  }
0x278: {  	v10 =	vadd.f32 $9.999999740e-06, v10;
	_ =	sdelay $0x1  }
0x279: {  	[tilespmem:s17+$0x0] =	vst v10  }
0x27a: {  	v11 =	vld [tilespmem:s14+$0xFFFFFFE0];
	_ =	sdelay $0x4  }
0x27b: {  	v10 =	vadd.f32 v11, v10;
	_ =	sdelay $0x1  }
0x27c: {  	v10 =	vadd.f32 $9.999999740e-06, v10;
	_ =	sdelay $0x1  }
0x27d: {  	[tilespmem:s17+$0x10] =	vst v10  }
0x27e: {  	v11 =	vld [tilespmem:s14+$0xFFFFFFF0];
	_ =	sdelay $0x4  }
0x27f: {  	v10 =	vadd.f32 v11, v10;
	_ =	sdelay $0x1  }
0x280: {  	v10 =	vadd.f32 $9.999999740e-06, v10;
	_ =	sdelay $0x1  }
0x281: {  	[tilespmem:s17+$0x20] =	vst v10  }
0x282: {  	v11 =	vld [tilespmem:s14+$0x0];
	_ =	sdelay $0x4  }
.Ltmp4:
0x283: {  	v10 =	vadd.f32 v11, v10;
	(pc) =	sbr.rel @p0 .LBB2_11-.Ltmp4, $3  }
0x284: {  	_ = 	snop  }
0x285: {  	v10 =	vadd.f32 $9.999999740e-06, v10;
	_ =	sdelay $0x1  }
0x286: {  	s14 =	sadd.s32 $0x80, s14;
	[tilespmem:s17+$0x30] =	vst v10  }
0x287: {  	(erf) = vrcp.f32 v10;
	_ =	sdelay $0x8  }
0x288: {  	v10 =	vpop (erf)  }
0x289: {  	s17 =	simm.s32 $0x0;
	v12 =	vimm.s32 $0x0;
	s18 =	simm.s32 $0x2240;
	v11 =	vmul.f32 $6.300000000e+01, v10  }
.LBB2_13:
0x28a: {  	v13 =	vld [tilespmem:s18+$0xFFFFFFC0];
	_ =	sdelay $0x4  }
0x28b: {  	v13 =	vmul.f32 v13, v11;
	_ =	sdelay $0x1  }
0x28c: {  	v14 =	vtrunc.f32 v13  }
0x28d: {  	v15 =	vcvt.f32.s32 v14;
	vm0 =	vgt.f32 v13, v14  }
0x28e: {  	v13 =	vsel vm0, $0x1, v2  }
0x28f: {  	v13 =	vadd.s32 v15, v13  }
0x290: {  	vm1 =	vlt.s32 v12, $0x3F;
	vm0 =	vlt.s32 v13, $0x40  }
0x291: {  	v15 =	vnsel vm1, $0x3F, v12;
	v14 =	vnsel vm0, $0x40, v13  }
0x292: {  	vm0 =	vgt.s32 v14, v12;
	v12 =	vshll.u32 v15, $0x4  }
0x293: {  	v12 =	vor.u32 v0, v12;
	_ =	sdelay $0x3  }
0x294: {  	v14 =	vmov s17  }
0x295: {  	[tilespmem:v12+s30+$0x0] =	vst.idx.msk vm0, v14  }
0x296: {  	v12 =	vld [tilespmem:s18+$0xFFFFFFD0];
	_ =	sdelay $0x4  }
0x297: {  	v12 =	vmul.f32 v12, v11;
	_ =	sdelay $0x1  }
0x298: {  	v14 =	vtrunc.f32 v12  }
0x299: {  	v15 =	vcvt.f32.s32 v14;
	vm0 =	vgt.f32 v12, v14  }
0x29a: {  	v12 =	vsel vm0, $0x1, v2  }
0x29b: {  	v12 =	vadd.s32 v15, v12  }
0x29c: {  	vm1 =	vlt.s32 v13, $0x3F;
	vm0 =	vlt.s32 v12, $0x40  }
0x29d: {  	v15 =	vnsel vm1, $0x3F, v13;
	v14 =	vnsel vm0, $0x40, v12  }
0x29e: {  	vm0 =	vlt.s32 v13, v14;
	v13 =	vshll.u32 v15, $0x4  }
0x29f: {  	v13 =	vor.u32 v0, v13;
	_ =	sdelay $0x2  }
0x2a0: {  	s14 =	sadd.s32 $0x1, s17  }
0x2a1: {  	v14 =	vmov s14  }
0x2a2: {  	[tilespmem:v13+s30+$0x0] =	vst.idx.msk vm0, v14  }
0x2a3: {  	v13 =	vld [tilespmem:s18+$0xFFFFFFE0];
	_ =	sdelay $0x4  }
0x2a4: {  	v13 =	vmul.f32 v13, v11;
	_ =	sdelay $0x1  }
0x2a5: {  	v14 =	vtrunc.f32 v13  }
0x2a6: {  	v15 =	vcvt.f32.s32 v14;
	vm0 =	vgt.f32 v13, v14  }
0x2a7: {  	v13 =	vsel vm0, $0x1, v2  }
0x2a8: {  	v13 =	vadd.s32 v15, v13  }
0x2a9: {  	vm1 =	vlt.s32 v12, $0x3F;
	vm0 =	vlt.s32 v13, $0x40  }
0x2aa: {  	v15 =	vnsel vm1, $0x3F, v12;
	v14 =	vnsel vm0, $0x40, v13  }
0x2ab: {  	vm0 =	vlt.s32 v12, v14;
	v12 =	vshll.u32 v15, $0x4  }
0x2ac: {  	v12 =	vor.u32 v0, v12;
	_ =	sdelay $0x2  }
0x2ad: {  	s14 =	sadd.s32 $0x2, s17  }
0x2ae: {  	v14 =	vmov s14  }
0x2af: {  	[tilespmem:v12+s30+$0x0] =	vst.idx.msk vm0, v14  }
0x2b0: {  	v12 =	vld [tilespmem:s18+$0xFFFFFFF0];
	_ =	sdelay $0x4  }
0x2b1: {  	v12 =	vmul.f32 v12, v11;
	_ =	sdelay $0x1  }
0x2b2: {  	v14 =	vtrunc.f32 v12  }
0x2b3: {  	v15 =	vcvt.f32.s32 v14;
	vm0 =	vgt.f32 v12, v14  }
0x2b4: {  	v12 =	vsel vm0, $0x1, v2  }
0x2b5: {  	v12 =	vadd.s32 v15, v12  }
0x2b6: {  	vm1 =	vlt.s32 v13, $0x3F;
	vm0 =	vlt.s32 v12, $0x40  }
0x2b7: {  	v15 =	vnsel vm1, $0x3F, v13;
	v14 =	vnsel vm0, $0x40, v12  }
0x2b8: {  	vm0 =	vlt.s32 v13, v14;
	v13 =	vshll.u32 v15, $0x4  }
0x2b9: {  	v13 =	vor.u32 v0, v13;
	_ =	sdelay $0x2  }
0x2ba: {  	s14 =	sadd.s32 $0x3, s17  }
0x2bb: {  	v14 =	vmov s14  }
0x2bc: {  	[tilespmem:v13+s30+$0x0] =	vst.idx.msk vm0, v14  }
0x2bd: {  	v13 =	vld [tilespmem:s18+$0x0];
	_ =	sdelay $0x4  }
0x2be: {  	v13 =	vmul.f32 v13, v11;
	_ =	sdelay $0x1  }
0x2bf: {  	v14 =	vtrunc.f32 v13  }
0x2c0: {  	v15 =	vcvt.f32.s32 v14;
	vm0 =	vgt.f32 v13, v14  }
0x2c1: {  	v13 =	vsel vm0, $0x1, v2  }
0x2c2: {  	v13 =	vadd.s32 v15, v13  }
0x2c3: {  	vm1 =	vlt.s32 v12, $0x3F;
	vm0 =	vlt.s32 v13, $0x40  }
0x2c4: {  	v15 =	vnsel vm1, $0x3F, v12;
	v14 =	vnsel vm0, $0x40, v13  }
0x2c5: {  	vm0 =	vlt.s32 v12, v14;
	v12 =	vshll.u32 v15, $0x4  }
0x2c6: {  	v12 =	vor.u32 v0, v12;
	_ =	sdelay $0x2  }
0x2c7: {  	s14 =	sadd.s32 $0x4, s17  }
0x2c8: {  	v14 =	vmov s14  }
0x2c9: {  	[tilespmem:v12+s30+$0x0] =	vst.idx.msk vm0, v14  }
0x2ca: {  	v12 =	vld [tilespmem:s18+$0x10];
	_ =	sdelay $0x4  }
0x2cb: {  	v12 =	vmul.f32 v12, v11;
	_ =	sdelay $0x1  }
0x2cc: {  	v14 =	vtrunc.f32 v12  }
0x2cd: {  	v15 =	vcvt.f32.s32 v14;
	vm0 =	vgt.f32 v12, v14  }
0x2ce: {  	v12 =	vsel vm0, $0x1, v2  }
0x2cf: {  	v12 =	vadd.s32 v15, v12  }
0x2d0: {  	vm1 =	vlt.s32 v13, $0x3F;
	vm0 =	vlt.s32 v12, $0x40  }
0x2d1: {  	v15 =	vnsel vm1, $0x3F, v13;
	v14 =	vnsel vm0, $0x40, v12  }
0x2d2: {  	vm0 =	vlt.s32 v13, v14;
	v13 =	vshll.u32 v15, $0x4  }
0x2d3: {  	v13 =	vor.u32 v0, v13;
	_ =	sdelay $0x2  }
0x2d4: {  	s14 =	sadd.s32 $0x5, s17  }
0x2d5: {  	v14 =	vmov s14  }
0x2d6: {  	[tilespmem:v13+s30+$0x0] =	vst.idx.msk vm0, v14  }
0x2d7: {  	v13 =	vld [tilespmem:s18+$0x20];
	_ =	sdelay $0x4  }
0x2d8: {  	v13 =	vmul.f32 v13, v11;
	_ =	sdelay $0x1  }
0x2d9: {  	v14 =	vtrunc.f32 v13  }
0x2da: {  	v15 =	vcvt.f32.s32 v14;
	vm0 =	vgt.f32 v13, v14  }
0x2db: {  	v13 =	vsel vm0, $0x1, v2  }
0x2dc: {  	v14 =	vadd.s32 v15, v13  }
0x2dd: {  	vm1 =	vlt.s32 v12, $0x3F;
	vm0 =	vlt.s32 v14, $0x40  }
0x2de: {  	v15 =	vnsel vm1, $0x3F, v12;
	v13 =	vnsel vm0, $0x40, v14  }
0x2df: {  	vm0 =	vlt.s32 v12, v13;
	v12 =	vshll.u32 v15, $0x4  }
0x2e0: {  	v12 =	vor.u32 v0, v12;
	_ =	sdelay $0x2  }
0x2e1: {  	s14 =	sadd.s32 $0x6, s17  }
0x2e2: {  	v13 =	vmov s14  }
0x2e3: {  	[tilespmem:v12+s30+$0x0] =	vst.idx.msk vm0, v13  }
0x2e4: {  	v12 =	vld [tilespmem:s18+$0x30];
	_ =	sdelay $0x4  }
0x2e5: {  	v12 =	vmul.f32 v12, v11;
	_ =	sdelay $0x1  }
0x2e6: {  	v13 =	vtrunc.f32 v12  }
0x2e7: {  	v15 =	vcvt.f32.s32 v13;
	vm0 =	vgt.f32 v12, v13  }
0x2e8: {  	v12 =	vsel vm0, $0x1, v2  }
0x2e9: {  	v13 =	vadd.s32 v15, v12  }
0x2ea: {  	vm1 =	vlt.s32 v14, $0x3F;
	vm0 =	vlt.s32 v13, $0x40  }
0x2eb: {  	v15 =	vnsel vm1, $0x3F, v14;
	v12 =	vnsel vm0, $0x40, v13  }
0x2ec: {  	vm1 =	vlt.s32 v14, v12;
	v14 =	vshll.u32 v15, $0x4  }
0x2ed: {  	p0 =	slt.u32 s17, $0x78;
	v14 =	vor.u32 v0, v14  }
.Ltmp5:
0x2ee: {  	_ = 	snop;
	(pc) =	sbr.rel @p0 .LBB2_13-.Ltmp5, $4  }
0x2ef: {  	_ = 	snop  }
0x2f0: {  	s14 =	sadd.s32 $0x7, s17  }
0x2f1: {  	v15 =	vmov s14  }
0x2f2: {  	s17 =	sadd.s32 $0x8, s17;
	s18 =	sadd.s32 $0x80, s18;
	[tilespmem:v14+s30+$0x0] =	vst.idx.msk vm1, v15  }
0x2f3: {  	vm1 =	vlt.s32 v13, $0x3F  }
0x2f4: {  	v11 =	vnsel vm1, $0x3F, v13  }
0x2f5: {  	v11 =	vshll.u32 v11, $0x4  }
0x2f6: {  	v11 =	vor.u32 v0, v11;
	_ =	sdelay $0x4  }
0x2f7: {  	s14 =	simm.s32 $0x2A40;
	[tilespmem:v11+s30+$0x0] =	vst.idx.msk vm0, v4  }
0x2f8: {  	v11 =	vld [tilespmem:s14+$0xFFFFFFC0];
	_ =	sdelay $0x1  }
0x2f9: {  	v12 =	vld [tilespmem:s14+$0xFFFFFFD0];
	_ =	sdelay $0x1  }
0x2fa: {  	v13 =	vimm.s32 $0x0;
	v14 =	vld [tilespmem:s14+$0xFFFFFFE0]  }
0x2fb: {  	vm0 =	vgt.s32 v13, v11  }
0x2fc: {  	v15 =	vld [tilespmem:s14+$0xFFFFFFF0];
	v13 =	vsel vm0, v13, v11  }
0x2fd: {  	vm0 =	vgt.s32 v13, v12  }
0x2fe: {  	v16 =	vld [tilespmem:s14+$0x0];
	v12 =	vsel vm0, v13, v12  }
0x2ff: {  	vm0 =	vgt.s32 v12, v14  }
0x300: {  	v11 =	vld [tilespmem:s14+$0x10];
	v14 =	vsel vm0, v12, v14  }
0x301: {  	[tilespmem:s14+$0xFFFFFFC0] =	vst v13;
	vm0 =	vgt.s32 v14, v15  }
0x302: {  	[tilespmem:s14+$0xFFFFFFD0] =	vst v12;
	v12 =	vld [tilespmem:s14+$0x20];
	v13 =	vsel vm0, v14, v15  }
0x303: {  	[tilespmem:s14+$0xFFFFFFE0] =	vst v14;
	vm0 =	vgt.s32 v13, v16  }
0x304: {  	[tilespmem:s14+$0xFFFFFFF0] =	vst v13;
	v14 =	vsel vm0, v13, v16;
	v13 =	vld [tilespmem:s14+$0x30]  }
0x305: {  	s17 =	simm.s32 $0x0;
	s18 =	simm.s32 $0x2AC0;
	[tilespmem:s14+$0x0] =	vst v14;
	vm0 =	vgt.s32 v14, v11  }
.LBB2_15:
0x306: {  	v15 =	vld [tilespmem:s18+$0xFFFFFFC0];
	s17 =	sadd.s32 $0x8, s17;
	v11 =	vsel vm0, v14, v11  }
0x307: {  	p0 =	slt.u32 s17, $0x38;
	[tilespmem:s14+$0x10] =	vst v11;
	vm0 =	vgt.s32 v11, v12  }
0x308: {  	v14 =	vld [tilespmem:s18+$0xFFFFFFD0];
	v11 =	vsel vm0, v11, v12  }
0x309: {  	[tilespmem:s14+$0x20] =	vst v11;
	vm0 =	vgt.s32 v11, v13  }
0x30a: {  	v12 =	vld [tilespmem:s18+$0xFFFFFFE0];
	v11 =	vsel vm0, v11, v13  }
0x30b: {  	vm0 =	vgt.s32 v11, v15;
	[tilespmem:s14+$0x30] =	vst v11;
	s14 =	smov.u32 s18  }
0x30c: {  	v11 =	vsel vm0, v11, v15;
	v13 =	vld [tilespmem:s18+$0xFFFFFFF0]  }
0x30d: {  	[tilespmem:s18+$0xFFFFFFC0] =	vst v11;
	vm0 =	vgt.s32 v11, v14  }
0x30e: {  	v11 =	vsel vm0, v11, v14;
	v14 =	vld [tilespmem:s18+$0x0]  }
0x30f: {  	[tilespmem:s18+$0xFFFFFFD0] =	vst v11;
	vm0 =	vgt.s32 v11, v12  }
0x310: {  	v12 =	vsel vm0, v11, v12;
	v11 =	vld [tilespmem:s18+$0x10]  }
.Ltmp6:
0x311: {  	[tilespmem:s18+$0xFFFFFFE0] =	vst v12;
	vm0 =	vgt.s32 v12, v13;
	(pc) =	sbr.rel @p0 .LBB2_15-.Ltmp6, $4  }
0x312: {  	v13 =	vsel vm0, v12, v13;
	v12 =	vld [tilespmem:s18+$0x20]  }
0x313: {  	[tilespmem:s18+$0xFFFFFFF0] =	vst v13;
	vm0 =	vgt.s32 v13, v14  }
0x314: {  	v14 =	vsel vm0, v13, v14;
	v13 =	vld [tilespmem:s18+$0x30]  }
0x315: {  	s18 =	sadd.s32 $0x80, s18;
	[tilespmem:s14+$0x0] =	vst v14;
	vm0 =	vgt.s32 v14, v11  }
0x316: {  	v11 =	vsel vm0, v14, v11  }
0x317: {  	vm0 =	vgt.s32 v11, v12  }
0x318: {  	v12 =	vsel vm0, v11, v12  }
0x319: {  	[tilespmem:s14+$0x10] =	vst v11;
	vm0 =	vgt.s32 v12, v13  }
0x31a: {  	[tilespmem:s14+$0x20] =	vst v12;
	v11 =	vsel vm0, v12, v13  }
0x31b: {  	[tilespmem:s14+$0x30] =	vst v11  }
0x31c: {  	v11 =	vld.idx.msk [tilespmem:v1+s26+$0x0], $0xffff  }
0x31d: {  	v12 =	vld.idx.msk [tilespmem:v5+s26+$0x0], $0xffff  }
0x31e: {  	v13 =	vld.idx.msk [tilespmem:v6+s26+$0x0], $0xffff  }
0x31f: {  	v14 =	vld.idx.msk [tilespmem:v1+s28+$0x0], $0xffff  }
0x320: {  	v15 =	vld.idx.msk [tilespmem:v5+s28+$0x0], $0xffff  }
0x321: {  	s17 =	simm.s32 $0x0;
	s18 =	simm.s32 $0x2A20;
	v16 =	vld.idx.msk [tilespmem:v6+s28+$0x0], $0xffff  }
.LBB2_17:
0x322: {  	v17 =	vld [tilespmem:s18+$0xFFFFFFE0];
	_ =	sdelay $0x4  }
0x323: {  	v18 =	vadd.s32 $0xFFFFFFFF, v17  }
0x324: {  	vm0 =	vgt.s32 v18, $0x0  }
0x325: {  	vm10 =	vlt.s32 v17, $0x7F;
	v18 =	vnsel vm0, $0x0, v18  }
0x326: {  	v19 =	vnsel vm10, $0x7F, v17;
	v18 =	vshll.u32 v18, $0x4  }
0x327: {  	v20 =	vshll.u32 v19, $0x4;
	v18 =	vor.u32 v0, v18  }
0x328: {  	v20 =	vor.u32 v0, v20;
	_ =	sdelay $0x3  }
0x329: {  	v18 =	vld.idx.msk [tilespmem:v18+s31+$0x0], $0xffff  }
0x32a: {  	v20 =	vld.idx.msk [tilespmem:v20+s31+$0x0], $0xffff;
	_ =	sdelay $0x3  }
0x32b: {  	v18 =	vmul.f32 v18, v10  }
0x32c: {  	vm11 =	veq.s32 v17, $0x0;
	v20 =	vmul.f32 v20, v10  }
0x32d: {  	v18 =	vsel vm11, $0x0, v18  }
0x32e: {  	v20 =	vsub.f32 v20, v18  }
0x32f: {  	v17 =	vadd.s32 $0x1, v17  }
0x330: {  	vm12 =	vlt.s32 v17, $0x7F;
	vm1 =	vlt.f32 v20, $9.999999740e-06  }
0x331: {  	v19 =	vadd.s32 v7, v19;
	v17 =	vnsel vm12, $0x7F, v17;
	v20 =	vsel vm1, $0x3F800000, v20  }
0x332: {  	v17 =	vadd.s32 v7, v17;
	(erf) = vrcp.f32 v20;
	_ =	sdelay $0x2  }
0x333: {  	v36 =	vmov s17  }
0x334: {  	v21 =	vcvt.s32.f32 v36;
	v19 =	vld.idx.msk [tilespmem:v19+s25+$0x0], $0xffff  }
0x335: {  	v17 =	vld.idx.msk [tilespmem:v17+s25+$0x0], $0xffff  }
0x336: {  	v21 =	vmul.f32 $1.587301680e-02, v21;
	_ =	sdelay $0x1  }
0x337: {  	v18 =	vsub.f32 v21, v18  }
0x338: {  	v37 =	vpop (erf)  }
0x339: {  	v17 =	vsub.f32 v17, v19;
	v18 =	vmul.f32 v37, v18;
	_ =	sdelay $0x1  }
0x33a: {  	v17 =	vmul.f32 v18, v17  }
0x33b: {  	v18 =	vand.u32 $0x3C, v36  }
0x33c: {  	v17 =	vadd.f32 v17, v19;
	v19 =	vor.u32 v3, v18;
	_ =	sdelay $0x1  }
0x33d: {  	v39 =	vor.u32 v8, v18;
	v38 =	vmul.f32 v17, v14  }
0x33e: {  	v18 =	vor.u32 v9, v18;
	v22 =	vmul.f32 v17, v15  }
0x33f: {  	v23 =	vmul.f32 v17, v16;
	v20 =	vadd.f32 v38, v11  }
0x340: {  	[tilespmem:v19+s0+$0x0] =	vst.idx.msk $0xffff, v17;
	v17 =	vadd.f32 v22, v12  }
0x341: {  	[tilespmem:v19+s5+$0x0] =	vst.idx.msk $0xffff, v20;
	v19 =	vadd.f32 v23, v13  }
0x342: {  	[tilespmem:v39+s5+$0x0] =	vst.idx.msk $0xffff, v17  }
0x343: {  	[tilespmem:v18+s5+$0x0] =	vst.idx.msk $0xffff, v19  }
0x344: {  	v17 =	vld [tilespmem:s18+$0xFFFFFFF0];
	_ =	sdelay $0x4  }
0x345: {  	v18 =	vadd.s32 $0xFFFFFFFF, v17  }
0x346: {  	vm13 =	vgt.s32 v18, $0x0  }
0x347: {  	vm14 =	vlt.s32 v17, $0x7F;
	v18 =	vnsel vm13, $0x0, v18  }
0x348: {  	v19 =	vnsel vm14, $0x7F, v17;
	v18 =	vshll.u32 v18, $0x4  }
0x349: {  	v40 =	vshll.u32 v19, $0x4;
	v18 =	vor.u32 v0, v18  }
0x34a: {  	v20 =	vor.u32 v0, v40;
	_ =	sdelay $0x3  }
0x34b: {  	v18 =	vld.idx.msk [tilespmem:v18+s31+$0x0], $0xffff  }
0x34c: {  	v20 =	vld.idx.msk [tilespmem:v20+s31+$0x0], $0xffff;
	_ =	sdelay $0x3  }
0x34d: {  	v18 =	vmul.f32 v18, v10  }
0x34e: {  	vm15 =	veq.s32 v17, $0x0;
	v20 =	vmul.f32 v20, v10  }
0x34f: {  	v18 =	vsel vm15, $0x0, v18  }
0x350: {  	v20 =	vsub.f32 v20, v18  }
0x351: {  	v17 =	vadd.s32 $0x1, v17  }
0x352: {  	vm4 =	vlt.s32 v17, $0x7F;
	vm5 =	vlt.f32 v20, $9.999999740e-06  }
0x353: {  	v19 =	vadd.s32 v7, v19;
	v17 =	vnsel vm4, $0x7F, v17;
	v20 =	vsel vm5, $0x3F800000, v20  }
0x354: {  	v17 =	vadd.s32 v7, v17;
	(erf) = vrcp.f32 v20;
	_ =	sdelay $0x1  }
0x355: {  	s14 =	sadd.s32 $0x1, s17  }
0x356: {  	v41 =	vmov s14  }
0x357: {  	v42 =	vcvt.s32.f32 v41;
	v19 =	vld.idx.msk [tilespmem:v19+s25+$0x0], $0xffff  }
0x358: {  	v17 =	vld.idx.msk [tilespmem:v17+s25+$0x0], $0xffff  }
0x359: {  	v21 =	vmul.f32 $1.587301680e-02, v42;
	_ =	sdelay $0x1  }
0x35a: {  	v18 =	vsub.f32 v21, v18  }
0x35b: {  	v43 =	vpop (erf)  }
0x35c: {  	v17 =	vsub.f32 v17, v19;
	v18 =	vmul.f32 v43, v18;
	_ =	sdelay $0x1  }
0x35d: {  	v17 =	vmul.f32 v18, v17  }
0x35e: {  	v18 =	vand.u32 $0x3D, v41  }
0x35f: {  	v17 =	vadd.f32 v17, v19;
	v19 =	vor.u32 v3, v18;
	_ =	sdelay $0x1  }
0x360: {  	v45 =	vor.u32 v8, v18;
	v44 =	vmul.f32 v17, v14  }
0x361: {  	v18 =	vor.u32 v9, v18;
	v46 =	vmul.f32 v17, v15  }
0x362: {  	v47 =	vmul.f32 v17, v16;
	v20 =	vadd.f32 v44, v11  }
0x363: {  	[tilespmem:v19+s0+$0x0] =	vst.idx.msk $0xffff, v17;
	v17 =	vadd.f32 v46, v12  }
0x364: {  	[tilespmem:v19+s5+$0x0] =	vst.idx.msk $0xffff, v20;
	v19 =	vadd.f32 v47, v13  }
0x365: {  	[tilespmem:v45+s5+$0x0] =	vst.idx.msk $0xffff, v17  }
0x366: {  	[tilespmem:v18+s5+$0x0] =	vst.idx.msk $0xffff, v19  }
0x367: {  	v17 =	vld [tilespmem:s18+$0x0];
	_ =	sdelay $0x4  }
0x368: {  	v18 =	vadd.s32 $0xFFFFFFFF, v17  }
0x369: {  	vm6 =	vgt.s32 v18, $0x0  }
0x36a: {  	vm7 =	vlt.s32 v17, $0x7F;
	v18 =	vnsel vm6, $0x0, v18  }
0x36b: {  	v19 =	vnsel vm7, $0x7F, v17;
	v18 =	vshll.u32 v18, $0x4  }
0x36c: {  	v48 =	vshll.u32 v19, $0x4;
	v18 =	vor.u32 v0, v18  }
0x36d: {  	v20 =	vor.u32 v0, v48;
	_ =	sdelay $0x3  }
0x36e: {  	v18 =	vld.idx.msk [tilespmem:v18+s31+$0x0], $0xffff  }
0x36f: {  	v20 =	vld.idx.msk [tilespmem:v20+s31+$0x0], $0xffff;
	_ =	sdelay $0x3  }
0x370: {  	v18 =	vmul.f32 v18, v10  }
0x371: {  	vm8 =	veq.s32 v17, $0x0;
	v20 =	vmul.f32 v20, v10  }
0x372: {  	v18 =	vsel vm8, $0x0, v18  }
0x373: {  	v20 =	vsub.f32 v20, v18  }
0x374: {  	v17 =	vadd.s32 $0x1, v17  }
0x375: {  	vm9 =	vlt.s32 v17, $0x7F;
	vm10 =	vlt.f32 v20, $9.999999740e-06  }
0x376: {  	v19 =	vadd.s32 v7, v19;
	v17 =	vnsel vm9, $0x7F, v17;
	v20 =	vsel vm10, $0x3F800000, v20  }
0x377: {  	v17 =	vadd.s32 v7, v17;
	(erf) = vrcp.f32 v20;
	_ =	sdelay $0x1  }
0x378: {  	s14 =	sadd.s32 $0x2, s17  }
0x379: {  	v49 =	vmov s14  }
0x37a: {  	v50 =	vcvt.s32.f32 v49;
	v19 =	vld.idx.msk [tilespmem:v19+s25+$0x0], $0xffff  }
0x37b: {  	v17 =	vld.idx.msk [tilespmem:v17+s25+$0x0], $0xffff  }
0x37c: {  	v21 =	vmul.f32 $1.587301680e-02, v50;
	_ =	sdelay $0x1  }
0x37d: {  	v18 =	vsub.f32 v21, v18  }
0x37e: {  	v51 =	vpop (erf)  }
0x37f: {  	v17 =	vsub.f32 v17, v19;
	v18 =	vmul.f32 v51, v18;
	_ =	sdelay $0x1  }
0x380: {  	v17 =	vmul.f32 v18, v17  }
0x381: {  	v18 =	vand.u32 $0x3E, v49  }
0x382: {  	v17 =	vadd.f32 v17, v19;
	v19 =	vor.u32 v3, v18;
	_ =	sdelay $0x1  }
0x383: {  	v53 =	vor.u32 v8, v18;
	v52 =	vmul.f32 v17, v14  }
0x384: {  	v18 =	vor.u32 v9, v18;
	v54 =	vmul.f32 v17, v15  }
0x385: {  	v55 =	vmul.f32 v17, v16;
	v20 =	vadd.f32 v52, v11  }
0x386: {  	[tilespmem:v19+s0+$0x0] =	vst.idx.msk $0xffff, v17;
	v17 =	vadd.f32 v54, v12  }
0x387: {  	[tilespmem:v19+s5+$0x0] =	vst.idx.msk $0xffff, v20;
	v19 =	vadd.f32 v55, v13  }
0x388: {  	[tilespmem:v53+s5+$0x0] =	vst.idx.msk $0xffff, v17  }
0x389: {  	[tilespmem:v18+s5+$0x0] =	vst.idx.msk $0xffff, v19  }
0x38a: {  	v17 =	vld [tilespmem:s18+$0x10];
	_ =	sdelay $0x4  }
0x38b: {  	v18 =	vadd.s32 $0xFFFFFFFF, v17  }
0x38c: {  	vm11 =	vgt.s32 v18, $0x0  }
0x38d: {  	vm12 =	vlt.s32 v17, $0x7F;
	v18 =	vnsel vm11, $0x0, v18  }
0x38e: {  	v19 =	vnsel vm12, $0x7F, v17;
	v18 =	vshll.u32 v18, $0x4  }
0x38f: {  	v56 =	vshll.u32 v19, $0x4;
	v18 =	vor.u32 v0, v18  }
0x390: {  	v20 =	vor.u32 v0, v56;
	_ =	sdelay $0x3  }
0x391: {  	v18 =	vld.idx.msk [tilespmem:v18+s31+$0x0], $0xffff  }
0x392: {  	v20 =	vld.idx.msk [tilespmem:v20+s31+$0x0], $0xffff;
	_ =	sdelay $0x3  }
0x393: {  	v18 =	vmul.f32 v18, v10  }
0x394: {  	vm13 =	veq.s32 v17, $0x0;
	v20 =	vmul.f32 v20, v10  }
0x395: {  	v18 =	vsel vm13, $0x0, v18  }
0x396: {  	v20 =	vsub.f32 v20, v18  }
0x397: {  	v17 =	vadd.s32 $0x1, v17  }
0x398: {  	vm14 =	vlt.s32 v17, $0x7F;
	vm15 =	vlt.f32 v20, $9.999999740e-06  }
0x399: {  	v19 =	vadd.s32 v7, v19;
	v17 =	vnsel vm14, $0x7F, v17;
	v20 =	vsel vm15, $0x3F800000, v20  }
0x39a: {  	v17 =	vadd.s32 v7, v17;
	(erf) = vrcp.f32 v20;
	_ =	sdelay $0x1  }
0x39b: {  	s14 =	sadd.s32 $0x3, s17  }
0x39c: {  	v57 =	vmov s14  }
0x39d: {  	v58 =	vcvt.s32.f32 v57;
	v19 =	vld.idx.msk [tilespmem:v19+s25+$0x0], $0xffff  }
0x39e: {  	v17 =	vld.idx.msk [tilespmem:v17+s25+$0x0], $0xffff  }
0x39f: {  	v21 =	vmul.f32 $1.587301680e-02, v58;
	_ =	sdelay $0x1  }
0x3a0: {  	v18 =	vsub.f32 v21, v18  }
0x3a1: {  	v59 =	vpop (erf)  }
0x3a2: {  	v17 =	vsub.f32 v17, v19;
	v18 =	vmul.f32 v59, v18;
	_ =	sdelay $0x1  }
0x3a3: {  	v17 =	vmul.f32 v18, v17  }
0x3a4: {  	v18 =	vand.u32 $0x3F, v57  }
0x3a5: {  	v17 =	vadd.f32 v17, v19;
	v19 =	vor.u32 v3, v18;
	_ =	sdelay $0x1  }
0x3a6: {  	v61 =	vor.u32 v8, v18;
	v60 =	vmul.f32 v17, v14  }
0x3a7: {  	p0 =	slt.u32 s17, $0x3C;
	v18 =	vor.u32 v9, v18;
	v62 =	vmul.f32 v17, v15  }
.Ltmp7:
0x3a8: {  	v63 =	vmul.f32 v17, v16;
	v20 =	vadd.f32 v60, v11;
	(pc) =	sbr.rel @p0 .LBB2_17-.Ltmp7, $4  }
0x3a9: {  	[tilespmem:v19+s0+$0x0] =	vst.idx.msk $0xffff, v17;
	v17 =	vadd.f32 v62, v12  }
0x3aa: {  	[tilespmem:v19+s5+$0x0] =	vst.idx.msk $0xffff, v20;
	v19 =	vadd.f32 v63, v13  }
0x3ab: {  	[tilespmem:v61+s5+$0x0] =	vst.idx.msk $0xffff, v17  }
0x3ac: {  	s17 =	sadd.s32 $0x4, s17;
	s18 =	sadd.s32 $0x40, s18;
	[tilespmem:v18+s5+$0x0] =	vst.idx.msk $0xffff, v19  }
0x3ad: {  	s14 =	sadd.s32 s16, s13  }
0x3ae: {  	s14 =	sshll.u32 s14, $0x7  }
0x3af: {  	s14 =	sadd.s32 $0x80, s14  }
0x3b0: {  	s14 =	sand.u32 $0x1FFFFF80, s14  }
0x3b1: {  	s17 =	sadd.s32 s3, s14  }
0x3b2: {  	[hbm4b:s17+s4] =	stream.linear.scatter [tilespmem:s0], [sflag:$0x3], $0x400, $0x38;
	[tilespmem:$0x3E00] =	vst v63  }
0x3b3: {  	_ =	swait.ge [sflag:s9], $0x400  }
0x3b4: {  	[sflag:s9] =	ssyncset.done $0x0  }
0x3b5: {  	s14 =	sadd.s32 s2, s14;
	s17 =	sadd.s32 $0x3, s16;
	[sflag:s9] =	ssyncadd.s32 $0xFFFFFC00  }
0x3b6: {  	[hbm4b:s14+s10] =	stream.strided.scatter [tilespmem:s5], [sflag:$0x3], $0xC00, s11, s10, $0x38;
	[tilespmem:$0x3E00] =	vst v63  }
0x3b7: {  	s14 =	sand.u32 $0x7F, s17  }
0x3b8: {  	_ =	swait.ge [sflag:s9], $0xC00;
	s14 =	sor.u32 s13, s14  }
0x3b9: {  	s15 =	sadd.s32 $0x1, s15;
	[sflag:s9] =	ssyncset.done $0x0;
	s18 =	sshll.u32 s14, $0x1  }
0x3ba: {  	s17 =	sshll.u32 s14, $0x8;
	[sflag:s9] =	ssyncadd.s32 $0xFFFFF400;
	s16 =	sadd.s32 s6, s18  }
0x3bb: {  	[tilespmem:s24], [sflag:$0x2] =	stream.strided.gather [hbm4b:s16+s19], $0x800, s20, s19, $0x38;
	[tilespmem:$0x3E00] =	vst v63  }
0x3bc: {  	p0 =	sne.s32 s15, $0x40;
	s16 =	sadd.s32 s1, s17  }
0x3bd: {  	[tilespmem:s25], [sflag:$0x2] =	stream.linear.gather [hbm4b:s16+s4], $0x800, $0x38;
	[tilespmem:$0x3E00] =	vst v63  }
.Ltmp8:
0x3be: {  	s14 =	sshll.u32 s14, $0x4;
	(pc) =	sbr.rel @p0 .LBB2_2-.Ltmp8, $4  }
0x3bf: {  	s18 =	sadd.s32 s7, s14  }
0x3c0: {  	[tilespmem:s26], [sflag:$0x2] =	stream.linear.gather [hbm4b:s18+s4], $0x80, $0x38;
	[tilespmem:$0x3E00] =	vst v63  }
0x3c1: {  	s14 =	sadd.s32 s8, s14  }
0x3c2: {  	[tilespmem:s28], [sflag:$0x2] =	stream.linear.gather [hbm4b:s14+s4], $0x80, $0x38;
	[tilespmem:$0x3E00] =	vst v63  }
0x3c3: {  	_ =	swait.ge [sflag:s29], $0x800  }
0x3c4: {  	[sflag:s29] =	ssyncset.done $0x0  }
0x3c5: {  	[sflag:s29] =	ssyncadd.s32 $0xFFFFF800  }
0x3c6: {  	_ =	swait.ge [sflag:s29], $0x800  }
0x3c7: {  	[sflag:s29] =	ssyncset.done $0x0  }
0x3c8: {  	[sflag:s29] =	ssyncadd.s32 $0xFFFFF800  }
0x3c9: {  	_ =	swait.ge [sflag:s29], $0x80  }
0x3ca: {  	[sflag:s29] =	ssyncset.done $0x0  }
0x3cb: {  	[sflag:s29] =	ssyncadd.s32 $0xFFFFFF80  }
0x3cc: {  	_ =	swait.ge [sflag:s29], $0x80  }
0x3cd: {  	[sflag:s29] =	ssyncset.done $0x0  }
0x3ce: {  	[sflag:s29] =	ssyncadd.s32 $0xFFFFFF80  }
0x3cf: {  	_ =	swait.ge [sflag:s12], $0x800  }
0x3d0: {  	[sflag:s12] =	ssyncset.done $0x0  }
0x3d1: {  	[sflag:s12] =	ssyncadd.s32 $0xFFFFF800  }
0x3d2: {  	_ =	swait.ge [sflag:s12], $0x800  }
0x3d3: {  	[sflag:s12] =	ssyncset.done $0x0  }
0x3d4: {  	[sflag:s12] =	ssyncadd.s32 $0xFFFFF800  }
0x3d5: {  	_ =	swait.ge [sflag:s12], $0x80  }
0x3d6: {  	[sflag:s12] =	ssyncset.done $0x0  }
0x3d7: {  	[sflag:s12] =	ssyncadd.s32 $0xFFFFFF80  }
0x3d8: {  	_ =	swait.ge [sflag:s12], $0x80  }
0x3d9: {  	s15 =	rddreg [dreg:$0xe]  }
0x3da: {  	s14 =	rddreg [dreg:$0xd];
	s15 =	sadd.s32 $0x1, s15  }
0x3db: {  	p0 =	sne.s32 s15, s14  }
.Ltmp9:
0x3dc: {  	_ = 	snop;
	(pc) =	sbr.rel @p0 .LBB2_1-.Ltmp9, $3  }
0x3dd: {  	_ =	sdelay $0x1  }
0x3de: {  	[sflag:s12] =	ssyncset.done $0x0  }
0x3df: {  	[sflag:s12] =	ssyncadd.s32 $0xFFFFFF80  }
0x3e0: {  	_ =	sfence.sel $0x180000  }
0x3e1: {  	[bflag:$0x0] =	sbarrier.arrive $0xFFFF  }
0x3e2: {  	_ =	strace $0x9000004A  }
0x3e3: {  	s0 =	stileid.u32;
	[bflag:$0x2] =	sbarrier.arrive $0xFFFF  }
0x3e4: {  	p0 =	sne.s32 s0, $0x0;
	s0 =	rddreg [dreg:$0x4]  }
0x3e5: {  	s0 =	sadd.s32 @!p0 $0x100000, s0  }
0x3e6: {  	[sflag:s0] =	ssyncadd.tile.s32 @!p0 $0x1;
	_ =	shalt  }
.Lfunc_end2:
_tile_overlayer_lowered:
.L_overlay_start_2:
0x3e7: {  	(tag) =	ssettag $0x2  }
0x3e8: {  	s0 =	rddreg [dreg:$0x0];
	s2 =	stileid.u32  }
0x3e9: {  	s1 =	rddreg [dreg:$0x1];
	p0 =	sne.s32 s2, $0x0  }
0x3ea: {  	s3 =	rddreg [dreg:$0x2];
	[bflag:$0x3] =	sbarrier.arrive $0xFFFF;
	s2 =	simm.s32 @!p0 $0x1C03  }
0x3eb: {  	[timem:s3], [sflag:s2] =	dma.local @!p0 [hbm:s0], s1  }
0x3ec: {  	s0 =	simm.s32 @!p0 $0x3  }
0x3ed: {  	_ =	swait.ge @!p0 [sflag:s0], s1  }
0x3ee: {  	s1 =	ssub.s32 @!p0 $0x0, s1;
	[sflag:s0] =	ssyncset.done @!p0 $0x0  }
0x3ef: {  	[sflag:s0] =	ssyncadd.s32 @!p0 s1  }
0x3f0: {  	[bflag:$0x3] =	sbarrier.arrive $0xFFFF  }
0x3f1: {  	_ =	shalt  }

// kernel: sparse-core-data-format-call.1.cloned.1.call-start
scs
called_computation.1_lowered:
.L_overlay_start_0:
0x0: {  	s2 =	sld [smem:$0x3FD9]  }
0x1: {  	s3 =	sld [smem:$0x3FFE];
	_ =	sdelay $0x1  }
0x2: {  	s1 =	srdreg.scid  }
0x3: {  	s0 =	sand.u32 $0x1, s1  }
0x4: {  	s15 =	sshll.u32 s0, $0xA;
	s2 =	sadd.s32 s3, s2  }
0x5: {  	s2 =	sadd.s32 s2, s15  }
0x6: {  	[smem:$0x3FC4] =	sst s2  }
0x7: {  	_ = 	snop  }
0x8: {  	s2 =	sld [smem:$0x3FD0];
	_ =	sdelay $0x2  }
0x9: {  	s16 =	simm.s32 $0xA;
	s4 =	simm.s32 $0x10  }
0xa: {  	[smem:s4], [sflag:s16] =	dma.local [hbm:s2], $0x1  }
0xb: {  	_ =	swait.eq [sflag:s16], $0x1  }
0xc: {  	[sflag:s16] =	ssyncset.done $0x0  }
0xd: {  	[sflag:s16] =	ssyncadd.s32 $0xFFFFFFFF  }
0xe: {  	s17 =	sld [smem:$0x10];
	(tm) =	ssettm $0x1  }
0xf: {  	s18 =	sld [smem:$0x3FFB];
	_ =	sdelay $0x3  }
0x10: {  	_ =	strace s18  }
0x11: {  	s3 =	sld [smem:$0x3FFC];
	_ =	sdelay $0x3  }
0x12: {  	_ =	strace s3  }
0x13: {  	s3 =	sld [smem:$0x3FFD];
	_ =	sdelay $0x3  }
0x14: {  	_ =	strace s3  }
0x15: {  	_ =	strace $0x8FFFFFFF  }
0x16: {  	s19 =	sld [smem:$0x3FDB];
	_ =	sdelay $0x1  }
0x17: {  	s20 =	simm.s32 $_scs_section_size  }
0x18: {  	s5 =	simm.s32 $_size__tile_overlayer_lowered;
	s6 =	simm.s32 $_tile_overlayer_lowered  }
0x19: {  	s23 =	simm.s32 $0x1BFF;
	s22 =	sshll.u32 s6, $0x1;
	s3 =	sadd.s32 s20, s19  }
0x1a: {  	s7 =	simm.s32 $0x0;
	s21 =	sshll.u32 s5, $0x1;
	s5 =	sadd.s32 s22, s3  }
0x1b: {  	[timem:s7], [sflag:s23] =	dma.local [hbm:s5], s21  }
0x1c: {  	_ =	swait.ge [sflag:s23], s21  }
0x1d: {  	s4 =	ssub.s32 $0x0, s21;
	[sflag:s23] =	ssyncset.done $0x0  }
0x1e: {  	[sflag:s23] =	ssyncadd.s32 s4;
	_ =	sdelay $0x1  }
0x1f: {  	s24 =	simm.s32 $0x1B8B  }
0x20: {  	_ =	swait.ge [sflag:s24], $0x1  }
0x21: {  	[sflag:s24] =	ssyncset.done $0x0  }
0x22: {  	s26 =	simm.s32 $0x1B8E;
	s25 =	sld [smem:$0x3FFE];
	[sflag:s24] =	ssyncadd.s32 $0xFFFFFFFF  }
0x23: {  	s27 =	simm.s32 $execute0_lowered;
	[smem:$0x3FD2] =	sst s26  }
0x24: {  	s5 =	sshll.u32 s27, $0x1;
	_ =	strace $0x80000046;
	[dreg:$0x1] =	wrdreg $0xFFFFFFFF  }
0x25: {  	s28 =	simm.s32 $_size_execute0_lowered;
	s3 =	sadd.s32 s3, s5;
	[dreg:$0x0] =	wrdreg $0x0  }
0x26: {  	s5 =	sshll.u32 s28, $0x1;
	[dreg:$0x2] =	wrdreg s3  }
0x27: {  	[dreg:$0x3] =	wrdreg s5  }
0x28: {  	[dreg:$0x4] =	wrdreg $0xC0  }
0x29: {  	_ =	task [dreg:s7], $0x5FFFF  }
0x2a: {  	[dreg:$0x1] =	wrdreg $0xFFFFFFFF  }
0x2b: {  	[dreg:$0x0] =	wrdreg $0x60  }
0x2c: {  	[dreg:$0x2] =	wrdreg s17  }
0x2d: {  	[dreg:$0x3] =	wrdreg s25  }
0x2e: {  	[dreg:$0x4] =	wrdreg $0x9  }
0x2f: {  	_ =	task.clear_ibuf [dreg:s7], $0x5FFFF;
	_ =	strace $0x90000046  }
0x30: {  	s29 =	simm.s32 $0x9;
	_ =	strace $0x80000048  }
0x31: {  	_ =	swait.ge [sflag:s29], $0x1  }
0x32: {  	[sflag:s29] =	ssyncadd.s32 $0xFFFFFFFF  }
0x33: {  	_ =	strace $0x90000048  }
0x34: {  	_ =	sfence  }
0x35: {  	s30 =	sld [smem:$0x0];
	_ =	sdelay $0x2  }
0x36: {  	s31 =	sshll.u32 s1, $0xD;
	s1 =	sshrl.u32 s1, $0x2  }
0x37: {  	s3 =	sand.u32 $0x4000, s31;
	s1 =	sadd.s32 s1, s30  }
0x38: {  	s0 =	sor.u32 s3, s0;
	s1 =	sshll.u32 s1, $0x11  }
0x39: {  	s0 =	sor.u32 s1, s0  }
0x3a: {  	s0 =	sadd.s32 $0x8F2B, s0  }
0x3b: {  	[sflag:s0] =	ssyncadd.remote.s32 $0x1  }
0x3c: {  	_ =	sfence.sel $0xFFFF  }
0x3d: {  	[dreg:$0x0] =	wrdreg $0xFFFFFFFF;
	(pc) =	sbr.abs _section_cstart, $3  }
0x3e: {  	[dreg:$0x1] =	wrdreg $0xFFFFFFFF  }
0x3f: {  	_ =	task.clear_ibuf [dreg:s7], $0x2FFFF;
	_ =	strace $0x9FFFFFFF  }
0x40: {  	(tm) =	ssettm $0x7FFFFFFF  }
0x41: {  	_ =	shalt  }
tec
execute0_lowered:
.L_overlay_start_1:
0x0: {  	(tag) =	ssettag $0x1  }
0x1: {  	s1 =	rddreg [dreg:$0x0]  }
0x2: {  	s0 =	srdreg.scid;
	s2 =	rddreg [dreg:$0x1];
	s5 =	simm.s32 $0x1  }
0x3: {  	s8 =	simm.s32 $0x2;
	s14 =	simm.s32 $0x0;
	s9 =	simm.s32 $0x10000  }
0x4: {  	s10 =	simm.s32 $0x0;
	s15 =	simm.s32 $0x0;
	s3 =	sshll.u32 s0, $0x4  }
0x5: {  	s12 =	stileid.u32;
	s13 =	simm.s32 $0x0;
	s3 =	sand.u32 $0x10, s3  }
.Ltmp0:
0x6: {  	s0 =	rddreg [dreg:$0x2];
	s6 =	ssub.s32 $0x200, s3;
	(pc) =	sbr.rel .LBB1_1-.Ltmp0, $4  }
0x7: {  	_ =	strace $0x80000047;
	s4 =	sadd.s32 $0x1600, s2;
	s7 =	sshrl.u32 s6, $0x4  }
0x8: {  	[sflag:s5] =	ssyncpa.u1 $0x0;
	s6 =	sshrl.u32 s6, $0x5;
	s7 =	sand.u32 $0x1, s7  }
0x9: {  	s2 =	stileid.u32;
	[sflag:s8] =	ssyncpa.u1 $0x0;
	s6 =	sadd.s32 s6, s7  }
0xa: {  	s8 =	simm.s32 $0x800;
	s11 =	smov.u32 s3;
	s7 =	sadd.s32 $0x1, s6  }
.LBB1_7:
0xb: {  	s16 =	sadd.s32 $0x20, s11  }
0xc: {  	s14 =	sadd.s32 $0x10, s12;
	s18 =	smov.u32 s12;
	p1 =	sgt.s32 s16, $0x1FF  }
0xd: {  	s18 =	smov.u32 @p1 s14  }
0xe: {  	s16 =	smov.u32 @p1 s3;
	p1 =	sgt.s32 s18, $0xF  }
0xf: {  	s18 =	smov.u32 @p1 s2;
	p1 =	sne.s32 s13, s7  }
.Ltmp1:
0x10: {  	p0 =	slt.u32 s13, $0x2;
	(pc) =	sbr.rel @!p1 .LBB1_8-.Ltmp1, $4  }
0x11: {  	s17 =	simm.s32 @!p0 $0x2  }
0x12: {  	s15 =	smov.u32 s12;
	s10 =	sadd.s32 $0x4000, s10;
	_ =	swait.ge @!p0 [sflag:s17], $0x4000  }
0x13: {  	s14 =	smov.u32 s11;
	[sflag:s17] =	ssyncset.done @!p0 $0x0;
	s11 =	smov.u32 s16  }
0x14: {  	s13 =	sadd.s32 $0x1, s13;
	[sflag:s17] =	ssyncadd.s32 @!p0 $0xFFFFC000;
	s12 =	smov.u32 s18  }
.LBB1_1:
0x15: {  	p0 =	sge.u32 s13, s6  }
0x16: {  	s31 =	sadd.s32 $0xFFFFFFFF, s13;
	s16 =	sxor.u32 @!p0 $0xFFFFFFFF, s13;
	s17 =	sshll.u32 @!p0 s12, $0x10  }
0x17: {  	s18 =	sshll.u32 @!p0 s11, $0x7;
	s16 =	sshll.u32 @!p0 s16, $0xE;
	s17 =	sadd.s32 @!p0 s1, s17  }
0x18: {  	s16 =	sand.u32 @!p0 $0x4000, s16;
	s17 =	sadd.s32 @!p0 s18, s17;
	s18 =	simm.s32 @!p0 $0x0  }
0x19: {  	[tilespmem:s16], [sflag:$0x1] =	stream.linear.gather @!p0 [hbm4b:s17+s18], $0x4000, $0x38;
	[tilespmem:$0x10000] =	vst v63  }
0x1a: {  	p0 =	sge.u32 s31, s6  }
.Ltmp2:
0x1b: {  	_ = 	snop;
	(pc) =	sbr.rel @p0 .LBB1_7-.Ltmp2, $1  }
0x1c: {  	_ =	sdelay $0x3  }
0x1d: {  	s17 =	sand.u32 $0x4000, s10  }
0x1e: {  	_ =	swait.ge [sflag:s5], $0x4000;
	s19 =	sshll.u32 s13, $0xE;
	s16 =	sor.u32 $0x8040, s17  }
0x1f: {  	s18 =	sor.u32 $0x40, s17;
	[sflag:s5] =	ssyncset.done $0x0;
	s31 =	sand.u32 $0x4000, s19  }
0x20: {  	s19 =	simm.s32 $0x0;
	[sflag:s5] =	ssyncadd.s32 $0xFFFFC000;
	s17 =	sor.u32 $0x8000, s31  }
.LBB1_3:
0x21: {  	v0 =	vmov s18;
	_ =	sdelay $0x3  }
0x22: {  	s21 =	simm.s32 $0x0  }
0x23: {  	v6 =	vld.idx.msk [tilespmem:v0+s21+$0x30 ss:$0x1], $0xffff  }
0x24: {  	v7 =	vld.idx.msk [tilespmem:v0+s21+$0xFFFFFFC0 ss:$0x1], $0xffff  }
0x25: {  	v5 =	vld.idx.msk [tilespmem:v0+s21+$0xFFFFFFD0 ss:$0x1], $0xffff  }
0x26: {  	v4 =	vld.idx.msk [tilespmem:v0+s21+$0xFFFFFFE0 ss:$0x1], $0xffff  }
0x27: {  	v3 =	vld.idx.msk [tilespmem:v0+s21+$0xFFFFFFF0 ss:$0x1], $0xffff  }
0x28: {  	v1 =	vld.idx.msk [tilespmem:v0+s21+$0x0 ss:$0x1], $0xffff  }
0x29: {  	v2 =	vld.idx.msk [tilespmem:v0+s21+$0x10 ss:$0x1], $0xffff;
	[tilespmem:s16+$0x30] =	vst v6  }
0x2a: {  	s20 =	simm.s32 $0x80;
	s22 =	simm.s32 $0x400;
	[tilespmem:s16+$0xFFFFFFC0] =	vst v7;
	v6 =	vld.idx.msk [tilespmem:v0+s21+$0x20 ss:$0x1], $0xffff;
	s21 =	smov.u32 s16  }
.LBB1_4:
0x2b: {  	p0 =	sne.s32 s22, $0xE00;
	v7 =	vld.idx.msk [tilespmem:v0+s20+$0x30 ss:$0x1], $0xffff;
	[tilespmem:s21+$0xFFFFFFD0] =	vst v5  }
0x2c: {  	v8 =	vld.idx.msk [tilespmem:v0+s20+$0xFFFFFFC0 ss:$0x1], $0xffff;
	[tilespmem:s21+$0xFFFFFFE0] =	vst v4  }
0x2d: {  	v5 =	vld.idx.msk [tilespmem:v0+s20+$0xFFFFFFD0 ss:$0x1], $0xffff;
	[tilespmem:s21+$0xFFFFFFF0] =	vst v3  }
.Ltmp3:
0x2e: {  	v4 =	vld.idx.msk [tilespmem:v0+s20+$0xFFFFFFE0 ss:$0x1], $0xffff;
	[tilespmem:s21+$0x0] =	vst v1;
	(pc) =	sbr.rel @p0 .LBB1_4-.Ltmp3, $4  }
0x2f: {  	v3 =	vld.idx.msk [tilespmem:v0+s20+$0xFFFFFFF0 ss:$0x1], $0xffff;
	[tilespmem:s21+$0x10] =	vst v2  }
0x30: {  	v1 =	vld.idx.msk [tilespmem:v0+s20+$0x0 ss:$0x1], $0xffff;
	[tilespmem:s21+$0x20] =	vst v6;
	s21 =	sadd.s32 $0x800, s21  }
0x31: {  	v2 =	vld.idx.msk [tilespmem:v0+s20+$0x10 ss:$0x1], $0xffff;
	[tilespmem:s21+$0x30] =	vst v7  }
0x32: {  	[tilespmem:s21+$0xFFFFFFC0] =	vst v8;
	v6 =	vld.idx.msk [tilespmem:v0+s20+$0x20 ss:$0x1], $0xffff;
	s20 =	sshra.s32 s22, $0x2;
	s22 =	sadd.s32 $0x200, s22  }
0x33: {  	_ =	sdelay $0x2  }
0x34: {  	[tilespmem:s21+$0xFFFFFFD0] =	vst v5  }
0x35: {  	v56 =	vld.idx.msk [tilespmem:v0+s20+$0x30 ss:$0x1], $0xffff;
	[tilespmem:s21+$0xFFFFFFE0] =	vst v4  }
0x36: {  	v57 =	vld.idx.msk [tilespmem:v0+s20+$0xFFFFFFC0 ss:$0x1], $0xffff;
	[tilespmem:s21+$0xFFFFFFF0] =	vst v3  }
0x37: {  	v58 =	vld.idx.msk [tilespmem:v0+s20+$0xFFFFFFD0 ss:$0x1], $0xffff;
	[tilespmem:s21+$0x0] =	vst v1  }
0x38: {  	v59 =	vld.idx.msk [tilespmem:v0+s20+$0xFFFFFFE0 ss:$0x1], $0xffff;
	[tilespmem:s21+$0x10] =	vst v2  }
0x39: {  	v60 =	vld.idx.msk [tilespmem:v0+s20+$0xFFFFFFF0 ss:$0x1], $0xffff;
	s31 =	sadd.s32 $0x800, s21;
	[tilespmem:s21+$0x20] =	vst v6  }
0x3a: {  	v61 =	vld.idx.msk [tilespmem:v0+s20+$0x0 ss:$0x1], $0xffff;
	[tilespmem:s31+$0x30] =	vst v56  }
0x3b: {  	v62 =	vld.idx.msk [tilespmem:v0+s20+$0x10 ss:$0x1], $0xffff;
	s19 =	sadd.s32 $0x1, s19;
	[tilespmem:s31+$0xFFFFFFC0] =	vst v57  }
0x3c: {  	v63 =	vld.idx.msk [tilespmem:v0+s20+$0x20 ss:$0x1], $0xffff;
	p0 =	sne.s32 s19, $0x10;
	[tilespmem:s31+$0xFFFFFFD0] =	vst v58  }
.Ltmp4:
0x3d: {  	[tilespmem:s31+$0xFFFFFFE0] =	vst v59;
	(pc) =	sbr.rel @p0 .LBB1_3-.Ltmp4, $4  }
0x3e: {  	[tilespmem:s31+$0xFFFFFFF0] =	vst v60  }
0x3f: {  	[tilespmem:s31+$0x0] =	vst v61  }
0x40: {  	[tilespmem:s31+$0x10] =	vst v62  }
0x41: {  	s16 =	sadd.s32 $0x80, s16;
	s18 =	sadd.s32 $0x400, s18;
	[tilespmem:s31+$0x20] =	vst v63  }
.Ltmp5:
0x42: {  	(pc) =	sbr.rel .LBB1_7-.Ltmp5, $4  }
0x43: {  	s15 =	sshll.u32 s15, $0x10;
	s14 =	sshll.u32 s14, $0x4  }
0x44: {  	s14 =	sand.u32 $0x1FF0, s14;
	s15 =	sadd.s32 s4, s15  }
0x45: {  	s14 =	sadd.s32 s14, s15  }
0x46: {  	[hbm4b:s14+s8] =	stream.strided.scatter [tilespmem:s17], [sflag:$0x2], $0x4000, s9, s8, $0x38;
	[tilespmem:$0x10000] =	vst v63  }
.LBB1_8:
0x47: {  	_ =	sfence.sel $0x180000  }
0x48: {  	s1 =	simm.s32 $0x1;
	[bflag:$0x0] =	sbarrier.arrive $0xFFFF  }
0x49: {  	s31 =	simm.s32 $0x2;
	[sflag:s1] =	ssyncpa.u1 $0x1  }
0x4a: {  	[sflag:s31] =	ssyncpa.u1 $0x1  }
0x4b: {  	p0 =	sne.s32 s2, $0x0;
	_ =	strace $0x90000047  }
0x4c: {  	s0 =	sadd.s32 @!p0 $0x100000, s0;
	[bflag:$0x2] =	sbarrier.arrive $0xFFFF  }
0x4d: {  	[sflag:s0] =	ssyncadd.tile.s32 @!p0 $0x1;
	_ =	shalt  }
.Lfunc_end1:
_tile_overlayer_lowered:
.L_overlay_start_2:
0x4e: {  	(tag) =	ssettag $0x2  }
0x4f: {  	s0 =	rddreg [dreg:$0x0];
	s2 =	stileid.u32  }
0x50: {  	s1 =	rddreg [dreg:$0x1];
	p0 =	sne.s32 s2, $0x0  }
0x51: {  	s3 =	rddreg [dreg:$0x2];
	[bflag:$0x3] =	sbarrier.arrive $0xFFFF;
	s2 =	simm.s32 @!p0 $0x1C01  }
0x52: {  	[timem:s3], [sflag:s2] =	dma.local @!p0 [hbm:s0], s1  }
0x53: {  	s0 =	simm.s32 @!p0 $0x1  }
0x54: {  	_ =	swait.ge @!p0 [sflag:s0], s1  }
0x55: {  	s1 =	ssub.s32 @!p0 $0x0, s1;
	[sflag:s0] =	ssyncset.done @!p0 $0x0  }
0x56: {  	[sflag:s0] =	ssyncadd.s32 @!p0 s1  }
0x57: {  	[bflag:$0x3] =	sbarrier.arrive $0xFFFF  }
0x58: {  	_ =	shalt  }

// kernel: sparse-core-data-format-call.cloned.1.call-start
scs
called_computation_lowered:
.L_overlay_start_0:
0x0: {  	s2 =	sld [smem:$0x3FD9]  }
0x1: {  	s3 =	sld [smem:$0x3FFE];
	_ =	sdelay $0x1  }
0x2: {  	s1 =	srdreg.scid  }
0x3: {  	s0 =	sand.u32 $0x1, s1  }
0x4: {  	s15 =	sshll.u32 s0, $0xA;
	s2 =	sadd.s32 s3, s2  }
0x5: {  	s2 =	sadd.s32 s2, s15  }
0x6: {  	[smem:$0x3FC4] =	sst s2  }
0x7: {  	_ = 	snop  }
0x8: {  	s2 =	sld [smem:$0x3FD0];
	_ =	sdelay $0x2  }
0x9: {  	s16 =	simm.s32 $0xA;
	s4 =	simm.s32 $0x10  }
0xa: {  	[smem:s4], [sflag:s16] =	dma.local [hbm:s2], $0x1  }
0xb: {  	_ =	swait.eq [sflag:s16], $0x1  }
0xc: {  	[sflag:s16] =	ssyncset.done $0x0  }
0xd: {  	[sflag:s16] =	ssyncadd.s32 $0xFFFFFFFF  }
0xe: {  	s17 =	sld [smem:$0x10];
	(tm) =	ssettm $0x1  }
0xf: {  	s18 =	sld [smem:$0x3FFB];
	_ =	sdelay $0x3  }
0x10: {  	_ =	strace s18  }
0x11: {  	s3 =	sld [smem:$0x3FFC];
	_ =	sdelay $0x3  }
0x12: {  	_ =	strace s3  }
0x13: {  	s3 =	sld [smem:$0x3FFD];
	_ =	sdelay $0x3  }
0x14: {  	_ =	strace s3  }
0x15: {  	_ =	strace $0x8FFFFFFF  }
0x16: {  	s19 =	sld [smem:$0x3FDB];
	_ =	sdelay $0x1  }
0x17: {  	s20 =	simm.s32 $_scs_section_size  }
0x18: {  	s5 =	simm.s32 $_size__tile_overlayer_lowered;
	s6 =	simm.s32 $_tile_overlayer_lowered  }
0x19: {  	s23 =	simm.s32 $0x1BFF;
	s22 =	sshll.u32 s6, $0x1;
	s3 =	sadd.s32 s20, s19  }
0x1a: {  	s7 =	simm.s32 $0x0;
	s21 =	sshll.u32 s5, $0x1;
	s5 =	sadd.s32 s22, s3  }
0x1b: {  	[timem:s7], [sflag:s23] =	dma.local [hbm:s5], s21  }
0x1c: {  	_ =	swait.ge [sflag:s23], s21  }
0x1d: {  	s4 =	ssub.s32 $0x0, s21;
	[sflag:s23] =	ssyncset.done $0x0  }
0x1e: {  	[sflag:s23] =	ssyncadd.s32 s4;
	_ =	sdelay $0x1  }
0x1f: {  	s24 =	simm.s32 $0x1B8B  }
0x20: {  	_ =	swait.ge [sflag:s24], $0x1  }
0x21: {  	[sflag:s24] =	ssyncset.done $0x0  }
0x22: {  	s26 =	simm.s32 $0x1B8E;
	s25 =	sld [smem:$0x3FFE];
	[sflag:s24] =	ssyncadd.s32 $0xFFFFFFFF  }
0x23: {  	s27 =	simm.s32 $execute0_lowered;
	[smem:$0x3FD2] =	sst s26  }
0x24: {  	s5 =	sshll.u32 s27, $0x1;
	_ =	strace $0x8000004C;
	[dreg:$0x1] =	wrdreg $0xFFFFFFFF  }
0x25: {  	s28 =	simm.s32 $_size_execute0_lowered;
	s3 =	sadd.s32 s3, s5;
	[dreg:$0x0] =	wrdreg $0x0  }
0x26: {  	s5 =	sshll.u32 s28, $0x1;
	[dreg:$0x2] =	wrdreg s3  }
0x27: {  	[dreg:$0x3] =	wrdreg s5  }
0x28: {  	[dreg:$0x4] =	wrdreg $0xC0  }
0x29: {  	_ =	task [dreg:s7], $0x5FFFF  }
0x2a: {  	[dreg:$0x1] =	wrdreg $0xFFFFFFFF  }
0x2b: {  	[dreg:$0x0] =	wrdreg $0x60  }
0x2c: {  	[dreg:$0x2] =	wrdreg s25  }
0x2d: {  	[dreg:$0x3] =	wrdreg s17  }
0x2e: {  	[dreg:$0x4] =	wrdreg $0x9  }
0x2f: {  	_ =	task.clear_ibuf [dreg:s7], $0x5FFFF;
	_ =	strace $0x9000004C  }
0x30: {  	s29 =	simm.s32 $0x9;
	_ =	strace $0x8000004E  }
0x31: {  	_ =	swait.ge [sflag:s29], $0x1  }
0x32: {  	[sflag:s29] =	ssyncadd.s32 $0xFFFFFFFF  }
0x33: {  	_ =	strace $0x9000004E  }
0x34: {  	_ =	sfence  }
0x35: {  	s30 =	sld [smem:$0x0];
	_ =	sdelay $0x2  }
0x36: {  	s31 =	sshll.u32 s1, $0xD;
	s1 =	sshrl.u32 s1, $0x2  }
0x37: {  	s3 =	sand.u32 $0x4000, s31;
	s1 =	sadd.s32 s1, s30  }
0x38: {  	s0 =	sor.u32 s3, s0;
	s1 =	sshll.u32 s1, $0x11  }
0x39: {  	s0 =	sor.u32 s1, s0  }
0x3a: {  	s0 =	sadd.s32 $0x8F2B, s0  }
0x3b: {  	[sflag:s0] =	ssyncadd.remote.s32 $0x1  }
0x3c: {  	_ =	sfence.sel $0xFFFF  }
0x3d: {  	[dreg:$0x0] =	wrdreg $0xFFFFFFFF;
	(pc) =	sbr.abs _section_cstart, $3  }
0x3e: {  	[dreg:$0x1] =	wrdreg $0xFFFFFFFF  }
0x3f: {  	_ =	task.clear_ibuf [dreg:s7], $0x2FFFF;
	_ =	strace $0x9FFFFFFF  }
0x40: {  	(tm) =	ssettm $0x7FFFFFFF  }
0x41: {  	_ =	shalt  }
tec
execute0_lowered:
.L_overlay_start_1:
0x0: {  	(tag) =	ssettag $0x1  }
0x1: {  	s0 =	srdreg.scid  }
0x2: {  	s1 =	sshll.u32 s0, $0x4  }
0x3: {  	s0 =	stileid.u32;
	s1 =	sand.u32 $0x10, s1  }
0x4: {  	s1 =	sor.u32 s0, s1  }
0x5: {  	s6 =	rddreg [dreg:$0x0];
	s4 =	simm.s32 $0x1;
	s2 =	sshll.u32 s1, $0x7  }
0x6: {  	s7 =	simm.s32 $0x2;
	s12 =	simm.s32 $0x0;
	s1 =	ssub.s32 $0x10000, s2  }
0x7: {  	s8 =	simm.s32 $0x80000;
	s13 =	simm.s32 $0x0;
	s3 =	sand.u32 $0xF80, s1  }
0x8: {  	s10 =	simm.s32 $0x0;
	s5 =	sshrl.u32 s1, $0xC;
	p0 =	sne.s32 s3, $0x0  }
.Ltmp0:
0x9: {  	s1 =	rddreg [dreg:$0x2];
	s4 =	simm.s32 @!p0 $0x0;
	(pc) =	sbr.rel .LBB1_1-.Ltmp0, $4  }
0xa: {  	s11 =	simm.s32 $0x0;
	s3 =	rddreg [dreg:$0x1];
	s5 =	sadd.s32 s4, s5  }
0xb: {  	_ =	strace $0x8000004D;
	s4 =	simm.s32 $0x1;
	s5 =	smul.u32 $0x3, s5  }
0xc: {  	s6 =	sadd.s32 $0x1600, s6;
	s9 =	smov.u32 s2;
	[sflag:s4] =	ssyncpa.u1 $0x0  }
0xd: {  	p0 =	por $0x0, $0x0;
	[sflag:s7] =	ssyncpa.u1 $0x0;
	s7 =	sadd.s32 $0x1, s5  }
.LBB1_4:
0xe: {  	s16 =	sshll.u32 s12, $0x3;
	s17 =	sand.u32 $0x78, s12  }
0xf: {  	s13 =	sshll.u32 s13, $0x13;
	s30 =	sand.u32 $0x7E000, s12;
	s16 =	sand.u32 $0xFC00, s16  }
0x10: {  	[tilespmem:s15+$0x810 ss:$0x81] =	vst.msk $0xffff, v2;
	s31 =	sand.u32 $0x7, s12;
	s13 =	sadd.s32 s3, s13;
	s16 =	sor.u32 s17, s16  }
0x11: {  	[tilespmem:s15+$0x1020 ss:$0x81] =	vst.msk $0xffff, v0;
	s12 =	sshll.u32 s31, $0x12;
	s13 =	sadd.s32 s30, s13;
	s16 =	sshrl.u32 s16, $0x3  }
0x12: {  	[tilespmem:s15+$0x0 ss:$0x81] =	vst.msk $0xffff, v1;
	s12 =	sor.u32 $0x400, s12;
	s13 =	sadd.s32 s16, s13  }
0x13: {  	[hbm4b:s13+s12] =	stream.strided.scatter [tilespmem:s14], [sflag:$0x2], $0x2000, s8, s12, $0x20;
	[tilespmem:$0x8080] =	vst v63  }
.LBB1_5:
0x14: {  	s14 =	sadd.s32 $0x1000, s9  }
0x15: {  	s12 =	simm.s32 $0x1;
	p2 =	sgt.s32 s14, $0xFFFF  }
0x16: {  	s12 =	simm.s32 @!p2 $0x0  }
0x17: {  	s16 =	sadd.s32 s12, s10  }
0x18: {  	s14 =	smov.u32 @p2 s2;
	p2 =	sgt.s32 s16, $0x2  }
0x19: {  	s16 =	simm.s32 @p2 $0x0;
	p2 =	sne.s32 s11, s7  }
.Ltmp1:
0x1a: {  	p1 =	slt.u32 s11, $0x2;
	(pc) =	sbr.rel @!p2 .LBB1_6-.Ltmp1, $4  }
0x1b: {  	s15 =	simm.s32 @!p1 $0x2  }
0x1c: {  	s13 =	smov.u32 s10;
	p0 =	por !p0, !p0;
	_ =	swait.ge @!p1 [sflag:s15], $0x2000  }
0x1d: {  	[sflag:s15] =	ssyncset.done @!p1 $0x0;
	s12 =	smov.u32 s9;
	s9 =	smov.u32 s14  }
0x1e: {  	[sflag:s15] =	ssyncadd.s32 @!p1 $0xFFFFE000;
	s11 =	sadd.s32 $0x1, s11;
	s10 =	smov.u32 s16  }
.LBB1_1:
0x1f: {  	p1 =	sge.u32 s11, s5  }
0x20: {  	s31 =	sadd.s32 $0xFFFFFFFF, s11;
	s14 =	sxor.u32 @!p1 $0xFFFFFFFF, s11  }
0x21: {  	s15 =	sshll.u32 @!p1 s10, $0x14;
	s16 =	sshll.u32 @!p1 s9, $0x4;
	s17 =	simm.s32 @!p1 $0x80  }
0x22: {  	s14 =	sshll.u32 @!p1 s14, $0xD;
	s16 =	sand.u32 @!p1 $0xFFFF0, s16;
	s15 =	sadd.s32 @!p1 s6, s15  }
0x23: {  	s14 =	sand.u32 @!p1 $0x2000, s14;
	s15 =	sadd.s32 @!p1 s16, s15;
	s16 =	simm.s32 @!p1 $0x40  }
0x24: {  	[tilespmem:s14], [sflag:$0x1] =	stream.strided.gather @!p1 [hbm4b:s15+s16], $0x2000, s17, s16, $0x38;
	[tilespmem:$0x8080] =	vst v63  }
0x25: {  	p1 =	sge.u32 s31, s5  }
.Ltmp2:
0x26: {  	_ = 	snop;
	(pc) =	sbr.rel @p1 .LBB1_5-.Ltmp2, $1  }
0x27: {  	_ =	sdelay $0x3  }
0x28: {  	s14 =	simm.s32 $0x1  }
0x29: {  	_ =	swait.ge [sflag:s4], $0x2000;
	s14 =	simm.s32 @!p0 $0x0  }
0x2a: {  	[sflag:s4] =	ssyncset.done $0x0;
	s15 =	sshll.u32 s14, $0xD  }
0x2b: {  	[sflag:s4] =	ssyncadd.s32 $0xFFFFE000;
	s18 =	sor.u32 $0x20, s15  }
0x2c: {  	s14 =	smul.u32 $0x8100, s14;
	v3 =	vld [tilespmem:s18+$0x10]  }
0x2d: {  	s30 =	sand.u32 $0x1, s11;
	v2 =	vld [tilespmem:s18+$0xFFFFFFF0]  }
0x2e: {  	s15 =	smul.u32 $0x8100, s30;
	s14 =	sshrl.u32 s14, $0x2;
	v0 =	vld [tilespmem:s18+$0x0]  }
0x2f: {  	v1 =	vld [tilespmem:s18+$0xFFFFFFE0];
	s16 =	sor.u32 $0x4000, s14  }
0x30: {  	s31 =	sshrl.u32 s15, $0x2;
	s15 =	sadd.s32 $0x0, s16  }
0x31: {  	s17 =	simm.s32 $0x4;
	s18 =	sadd.s32 $0x40, s18;
	s14 =	sor.u32 $0x4000, s31;
	[tilespmem:s15+$0x1830 ss:$0x81] =	vst.msk $0xffff, v3  }
.LBB1_3:
0x32: {  	v3 =	vld [tilespmem:s18+$0x10];
	p1 =	sne.s32 s17, $0x1FC;
	[tilespmem:s15+$0x810 ss:$0x81] =	vst.msk $0xffff, v2;
	s19 =	smov.u32 s17;
	s17 =	sadd.s32 $0x4, s17  }
.Ltmp3:
0x33: {  	v2 =	vld [tilespmem:s18+$0xFFFFFFF0];
	[tilespmem:s15+$0x1020 ss:$0x81] =	vst.msk $0xffff, v0;
	(pc) =	sbr.rel @p1 .LBB1_3-.Ltmp3, $4  }
0x34: {  	v0 =	vld [tilespmem:s18+$0x0];
	[tilespmem:s15+$0x0 ss:$0x81] =	vst.msk $0xffff, v1  }
0x35: {  	s15 =	sshra.s32 s19, $0x2;
	v1 =	vld [tilespmem:s18+$0xFFFFFFE0]  }
0x36: {  	s15 =	sadd.s32 s15, s16  }
0x37: {  	s18 =	sadd.s32 $0x40, s18;
	[tilespmem:s15+$0x1830 ss:$0x81] =	vst.msk $0xffff, v3  }
.Ltmp4:
0x38: {  	_ = 	snop;
	(pc) =	sbr.rel .LBB1_4-.Ltmp4, $1  }
0x39: {  	_ =	sdelay $0x3  }
.LBB1_6:
0x3a: {  	_ =	sfence.sel $0x180000  }
0x3b: {  	s2 =	simm.s32 $0x1;
	[bflag:$0x0] =	sbarrier.arrive $0xFFFF  }
0x3c: {  	s31 =	simm.s32 $0x2;
	[sflag:s2] =	ssyncpa.u1 $0x1  }
0x3d: {  	[sflag:s31] =	ssyncpa.u1 $0x1  }
0x3e: {  	p0 =	sne.s32 s0, $0x0;
	_ =	strace $0x9000004D  }
0x3f: {  	s0 =	sadd.s32 @!p0 $0x100000, s1;
	[bflag:$0x2] =	sbarrier.arrive $0xFFFF  }
0x40: {  	[sflag:s0] =	ssyncadd.tile.s32 @!p0 $0x1;
	_ =	shalt  }
.Lfunc_end1:
_tile_overlayer_lowered:
.L_overlay_start_2:
0x41: {  	(tag) =	ssettag $0x2  }
0x42: {  	s0 =	rddreg [dreg:$0x0];
	s2 =	stileid.u32  }
0x43: {  	s1 =	rddreg [dreg:$0x1];
	p0 =	sne.s32 s2, $0x0  }
0x44: {  	s3 =	rddreg [dreg:$0x2];
	[bflag:$0x3] =	sbarrier.arrive $0xFFFF;
	s2 =	simm.s32 @!p0 $0x1C01  }
0x45: {  	[timem:s3], [sflag:s2] =	dma.local @!p0 [hbm:s0], s1  }
0x46: {  	s0 =	simm.s32 @!p0 $0x1  }
0x47: {  	_ =	swait.ge @!p0 [sflag:s0], s1  }
0x48: {  	s1 =	ssub.s32 @!p0 $0x0, s1;
	[sflag:s0] =	ssyncset.done @!p0 $0x0  }
0x49: {  	[sflag:s0] =	ssyncadd.s32 @!p0 s1  }
0x4a: {  	[bflag:$0x3] =	sbarrier.arrive $0xFFFF  }
0x4b: {  	_ =	shalt  }

</sc_bundles>
